<compile_context>
chip_gen: v7x
topology: tpu7x:2x2x1
jax: 0.10.2.dev20260603
libtpu: 0.0.44.dev20260713+nightly
codegen_flags: <defaults>
</compile_context>

<pallas_src>
import jax
import jax.numpy as jnp
from jax import lax
from jax.experimental import pallas as pl
from jax.experimental.pallas import tpu as pltpu
from jax.experimental.pallas import tpu_sc as plsc

VOCAB = 1000000
D = 32
B = 16384
L = 200
NC = 2
NS = 16
LANES = 16
NW = NC * NS
TOK = B * L
TOK_PER_TILE = TOK // NW
B_PER_TILE = B // NW
SW = L
SPP = 64
PANELTOK = SW * SPP
NPANEL = TOK_PER_TILE // PANELTOK
ROWS_PER_PANEL = PANELTOK // L
UNROLL = 8
SCALE = 1.0 / L


NBUF = 8


def _embed_body(tokens_hbm, table_hbm, out_hbm,
                idx0, idx1, buf0, buf1, buf2, buf3, buf4, buf5, buf6, buf7,
                outbuf, sem0, sem1, sem2, sem3, sem4, sem5, sem6, sem7,
                semi0, semi1):
    c = lax.axis_index("c")
    s = lax.axis_index("s")
    tile = c * NS + s
    tok0 = tile * TOK_PER_TILE
    out_row0 = tile * B_PER_TILE

    vzero = jnp.zeros((LANES,), jnp.float32)

    def load_panel(p, idx_v, semi):
        pltpu.async_copy(
            tokens_hbm.at[pl.ds(tok0 + p * PANELTOK, PANELTOK)], idx_v, semi)

    def wait_panel(idx_v, semi):
        pltpu.make_async_copy(
            tokens_hbm.at[pl.ds(0, PANELTOK)], idx_v, semi).wait()

    def start_gather(idx_v, g, buf, sem):
        pltpu.async_copy(table_hbm.at[idx_v.at[pl.ds(g * SW, SW)]], buf, sem)

    def wait_gather(idx_v, buf, sem):
        pltpu.make_async_copy(table_hbm.at[idx_v.at[pl.ds(0, SW)]], buf, sem).wait()

    def accumulate(buf, row0):
        for q in range(SW // L):
            def body(i, carry):
                a0, a1 = carry
                for u in range(UNROLL):
                    r = q * L + i * UNROLL + u
                    a0 = a0 + buf[r, pl.ds(0, LANES)]
                    a1 = a1 + buf[r, pl.ds(LANES, LANES)]
                return (a0, a1)

            a0, a1 = lax.fori_loop(0, L // UNROLL, body, (vzero, vzero))
            outbuf[row0 + q, pl.ds(0, LANES)] = a0 * SCALE
            outbuf[row0 + q, pl.ds(LANES, LANES)] = a1 * SCALE

    bufs = ((buf0, sem0), (buf1, sem1), (buf2, sem2), (buf3, sem3),
            (buf4, sem4), (buf5, sem5), (buf6, sem6), (buf7, sem7))

    def process_panel(idx_v, p):
        for k in range(NBUF - 1):
            start_gather(idx_v, k, *bufs[k])

        @pl.loop(0, SPP, step=NBUF)
        def _(g):
            start_gather(idx_v, g + NBUF - 1, *bufs[NBUF - 1])
            for k in range(NBUF):
                buf, sem = bufs[k]
                wait_gather(idx_v, buf, sem)
                accumulate(buf, p * ROWS_PER_PANEL + (g + k) * (SW // L))
                if k < NBUF - 1:
                    @pl.when(g + NBUF + k < SPP)
                    def _(buf=buf, sem=sem, k=k):
                        start_gather(idx_v, g + NBUF + k, buf, sem)

    load_panel(0, idx0, semi0)

    @pl.loop(0, NPANEL, step=2)
    def _(p):
        load_panel(p + 1, idx1, semi1)
        wait_panel(idx0, semi0)
        process_panel(idx0, p)

        @pl.when(p + 2 < NPANEL)
        def _():
            load_panel(p + 2, idx0, semi0)

        wait_panel(idx1, semi1)
        process_panel(idx1, p + 1)

    pltpu.sync_copy(outbuf, out_hbm.at[pl.ds(out_row0, B_PER_TILE)])


@jax.jit
def kernel(tokens, table):
    tokens1d = tokens.astype(jnp.int32).reshape(TOK)

    mesh = plsc.VectorSubcoreMesh(core_axis_name="c", subcore_axis_name="s")
    run = pl.kernel(
        _embed_body,
        out_type=jax.ShapeDtypeStruct((B, D), jnp.float32),
        mesh=mesh,
        compiler_params=pltpu.CompilerParams(use_tc_tiling_on_sc=False),
        scratch_types=[
            pltpu.VMEM((PANELTOK,), jnp.int32),
            pltpu.VMEM((PANELTOK,), jnp.int32),
            *[pltpu.VMEM((SW, D), jnp.float32) for _ in range(8)],
            pltpu.VMEM((B_PER_TILE, D), jnp.float32),
            *[pltpu.SemaphoreType.DMA for _ in range(10)],
        ],
    )
    return run(tokens1d, table)

# --- scband reference (transcript-rebuilt; emitter-appended) ---
"""Pipeline reference for scband-token-embedder-63204738727947 (READ-ONLY COPY).

The authoritative reference and input builder live on the scoring server;
editing this copy changes nothing except your own understanding.
"""

import jax, jax.numpy as jnp
import numpy as np

VOCAB = 1000000
EMBED_DIM = 32
B = 16384
L = 200

def setup_inputs(seed: int = 0) -> dict:
    key = jax.random.key(seed)
    k_tok, k_tab = jax.random.split(key)
    tokens = jax.random.randint(k_tok, (B, L), 0, VOCAB, dtype=jnp.int64 if jax.config.jax_enable_x64 else jnp.int32)
    table = jax.random.normal(k_tab, (VOCAB, EMBED_DIM), dtype=jnp.float32)
    # padding_idx=0 -> row 0 is zeros (as in torch nn.Embedding with padding_idx)
    table = table.at[0].set(0.0)
    return {"tokens": tokens, "table": table}

def reference(tokens, table):
    # Embed token IDs and mean-pool over sequence length -> [B, embed_dim]
    emb = jnp.take(table, tokens, axis=0)  # [B, L, D] gather
    return emb.mean(axis=1)

if __name__ == "__main__":
    import jax
    _d = setup_inputs()
    print(jax.jit(kernel)(*tuple(_d.values())))

</pallas_src>

<mosaic_0001>
#map = affine_map<(d0, d1) -> (0)>
#map1 = affine_map<(d0, d1) -> (0, 0)>
module attributes {stable_mosaic.version = 14 : i64} {
  func.func @_embed_body(%arg0: i32, %arg1: i32, %arg2: memref<3276800xi32, #tpu.memory_space<hbm>>, %arg3: memref<1000000x32xf32, #tpu.memory_space<hbm>>, %arg4: memref<16384x32xf32, #tpu.memory_space<hbm>>, %arg5: memref<12800xi32, #tpu.memory_space<vmem>>, %arg6: memref<12800xi32, #tpu.memory_space<vmem>>, %arg7: memref<200x32xf32, #tpu.memory_space<vmem>>, %arg8: memref<200x32xf32, #tpu.memory_space<vmem>>, %arg9: memref<200x32xf32, #tpu.memory_space<vmem>>, %arg10: memref<200x32xf32, #tpu.memory_space<vmem>>, %arg11: memref<200x32xf32, #tpu.memory_space<vmem>>, %arg12: memref<200x32xf32, #tpu.memory_space<vmem>>, %arg13: memref<200x32xf32, #tpu.memory_space<vmem>>, %arg14: memref<200x32xf32, #tpu.memory_space<vmem>>, %arg15: memref<512x32xf32, #tpu.memory_space<vmem>>, %arg16: memref<!tpu.dma_semaphore, #tpu.memory_space<semaphore_mem>>, %arg17: memref<!tpu.dma_semaphore, #tpu.memory_space<semaphore_mem>>, %arg18: memref<!tpu.dma_semaphore, #tpu.memory_space<semaphore_mem>>, %arg19: memref<!tpu.dma_semaphore, #tpu.memory_space<semaphore_mem>>, %arg20: memref<!tpu.dma_semaphore, #tpu.memory_space<semaphore_mem>>, %arg21: memref<!tpu.dma_semaphore, #tpu.memory_space<semaphore_mem>>, %arg22: memref<!tpu.dma_semaphore, #tpu.memory_space<semaphore_mem>>, %arg23: memref<!tpu.dma_semaphore, #tpu.memory_space<semaphore_mem>>, %arg24: memref<!tpu.dma_semaphore, #tpu.memory_space<semaphore_mem>>, %arg25: memref<!tpu.dma_semaphore, #tpu.memory_space<semaphore_mem>>) attributes {dimension_semantics = [#tpu.dimension_semantics<core_parallel>, #tpu.dimension_semantics<subcore_parallel>], iteration_bounds = array<i64: 2, 16>, scalar_prefetch = 0 : i64, scratch_operands = 21 : i64, tpu.core_type = #tpu.core_type<sc_vector_subcore>, window_params = [{transform_indices = #map}, {transform_indices = #map1}, {transform_indices = #map1}]} {
    %mul3A = arith.constant 16 : i32
    %mul3A_0 = arith.muli %arg0, %mul3A : i32
    %add3A = arith.addi %mul3A_0, %arg1 : i32
    %mul3A_1 = arith.constant 102400 : i32
    %mul3A_2 = arith.muli %add3A, %mul3A_1 : i32
    %mul3A_3 = arith.constant 512 : i32
    %mul3A_4 = arith.muli %add3A, %mul3A_3 : i32
    %broadcast_in_dim3A = arith.constant 0.000000e+00 : f32
    %broadcast_in_dim3A_5 = vector.broadcast %broadcast_in_dim3A : f32 to vector<16xf32>
    %add3A_6 = arith.constant 0 : i32
    %add3A_7 = arith.addi %mul3A_2, %add3A_6 : i32
    %dma_start3A = tpu.memref_slice %arg2[%add3A_7] : memref<3276800xi32, #tpu.memory_space<hbm>> -> memref<12800xi32, #tpu.memory_space<hbm>>
    %dma_start3A_8 = tpu.memref_slice %arg2[%add3A_7] : memref<3276800xi32, #tpu.memory_space<hbm>> -> memref<12800xi32, #tpu.memory_space<hbm>>
    tpu.enqueue_dma source(%dma_start3A_8 : memref<12800xi32, #tpu.memory_space<hbm>>) target(%arg5 : memref<12800xi32, #tpu.memory_space<vmem>>) target_semaphore(%arg24 : memref<!tpu.dma_semaphore, #tpu.memory_space<semaphore_mem>>)
    %scan3A = arith.constant 0 : i32
    %scan3A_9 = arith.constant 4 : i32
    %scan3A_10 = arith.addi %scan3A, %scan3A_9 : i32
    %scan3A_11 = arith.constant 1 : i32
    scf.for %scan3A_13 = %scan3A to %scan3A_10 step %scan3A_11  : i32 {
      %mul3A_14 = arith.constant 2 : i32
      %mul3A_15 = arith.muli %scan3A_13, %mul3A_14 : i32
      %add3A_16 = arith.constant 0 : i32
      %add3A_17 = arith.addi %add3A_16, %mul3A_15 : i32
      %add3A_18 = arith.constant 1 : i32
      %add3A_19 = arith.addi %add3A_17, %add3A_18 : i32
      %mul3A_20 = arith.constant 12800 : i32
      %mul3A_21 = arith.muli %add3A_19, %mul3A_20 : i32
      %add3A_22 = arith.addi %mul3A_2, %mul3A_21 : i32
      %dma_start3A_23 = tpu.memref_slice %arg2[%add3A_22] : memref<3276800xi32, #tpu.memory_space<hbm>> -> memref<12800xi32, #tpu.memory_space<hbm>>
      %dma_start3A_24 = tpu.memref_slice %arg2[%add3A_22] : memref<3276800xi32, #tpu.memory_space<hbm>> -> memref<12800xi32, #tpu.memory_space<hbm>>
      tpu.enqueue_dma source(%dma_start3A_24 : memref<12800xi32, #tpu.memory_space<hbm>>) target(%arg6 : memref<12800xi32, #tpu.memory_space<vmem>>) target_semaphore(%arg25 : memref<!tpu.dma_semaphore, #tpu.memory_space<semaphore_mem>>)
      %dma_wait3A = arith.constant 0 : i32
      %dma_wait3A_25 = tpu.memref_slice %arg2[%dma_wait3A] : memref<3276800xi32, #tpu.memory_space<hbm>> -> memref<12800xi32, #tpu.memory_space<hbm>>
      %dma_wait3A_26 = arith.constant 0 : i32
      %dma_wait3A_27 = tpu.memref_slice %arg2[%dma_wait3A_26] : memref<3276800xi32, #tpu.memory_space<hbm>> -> memref<12800xi32, #tpu.memory_space<hbm>>
      tpu.wait_dma2 semaphore(%arg24 : memref<!tpu.dma_semaphore, #tpu.memory_space<semaphore_mem>>) src(%dma_wait3A_27 : memref<12800xi32, #tpu.memory_space<hbm>>) dst(%arg5 : memref<12800xi32, #tpu.memory_space<vmem>>)
      %dma_start3A_28 = arith.constant 0 : i32
      %dma_start3A_29 = tpu.memref_slice %arg5[%dma_start3A_28] : memref<12800xi32, #tpu.memory_space<vmem>> -> memref<200xi32, #tpu.memory_space<vmem>>
      %dma_start3A_30 = arith.constant 0 : i32
      %dma_start3A_31 = arith.constant 0 : i32
      %dma_start3A_32 = tpu.memref_slice %arg3[%dma_start3A_30, %dma_start3A_31] : memref<1000000x32xf32, #tpu.memory_space<hbm>> -> memref<1000000x32xf32, #tpu.memory_space<hbm>>
      tpu.enqueue_indirect_dma source(%dma_start3A_32 : memref<1000000x32xf32, #tpu.memory_space<hbm>>) target(%arg7 : memref<200x32xf32, #tpu.memory_space<vmem>>) offsets(%dma_start3A_29 : memref<200xi32, #tpu.memory_space<vmem>>) semaphore(%arg16 : memref<!tpu.dma_semaphore, #tpu.memory_space<semaphore_mem>>)
      %dma_start3A_33 = arith.constant 200 : i32
      %dma_start3A_34 = tpu.memref_slice %arg5[%dma_start3A_33] : memref<12800xi32, #tpu.memory_space<vmem>> -> memref<200xi32, #tpu.memory_space<vmem>>
      %dma_start3A_35 = arith.constant 0 : i32
      %dma_start3A_36 = arith.constant 0 : i32
      %dma_start3A_37 = tpu.memref_slice %arg3[%dma_start3A_35, %dma_start3A_36] : memref<1000000x32xf32, #tpu.memory_space<hbm>> -> memref<1000000x32xf32, #tpu.memory_space<hbm>>
      tpu.enqueue_indirect_dma source(%dma_start3A_37 : memref<1000000x32xf32, #tpu.memory_space<hbm>>) target(%arg8 : memref<200x32xf32, #tpu.memory_space<vmem>>) offsets(%dma_start3A_34 : memref<200xi32, #tpu.memory_space<vmem>>) semaphore(%arg17 : memref<!tpu.dma_semaphore, #tpu.memory_space<semaphore_mem>>)
      %dma_start3A_38 = arith.constant 400 : i32
      %dma_start3A_39 = tpu.memref_slice %arg5[%dma_start3A_38] : memref<12800xi32, #tpu.memory_space<vmem>> -> memref<200xi32, #tpu.memory_space<vmem>>
      %dma_start3A_40 = arith.constant 0 : i32
      %dma_start3A_41 = arith.constant 0 : i32
      %dma_start3A_42 = tpu.memref_slice %arg3[%dma_start3A_40, %dma_start3A_41] : memref<1000000x32xf32, #tpu.memory_space<hbm>> -> memref<1000000x32xf32, #tpu.memory_space<hbm>>
      tpu.enqueue_indirect_dma source(%dma_start3A_42 : memref<1000000x32xf32, #tpu.memory_space<hbm>>) target(%arg9 : memref<200x32xf32, #tpu.memory_space<vmem>>) offsets(%dma_start3A_39 : memref<200xi32, #tpu.memory_space<vmem>>) semaphore(%arg18 : memref<!tpu.dma_semaphore, #tpu.memory_space<semaphore_mem>>)
      %dma_start3A_43 = arith.constant 600 : i32
      %dma_start3A_44 = tpu.memref_slice %arg5[%dma_start3A_43] : memref<12800xi32, #tpu.memory_space<vmem>> -> memref<200xi32, #tpu.memory_space<vmem>>
      %dma_start3A_45 = arith.constant 0 : i32
      %dma_start3A_46 = arith.constant 0 : i32
      %dma_start3A_47 = tpu.memref_slice %arg3[%dma_start3A_45, %dma_start3A_46] : memref<1000000x32xf32, #tpu.memory_space<hbm>> -> memref<1000000x32xf32, #tpu.memory_space<hbm>>
      tpu.enqueue_indirect_dma source(%dma_start3A_47 : memref<1000000x32xf32, #tpu.memory_space<hbm>>) target(%arg10 : memref<200x32xf32, #tpu.memory_space<vmem>>) offsets(%dma_start3A_44 : memref<200xi32, #tpu.memory_space<vmem>>) semaphore(%arg19 : memref<!tpu.dma_semaphore, #tpu.memory_space<semaphore_mem>>)
      %dma_start3A_48 = arith.constant 800 : i32
      %dma_start3A_49 = tpu.memref_slice %arg5[%dma_start3A_48] : memref<12800xi32, #tpu.memory_space<vmem>> -> memref<200xi32, #tpu.memory_space<vmem>>
      %dma_start3A_50 = arith.constant 0 : i32
      %dma_start3A_51 = arith.constant 0 : i32
      %dma_start3A_52 = tpu.memref_slice %arg3[%dma_start3A_50, %dma_start3A_51] : memref<1000000x32xf32, #tpu.memory_space<hbm>> -> memref<1000000x32xf32, #tpu.memory_space<hbm>>
      tpu.enqueue_indirect_dma source(%dma_start3A_52 : memref<1000000x32xf32, #tpu.memory_space<hbm>>) target(%arg11 : memref<200x32xf32, #tpu.memory_space<vmem>>) offsets(%dma_start3A_49 : memref<200xi32, #tpu.memory_space<vmem>>) semaphore(%arg20 : memref<!tpu.dma_semaphore, #tpu.memory_space<semaphore_mem>>)
      %dma_start3A_53 = arith.constant 1000 : i32
      %dma_start3A_54 = tpu.memref_slice %arg5[%dma_start3A_53] : memref<12800xi32, #tpu.memory_space<vmem>> -> memref<200xi32, #tpu.memory_space<vmem>>
      %dma_start3A_55 = arith.constant 0 : i32
      %dma_start3A_56 = arith.constant 0 : i32
      %dma_start3A_57 = tpu.memref_slice %arg3[%dma_start3A_55, %dma_start3A_56] : memref<1000000x32xf32, #tpu.memory_space<hbm>> -> memref<1000000x32xf32, #tpu.memory_space<hbm>>
      tpu.enqueue_indirect_dma source(%dma_start3A_57 : memref<1000000x32xf32, #tpu.memory_space<hbm>>) target(%arg12 : memref<200x32xf32, #tpu.memory_space<vmem>>) offsets(%dma_start3A_54 : memref<200xi32, #tpu.memory_space<vmem>>) semaphore(%arg21 : memref<!tpu.dma_semaphore, #tpu.memory_space<semaphore_mem>>)
      %dma_start3A_58 = arith.constant 1200 : i32
      %dma_start3A_59 = tpu.memref_slice %arg5[%dma_start3A_58] : memref<12800xi32, #tpu.memory_space<vmem>> -> memref<200xi32, #tpu.memory_space<vmem>>
      %dma_start3A_60 = arith.constant 0 : i32
      %dma_start3A_61 = arith.constant 0 : i32
      %dma_start3A_62 = tpu.memref_slice %arg3[%dma_start3A_60, %dma_start3A_61] : memref<1000000x32xf32, #tpu.memory_space<hbm>> -> memref<1000000x32xf32, #tpu.memory_space<hbm>>
      tpu.enqueue_indirect_dma source(%dma_start3A_62 : memref<1000000x32xf32, #tpu.memory_space<hbm>>) target(%arg13 : memref<200x32xf32, #tpu.memory_space<vmem>>) offsets(%dma_start3A_59 : memref<200xi32, #tpu.memory_space<vmem>>) semaphore(%arg22 : memref<!tpu.dma_semaphore, #tpu.memory_space<semaphore_mem>>)
      %scan3A_63 = arith.constant 0 : i32
      %scan3A_64 = arith.constant 8 : i32
      %scan3A_65 = arith.addi %scan3A_63, %scan3A_64 : i32
      %scan3A_66 = arith.constant 1 : i32
      scf.for %scan3A_118 = %scan3A_63 to %scan3A_65 step %scan3A_66  : i32 {
        %mul3A_119 = arith.constant 8 : i32
        %mul3A_120 = arith.muli %scan3A_118, %mul3A_119 : i32
        %add3A_121 = arith.constant 0 : i32
        %add3A_122 = arith.addi %add3A_121, %mul3A_120 : i32
        %add3A_123 = arith.constant 8 : i32
        %add3A_124 = arith.addi %add3A_122, %add3A_123 : i32
        %sub3A = arith.constant 1 : i32
        %sub3A_125 = arith.subi %add3A_124, %sub3A : i32
        %mul3A_126 = arith.constant 200 : i32
        %mul3A_127 = arith.muli %sub3A_125, %mul3A_126 : i32
        %dma_start3A_128 = tpu.memref_slice %arg5[%mul3A_127] : memref<12800xi32, #tpu.memory_space<vmem>> -> memref<200xi32, #tpu.memory_space<vmem>>
        %dma_start3A_129 = arith.constant 0 : i32
        %dma_start3A_130 = arith.constant 0 : i32
        %dma_start3A_131 = tpu.memref_slice %arg3[%dma_start3A_129, %dma_start3A_130] : memref<1000000x32xf32, #tpu.memory_space<hbm>> -> memref<1000000x32xf32, #tpu.memory_space<hbm>>
        tpu.enqueue_indirect_dma source(%dma_start3A_131 : memref<1000000x32xf32, #tpu.memory_space<hbm>>) target(%arg14 : memref<200x32xf32, #tpu.memory_space<vmem>>) offsets(%dma_start3A_128 : memref<200xi32, #tpu.memory_space<vmem>>) semaphore(%arg23 : memref<!tpu.dma_semaphore, #tpu.memory_space<semaphore_mem>>)
        %dma_wait3A_132 = arith.constant 0 : i32
        %dma_wait3A_133 = tpu.memref_slice %arg5[%dma_wait3A_132] : memref<12800xi32, #tpu.memory_space<vmem>> -> memref<200xi32, #tpu.memory_space<vmem>>
        %dma_wait3A_134 = arith.constant 0 : i32
        %dma_wait3A_135 = arith.constant 0 : i32
        %dma_wait3A_136 = tpu.memref_slice %arg3[%dma_wait3A_134, %dma_wait3A_135] : memref<1000000x32xf32, #tpu.memory_space<hbm>> -> memref<1000000x32xf32, #tpu.memory_space<hbm>>
        tpu.wait_indirect_dma semaphore(%arg16 : memref<!tpu.dma_semaphore, #tpu.memory_space<semaphore_mem>>) src(%dma_wait3A_136 : memref<1000000x32xf32, #tpu.memory_space<hbm>>) dst(%arg7 : memref<200x32xf32, #tpu.memory_space<vmem>>)
        %mul3A_137 = arith.constant 64 : i32
        %mul3A_138 = arith.muli %add3A_17, %mul3A_137 : i32
        %add3A_139 = arith.constant 0 : i32
        %add3A_140 = arith.addi %add3A_122, %add3A_139 : i32
        %mul3A_141 = arith.constant 1 : i32
        %mul3A_142 = arith.muli %add3A_140, %mul3A_141 : i32
        %add3A_143 = arith.addi %mul3A_138, %mul3A_142 : i32
        %scan3A_144 = arith.constant 0 : i32
        %scan3A_145 = arith.constant 25 : i32
        %scan3A_146 = arith.addi %scan3A_144, %scan3A_145 : i32
        %scan3A_147 = arith.constant 1 : i32
        %scan3A_148:2 = scf.for %scan3A_498 = %scan3A_144 to %scan3A_146 step %scan3A_147 iter_args(%scan3A_499 = %broadcast_in_dim3A_5, %scan3A_500 = %broadcast_in_dim3A_5) -> (vector<16xf32>, vector<16xf32>)  : i32 {
          %mul3A_501 = arith.constant 8 : i32
          %mul3A_502 = arith.muli %scan3A_498, %mul3A_501 : i32
          %add3A_503 = arith.constant 0 : i32
          %add3A_504 = arith.addi %add3A_503, %mul3A_502 : i32
          %add3A_505 = arith.constant 0 : i32
          %add3A_506 = arith.addi %add3A_504, %add3A_505 : i32
          %get3A = arith.index_cast %add3A_506 : i32 to index
          %get3A_507 = arith.constant 0 : index
          %get3A_508 = tpu.vector_load %arg7[%get3A, %get3A_507] {strides = array<i32>} : memref<200x32xf32, #tpu.memory_space<vmem>>, vector<1x16xf32>,
          %get3A_509 = vector.shape_cast %get3A_508 : vector<1x16xf32> to vector<16xf32>
          %add3A_510 = arith.addf %scan3A_499, %get3A_509 : vector<16xf32>
          %get3A_511 = arith.index_cast %add3A_506 : i32 to index
          %get3A_512 = arith.constant 16 : index
          %get3A_513 = tpu.vector_load %arg7[%get3A_511, %get3A_512] {strides = array<i32>} : memref<200x32xf32, #tpu.memory_space<vmem>>, vector<1x16xf32>,
          %get3A_514 = vector.shape_cast %get3A_513 : vector<1x16xf32> to vector<16xf32>
          %add3A_515 = arith.addf %scan3A_500, %get3A_514 : vector<16xf32>
          %mul3A_516 = arith.constant 8 : i32
          %mul3A_517 = arith.muli %scan3A_498, %mul3A_516 : i32
          %add3A_518 = arith.constant 0 : i32
          %add3A_519 = arith.addi %add3A_518, %mul3A_517 : i32
          %add3A_520 = arith.constant 1 : i32
          %add3A_521 = arith.addi %add3A_519, %add3A_520 : i32
          %get3A_522 = arith.index_cast %add3A_521 : i32 to index
          %get3A_523 = arith.constant 0 : index
          %get3A_524 = tpu.vector_load %arg7[%get3A_522, %get3A_523] {strides = array<i32>} : memref<200x32xf32, #tpu.memory_space<vmem>>, vector<1x16xf32>,
          %get3A_525 = vector.shape_cast %get3A_524 : vector<1x16xf32> to vector<16xf32>
          %add3A_526 = arith.addf %add3A_510, %get3A_525 : vector<16xf32>
          %get3A_527 = arith.index_cast %add3A_521 : i32 to index
          %get3A_528 = arith.constant 16 : index
          %get3A_529 = tpu.vector_load %arg7[%get3A_527, %get3A_528] {strides = array<i32>} : memref<200x32xf32, #tpu.memory_space<vmem>>, vector<1x16xf32>,
          %get3A_530 = vector.shape_cast %get3A_529 : vector<1x16xf32> to vector<16xf32>
          %add3A_531 = arith.addf %add3A_515, %get3A_530 : vector<16xf32>
          %mul3A_532 = arith.constant 8 : i32
          %mul3A_533 = arith.muli %scan3A_498, %mul3A_532 : i32
          %add3A_534 = arith.constant 0 : i32
          %add3A_535 = arith.addi %add3A_534, %mul3A_533 : i32
          %add3A_536 = arith.constant 2 : i32
          %add3A_537 = arith.addi %add3A_535, %add3A_536 : i32
          %get3A_538 = arith.index_cast %add3A_537 : i32 to index
          %get3A_539 = arith.constant 0 : index
          %get3A_540 = tpu.vector_load %arg7[%get3A_538, %get3A_539] {strides = array<i32>} : memref<200x32xf32, #tpu.memory_space<vmem>>, vector<1x16xf32>,
          %get3A_541 = vector.shape_cast %get3A_540 : vector<1x16xf32> to vector<16xf32>
          %add3A_542 = arith.addf %add3A_526, %get3A_541 : vector<16xf32>
          %get3A_543 = arith.index_cast %add3A_537 : i32 to index
          %get3A_544 = arith.constant 16 : index
          %get3A_545 = tpu.vector_load %arg7[%get3A_543, %get3A_544] {strides = array<i32>} : memref<200x32xf32, #tpu.memory_space<vmem>>, vector<1x16xf32>,
          %get3A_546 = vector.shape_cast %get3A_545 : vector<1x16xf32> to vector<16xf32>
          %add3A_547 = arith.addf %add3A_531, %get3A_546 : vector<16xf32>
          %mul3A_548 = arith.constant 8 : i32
          %mul3A_549 = arith.muli %scan3A_498, %mul3A_548 : i32
          %add3A_550 = arith.constant 0 : i32
          %add3A_551 = arith.addi %add3A_550, %mul3A_549 : i32
          %add3A_552 = arith.constant 3 : i32
          %add3A_553 = arith.addi %add3A_551, %add3A_552 : i32
          %get3A_554 = arith.index_cast %add3A_553 : i32 to index
          %get3A_555 = arith.constant 0 : index
          %get3A_556 = tpu.vector_load %arg7[%get3A_554, %get3A_555] {strides = array<i32>} : memref<200x32xf32, #tpu.memory_space<vmem>>, vector<1x16xf32>,
          %get3A_557 = vector.shape_cast %get3A_556 : vector<1x16xf32> to vector<16xf32>
          %add3A_558 = arith.addf %add3A_542, %get3A_557 : vector<16xf32>
          %get3A_559 = arith.index_cast %add3A_553 : i32 to index
          %get3A_560 = arith.constant 16 : index
          %get3A_561 = tpu.vector_load %arg7[%get3A_559, %get3A_560] {strides = array<i32>} : memref<200x32xf32, #tpu.memory_space<vmem>>, vector<1x16xf32>,
          %get3A_562 = vector.shape_cast %get3A_561 : vector<1x16xf32> to vector<16xf32>
          %add3A_563 = arith.addf %add3A_547, %get3A_562 : vector<16xf32>
          %mul3A_564 = arith.constant 8 : i32
          %mul3A_565 = arith.muli %scan3A_498, %mul3A_564 : i32
          %add3A_566 = arith.constant 0 : i32
          %add3A_567 = arith.addi %add3A_566, %mul3A_565 : i32
          %add3A_568 = arith.constant 4 : i32
          %add3A_569 = arith.addi %add3A_567, %add3A_568 : i32
          %get3A_570 = arith.index_cast %add3A_569 : i32 to index
          %get3A_571 = arith.constant 0 : index
          %get3A_572 = tpu.vector_load %arg7[%get3A_570, %get3A_571] {strides = array<i32>} : memref<200x32xf32, #tpu.memory_space<vmem>>, vector<1x16xf32>,
          %get3A_573 = vector.shape_cast %get3A_572 : vector<1x16xf32> to vector<16xf32>
          %add3A_574 = arith.addf %add3A_558, %get3A_573 : vector<16xf32>
          %get3A_575 = arith.index_cast %add3A_569 : i32 to index
          %get3A_576 = arith.constant 16 : index
          %get3A_577 = tpu.vector_load %arg7[%get3A_575, %get3A_576] {strides = array<i32>} : memref<200x32xf32, #tpu.memory_space<vmem>>, vector<1x16xf32>,
          %get3A_578 = vector.shape_cast %get3A_577 : vector<1x16xf32> to vector<16xf32>
          %add3A_579 = arith.addf %add3A_563, %get3A_578 : vector<16xf32>
          %mul3A_580 = arith.constant 8 : i32
          %mul3A_581 = arith.muli %scan3A_498, %mul3A_580 : i32
          %add3A_582 = arith.constant 0 : i32
          %add3A_583 = arith.addi %add3A_582, %mul3A_581 : i32
          %add3A_584 = arith.constant 5 : i32
          %add3A_585 = arith.addi %add3A_583, %add3A_584 : i32
          %get3A_586 = arith.index_cast %add3A_585 : i32 to index
          %get3A_587 = arith.constant 0 : index
          %get3A_588 = tpu.vector_load %arg7[%get3A_586, %get3A_587] {strides = array<i32>} : memref<200x32xf32, #tpu.memory_space<vmem>>, vector<1x16xf32>,
          %get3A_589 = vector.shape_cast %get3A_588 : vector<1x16xf32> to vector<16xf32>
          %add3A_590 = arith.addf %add3A_574, %get3A_589 : vector<16xf32>
          %get3A_591 = arith.index_cast %add3A_585 : i32 to index
          %get3A_592 = arith.constant 16 : index
          %get3A_593 = tpu.vector_load %arg7[%get3A_591, %get3A_592] {strides = array<i32>} : memref<200x32xf32, #tpu.memory_space<vmem>>, vector<1x16xf32>,
          %get3A_594 = vector.shape_cast %get3A_593 : vector<1x16xf32> to vector<16xf32>
          %add3A_595 = arith.addf %add3A_579, %get3A_594 : vector<16xf32>
          %mul3A_596 = arith.constant 8 : i32
          %mul3A_597 = arith.muli %scan3A_498, %mul3A_596 : i32
          %add3A_598 = arith.constant 0 : i32
          %add3A_599 = arith.addi %add3A_598, %mul3A_597 : i32
          %add3A_600 = arith.constant 6 : i32
          %add3A_601 = arith.addi %add3A_599, %add3A_600 : i32
          %get3A_602 = arith.index_cast %add3A_601 : i32 to index
          %get3A_603 = arith.constant 0 : index
          %get3A_604 = tpu.vector_load %arg7[%get3A_602, %get3A_603] {strides = array<i32>} : memref<200x32xf32, #tpu.memory_space<vmem>>, vector<1x16xf32>,
          %get3A_605 = vector.shape_cast %get3A_604 : vector<1x16xf32> to vector<16xf32>
          %add3A_606 = arith.addf %add3A_590, %get3A_605 : vector<16xf32>
          %get3A_607 = arith.index_cast %add3A_601 : i32 to index
          %get3A_608 = arith.constant 16 : index
          %get3A_609 = tpu.vector_load %arg7[%get3A_607, %get3A_608] {strides = array<i32>} : memref<200x32xf32, #tpu.memory_space<vmem>>, vector<1x16xf32>,
          %get3A_610 = vector.shape_cast %get3A_609 : vector<1x16xf32> to vector<16xf32>
          %add3A_611 = arith.addf %add3A_595, %get3A_610 : vector<16xf32>
          %mul3A_612 = arith.constant 8 : i32
          %mul3A_613 = arith.muli %scan3A_498, %mul3A_612 : i32
          %add3A_614 = arith.constant 0 : i32
          %add3A_615 = arith.addi %add3A_614, %mul3A_613 : i32
          %add3A_616 = arith.constant 7 : i32
          %add3A_617 = arith.addi %add3A_615, %add3A_616 : i32
          %get3A_618 = arith.index_cast %add3A_617 : i32 to index
          %get3A_619 = arith.constant 0 : index
          %get3A_620 = tpu.vector_load %arg7[%get3A_618, %get3A_619] {strides = array<i32>} : memref<200x32xf32, #tpu.memory_space<vmem>>, vector<1x16xf32>,
          %get3A_621 = vector.shape_cast %get3A_620 : vector<1x16xf32> to vector<16xf32>
          %add3A_622 = arith.addf %add3A_606, %get3A_621 : vector<16xf32>
          %get3A_623 = arith.index_cast %add3A_617 : i32 to index
          %get3A_624 = arith.constant 16 : index
          %get3A_625 = tpu.vector_load %arg7[%get3A_623, %get3A_624] {strides = array<i32>} : memref<200x32xf32, #tpu.memory_space<vmem>>, vector<1x16xf32>,
          %get3A_626 = vector.shape_cast %get3A_625 : vector<1x16xf32> to vector<16xf32>
          %add3A_627 = arith.addf %add3A_611, %get3A_626 : vector<16xf32>
          scf.yield %add3A_622, %add3A_627 : vector<16xf32>, vector<16xf32>
        }
        %scan3A_149 = arith.constant 25 : i32
        %mul3A_150 = arith.constant 5.000000e-03 : f32
        %mul3A_151 = vector.broadcast %mul3A_150 : f32 to vector<16xf32>
        %mul3A_152 = arith.mulf %scan3A_148#0, %mul3A_151 : vector<16xf32>
        %add3A_153 = arith.constant 0 : i32
        %add3A_154 = arith.addi %add3A_143, %add3A_153 : i32
        %swap3A = arith.index_cast %add3A_154 : i32 to index
        %swap3A_155 = arith.constant 0 : index
        %swap3A_156 = tpu.vector_load %arg15[%swap3A, %swap3A_155] {strides = array<i32>} : memref<512x32xf32, #tpu.memory_space<vmem>>, vector<1x16xf32>,
        %swap3A_157 = vector.shape_cast %swap3A_156 : vector<1x16xf32> to vector<16xf32>
        %swap3A_158 = vector.shape_cast %mul3A_152 : vector<16xf32> to vector<1x16xf32>
        tpu.vector_store %arg15[%swap3A, %swap3A_155], %swap3A_158 {strides = array<i32>} : memref<512x32xf32, #tpu.memory_space<vmem>>, vector<1x16xf32>,
        %mul3A_159 = arith.constant 5.000000e-03 : f32
        %mul3A_160 = vector.broadcast %mul3A_159 : f32 to vector<16xf32>
        %mul3A_161 = arith.mulf %scan3A_148#1, %mul3A_160 : vector<16xf32>
        %add3A_162 = arith.constant 0 : i32
        %add3A_163 = arith.addi %add3A_143, %add3A_162 : i32
        %swap3A_164 = arith.index_cast %add3A_163 : i32 to index
        %swap3A_165 = arith.constant 16 : index
        %swap3A_166 = tpu.vector_load %arg15[%swap3A_164, %swap3A_165] {strides = array<i32>} : memref<512x32xf32, #tpu.memory_space<vmem>>, vector<1x16xf32>,
        %swap3A_167 = vector.shape_cast %swap3A_166 : vector<1x16xf32> to vector<16xf32>
        %swap3A_168 = vector.shape_cast %mul3A_161 : vector<16xf32> to vector<1x16xf32>
        tpu.vector_store %arg15[%swap3A_164, %swap3A_165], %swap3A_168 {strides = array<i32>} : memref<512x32xf32, #tpu.memory_space<vmem>>, vector<1x16xf32>,
        %add3A_169 = arith.constant 8 : i32
        %add3A_170 = arith.addi %add3A_122, %add3A_169 : i32
        %add3A_171 = arith.constant 0 : i32
        %add3A_172 = arith.addi %add3A_170, %add3A_171 : i32
        %lt3A_173 = arith.constant 64 : i32
        %lt3A_174 = arith.cmpi slt, %add3A_172, %lt3A_173 : i32
        %convert_element_type3A_175 = arith.extui %lt3A_174 : i1 to i32
        %cond3A_176 = arith.constant 0 : i32
        %cond3A_177 = arith.cmpi ne, %convert_element_type3A_175, %cond3A_176 : i32
        scf.if %cond3A_177 {
          %add3A_498 = arith.constant 8 : i32
          %add3A_499 = arith.addi %add3A_122, %add3A_498 : i32
          %add3A_500 = arith.constant 0 : i32
          %add3A_501 = arith.addi %add3A_499, %add3A_500 : i32
          %mul3A_502 = arith.constant 200 : i32
          %mul3A_503 = arith.muli %add3A_501, %mul3A_502 : i32
          %dma_start3A_504 = tpu.memref_slice %arg5[%mul3A_503] : memref<12800xi32, #tpu.memory_space<vmem>> -> memref<200xi32, #tpu.memory_space<vmem>>
          %dma_start3A_505 = arith.constant 0 : i32
          %dma_start3A_506 = arith.constant 0 : i32
          %dma_start3A_507 = tpu.memref_slice %arg3[%dma_start3A_505, %dma_start3A_506] : memref<1000000x32xf32, #tpu.memory_space<hbm>> -> memref<1000000x32xf32, #tpu.memory_space<hbm>>
          tpu.enqueue_indirect_dma source(%dma_start3A_507 : memref<1000000x32xf32, #tpu.memory_space<hbm>>) target(%arg7 : memref<200x32xf32, #tpu.memory_space<vmem>>) offsets(%dma_start3A_504 : memref<200xi32, #tpu.memory_space<vmem>>) semaphore(%arg16 : memref<!tpu.dma_semaphore, #tpu.memory_space<semaphore_mem>>)
        } else {
        }
        %dma_wait3A_178 = arith.constant 0 : i32
        %dma_wait3A_179 = tpu.memref_slice %arg5[%dma_wait3A_178] : memref<12800xi32, #tpu.memory_space<vmem>> -> memref<200xi32, #tpu.memory_space<vmem>>
        %dma_wait3A_180 = arith.constant 0 : i32
        %dma_wait3A_181 = arith.constant 0 : i32
        %dma_wait3A_182 = tpu.memref_slice %arg3[%dma_wait3A_180, %dma_wait3A_181] : memref<1000000x32xf32, #tpu.memory_space<hbm>> -> memref<1000000x32xf32, #tpu.memory_space<hbm>>
        tpu.wait_indirect_dma semaphore(%arg17 : memref<!tpu.dma_semaphore, #tpu.memory_space<semaphore_mem>>) src(%dma_wait3A_182 : memref<1000000x32xf32, #tpu.memory_space<hbm>>) dst(%arg8 : memref<200x32xf32, #tpu.memory_space<vmem>>)
        %mul3A_183 = arith.constant 64 : i32
        %mul3A_184 = arith.muli %add3A_17, %mul3A_183 : i32
        %add3A_185 = arith.constant 1 : i32
        %add3A_186 = arith.addi %add3A_122, %add3A_185 : i32
        %mul3A_187 = arith.constant 1 : i32
        %mul3A_188 = arith.muli %add3A_186, %mul3A_187 : i32
        %add3A_189 = arith.addi %mul3A_184, %mul3A_188 : i32
        %scan3A_190 = arith.constant 0 : i32
        %scan3A_191 = arith.constant 25 : i32
        %scan3A_192 = arith.addi %scan3A_190, %scan3A_191 : i32
        %scan3A_193 = arith.constant 1 : i32
        %scan3A_194:2 = scf.for %scan3A_498 = %scan3A_190 to %scan3A_192 step %scan3A_193 iter_args(%scan3A_499 = %broadcast_in_dim3A_5, %scan3A_500 = %broadcast_in_dim3A_5) -> (vector<16xf32>, vector<16xf32>)  : i32 {
          %mul3A_501 = arith.constant 8 : i32
          %mul3A_502 = arith.muli %scan3A_498, %mul3A_501 : i32
          %add3A_503 = arith.constant 0 : i32
          %add3A_504 = arith.addi %add3A_503, %mul3A_502 : i32
          %add3A_505 = arith.constant 0 : i32
          %add3A_506 = arith.addi %add3A_504, %add3A_505 : i32
          %get3A = arith.index_cast %add3A_506 : i32 to index
          %get3A_507 = arith.constant 0 : index
          %get3A_508 = tpu.vector_load %arg8[%get3A, %get3A_507] {strides = array<i32>} : memref<200x32xf32, #tpu.memory_space<vmem>>, vector<1x16xf32>,
          %get3A_509 = vector.shape_cast %get3A_508 : vector<1x16xf32> to vector<16xf32>
          %add3A_510 = arith.addf %scan3A_499, %get3A_509 : vector<16xf32>
          %get3A_511 = arith.index_cast %add3A_506 : i32 to index
          %get3A_512 = arith.constant 16 : index
          %get3A_513 = tpu.vector_load %arg8[%get3A_511, %get3A_512] {strides = array<i32>} : memref<200x32xf32, #tpu.memory_space<vmem>>, vector<1x16xf32>,
          %get3A_514 = vector.shape_cast %get3A_513 : vector<1x16xf32> to vector<16xf32>
          %add3A_515 = arith.addf %scan3A_500, %get3A_514 : vector<16xf32>
          %mul3A_516 = arith.constant 8 : i32
          %mul3A_517 = arith.muli %scan3A_498, %mul3A_516 : i32
          %add3A_518 = arith.constant 0 : i32
          %add3A_519 = arith.addi %add3A_518, %mul3A_517 : i32
          %add3A_520 = arith.constant 1 : i32
          %add3A_521 = arith.addi %add3A_519, %add3A_520 : i32
          %get3A_522 = arith.index_cast %add3A_521 : i32 to index
          %get3A_523 = arith.constant 0 : index
          %get3A_524 = tpu.vector_load %arg8[%get3A_522, %get3A_523] {strides = array<i32>} : memref<200x32xf32, #tpu.memory_space<vmem>>, vector<1x16xf32>,
          %get3A_525 = vector.shape_cast %get3A_524 : vector<1x16xf32> to vector<16xf32>
          %add3A_526 = arith.addf %add3A_510, %get3A_525 : vector<16xf32>
          %get3A_527 = arith.index_cast %add3A_521 : i32 to index
          %get3A_528 = arith.constant 16 : index
          %get3A_529 = tpu.vector_load %arg8[%get3A_527, %get3A_528] {strides = array<i32>} : memref<200x32xf32, #tpu.memory_space<vmem>>, vector<1x16xf32>,
          %get3A_530 = vector.shape_cast %get3A_529 : vector<1x16xf32> to vector<16xf32>
          %add3A_531 = arith.addf %add3A_515, %get3A_530 : vector<16xf32>
          %mul3A_532 = arith.constant 8 : i32
          %mul3A_533 = arith.muli %scan3A_498, %mul3A_532 : i32
          %add3A_534 = arith.constant 0 : i32
          %add3A_535 = arith.addi %add3A_534, %mul3A_533 : i32
          %add3A_536 = arith.constant 2 : i32
          %add3A_537 = arith.addi %add3A_535, %add3A_536 : i32
          %get3A_538 = arith.index_cast %add3A_537 : i32 to index
          %get3A_539 = arith.constant 0 : index
          %get3A_540 = tpu.vector_load %arg8[%get3A_538, %get3A_539] {strides = array<i32>} : memref<200x32xf32, #tpu.memory_space<vmem>>, vector<1x16xf32>,
          %get3A_541 = vector.shape_cast %get3A_540 : vector<1x16xf32> to vector<16xf32>
          %add3A_542 = arith.addf %add3A_526, %get3A_541 : vector<16xf32>
          %get3A_543 = arith.index_cast %add3A_537 : i32 to index
          %get3A_544 = arith.constant 16 : index
          %get3A_545 = tpu.vector_load %arg8[%get3A_543, %get3A_544] {strides = array<i32>} : memref<200x32xf32, #tpu.memory_space<vmem>>, vector<1x16xf32>,
          %get3A_546 = vector.shape_cast %get3A_545 : vector<1x16xf32> to vector<16xf32>
          %add3A_547 = arith.addf %add3A_531, %get3A_546 : vector<16xf32>
          %mul3A_548 = arith.constant 8 : i32
          %mul3A_549 = arith.muli %scan3A_498, %mul3A_548 : i32
          %add3A_550 = arith.constant 0 : i32
          %add3A_551 = arith.addi %add3A_550, %mul3A_549 : i32
          %add3A_552 = arith.constant 3 : i32
          %add3A_553 = arith.addi %add3A_551, %add3A_552 : i32
          %get3A_554 = arith.index_cast %add3A_553 : i32 to index
          %get3A_555 = arith.constant 0 : index
          %get3A_556 = tpu.vector_load %arg8[%get3A_554, %get3A_555] {strides = array<i32>} : memref<200x32xf32, #tpu.memory_space<vmem>>, vector<1x16xf32>,
          %get3A_557 = vector.shape_cast %get3A_556 : vector<1x16xf32> to vector<16xf32>
          %add3A_558 = arith.addf %add3A_542, %get3A_557 : vector<16xf32>
          %get3A_559 = arith.index_cast %add3A_553 : i32 to index
          %get3A_560 = arith.constant 16 : index
          %get3A_561 = tpu.vector_load %arg8[%get3A_559, %get3A_560] {strides = array<i32>} : memref<200x32xf32, #tpu.memory_space<vmem>>, vector<1x16xf32>,
          %get3A_562 = vector.shape_cast %get3A_561 : vector<1x16xf32> to vector<16xf32>
          %add3A_563 = arith.addf %add3A_547, %get3A_562 : vector<16xf32>
          %mul3A_564 = arith.constant 8 : i32
          %mul3A_565 = arith.muli %scan3A_498, %mul3A_564 : i32
          %add3A_566 = arith.constant 0 : i32
          %add3A_567 = arith.addi %add3A_566, %mul3A_565 : i32
          %add3A_568 = arith.constant 4 : i32
          %add3A_569 = arith.addi %add3A_567, %add3A_568 : i32
          %get3A_570 = arith.index_cast %add3A_569 : i32 to index
          %get3A_571 = arith.constant 0 : index
          %get3A_572 = tpu.vector_load %arg8[%get3A_570, %get3A_571] {strides = array<i32>} : memref<200x32xf32, #tpu.memory_space<vmem>>, vector<1x16xf32>,
          %get3A_573 = vector.shape_cast %get3A_572 : vector<1x16xf32> to vector<16xf32>
          %add3A_574 = arith.addf %add3A_558, %get3A_573 : vector<16xf32>
          %get3A_575 = arith.index_cast %add3A_569 : i32 to index
          %get3A_576 = arith.constant 16 : index
          %get3A_577 = tpu.vector_load %arg8[%get3A_575, %get3A_576] {strides = array<i32>} : memref<200x32xf32, #tpu.memory_space<vmem>>, vector<1x16xf32>,
          %get3A_578 = vector.shape_cast %get3A_577 : vector<1x16xf32> to vector<16xf32>
          %add3A_579 = arith.addf %add3A_563, %get3A_578 : vector<16xf32>
          %mul3A_580 = arith.constant 8 : i32
          %mul3A_581 = arith.muli %scan3A_498, %mul3A_580 : i32
          %add3A_582 = arith.constant 0 : i32
          %add3A_583 = arith.addi %add3A_582, %mul3A_581 : i32
          %add3A_584 = arith.constant 5 : i32
          %add3A_585 = arith.addi %add3A_583, %add3A_584 : i32
          %get3A_586 = arith.index_cast %add3A_585 : i32 to index
          %get3A_587 = arith.constant 0 : index
          %get3A_588 = tpu.vector_load %arg8[%get3A_586, %get3A_587] {strides = array<i32>} : memref<200x32xf32, #tpu.memory_space<vmem>>, vector<1x16xf32>,
          %get3A_589 = vector.shape_cast %get3A_588 : vector<1x16xf32> to vector<16xf32>
          %add3A_590 = arith.addf %add3A_574, %get3A_589 : vector<16xf32>
          %get3A_591 = arith.index_cast %add3A_585 : i32 to index
          %get3A_592 = arith.constant 16 : index
          %get3A_593 = tpu.vector_load %arg8[%get3A_591, %get3A_592] {strides = array<i32>} : memref<200x32xf32, #tpu.memory_space<vmem>>, vector<1x16xf32>,
          %get3A_594 = vector.shape_cast %get3A_593 : vector<1x16xf32> to vector<16xf32>
          %add3A_595 = arith.addf %add3A_579, %get3A_594 : vector<16xf32>
          %mul3A_596 = arith.constant 8 : i32
          %mul3A_597 = arith.muli %scan3A_498, %mul3A_596 : i32
          %add3A_598 = arith.constant 0 : i32
          %add3A_599 = arith.addi %add3A_598, %mul3A_597 : i32
          %add3A_600 = arith.constant 6 : i32
          %add3A_601 = arith.addi %add3A_599, %add3A_600 : i32
          %get3A_602 = arith.index_cast %add3A_601 : i32 to index
          %get3A_603 = arith.constant 0 : index
          %get3A_604 = tpu.vector_load %arg8[%get3A_602, %get3A_603] {strides = array<i32>} : memref<200x32xf32, #tpu.memory_space<vmem>>, vector<1x16xf32>,
          %get3A_605 = vector.shape_cast %get3A_604 : vector<1x16xf32> to vector<16xf32>
          %add3A_606 = arith.addf %add3A_590, %get3A_605 : vector<16xf32>
          %get3A_607 = arith.index_cast %add3A_601 : i32 to index
          %get3A_608 = arith.constant 16 : index
          %get3A_609 = tpu.vector_load %arg8[%get3A_607, %get3A_608] {strides = array<i32>} : memref<200x32xf32, #tpu.memory_space<vmem>>, vector<1x16xf32>,
          %get3A_610 = vector.shape_cast %get3A_609 : vector<1x16xf32> to vector<16xf32>
          %add3A_611 = arith.addf %add3A_595, %get3A_610 : vector<16xf32>
          %mul3A_612 = arith.constant 8 : i32
          %mul3A_613 = arith.muli %scan3A_498, %mul3A_612 : i32
          %add3A_614 = arith.constant 0 : i32
          %add3A_615 = arith.addi %add3A_614, %mul3A_613 : i32
          %add3A_616 = arith.constant 7 : i32
          %add3A_617 = arith.addi %add3A_615, %add3A_616 : i32
          %get3A_618 = arith.index_cast %add3A_617 : i32 to index
          %get3A_619 = arith.constant 0 : index
          %get3A_620 = tpu.vector_load %arg8[%get3A_618, %get3A_619] {strides = array<i32>} : memref<200x32xf32, #tpu.memory_space<vmem>>, vector<1x16xf32>,
          %get3A_621 = vector.shape_cast %get3A_620 : vector<1x16xf32> to vector<16xf32>
          %add3A_622 = arith.addf %add3A_606, %get3A_621 : vector<16xf32>
          %get3A_623 = arith.index_cast %add3A_617 : i32 to index
          %get3A_624 = arith.constant 16 : index
          %get3A_625 = tpu.vector_load %arg8[%get3A_623, %get3A_624] {strides = array<i32>} : memref<200x32xf32, #tpu.memory_space<vmem>>, vector<1x16xf32>,
          %get3A_626 = vector.shape_cast %get3A_625 : vector<1x16xf32> to vector<16xf32>
          %add3A_627 = arith.addf %add3A_611, %get3A_626 : vector<16xf32>
          scf.yield %add3A_622, %add3A_627 : vector<16xf32>, vector<16xf32>
        }
        %scan3A_195 = arith.constant 25 : i32
        %mul3A_196 = arith.constant 5.000000e-03 : f32
        %mul3A_197 = vector.broadcast %mul3A_196 : f32 to vector<16xf32>
        %mul3A_198 = arith.mulf %scan3A_194#0, %mul3A_197 : vector<16xf32>
        %add3A_199 = arith.constant 0 : i32
        %add3A_200 = arith.addi %add3A_189, %add3A_199 : i32
        %swap3A_201 = arith.index_cast %add3A_200 : i32 to index
        %swap3A_202 = arith.constant 0 : index
        %swap3A_203 = tpu.vector_load %arg15[%swap3A_201, %swap3A_202] {strides = array<i32>} : memref<512x32xf32, #tpu.memory_space<vmem>>, vector<1x16xf32>,
        %swap3A_204 = vector.shape_cast %swap3A_203 : vector<1x16xf32> to vector<16xf32>
        %swap3A_205 = vector.shape_cast %mul3A_198 : vector<16xf32> to vector<1x16xf32>
        tpu.vector_store %arg15[%swap3A_201, %swap3A_202], %swap3A_205 {strides = array<i32>} : memref<512x32xf32, #tpu.memory_space<vmem>>, vector<1x16xf32>,
        %mul3A_206 = arith.constant 5.000000e-03 : f32
        %mul3A_207 = vector.broadcast %mul3A_206 : f32 to vector<16xf32>
        %mul3A_208 = arith.mulf %scan3A_194#1, %mul3A_207 : vector<16xf32>
        %add3A_209 = arith.constant 0 : i32
        %add3A_210 = arith.addi %add3A_189, %add3A_209 : i32
        %swap3A_211 = arith.index_cast %add3A_210 : i32 to index
        %swap3A_212 = arith.constant 16 : index
        %swap3A_213 = tpu.vector_load %arg15[%swap3A_211, %swap3A_212] {strides = array<i32>} : memref<512x32xf32, #tpu.memory_space<vmem>>, vector<1x16xf32>,
        %swap3A_214 = vector.shape_cast %swap3A_213 : vector<1x16xf32> to vector<16xf32>
        %swap3A_215 = vector.shape_cast %mul3A_208 : vector<16xf32> to vector<1x16xf32>
        tpu.vector_store %arg15[%swap3A_211, %swap3A_212], %swap3A_215 {strides = array<i32>} : memref<512x32xf32, #tpu.memory_space<vmem>>, vector<1x16xf32>,
        %add3A_216 = arith.constant 8 : i32
        %add3A_217 = arith.addi %add3A_122, %add3A_216 : i32
        %add3A_218 = arith.constant 1 : i32
        %add3A_219 = arith.addi %add3A_217, %add3A_218 : i32
        %lt3A_220 = arith.constant 64 : i32
        %lt3A_221 = arith.cmpi slt, %add3A_219, %lt3A_220 : i32
        %convert_element_type3A_222 = arith.extui %lt3A_221 : i1 to i32
        %cond3A_223 = arith.constant 0 : i32
        %cond3A_224 = arith.cmpi ne, %convert_element_type3A_222, %cond3A_223 : i32
        scf.if %cond3A_224 {
          %add3A_498 = arith.constant 8 : i32
          %add3A_499 = arith.addi %add3A_122, %add3A_498 : i32
          %add3A_500 = arith.constant 1 : i32
          %add3A_501 = arith.addi %add3A_499, %add3A_500 : i32
          %mul3A_502 = arith.constant 200 : i32
          %mul3A_503 = arith.muli %add3A_501, %mul3A_502 : i32
          %dma_start3A_504 = tpu.memref_slice %arg5[%mul3A_503] : memref<12800xi32, #tpu.memory_space<vmem>> -> memref<200xi32, #tpu.memory_space<vmem>>
          %dma_start3A_505 = arith.constant 0 : i32
          %dma_start3A_506 = arith.constant 0 : i32
          %dma_start3A_507 = tpu.memref_slice %arg3[%dma_start3A_505, %dma_start3A_506] : memref<1000000x32xf32, #tpu.memory_space<hbm>> -> memref<1000000x32xf32, #tpu.memory_space<hbm>>
          tpu.enqueue_indirect_dma source(%dma_start3A_507 : memref<1000000x32xf32, #tpu.memory_space<hbm>>) target(%arg8 : memref<200x32xf32, #tpu.memory_space<vmem>>) offsets(%dma_start3A_504 : memref<200xi32, #tpu.memory_space<vmem>>) semaphore(%arg17 : memref<!tpu.dma_semaphore, #tpu.memory_space<semaphore_mem>>)
        } else {
        }
        %dma_wait3A_225 = arith.constant 0 : i32
        %dma_wait3A_226 = tpu.memref_slice %arg5[%dma_wait3A_225] : memref<12800xi32, #tpu.memory_space<vmem>> -> memref<200xi32, #tpu.memory_space<vmem>>
        %dma_wait3A_227 = arith.constant 0 : i32
        %dma_wait3A_228 = arith.constant 0 : i32
        %dma_wait3A_229 = tpu.memref_slice %arg3[%dma_wait3A_227, %dma_wait3A_228] : memref<1000000x32xf32, #tpu.memory_space<hbm>> -> memref<1000000x32xf32, #tpu.memory_space<hbm>>
        tpu.wait_indirect_dma semaphore(%arg18 : memref<!tpu.dma_semaphore, #tpu.memory_space<semaphore_mem>>) src(%dma_wait3A_229 : memref<1000000x32xf32, #tpu.memory_space<hbm>>) dst(%arg9 : memref<200x32xf32, #tpu.memory_space<vmem>>)
        %mul3A_230 = arith.constant 64 : i32
        %mul3A_231 = arith.muli %add3A_17, %mul3A_230 : i32
        %add3A_232 = arith.constant 2 : i32
        %add3A_233 = arith.addi %add3A_122, %add3A_232 : i32
        %mul3A_234 = arith.constant 1 : i32
        %mul3A_235 = arith.muli %add3A_233, %mul3A_234 : i32
        %add3A_236 = arith.addi %mul3A_231, %mul3A_235 : i32
        %scan3A_237 = arith.constant 0 : i32
        %scan3A_238 = arith.constant 25 : i32
        %scan3A_239 = arith.addi %scan3A_237, %scan3A_238 : i32
        %scan3A_240 = arith.constant 1 : i32
        %scan3A_241:2 = scf.for %scan3A_498 = %scan3A_237 to %scan3A_239 step %scan3A_240 iter_args(%scan3A_499 = %broadcast_in_dim3A_5, %scan3A_500 = %broadcast_in_dim3A_5) -> (vector<16xf32>, vector<16xf32>)  : i32 {
          %mul3A_501 = arith.constant 8 : i32
          %mul3A_502 = arith.muli %scan3A_498, %mul3A_501 : i32
          %add3A_503 = arith.constant 0 : i32
          %add3A_504 = arith.addi %add3A_503, %mul3A_502 : i32
          %add3A_505 = arith.constant 0 : i32
          %add3A_506 = arith.addi %add3A_504, %add3A_505 : i32
          %get3A = arith.index_cast %add3A_506 : i32 to index
          %get3A_507 = arith.constant 0 : index
          %get3A_508 = tpu.vector_load %arg9[%get3A, %get3A_507] {strides = array<i32>} : memref<200x32xf32, #tpu.memory_space<vmem>>, vector<1x16xf32>,
          %get3A_509 = vector.shape_cast %get3A_508 : vector<1x16xf32> to vector<16xf32>
          %add3A_510 = arith.addf %scan3A_499, %get3A_509 : vector<16xf32>
          %get3A_511 = arith.index_cast %add3A_506 : i32 to index
          %get3A_512 = arith.constant 16 : index
          %get3A_513 = tpu.vector_load %arg9[%get3A_511, %get3A_512] {strides = array<i32>} : memref<200x32xf32, #tpu.memory_space<vmem>>, vector<1x16xf32>,
          %get3A_514 = vector.shape_cast %get3A_513 : vector<1x16xf32> to vector<16xf32>
          %add3A_515 = arith.addf %scan3A_500, %get3A_514 : vector<16xf32>
          %mul3A_516 = arith.constant 8 : i32
          %mul3A_517 = arith.muli %scan3A_498, %mul3A_516 : i32
          %add3A_518 = arith.constant 0 : i32
          %add3A_519 = arith.addi %add3A_518, %mul3A_517 : i32
          %add3A_520 = arith.constant 1 : i32
          %add3A_521 = arith.addi %add3A_519, %add3A_520 : i32
          %get3A_522 = arith.index_cast %add3A_521 : i32 to index
          %get3A_523 = arith.constant 0 : index
          %get3A_524 = tpu.vector_load %arg9[%get3A_522, %get3A_523] {strides = array<i32>} : memref<200x32xf32, #tpu.memory_space<vmem>>, vector<1x16xf32>,
          %get3A_525 = vector.shape_cast %get3A_524 : vector<1x16xf32> to vector<16xf32>
          %add3A_526 = arith.addf %add3A_510, %get3A_525 : vector<16xf32>
          %get3A_527 = arith.index_cast %add3A_521 : i32 to index
          %get3A_528 = arith.constant 16 : index
          %get3A_529 = tpu.vector_load %arg9[%get3A_527, %get3A_528] {strides = array<i32>} : memref<200x32xf32, #tpu.memory_space<vmem>>, vector<1x16xf32>,
          %get3A_530 = vector.shape_cast %get3A_529 : vector<1x16xf32> to vector<16xf32>
          %add3A_531 = arith.addf %add3A_515, %get3A_530 : vector<16xf32>
          %mul3A_532 = arith.constant 8 : i32
          %mul3A_533 = arith.muli %scan3A_498, %mul3A_532 : i32
          %add3A_534 = arith.constant 0 : i32
          %add3A_535 = arith.addi %add3A_534, %mul3A_533 : i32
          %add3A_536 = arith.constant 2 : i32
          %add3A_537 = arith.addi %add3A_535, %add3A_536 : i32
          %get3A_538 = arith.index_cast %add3A_537 : i32 to index
          %get3A_539 = arith.constant 0 : index
          %get3A_540 = tpu.vector_load %arg9[%get3A_538, %get3A_539] {strides = array<i32>} : memref<200x32xf32, #tpu.memory_space<vmem>>, vector<1x16xf32>,
          %get3A_541 = vector.shape_cast %get3A_540 : vector<1x16xf32> to vector<16xf32>
          %add3A_542 = arith.addf %add3A_526, %get3A_541 : vector<16xf32>
          %get3A_543 = arith.index_cast %add3A_537 : i32 to index
          %get3A_544 = arith.constant 16 : index
          %get3A_545 = tpu.vector_load %arg9[%get3A_543, %get3A_544] {strides = array<i32>} : memref<200x32xf32, #tpu.memory_space<vmem>>, vector<1x16xf32>,
          %get3A_546 = vector.shape_cast %get3A_545 : vector<1x16xf32> to vector<16xf32>
          %add3A_547 = arith.addf %add3A_531, %get3A_546 : vector<16xf32>
          %mul3A_548 = arith.constant 8 : i32
          %mul3A_549 = arith.muli %scan3A_498, %mul3A_548 : i32
          %add3A_550 = arith.constant 0 : i32
          %add3A_551 = arith.addi %add3A_550, %mul3A_549 : i32
          %add3A_552 = arith.constant 3 : i32
          %add3A_553 = arith.addi %add3A_551, %add3A_552 : i32
          %get3A_554 = arith.index_cast %add3A_553 : i32 to index
          %get3A_555 = arith.constant 0 : index
          %get3A_556 = tpu.vector_load %arg9[%get3A_554, %get3A_555] {strides = array<i32>} : memref<200x32xf32, #tpu.memory_space<vmem>>, vector<1x16xf32>,
          %get3A_557 = vector.shape_cast %get3A_556 : vector<1x16xf32> to vector<16xf32>
          %add3A_558 = arith.addf %add3A_542, %get3A_557 : vector<16xf32>
          %get3A_559 = arith.index_cast %add3A_553 : i32 to index
          %get3A_560 = arith.constant 16 : index
          %get3A_561 = tpu.vector_load %arg9[%get3A_559, %get3A_560] {strides = array<i32>} : memref<200x32xf32, #tpu.memory_space<vmem>>, vector<1x16xf32>,
          %get3A_562 = vector.shape_cast %get3A_561 : vector<1x16xf32> to vector<16xf32>
          %add3A_563 = arith.addf %add3A_547, %get3A_562 : vector<16xf32>
          %mul3A_564 = arith.constant 8 : i32
          %mul3A_565 = arith.muli %scan3A_498, %mul3A_564 : i32
          %add3A_566 = arith.constant 0 : i32
          %add3A_567 = arith.addi %add3A_566, %mul3A_565 : i32
          %add3A_568 = arith.constant 4 : i32
          %add3A_569 = arith.addi %add3A_567, %add3A_568 : i32
          %get3A_570 = arith.index_cast %add3A_569 : i32 to index
          %get3A_571 = arith.constant 0 : index
          %get3A_572 = tpu.vector_load %arg9[%get3A_570, %get3A_571] {strides = array<i32>} : memref<200x32xf32, #tpu.memory_space<vmem>>, vector<1x16xf32>,
          %get3A_573 = vector.shape_cast %get3A_572 : vector<1x16xf32> to vector<16xf32>
          %add3A_574 = arith.addf %add3A_558, %get3A_573 : vector<16xf32>
          %get3A_575 = arith.index_cast %add3A_569 : i32 to index
          %get3A_576 = arith.constant 16 : index
          %get3A_577 = tpu.vector_load %arg9[%get3A_575, %get3A_576] {strides = array<i32>} : memref<200x32xf32, #tpu.memory_space<vmem>>, vector<1x16xf32>,
          %get3A_578 = vector.shape_cast %get3A_577 : vector<1x16xf32> to vector<16xf32>
          %add3A_579 = arith.addf %add3A_563, %get3A_578 : vector<16xf32>
          %mul3A_580 = arith.constant 8 : i32
          %mul3A_581 = arith.muli %scan3A_498, %mul3A_580 : i32
          %add3A_582 = arith.constant 0 : i32
          %add3A_583 = arith.addi %add3A_582, %mul3A_581 : i32
          %add3A_584 = arith.constant 5 : i32
          %add3A_585 = arith.addi %add3A_583, %add3A_584 : i32
          %get3A_586 = arith.index_cast %add3A_585 : i32 to index
          %get3A_587 = arith.constant 0 : index
          %get3A_588 = tpu.vector_load %arg9[%get3A_586, %get3A_587] {strides = array<i32>} : memref<200x32xf32, #tpu.memory_space<vmem>>, vector<1x16xf32>,
          %get3A_589 = vector.shape_cast %get3A_588 : vector<1x16xf32> to vector<16xf32>
          %add3A_590 = arith.addf %add3A_574, %get3A_589 : vector<16xf32>
          %get3A_591 = arith.index_cast %add3A_585 : i32 to index
          %get3A_592 = arith.constant 16 : index
          %get3A_593 = tpu.vector_load %arg9[%get3A_591, %get3A_592] {strides = array<i32>} : memref<200x32xf32, #tpu.memory_space<vmem>>, vector<1x16xf32>,
          %get3A_594 = vector.shape_cast %get3A_593 : vector<1x16xf32> to vector<16xf32>
          %add3A_595 = arith.addf %add3A_579, %get3A_594 : vector<16xf32>
          %mul3A_596 = arith.constant 8 : i32
          %mul3A_597 = arith.muli %scan3A_498, %mul3A_596 : i32
          %add3A_598 = arith.constant 0 : i32
          %add3A_599 = arith.addi %add3A_598, %mul3A_597 : i32
          %add3A_600 = arith.constant 6 : i32
          %add3A_601 = arith.addi %add3A_599, %add3A_600 : i32
          %get3A_602 = arith.index_cast %add3A_601 : i32 to index
          %get3A_603 = arith.constant 0 : index
          %get3A_604 = tpu.vector_load %arg9[%get3A_602, %get3A_603] {strides = array<i32>} : memref<200x32xf32, #tpu.memory_space<vmem>>, vector<1x16xf32>,
          %get3A_605 = vector.shape_cast %get3A_604 : vector<1x16xf32> to vector<16xf32>
          %add3A_606 = arith.addf %add3A_590, %get3A_605 : vector<16xf32>
          %get3A_607 = arith.index_cast %add3A_601 : i32 to index
          %get3A_608 = arith.constant 16 : index
          %get3A_609 = tpu.vector_load %arg9[%get3A_607, %get3A_608] {strides = array<i32>} : memref<200x32xf32, #tpu.memory_space<vmem>>, vector<1x16xf32>,
          %get3A_610 = vector.shape_cast %get3A_609 : vector<1x16xf32> to vector<16xf32>
          %add3A_611 = arith.addf %add3A_595, %get3A_610 : vector<16xf32>
          %mul3A_612 = arith.constant 8 : i32
          %mul3A_613 = arith.muli %scan3A_498, %mul3A_612 : i32
          %add3A_614 = arith.constant 0 : i32
          %add3A_615 = arith.addi %add3A_614, %mul3A_613 : i32
          %add3A_616 = arith.constant 7 : i32
          %add3A_617 = arith.addi %add3A_615, %add3A_616 : i32
          %get3A_618 = arith.index_cast %add3A_617 : i32 to index
          %get3A_619 = arith.constant 0 : index
          %get3A_620 = tpu.vector_load %arg9[%get3A_618, %get3A_619] {strides = array<i32>} : memref<200x32xf32, #tpu.memory_space<vmem>>, vector<1x16xf32>,
          %get3A_621 = vector.shape_cast %get3A_620 : vector<1x16xf32> to vector<16xf32>
          %add3A_622 = arith.addf %add3A_606, %get3A_621 : vector<16xf32>
          %get3A_623 = arith.index_cast %add3A_617 : i32 to index
          %get3A_624 = arith.constant 16 : index
          %get3A_625 = tpu.vector_load %arg9[%get3A_623, %get3A_624] {strides = array<i32>} : memref<200x32xf32, #tpu.memory_space<vmem>>, vector<1x16xf32>,
          %get3A_626 = vector.shape_cast %get3A_625 : vector<1x16xf32> to vector<16xf32>
          %add3A_627 = arith.addf %add3A_611, %get3A_626 : vector<16xf32>
          scf.yield %add3A_622, %add3A_627 : vector<16xf32>, vector<16xf32>
        }
        %scan3A_242 = arith.constant 25 : i32
        %mul3A_243 = arith.constant 5.000000e-03 : f32
        %mul3A_244 = vector.broadcast %mul3A_243 : f32 to vector<16xf32>
        %mul3A_245 = arith.mulf %scan3A_241#0, %mul3A_244 : vector<16xf32>
        %add3A_246 = arith.constant 0 : i32
        %add3A_247 = arith.addi %add3A_236, %add3A_246 : i32
        %swap3A_248 = arith.index_cast %add3A_247 : i32 to index
        %swap3A_249 = arith.constant 0 : index
        %swap3A_250 = tpu.vector_load %arg15[%swap3A_248, %swap3A_249] {strides = array<i32>} : memref<512x32xf32, #tpu.memory_space<vmem>>, vector<1x16xf32>,
        %swap3A_251 = vector.shape_cast %swap3A_250 : vector<1x16xf32> to vector<16xf32>
        %swap3A_252 = vector.shape_cast %mul3A_245 : vector<16xf32> to vector<1x16xf32>
        tpu.vector_store %arg15[%swap3A_248, %swap3A_249], %swap3A_252 {strides = array<i32>} : memref<512x32xf32, #tpu.memory_space<vmem>>, vector<1x16xf32>,
        %mul3A_253 = arith.constant 5.000000e-03 : f32
        %mul3A_254 = vector.broadcast %mul3A_253 : f32 to vector<16xf32>
        %mul3A_255 = arith.mulf %scan3A_241#1, %mul3A_254 : vector<16xf32>
        %add3A_256 = arith.constant 0 : i32
        %add3A_257 = arith.addi %add3A_236, %add3A_256 : i32
        %swap3A_258 = arith.index_cast %add3A_257 : i32 to index
        %swap3A_259 = arith.constant 16 : index
        %swap3A_260 = tpu.vector_load %arg15[%swap3A_258, %swap3A_259] {strides = array<i32>} : memref<512x32xf32, #tpu.memory_space<vmem>>, vector<1x16xf32>,
        %swap3A_261 = vector.shape_cast %swap3A_260 : vector<1x16xf32> to vector<16xf32>
        %swap3A_262 = vector.shape_cast %mul3A_255 : vector<16xf32> to vector<1x16xf32>
        tpu.vector_store %arg15[%swap3A_258, %swap3A_259], %swap3A_262 {strides = array<i32>} : memref<512x32xf32, #tpu.memory_space<vmem>>, vector<1x16xf32>,
        %add3A_263 = arith.constant 8 : i32
        %add3A_264 = arith.addi %add3A_122, %add3A_263 : i32
        %add3A_265 = arith.constant 2 : i32
        %add3A_266 = arith.addi %add3A_264, %add3A_265 : i32
        %lt3A_267 = arith.constant 64 : i32
        %lt3A_268 = arith.cmpi slt, %add3A_266, %lt3A_267 : i32
        %convert_element_type3A_269 = arith.extui %lt3A_268 : i1 to i32
        %cond3A_270 = arith.constant 0 : i32
        %cond3A_271 = arith.cmpi ne, %convert_element_type3A_269, %cond3A_270 : i32
        scf.if %cond3A_271 {
          %add3A_498 = arith.constant 8 : i32
          %add3A_499 = arith.addi %add3A_122, %add3A_498 : i32
          %add3A_500 = arith.constant 2 : i32
          %add3A_501 = arith.addi %add3A_499, %add3A_500 : i32
          %mul3A_502 = arith.constant 200 : i32
          %mul3A_503 = arith.muli %add3A_501, %mul3A_502 : i32
          %dma_start3A_504 = tpu.memref_slice %arg5[%mul3A_503] : memref<12800xi32, #tpu.memory_space<vmem>> -> memref<200xi32, #tpu.memory_space<vmem>>
          %dma_start3A_505 = arith.constant 0 : i32
          %dma_start3A_506 = arith.constant 0 : i32
          %dma_start3A_507 = tpu.memref_slice %arg3[%dma_start3A_505, %dma_start3A_506] : memref<1000000x32xf32, #tpu.memory_space<hbm>> -> memref<1000000x32xf32, #tpu.memory_space<hbm>>
          tpu.enqueue_indirect_dma source(%dma_start3A_507 : memref<1000000x32xf32, #tpu.memory_space<hbm>>) target(%arg9 : memref<200x32xf32, #tpu.memory_space<vmem>>) offsets(%dma_start3A_504 : memref<200xi32, #tpu.memory_space<vmem>>) semaphore(%arg18 : memref<!tpu.dma_semaphore, #tpu.memory_space<semaphore_mem>>)
        } else {
        }
        %dma_wait3A_272 = arith.constant 0 : i32
        %dma_wait3A_273 = tpu.memref_slice %arg5[%dma_wait3A_272] : memref<12800xi32, #tpu.memory_space<vmem>> -> memref<200xi32, #tpu.memory_space<vmem>>
        %dma_wait3A_274 = arith.constant 0 : i32
        %dma_wait3A_275 = arith.constant 0 : i32
        %dma_wait3A_276 = tpu.memref_slice %arg3[%dma_wait3A_274, %dma_wait3A_275] : memref<1000000x32xf32, #tpu.memory_space<hbm>> -> memref<1000000x32xf32, #tpu.memory_space<hbm>>
        tpu.wait_indirect_dma semaphore(%arg19 : memref<!tpu.dma_semaphore, #tpu.memory_space<semaphore_mem>>) src(%dma_wait3A_276 : memref<1000000x32xf32, #tpu.memory_space<hbm>>) dst(%arg10 : memref<200x32xf32, #tpu.memory_space<vmem>>)
        %mul3A_277 = arith.constant 64 : i32
        %mul3A_278 = arith.muli %add3A_17, %mul3A_277 : i32
        %add3A_279 = arith.constant 3 : i32
        %add3A_280 = arith.addi %add3A_122, %add3A_279 : i32
        %mul3A_281 = arith.constant 1 : i32
        %mul3A_282 = arith.muli %add3A_280, %mul3A_281 : i32
        %add3A_283 = arith.addi %mul3A_278, %mul3A_282 : i32
        %scan3A_284 = arith.constant 0 : i32
        %scan3A_285 = arith.constant 25 : i32
        %scan3A_286 = arith.addi %scan3A_284, %scan3A_285 : i32
        %scan3A_287 = arith.constant 1 : i32
        %scan3A_288:2 = scf.for %scan3A_498 = %scan3A_284 to %scan3A_286 step %scan3A_287 iter_args(%scan3A_499 = %broadcast_in_dim3A_5, %scan3A_500 = %broadcast_in_dim3A_5) -> (vector<16xf32>, vector<16xf32>)  : i32 {
          %mul3A_501 = arith.constant 8 : i32
          %mul3A_502 = arith.muli %scan3A_498, %mul3A_501 : i32
          %add3A_503 = arith.constant 0 : i32
          %add3A_504 = arith.addi %add3A_503, %mul3A_502 : i32
          %add3A_505 = arith.constant 0 : i32
          %add3A_506 = arith.addi %add3A_504, %add3A_505 : i32
          %get3A = arith.index_cast %add3A_506 : i32 to index
          %get3A_507 = arith.constant 0 : index
          %get3A_508 = tpu.vector_load %arg10[%get3A, %get3A_507] {strides = array<i32>} : memref<200x32xf32, #tpu.memory_space<vmem>>, vector<1x16xf32>,
          %get3A_509 = vector.shape_cast %get3A_508 : vector<1x16xf32> to vector<16xf32>
          %add3A_510 = arith.addf %scan3A_499, %get3A_509 : vector<16xf32>
          %get3A_511 = arith.index_cast %add3A_506 : i32 to index
          %get3A_512 = arith.constant 16 : index
          %get3A_513 = tpu.vector_load %arg10[%get3A_511, %get3A_512] {strides = array<i32>} : memref<200x32xf32, #tpu.memory_space<vmem>>, vector<1x16xf32>,
          %get3A_514 = vector.shape_cast %get3A_513 : vector<1x16xf32> to vector<16xf32>
          %add3A_515 = arith.addf %scan3A_500, %get3A_514 : vector<16xf32>
          %mul3A_516 = arith.constant 8 : i32
          %mul3A_517 = arith.muli %scan3A_498, %mul3A_516 : i32
          %add3A_518 = arith.constant 0 : i32
          %add3A_519 = arith.addi %add3A_518, %mul3A_517 : i32
          %add3A_520 = arith.constant 1 : i32
          %add3A_521 = arith.addi %add3A_519, %add3A_520 : i32
          %get3A_522 = arith.index_cast %add3A_521 : i32 to index
          %get3A_523 = arith.constant 0 : index
          %get3A_524 = tpu.vector_load %arg10[%get3A_522, %get3A_523] {strides = array<i32>} : memref<200x32xf32, #tpu.memory_space<vmem>>, vector<1x16xf32>,
          %get3A_525 = vector.shape_cast %get3A_524 : vector<1x16xf32> to vector<16xf32>
          %add3A_526 = arith.addf %add3A_510, %get3A_525 : vector<16xf32>
          %get3A_527 = arith.index_cast %add3A_521 : i32 to index
          %get3A_528 = arith.constant 16 : index
          %get3A_529 = tpu.vector_load %arg10[%get3A_527, %get3A_528] {strides = array<i32>} : memref<200x32xf32, #tpu.memory_space<vmem>>, vector<1x16xf32>,
          %get3A_530 = vector.shape_cast %get3A_529 : vector<1x16xf32> to vector<16xf32>
          %add3A_531 = arith.addf %add3A_515, %get3A_530 : vector<16xf32>
          %mul3A_532 = arith.constant 8 : i32
          %mul3A_533 = arith.muli %scan3A_498, %mul3A_532 : i32
          %add3A_534 = arith.constant 0 : i32
          %add3A_535 = arith.addi %add3A_534, %mul3A_533 : i32
          %add3A_536 = arith.constant 2 : i32
          %add3A_537 = arith.addi %add3A_535, %add3A_536 : i32
          %get3A_538 = arith.index_cast %add3A_537 : i32 to index
          %get3A_539 = arith.constant 0 : index
          %get3A_540 = tpu.vector_load %arg10[%get3A_538, %get3A_539] {strides = array<i32>} : memref<200x32xf32, #tpu.memory_space<vmem>>, vector<1x16xf32>,
          %get3A_541 = vector.shape_cast %get3A_540 : vector<1x16xf32> to vector<16xf32>
          %add3A_542 = arith.addf %add3A_526, %get3A_541 : vector<16xf32>
          %get3A_543 = arith.index_cast %add3A_537 : i32 to index
          %get3A_544 = arith.constant 16 : index
          %get3A_545 = tpu.vector_load %arg10[%get3A_543, %get3A_544] {strides = array<i32>} : memref<200x32xf32, #tpu.memory_space<vmem>>, vector<1x16xf32>,
          %get3A_546 = vector.shape_cast %get3A_545 : vector<1x16xf32> to vector<16xf32>
          %add3A_547 = arith.addf %add3A_531, %get3A_546 : vector<16xf32>
          %mul3A_548 = arith.constant 8 : i32
          %mul3A_549 = arith.muli %scan3A_498, %mul3A_548 : i32
          %add3A_550 = arith.constant 0 : i32
          %add3A_551 = arith.addi %add3A_550, %mul3A_549 : i32
          %add3A_552 = arith.constant 3 : i32
          %add3A_553 = arith.addi %add3A_551, %add3A_552 : i32
          %get3A_554 = arith.index_cast %add3A_553 : i32 to index
          %get3A_555 = arith.constant 0 : index
          %get3A_556 = tpu.vector_load %arg10[%get3A_554, %get3A_555] {strides = array<i32>} : memref<200x32xf32, #tpu.memory_space<vmem>>, vector<1x16xf32>,
          %get3A_557 = vector.shape_cast %get3A_556 : vector<1x16xf32> to vector<16xf32>
          %add3A_558 = arith.addf %add3A_542, %get3A_557 : vector<16xf32>
          %get3A_559 = arith.index_cast %add3A_553 : i32 to index
          %get3A_560 = arith.constant 16 : index
          %get3A_561 = tpu.vector_load %arg10[%get3A_559, %get3A_560] {strides = array<i32>} : memref<200x32xf32, #tpu.memory_space<vmem>>, vector<1x16xf32>,
          %get3A_562 = vector.shape_cast %get3A_561 : vector<1x16xf32> to vector<16xf32>
          %add3A_563 = arith.addf %add3A_547, %get3A_562 : vector<16xf32>
          %mul3A_564 = arith.constant 8 : i32
          %mul3A_565 = arith.muli %scan3A_498, %mul3A_564 : i32
          %add3A_566 = arith.constant 0 : i32
          %add3A_567 = arith.addi %add3A_566, %mul3A_565 : i32
          %add3A_568 = arith.constant 4 : i32
          %add3A_569 = arith.addi %add3A_567, %add3A_568 : i32
          %get3A_570 = arith.index_cast %add3A_569 : i32 to index
          %get3A_571 = arith.constant 0 : index
          %get3A_572 = tpu.vector_load %arg10[%get3A_570, %get3A_571] {strides = array<i32>} : memref<200x32xf32, #tpu.memory_space<vmem>>, vector<1x16xf32>,
          %get3A_573 = vector.shape_cast %get3A_572 : vector<1x16xf32> to vector<16xf32>
          %add3A_574 = arith.addf %add3A_558, %get3A_573 : vector<16xf32>
          %get3A_575 = arith.index_cast %add3A_569 : i32 to index
          %get3A_576 = arith.constant 16 : index
          %get3A_577 = tpu.vector_load %arg10[%get3A_575, %get3A_576] {strides = array<i32>} : memref<200x32xf32, #tpu.memory_space<vmem>>, vector<1x16xf32>,
          %get3A_578 = vector.shape_cast %get3A_577 : vector<1x16xf32> to vector<16xf32>
          %add3A_579 = arith.addf %add3A_563, %get3A_578 : vector<16xf32>
          %mul3A_580 = arith.constant 8 : i32
          %mul3A_581 = arith.muli %scan3A_498, %mul3A_580 : i32
          %add3A_582 = arith.constant 0 : i32
          %add3A_583 = arith.addi %add3A_582, %mul3A_581 : i32
          %add3A_584 = arith.constant 5 : i32
          %add3A_585 = arith.addi %add3A_583, %add3A_584 : i32
          %get3A_586 = arith.index_cast %add3A_585 : i32 to index
          %get3A_587 = arith.constant 0 : index
          %get3A_588 = tpu.vector_load %arg10[%get3A_586, %get3A_587] {strides = array<i32>} : memref<200x32xf32, #tpu.memory_space<vmem>>, vector<1x16xf32>,
          %get3A_589 = vector.shape_cast %get3A_588 : vector<1x16xf32> to vector<16xf32>
          %add3A_590 = arith.addf %add3A_574, %get3A_589 : vector<16xf32>
          %get3A_591 = arith.index_cast %add3A_585 : i32 to index
          %get3A_592 = arith.constant 16 : index
          %get3A_593 = tpu.vector_load %arg10[%get3A_591, %get3A_592] {strides = array<i32>} : memref<200x32xf32, #tpu.memory_space<vmem>>, vector<1x16xf32>,
          %get3A_594 = vector.shape_cast %get3A_593 : vector<1x16xf32> to vector<16xf32>
          %add3A_595 = arith.addf %add3A_579, %get3A_594 : vector<16xf32>
          %mul3A_596 = arith.constant 8 : i32
          %mul3A_597 = arith.muli %scan3A_498, %mul3A_596 : i32
          %add3A_598 = arith.constant 0 : i32
          %add3A_599 = arith.addi %add3A_598, %mul3A_597 : i32
          %add3A_600 = arith.constant 6 : i32
          %add3A_601 = arith.addi %add3A_599, %add3A_600 : i32
          %get3A_602 = arith.index_cast %add3A_601 : i32 to index
          %get3A_603 = arith.constant 0 : index
          %get3A_604 = tpu.vector_load %arg10[%get3A_602, %get3A_603] {strides = array<i32>} : memref<200x32xf32, #tpu.memory_space<vmem>>, vector<1x16xf32>,
          %get3A_605 = vector.shape_cast %get3A_604 : vector<1x16xf32> to vector<16xf32>
          %add3A_606 = arith.addf %add3A_590, %get3A_605 : vector<16xf32>
          %get3A_607 = arith.index_cast %add3A_601 : i32 to index
          %get3A_608 = arith.constant 16 : index
          %get3A_609 = tpu.vector_load %arg10[%get3A_607, %get3A_608] {strides = array<i32>} : memref<200x32xf32, #tpu.memory_space<vmem>>, vector<1x16xf32>,
          %get3A_610 = vector.shape_cast %get3A_609 : vector<1x16xf32> to vector<16xf32>
          %add3A_611 = arith.addf %add3A_595, %get3A_610 : vector<16xf32>
          %mul3A_612 = arith.constant 8 : i32
          %mul3A_613 = arith.muli %scan3A_498, %mul3A_612 : i32
          %add3A_614 = arith.constant 0 : i32
          %add3A_615 = arith.addi %add3A_614, %mul3A_613 : i32
          %add3A_616 = arith.constant 7 : i32
          %add3A_617 = arith.addi %add3A_615, %add3A_616 : i32
          %get3A_618 = arith.index_cast %add3A_617 : i32 to index
          %get3A_619 = arith.constant 0 : index
          %get3A_620 = tpu.vector_load %arg10[%get3A_618, %get3A_619] {strides = array<i32>} : memref<200x32xf32, #tpu.memory_space<vmem>>, vector<1x16xf32>,
          %get3A_621 = vector.shape_cast %get3A_620 : vector<1x16xf32> to vector<16xf32>
          %add3A_622 = arith.addf %add3A_606, %get3A_621 : vector<16xf32>
          %get3A_623 = arith.index_cast %add3A_617 : i32 to index
          %get3A_624 = arith.constant 16 : index
          %get3A_625 = tpu.vector_load %arg10[%get3A_623, %get3A_624] {strides = array<i32>} : memref<200x32xf32, #tpu.memory_space<vmem>>, vector<1x16xf32>,
          %get3A_626 = vector.shape_cast %get3A_625 : vector<1x16xf32> to vector<16xf32>
          %add3A_627 = arith.addf %add3A_611, %get3A_626 : vector<16xf32>
          scf.yield %add3A_622, %add3A_627 : vector<16xf32>, vector<16xf32>
        }
        %scan3A_289 = arith.constant 25 : i32
        %mul3A_290 = arith.constant 5.000000e-03 : f32
        %mul3A_291 = vector.broadcast %mul3A_290 : f32 to vector<16xf32>
        %mul3A_292 = arith.mulf %scan3A_288#0, %mul3A_291 : vector<16xf32>
        %add3A_293 = arith.constant 0 : i32
        %add3A_294 = arith.addi %add3A_283, %add3A_293 : i32
        %swap3A_295 = arith.index_cast %add3A_294 : i32 to index
        %swap3A_296 = arith.constant 0 : index
        %swap3A_297 = tpu.vector_load %arg15[%swap3A_295, %swap3A_296] {strides = array<i32>} : memref<512x32xf32, #tpu.memory_space<vmem>>, vector<1x16xf32>,
        %swap3A_298 = vector.shape_cast %swap3A_297 : vector<1x16xf32> to vector<16xf32>
        %swap3A_299 = vector.shape_cast %mul3A_292 : vector<16xf32> to vector<1x16xf32>
        tpu.vector_store %arg15[%swap3A_295, %swap3A_296], %swap3A_299 {strides = array<i32>} : memref<512x32xf32, #tpu.memory_space<vmem>>, vector<1x16xf32>,
        %mul3A_300 = arith.constant 5.000000e-03 : f32
        %mul3A_301 = vector.broadcast %mul3A_300 : f32 to vector<16xf32>
        %mul3A_302 = arith.mulf %scan3A_288#1, %mul3A_301 : vector<16xf32>
        %add3A_303 = arith.constant 0 : i32
        %add3A_304 = arith.addi %add3A_283, %add3A_303 : i32
        %swap3A_305 = arith.index_cast %add3A_304 : i32 to index
        %swap3A_306 = arith.constant 16 : index
        %swap3A_307 = tpu.vector_load %arg15[%swap3A_305, %swap3A_306] {strides = array<i32>} : memref<512x32xf32, #tpu.memory_space<vmem>>, vector<1x16xf32>,
        %swap3A_308 = vector.shape_cast %swap3A_307 : vector<1x16xf32> to vector<16xf32>
        %swap3A_309 = vector.shape_cast %mul3A_302 : vector<16xf32> to vector<1x16xf32>
        tpu.vector_store %arg15[%swap3A_305, %swap3A_306], %swap3A_309 {strides = array<i32>} : memref<512x32xf32, #tpu.memory_space<vmem>>, vector<1x16xf32>,
        %add3A_310 = arith.constant 8 : i32
        %add3A_311 = arith.addi %add3A_122, %add3A_310 : i32
        %add3A_312 = arith.constant 3 : i32
        %add3A_313 = arith.addi %add3A_311, %add3A_312 : i32
        %lt3A_314 = arith.constant 64 : i32
        %lt3A_315 = arith.cmpi slt, %add3A_313, %lt3A_314 : i32
        %convert_element_type3A_316 = arith.extui %lt3A_315 : i1 to i32
        %cond3A_317 = arith.constant 0 : i32
        %cond3A_318 = arith.cmpi ne, %convert_element_type3A_316, %cond3A_317 : i32
        scf.if %cond3A_318 {
          %add3A_498 = arith.constant 8 : i32
          %add3A_499 = arith.addi %add3A_122, %add3A_498 : i32
          %add3A_500 = arith.constant 3 : i32
          %add3A_501 = arith.addi %add3A_499, %add3A_500 : i32
          %mul3A_502 = arith.constant 200 : i32
          %mul3A_503 = arith.muli %add3A_501, %mul3A_502 : i32
          %dma_start3A_504 = tpu.memref_slice %arg5[%mul3A_503] : memref<12800xi32, #tpu.memory_space<vmem>> -> memref<200xi32, #tpu.memory_space<vmem>>
          %dma_start3A_505 = arith.constant 0 : i32
          %dma_start3A_506 = arith.constant 0 : i32
          %dma_start3A_507 = tpu.memref_slice %arg3[%dma_start3A_505, %dma_start3A_506] : memref<1000000x32xf32, #tpu.memory_space<hbm>> -> memref<1000000x32xf32, #tpu.memory_space<hbm>>
          tpu.enqueue_indirect_dma source(%dma_start3A_507 : memref<1000000x32xf32, #tpu.memory_space<hbm>>) target(%arg10 : memref<200x32xf32, #tpu.memory_space<vmem>>) offsets(%dma_start3A_504 : memref<200xi32, #tpu.memory_space<vmem>>) semaphore(%arg19 : memref<!tpu.dma_semaphore, #tpu.memory_space<semaphore_mem>>)
        } else {
        }
        %dma_wait3A_319 = arith.constant 0 : i32
        %dma_wait3A_320 = tpu.memref_slice %arg5[%dma_wait3A_319] : memref<12800xi32, #tpu.memory_space<vmem>> -> memref<200xi32, #tpu.memory_space<vmem>>
        %dma_wait3A_321 = arith.constant 0 : i32
        %dma_wait3A_322 = arith.constant 0 : i32
        %dma_wait3A_323 = tpu.memref_slice %arg3[%dma_wait3A_321, %dma_wait3A_322] : memref<1000000x32xf32, #tpu.memory_space<hbm>> -> memref<1000000x32xf32, #tpu.memory_space<hbm>>
        tpu.wait_indirect_dma semaphore(%arg20 : memref<!tpu.dma_semaphore, #tpu.memory_space<semaphore_mem>>) src(%dma_wait3A_323 : memref<1000000x32xf32, #tpu.memory_space<hbm>>) dst(%arg11 : memref<200x32xf32, #tpu.memory_space<vmem>>)
        %mul3A_324 = arith.constant 64 : i32
        %mul3A_325 = arith.muli %add3A_17, %mul3A_324 : i32
        %add3A_326 = arith.constant 4 : i32
        %add3A_327 = arith.addi %add3A_122, %add3A_326 : i32
        %mul3A_328 = arith.constant 1 : i32
        %mul3A_329 = arith.muli %add3A_327, %mul3A_328 : i32
        %add3A_330 = arith.addi %mul3A_325, %mul3A_329 : i32
        %scan3A_331 = arith.constant 0 : i32
        %scan3A_332 = arith.constant 25 : i32
        %scan3A_333 = arith.addi %scan3A_331, %scan3A_332 : i32
        %scan3A_334 = arith.constant 1 : i32
        %scan3A_335:2 = scf.for %scan3A_498 = %scan3A_331 to %scan3A_333 step %scan3A_334 iter_args(%scan3A_499 = %broadcast_in_dim3A_5, %scan3A_500 = %broadcast_in_dim3A_5) -> (vector<16xf32>, vector<16xf32>)  : i32 {
          %mul3A_501 = arith.constant 8 : i32
          %mul3A_502 = arith.muli %scan3A_498, %mul3A_501 : i32
          %add3A_503 = arith.constant 0 : i32
          %add3A_504 = arith.addi %add3A_503, %mul3A_502 : i32
          %add3A_505 = arith.constant 0 : i32
          %add3A_506 = arith.addi %add3A_504, %add3A_505 : i32
          %get3A = arith.index_cast %add3A_506 : i32 to index
          %get3A_507 = arith.constant 0 : index
          %get3A_508 = tpu.vector_load %arg11[%get3A, %get3A_507] {strides = array<i32>} : memref<200x32xf32, #tpu.memory_space<vmem>>, vector<1x16xf32>,
          %get3A_509 = vector.shape_cast %get3A_508 : vector<1x16xf32> to vector<16xf32>
          %add3A_510 = arith.addf %scan3A_499, %get3A_509 : vector<16xf32>
          %get3A_511 = arith.index_cast %add3A_506 : i32 to index
          %get3A_512 = arith.constant 16 : index
          %get3A_513 = tpu.vector_load %arg11[%get3A_511, %get3A_512] {strides = array<i32>} : memref<200x32xf32, #tpu.memory_space<vmem>>, vector<1x16xf32>,
          %get3A_514 = vector.shape_cast %get3A_513 : vector<1x16xf32> to vector<16xf32>
          %add3A_515 = arith.addf %scan3A_500, %get3A_514 : vector<16xf32>
          %mul3A_516 = arith.constant 8 : i32
          %mul3A_517 = arith.muli %scan3A_498, %mul3A_516 : i32
          %add3A_518 = arith.constant 0 : i32
          %add3A_519 = arith.addi %add3A_518, %mul3A_517 : i32
          %add3A_520 = arith.constant 1 : i32
          %add3A_521 = arith.addi %add3A_519, %add3A_520 : i32
          %get3A_522 = arith.index_cast %add3A_521 : i32 to index
          %get3A_523 = arith.constant 0 : index
          %get3A_524 = tpu.vector_load %arg11[%get3A_522, %get3A_523] {strides = array<i32>} : memref<200x32xf32, #tpu.memory_space<vmem>>, vector<1x16xf32>,
          %get3A_525 = vector.shape_cast %get3A_524 : vector<1x16xf32> to vector<16xf32>
          %add3A_526 = arith.addf %add3A_510, %get3A_525 : vector<16xf32>
          %get3A_527 = arith.index_cast %add3A_521 : i32 to index
          %get3A_528 = arith.constant 16 : index
          %get3A_529 = tpu.vector_load %arg11[%get3A_527, %get3A_528] {strides = array<i32>} : memref<200x32xf32, #tpu.memory_space<vmem>>, vector<1x16xf32>,
          %get3A_530 = vector.shape_cast %get3A_529 : vector<1x16xf32> to vector<16xf32>
          %add3A_531 = arith.addf %add3A_515, %get3A_530 : vector<16xf32>
          %mul3A_532 = arith.constant 8 : i32
          %mul3A_533 = arith.muli %scan3A_498, %mul3A_532 : i32
          %add3A_534 = arith.constant 0 : i32
          %add3A_535 = arith.addi %add3A_534, %mul3A_533 : i32
          %add3A_536 = arith.constant 2 : i32
          %add3A_537 = arith.addi %add3A_535, %add3A_536 : i32
          %get3A_538 = arith.index_cast %add3A_537 : i32 to index
          %get3A_539 = arith.constant 0 : index
          %get3A_540 = tpu.vector_load %arg11[%get3A_538, %get3A_539] {strides = array<i32>} : memref<200x32xf32, #tpu.memory_space<vmem>>, vector<1x16xf32>,
          %get3A_541 = vector.shape_cast %get3A_540 : vector<1x16xf32> to vector<16xf32>
          %add3A_542 = arith.addf %add3A_526, %get3A_541 : vector<16xf32>
          %get3A_543 = arith.index_cast %add3A_537 : i32 to index
          %get3A_544 = arith.constant 16 : index
          %get3A_545 = tpu.vector_load %arg11[%get3A_543, %get3A_544] {strides = array<i32>} : memref<200x32xf32, #tpu.memory_space<vmem>>, vector<1x16xf32>,
          %get3A_546 = vector.shape_cast %get3A_545 : vector<1x16xf32> to vector<16xf32>
          %add3A_547 = arith.addf %add3A_531, %get3A_546 : vector<16xf32>
          %mul3A_548 = arith.constant 8 : i32
          %mul3A_549 = arith.muli %scan3A_498, %mul3A_548 : i32
          %add3A_550 = arith.constant 0 : i32
          %add3A_551 = arith.addi %add3A_550, %mul3A_549 : i32
          %add3A_552 = arith.constant 3 : i32
          %add3A_553 = arith.addi %add3A_551, %add3A_552 : i32
          %get3A_554 = arith.index_cast %add3A_553 : i32 to index
          %get3A_555 = arith.constant 0 : index
          %get3A_556 = tpu.vector_load %arg11[%get3A_554, %get3A_555] {strides = array<i32>} : memref<200x32xf32, #tpu.memory_space<vmem>>, vector<1x16xf32>,
          %get3A_557 = vector.shape_cast %get3A_556 : vector<1x16xf32> to vector<16xf32>
          %add3A_558 = arith.addf %add3A_542, %get3A_557 : vector<16xf32>
          %get3A_559 = arith.index_cast %add3A_553 : i32 to index
          %get3A_560 = arith.constant 16 : index
          %get3A_561 = tpu.vector_load %arg11[%get3A_559, %get3A_560] {strides = array<i32>} : memref<200x32xf32, #tpu.memory_space<vmem>>, vector<1x16xf32>,
          %get3A_562 = vector.shape_cast %get3A_561 : vector<1x16xf32> to vector<16xf32>
          %add3A_563 = arith.addf %add3A_547, %get3A_562 : vector<16xf32>
          %mul3A_564 = arith.constant 8 : i32
          %mul3A_565 = arith.muli %scan3A_498, %mul3A_564 : i32
          %add3A_566 = arith.constant 0 : i32
          %add3A_567 = arith.addi %add3A_566, %mul3A_565 : i32
          %add3A_568 = arith.constant 4 : i32
          %add3A_569 = arith.addi %add3A_567, %add3A_568 : i32
          %get3A_570 = arith.index_cast %add3A_569 : i32 to index
          %get3A_571 = arith.constant 0 : index
          %get3A_572 = tpu.vector_load %arg11[%get3A_570, %get3A_571] {strides = array<i32>} : memref<200x32xf32, #tpu.memory_space<vmem>>, vector<1x16xf32>,
          %get3A_573 = vector.shape_cast %get3A_572 : vector<1x16xf32> to vector<16xf32>
          %add3A_574 = arith.addf %add3A_558, %get3A_573 : vector<16xf32>
          %get3A_575 = arith.index_cast %add3A_569 : i32 to index
          %get3A_576 = arith.constant 16 : index
          %get3A_577 = tpu.vector_load %arg11[%get3A_575, %get3A_576] {strides = array<i32>} : memref<200x32xf32, #tpu.memory_space<vmem>>, vector<1x16xf32>,
          %get3A_578 = vector.shape_cast %get3A_577 : vector<1x16xf32> to vector<16xf32>
          %add3A_579 = arith.addf %add3A_563, %get3A_578 : vector<16xf32>
          %mul3A_580 = arith.constant 8 : i32
          %mul3A_581 = arith.muli %scan3A_498, %mul3A_580 : i32
          %add3A_582 = arith.constant 0 : i32
          %add3A_583 = arith.addi %add3A_582, %mul3A_581 : i32
          %add3A_584 = arith.constant 5 : i32
          %add3A_585 = arith.addi %add3A_583, %add3A_584 : i32
          %get3A_586 = arith.index_cast %add3A_585 : i32 to index
          %get3A_587 = arith.constant 0 : index
          %get3A_588 = tpu.vector_load %arg11[%get3A_586, %get3A_587] {strides = array<i32>} : memref<200x32xf32, #tpu.memory_space<vmem>>, vector<1x16xf32>,
          %get3A_589 = vector.shape_cast %get3A_588 : vector<1x16xf32> to vector<16xf32>
          %add3A_590 = arith.addf %add3A_574, %get3A_589 : vector<16xf32>
          %get3A_591 = arith.index_cast %add3A_585 : i32 to index
          %get3A_592 = arith.constant 16 : index
          %get3A_593 = tpu.vector_load %arg11[%get3A_591, %get3A_592] {strides = array<i32>} : memref<200x32xf32, #tpu.memory_space<vmem>>, vector<1x16xf32>,
          %get3A_594 = vector.shape_cast %get3A_593 : vector<1x16xf32> to vector<16xf32>
          %add3A_595 = arith.addf %add3A_579, %get3A_594 : vector<16xf32>
          %mul3A_596 = arith.constant 8 : i32
          %mul3A_597 = arith.muli %scan3A_498, %mul3A_596 : i32
          %add3A_598 = arith.constant 0 : i32
          %add3A_599 = arith.addi %add3A_598, %mul3A_597 : i32
          %add3A_600 = arith.constant 6 : i32
          %add3A_601 = arith.addi %add3A_599, %add3A_600 : i32
          %get3A_602 = arith.index_cast %add3A_601 : i32 to index
          %get3A_603 = arith.constant 0 : index
          %get3A_604 = tpu.vector_load %arg11[%get3A_602, %get3A_603] {strides = array<i32>} : memref<200x32xf32, #tpu.memory_space<vmem>>, vector<1x16xf32>,
          %get3A_605 = vector.shape_cast %get3A_604 : vector<1x16xf32> to vector<16xf32>
          %add3A_606 = arith.addf %add3A_590, %get3A_605 : vector<16xf32>
          %get3A_607 = arith.index_cast %add3A_601 : i32 to index
          %get3A_608 = arith.constant 16 : index
          %get3A_609 = tpu.vector_load %arg11[%get3A_607, %get3A_608] {strides = array<i32>} : memref<200x32xf32, #tpu.memory_space<vmem>>, vector<1x16xf32>,
          %get3A_610 = vector.shape_cast %get3A_609 : vector<1x16xf32> to vector<16xf32>
          %add3A_611 = arith.addf %add3A_595, %get3A_610 : vector<16xf32>
          %mul3A_612 = arith.constant 8 : i32
          %mul3A_613 = arith.muli %scan3A_498, %mul3A_612 : i32
          %add3A_614 = arith.constant 0 : i32
          %add3A_615 = arith.addi %add3A_614, %mul3A_613 : i32
          %add3A_616 = arith.constant 7 : i32
          %add3A_617 = arith.addi %add3A_615, %add3A_616 : i32
          %get3A_618 = arith.index_cast %add3A_617 : i32 to index
          %get3A_619 = arith.constant 0 : index
          %get3A_620 = tpu.vector_load %arg11[%get3A_618, %get3A_619] {strides = array<i32>} : memref<200x32xf32, #tpu.memory_space<vmem>>, vector<1x16xf32>,
          %get3A_621 = vector.shape_cast %get3A_620 : vector<1x16xf32> to vector<16xf32>
          %add3A_622 = arith.addf %add3A_606, %get3A_621 : vector<16xf32>
          %get3A_623 = arith.index_cast %add3A_617 : i32 to index
          %get3A_624 = arith.constant 16 : index
          %get3A_625 = tpu.vector_load %arg11[%get3A_623, %get3A_624] {strides = array<i32>} : memref<200x32xf32, #tpu.memory_space<vmem>>, vector<1x16xf32>,
          %get3A_626 = vector.shape_cast %get3A_625 : vector<1x16xf32> to vector<16xf32>
          %add3A_627 = arith.addf %add3A_611, %get3A_626 : vector<16xf32>
          scf.yield %add3A_622, %add3A_627 : vector<16xf32>, vector<16xf32>
        }
        %scan3A_336 = arith.constant 25 : i32
        %mul3A_337 = arith.constant 5.000000e-03 : f32
        %mul3A_338 = vector.broadcast %mul3A_337 : f32 to vector<16xf32>
        %mul3A_339 = arith.mulf %scan3A_335#0, %mul3A_338 : vector<16xf32>
        %add3A_340 = arith.constant 0 : i32
        %add3A_341 = arith.addi %add3A_330, %add3A_340 : i32
        %swap3A_342 = arith.index_cast %add3A_341 : i32 to index
        %swap3A_343 = arith.constant 0 : index
        %swap3A_344 = tpu.vector_load %arg15[%swap3A_342, %swap3A_343] {strides = array<i32>} : memref<512x32xf32, #tpu.memory_space<vmem>>, vector<1x16xf32>,
        %swap3A_345 = vector.shape_cast %swap3A_344 : vector<1x16xf32> to vector<16xf32>
        %swap3A_346 = vector.shape_cast %mul3A_339 : vector<16xf32> to vector<1x16xf32>
        tpu.vector_store %arg15[%swap3A_342, %swap3A_343], %swap3A_346 {strides = array<i32>} : memref<512x32xf32, #tpu.memory_space<vmem>>, vector<1x16xf32>,
        %mul3A_347 = arith.constant 5.000000e-03 : f32
        %mul3A_348 = vector.broadcast %mul3A_347 : f32 to vector<16xf32>
        %mul3A_349 = arith.mulf %scan3A_335#1, %mul3A_348 : vector<16xf32>
        %add3A_350 = arith.constant 0 : i32
        %add3A_351 = arith.addi %add3A_330, %add3A_350 : i32
        %swap3A_352 = arith.index_cast %add3A_351 : i32 to index
        %swap3A_353 = arith.constant 16 : index
        %swap3A_354 = tpu.vector_load %arg15[%swap3A_352, %swap3A_353] {strides = array<i32>} : memref<512x32xf32, #tpu.memory_space<vmem>>, vector<1x16xf32>,
        %swap3A_355 = vector.shape_cast %swap3A_354 : vector<1x16xf32> to vector<16xf32>
        %swap3A_356 = vector.shape_cast %mul3A_349 : vector<16xf32> to vector<1x16xf32>
        tpu.vector_store %arg15[%swap3A_352, %swap3A_353], %swap3A_356 {strides = array<i32>} : memref<512x32xf32, #tpu.memory_space<vmem>>, vector<1x16xf32>,
        %add3A_357 = arith.constant 8 : i32
        %add3A_358 = arith.addi %add3A_122, %add3A_357 : i32
        %add3A_359 = arith.constant 4 : i32
        %add3A_360 = arith.addi %add3A_358, %add3A_359 : i32
        %lt3A_361 = arith.constant 64 : i32
        %lt3A_362 = arith.cmpi slt, %add3A_360, %lt3A_361 : i32
        %convert_element_type3A_363 = arith.extui %lt3A_362 : i1 to i32
        %cond3A_364 = arith.constant 0 : i32
        %cond3A_365 = arith.cmpi ne, %convert_element_type3A_363, %cond3A_364 : i32
        scf.if %cond3A_365 {
          %add3A_498 = arith.constant 8 : i32
          %add3A_499 = arith.addi %add3A_122, %add3A_498 : i32
          %add3A_500 = arith.constant 4 : i32
          %add3A_501 = arith.addi %add3A_499, %add3A_500 : i32
          %mul3A_502 = arith.constant 200 : i32
          %mul3A_503 = arith.muli %add3A_501, %mul3A_502 : i32
          %dma_start3A_504 = tpu.memref_slice %arg5[%mul3A_503] : memref<12800xi32, #tpu.memory_space<vmem>> -> memref<200xi32, #tpu.memory_space<vmem>>
          %dma_start3A_505 = arith.constant 0 : i32
          %dma_start3A_506 = arith.constant 0 : i32
          %dma_start3A_507 = tpu.memref_slice %arg3[%dma_start3A_505, %dma_start3A_506] : memref<1000000x32xf32, #tpu.memory_space<hbm>> -> memref<1000000x32xf32, #tpu.memory_space<hbm>>
          tpu.enqueue_indirect_dma source(%dma_start3A_507 : memref<1000000x32xf32, #tpu.memory_space<hbm>>) target(%arg11 : memref<200x32xf32, #tpu.memory_space<vmem>>) offsets(%dma_start3A_504 : memref<200xi32, #tpu.memory_space<vmem>>) semaphore(%arg20 : memref<!tpu.dma_semaphore, #tpu.memory_space<semaphore_mem>>)
        } else {
        }
        %dma_wait3A_366 = arith.constant 0 : i32
        %dma_wait3A_367 = tpu.memref_slice %arg5[%dma_wait3A_366] : memref<12800xi32, #tpu.memory_space<vmem>> -> memref<200xi32, #tpu.memory_space<vmem>>
        %dma_wait3A_368 = arith.constant 0 : i32
        %dma_wait3A_369 = arith.constant 0 : i32
        %dma_wait3A_370 = tpu.memref_slice %arg3[%dma_wait3A_368, %dma_wait3A_369] : memref<1000000x32xf32, #tpu.memory_space<hbm>> -> memref<1000000x32xf32, #tpu.memory_space<hbm>>
        tpu.wait_indirect_dma semaphore(%arg21 : memref<!tpu.dma_semaphore, #tpu.memory_space<semaphore_mem>>) src(%dma_wait3A_370 : memref<1000000x32xf32, #tpu.memory_space<hbm>>) dst(%arg12 : memref<200x32xf32, #tpu.memory_space<vmem>>)
        %mul3A_371 = arith.constant 64 : i32
        %mul3A_372 = arith.muli %add3A_17, %mul3A_371 : i32
        %add3A_373 = arith.constant 5 : i32
        %add3A_374 = arith.addi %add3A_122, %add3A_373 : i32
        %mul3A_375 = arith.constant 1 : i32
        %mul3A_376 = arith.muli %add3A_374, %mul3A_375 : i32
        %add3A_377 = arith.addi %mul3A_372, %mul3A_376 : i32
        %scan3A_378 = arith.constant 0 : i32
        %scan3A_379 = arith.constant 25 : i32
        %scan3A_380 = arith.addi %scan3A_378, %scan3A_379 : i32
        %scan3A_381 = arith.constant 1 : i32
        %scan3A_382:2 = scf.for %scan3A_498 = %scan3A_378 to %scan3A_380 step %scan3A_381 iter_args(%scan3A_499 = %broadcast_in_dim3A_5, %scan3A_500 = %broadcast_in_dim3A_5) -> (vector<16xf32>, vector<16xf32>)  : i32 {
          %mul3A_501 = arith.constant 8 : i32
          %mul3A_502 = arith.muli %scan3A_498, %mul3A_501 : i32
          %add3A_503 = arith.constant 0 : i32
          %add3A_504 = arith.addi %add3A_503, %mul3A_502 : i32
          %add3A_505 = arith.constant 0 : i32
          %add3A_506 = arith.addi %add3A_504, %add3A_505 : i32
          %get3A = arith.index_cast %add3A_506 : i32 to index
          %get3A_507 = arith.constant 0 : index
          %get3A_508 = tpu.vector_load %arg12[%get3A, %get3A_507] {strides = array<i32>} : memref<200x32xf32, #tpu.memory_space<vmem>>, vector<1x16xf32>,
          %get3A_509 = vector.shape_cast %get3A_508 : vector<1x16xf32> to vector<16xf32>
          %add3A_510 = arith.addf %scan3A_499, %get3A_509 : vector<16xf32>
          %get3A_511 = arith.index_cast %add3A_506 : i32 to index
          %get3A_512 = arith.constant 16 : index
          %get3A_513 = tpu.vector_load %arg12[%get3A_511, %get3A_512] {strides = array<i32>} : memref<200x32xf32, #tpu.memory_space<vmem>>, vector<1x16xf32>,
          %get3A_514 = vector.shape_cast %get3A_513 : vector<1x16xf32> to vector<16xf32>
          %add3A_515 = arith.addf %scan3A_500, %get3A_514 : vector<16xf32>
          %mul3A_516 = arith.constant 8 : i32
          %mul3A_517 = arith.muli %scan3A_498, %mul3A_516 : i32
          %add3A_518 = arith.constant 0 : i32
          %add3A_519 = arith.addi %add3A_518, %mul3A_517 : i32
          %add3A_520 = arith.constant 1 : i32
          %add3A_521 = arith.addi %add3A_519, %add3A_520 : i32
          %get3A_522 = arith.index_cast %add3A_521 : i32 to index
          %get3A_523 = arith.constant 0 : index
          %get3A_524 = tpu.vector_load %arg12[%get3A_522, %get3A_523] {strides = array<i32>} : memref<200x32xf32, #tpu.memory_space<vmem>>, vector<1x16xf32>,
          %get3A_525 = vector.shape_cast %get3A_524 : vector<1x16xf32> to vector<16xf32>
          %add3A_526 = arith.addf %add3A_510, %get3A_525 : vector<16xf32>
          %get3A_527 = arith.index_cast %add3A_521 : i32 to index
          %get3A_528 = arith.constant 16 : index
          %get3A_529 = tpu.vector_load %arg12[%get3A_527, %get3A_528] {strides = array<i32>} : memref<200x32xf32, #tpu.memory_space<vmem>>, vector<1x16xf32>,
          %get3A_530 = vector.shape_cast %get3A_529 : vector<1x16xf32> to vector<16xf32>
          %add3A_531 = arith.addf %add3A_515, %get3A_530 : vector<16xf32>
          %mul3A_532 = arith.constant 8 : i32
          %mul3A_533 = arith.muli %scan3A_498, %mul3A_532 : i32
          %add3A_534 = arith.constant 0 : i32
          %add3A_535 = arith.addi %add3A_534, %mul3A_533 : i32
          %add3A_536 = arith.constant 2 : i32
          %add3A_537 = arith.addi %add3A_535, %add3A_536 : i32
          %get3A_538 = arith.index_cast %add3A_537 : i32 to index
          %get3A_539 = arith.constant 0 : index
          %get3A_540 = tpu.vector_load %arg12[%get3A_538, %get3A_539] {strides = array<i32>} : memref<200x32xf32, #tpu.memory_space<vmem>>, vector<1x16xf32>,
          %get3A_541 = vector.shape_cast %get3A_540 : vector<1x16xf32> to vector<16xf32>
          %add3A_542 = arith.addf %add3A_526, %get3A_541 : vector<16xf32>
          %get3A_543 = arith.index_cast %add3A_537 : i32 to index
          %get3A_544 = arith.constant 16 : index
          %get3A_545 = tpu.vector_load %arg12[%get3A_543, %get3A_544] {strides = array<i32>} : memref<200x32xf32, #tpu.memory_space<vmem>>, vector<1x16xf32>,
          %get3A_546 = vector.shape_cast %get3A_545 : vector<1x16xf32> to vector<16xf32>
          %add3A_547 = arith.addf %add3A_531, %get3A_546 : vector<16xf32>
          %mul3A_548 = arith.constant 8 : i32
          %mul3A_549 = arith.muli %scan3A_498, %mul3A_548 : i32
          %add3A_550 = arith.constant 0 : i32
          %add3A_551 = arith.addi %add3A_550, %mul3A_549 : i32
          %add3A_552 = arith.constant 3 : i32
          %add3A_553 = arith.addi %add3A_551, %add3A_552 : i32
          %get3A_554 = arith.index_cast %add3A_553 : i32 to index
          %get3A_555 = arith.constant 0 : index
          %get3A_556 = tpu.vector_load %arg12[%get3A_554, %get3A_555] {strides = array<i32>} : memref<200x32xf32, #tpu.memory_space<vmem>>, vector<1x16xf32>,
          %get3A_557 = vector.shape_cast %get3A_556 : vector<1x16xf32> to vector<16xf32>
          %add3A_558 = arith.addf %add3A_542, %get3A_557 : vector<16xf32>
          %get3A_559 = arith.index_cast %add3A_553 : i32 to index
          %get3A_560 = arith.constant 16 : index
          %get3A_561 = tpu.vector_load %arg12[%get3A_559, %get3A_560] {strides = array<i32>} : memref<200x32xf32, #tpu.memory_space<vmem>>, vector<1x16xf32>,
          %get3A_562 = vector.shape_cast %get3A_561 : vector<1x16xf32> to vector<16xf32>
          %add3A_563 = arith.addf %add3A_547, %get3A_562 : vector<16xf32>
          %mul3A_564 = arith.constant 8 : i32
          %mul3A_565 = arith.muli %scan3A_498, %mul3A_564 : i32
          %add3A_566 = arith.constant 0 : i32
          %add3A_567 = arith.addi %add3A_566, %mul3A_565 : i32
          %add3A_568 = arith.constant 4 : i32
          %add3A_569 = arith.addi %add3A_567, %add3A_568 : i32
          %get3A_570 = arith.index_cast %add3A_569 : i32 to index
          %get3A_571 = arith.constant 0 : index
          %get3A_572 = tpu.vector_load %arg12[%get3A_570, %get3A_571] {strides = array<i32>} : memref<200x32xf32, #tpu.memory_space<vmem>>, vector<1x16xf32>,
          %get3A_573 = vector.shape_cast %get3A_572 : vector<1x16xf32> to vector<16xf32>
          %add3A_574 = arith.addf %add3A_558, %get3A_573 : vector<16xf32>
          %get3A_575 = arith.index_cast %add3A_569 : i32 to index
          %get3A_576 = arith.constant 16 : index
          %get3A_577 = tpu.vector_load %arg12[%get3A_575, %get3A_576] {strides = array<i32>} : memref<200x32xf32, #tpu.memory_space<vmem>>, vector<1x16xf32>,
          %get3A_578 = vector.shape_cast %get3A_577 : vector<1x16xf32> to vector<16xf32>
          %add3A_579 = arith.addf %add3A_563, %get3A_578 : vector<16xf32>
          %mul3A_580 = arith.constant 8 : i32
          %mul3A_581 = arith.muli %scan3A_498, %mul3A_580 : i32
          %add3A_582 = arith.constant 0 : i32
          %add3A_583 = arith.addi %add3A_582, %mul3A_581 : i32
          %add3A_584 = arith.constant 5 : i32
          %add3A_585 = arith.addi %add3A_583, %add3A_584 : i32
          %get3A_586 = arith.index_cast %add3A_585 : i32 to index
          %get3A_587 = arith.constant 0 : index
          %get3A_588 = tpu.vector_load %arg12[%get3A_586, %get3A_587] {strides = array<i32>} : memref<200x32xf32, #tpu.memory_space<vmem>>, vector<1x16xf32>,
          %get3A_589 = vector.shape_cast %get3A_588 : vector<1x16xf32> to vector<16xf32>
          %add3A_590 = arith.addf %add3A_574, %get3A_589 : vector<16xf32>
          %get3A_591 = arith.index_cast %add3A_585 : i32 to index
          %get3A_592 = arith.constant 16 : index
          %get3A_593 = tpu.vector_load %arg12[%get3A_591, %get3A_592] {strides = array<i32>} : memref<200x32xf32, #tpu.memory_space<vmem>>, vector<1x16xf32>,
          %get3A_594 = vector.shape_cast %get3A_593 : vector<1x16xf32> to vector<16xf32>
          %add3A_595 = arith.addf %add3A_579, %get3A_594 : vector<16xf32>
          %mul3A_596 = arith.constant 8 : i32
          %mul3A_597 = arith.muli %scan3A_498, %mul3A_596 : i32
          %add3A_598 = arith.constant 0 : i32
          %add3A_599 = arith.addi %add3A_598, %mul3A_597 : i32
          %add3A_600 = arith.constant 6 : i32
          %add3A_601 = arith.addi %add3A_599, %add3A_600 : i32
          %get3A_602 = arith.index_cast %add3A_601 : i32 to index
          %get3A_603 = arith.constant 0 : index
          %get3A_604 = tpu.vector_load %arg12[%get3A_602, %get3A_603] {strides = array<i32>} : memref<200x32xf32, #tpu.memory_space<vmem>>, vector<1x16xf32>,
          %get3A_605 = vector.shape_cast %get3A_604 : vector<1x16xf32> to vector<16xf32>
          %add3A_606 = arith.addf %add3A_590, %get3A_605 : vector<16xf32>
          %get3A_607 = arith.index_cast %add3A_601 : i32 to index
          %get3A_608 = arith.constant 16 : index
          %get3A_609 = tpu.vector_load %arg12[%get3A_607, %get3A_608] {strides = array<i32>} : memref<200x32xf32, #tpu.memory_space<vmem>>, vector<1x16xf32>,
          %get3A_610 = vector.shape_cast %get3A_609 : vector<1x16xf32> to vector<16xf32>
          %add3A_611 = arith.addf %add3A_595, %get3A_610 : vector<16xf32>
          %mul3A_612 = arith.constant 8 : i32
          %mul3A_613 = arith.muli %scan3A_498, %mul3A_612 : i32
          %add3A_614 = arith.constant 0 : i32
          %add3A_615 = arith.addi %add3A_614, %mul3A_613 : i32
          %add3A_616 = arith.constant 7 : i32
          %add3A_617 = arith.addi %add3A_615, %add3A_616 : i32
          %get3A_618 = arith.index_cast %add3A_617 : i32 to index
          %get3A_619 = arith.constant 0 : index
          %get3A_620 = tpu.vector_load %arg12[%get3A_618, %get3A_619] {strides = array<i32>} : memref<200x32xf32, #tpu.memory_space<vmem>>, vector<1x16xf32>,
          %get3A_621 = vector.shape_cast %get3A_620 : vector<1x16xf32> to vector<16xf32>
          %add3A_622 = arith.addf %add3A_606, %get3A_621 : vector<16xf32>
          %get3A_623 = arith.index_cast %add3A_617 : i32 to index
          %get3A_624 = arith.constant 16 : index
          %get3A_625 = tpu.vector_load %arg12[%get3A_623, %get3A_624] {strides = array<i32>} : memref<200x32xf32, #tpu.memory_space<vmem>>, vector<1x16xf32>,
          %get3A_626 = vector.shape_cast %get3A_625 : vector<1x16xf32> to vector<16xf32>
          %add3A_627 = arith.addf %add3A_611, %get3A_626 : vector<16xf32>
          scf.yield %add3A_622, %add3A_627 : vector<16xf32>, vector<16xf32>
        }
        %scan3A_383 = arith.constant 25 : i32
        %mul3A_384 = arith.constant 5.000000e-03 : f32
        %mul3A_385 = vector.broadcast %mul3A_384 : f32 to vector<16xf32>
        %mul3A_386 = arith.mulf %scan3A_382#0, %mul3A_385 : vector<16xf32>
        %add3A_387 = arith.constant 0 : i32
        %add3A_388 = arith.addi %add3A_377, %add3A_387 : i32
        %swap3A_389 = arith.index_cast %add3A_388 : i32 to index
        %swap3A_390 = arith.constant 0 : index
        %swap3A_391 = tpu.vector_load %arg15[%swap3A_389, %swap3A_390] {strides = array<i32>} : memref<512x32xf32, #tpu.memory_space<vmem>>, vector<1x16xf32>,
        %swap3A_392 = vector.shape_cast %swap3A_391 : vector<1x16xf32> to vector<16xf32>
        %swap3A_393 = vector.shape_cast %mul3A_386 : vector<16xf32> to vector<1x16xf32>
        tpu.vector_store %arg15[%swap3A_389, %swap3A_390], %swap3A_393 {strides = array<i32>} : memref<512x32xf32, #tpu.memory_space<vmem>>, vector<1x16xf32>,
        %mul3A_394 = arith.constant 5.000000e-03 : f32
        %mul3A_395 = vector.broadcast %mul3A_394 : f32 to vector<16xf32>
        %mul3A_396 = arith.mulf %scan3A_382#1, %mul3A_395 : vector<16xf32>
        %add3A_397 = arith.constant 0 : i32
        %add3A_398 = arith.addi %add3A_377, %add3A_397 : i32
        %swap3A_399 = arith.index_cast %add3A_398 : i32 to index
        %swap3A_400 = arith.constant 16 : index
        %swap3A_401 = tpu.vector_load %arg15[%swap3A_399, %swap3A_400] {strides = array<i32>} : memref<512x32xf32, #tpu.memory_space<vmem>>, vector<1x16xf32>,
        %swap3A_402 = vector.shape_cast %swap3A_401 : vector<1x16xf32> to vector<16xf32>
        %swap3A_403 = vector.shape_cast %mul3A_396 : vector<16xf32> to vector<1x16xf32>
        tpu.vector_store %arg15[%swap3A_399, %swap3A_400], %swap3A_403 {strides = array<i32>} : memref<512x32xf32, #tpu.memory_space<vmem>>, vector<1x16xf32>,
        %add3A_404 = arith.constant 8 : i32
        %add3A_405 = arith.addi %add3A_122, %add3A_404 : i32
        %add3A_406 = arith.constant 5 : i32
        %add3A_407 = arith.addi %add3A_405, %add3A_406 : i32
        %lt3A_408 = arith.constant 64 : i32
        %lt3A_409 = arith.cmpi slt, %add3A_407, %lt3A_408 : i32
        %convert_element_type3A_410 = arith.extui %lt3A_409 : i1 to i32
        %cond3A_411 = arith.constant 0 : i32
        %cond3A_412 = arith.cmpi ne, %convert_element_type3A_410, %cond3A_411 : i32
        scf.if %cond3A_412 {
          %add3A_498 = arith.constant 8 : i32
          %add3A_499 = arith.addi %add3A_122, %add3A_498 : i32
          %add3A_500 = arith.constant 5 : i32
          %add3A_501 = arith.addi %add3A_499, %add3A_500 : i32
          %mul3A_502 = arith.constant 200 : i32
          %mul3A_503 = arith.muli %add3A_501, %mul3A_502 : i32
          %dma_start3A_504 = tpu.memref_slice %arg5[%mul3A_503] : memref<12800xi32, #tpu.memory_space<vmem>> -> memref<200xi32, #tpu.memory_space<vmem>>
          %dma_start3A_505 = arith.constant 0 : i32
          %dma_start3A_506 = arith.constant 0 : i32
          %dma_start3A_507 = tpu.memref_slice %arg3[%dma_start3A_505, %dma_start3A_506] : memref<1000000x32xf32, #tpu.memory_space<hbm>> -> memref<1000000x32xf32, #tpu.memory_space<hbm>>
          tpu.enqueue_indirect_dma source(%dma_start3A_507 : memref<1000000x32xf32, #tpu.memory_space<hbm>>) target(%arg12 : memref<200x32xf32, #tpu.memory_space<vmem>>) offsets(%dma_start3A_504 : memref<200xi32, #tpu.memory_space<vmem>>) semaphore(%arg21 : memref<!tpu.dma_semaphore, #tpu.memory_space<semaphore_mem>>)
        } else {
        }
        %dma_wait3A_413 = arith.constant 0 : i32
        %dma_wait3A_414 = tpu.memref_slice %arg5[%dma_wait3A_413] : memref<12800xi32, #tpu.memory_space<vmem>> -> memref<200xi32, #tpu.memory_space<vmem>>
        %dma_wait3A_415 = arith.constant 0 : i32
        %dma_wait3A_416 = arith.constant 0 : i32
        %dma_wait3A_417 = tpu.memref_slice %arg3[%dma_wait3A_415, %dma_wait3A_416] : memref<1000000x32xf32, #tpu.memory_space<hbm>> -> memref<1000000x32xf32, #tpu.memory_space<hbm>>
        tpu.wait_indirect_dma semaphore(%arg22 : memref<!tpu.dma_semaphore, #tpu.memory_space<semaphore_mem>>) src(%dma_wait3A_417 : memref<1000000x32xf32, #tpu.memory_space<hbm>>) dst(%arg13 : memref<200x32xf32, #tpu.memory_space<vmem>>)
        %mul3A_418 = arith.constant 64 : i32
        %mul3A_419 = arith.muli %add3A_17, %mul3A_418 : i32
        %add3A_420 = arith.constant 6 : i32
        %add3A_421 = arith.addi %add3A_122, %add3A_420 : i32
        %mul3A_422 = arith.constant 1 : i32
        %mul3A_423 = arith.muli %add3A_421, %mul3A_422 : i32
        %add3A_424 = arith.addi %mul3A_419, %mul3A_423 : i32
        %scan3A_425 = arith.constant 0 : i32
        %scan3A_426 = arith.constant 25 : i32
        %scan3A_427 = arith.addi %scan3A_425, %scan3A_426 : i32
        %scan3A_428 = arith.constant 1 : i32
        %scan3A_429:2 = scf.for %scan3A_498 = %scan3A_425 to %scan3A_427 step %scan3A_428 iter_args(%scan3A_499 = %broadcast_in_dim3A_5, %scan3A_500 = %broadcast_in_dim3A_5) -> (vector<16xf32>, vector<16xf32>)  : i32 {
          %mul3A_501 = arith.constant 8 : i32
          %mul3A_502 = arith.muli %scan3A_498, %mul3A_501 : i32
          %add3A_503 = arith.constant 0 : i32
          %add3A_504 = arith.addi %add3A_503, %mul3A_502 : i32
          %add3A_505 = arith.constant 0 : i32
          %add3A_506 = arith.addi %add3A_504, %add3A_505 : i32
          %get3A = arith.index_cast %add3A_506 : i32 to index
          %get3A_507 = arith.constant 0 : index
          %get3A_508 = tpu.vector_load %arg13[%get3A, %get3A_507] {strides = array<i32>} : memref<200x32xf32, #tpu.memory_space<vmem>>, vector<1x16xf32>,
          %get3A_509 = vector.shape_cast %get3A_508 : vector<1x16xf32> to vector<16xf32>
          %add3A_510 = arith.addf %scan3A_499, %get3A_509 : vector<16xf32>
          %get3A_511 = arith.index_cast %add3A_506 : i32 to index
          %get3A_512 = arith.constant 16 : index
          %get3A_513 = tpu.vector_load %arg13[%get3A_511, %get3A_512] {strides = array<i32>} : memref<200x32xf32, #tpu.memory_space<vmem>>, vector<1x16xf32>,
          %get3A_514 = vector.shape_cast %get3A_513 : vector<1x16xf32> to vector<16xf32>
          %add3A_515 = arith.addf %scan3A_500, %get3A_514 : vector<16xf32>
          %mul3A_516 = arith.constant 8 : i32
          %mul3A_517 = arith.muli %scan3A_498, %mul3A_516 : i32
          %add3A_518 = arith.constant 0 : i32
          %add3A_519 = arith.addi %add3A_518, %mul3A_517 : i32
          %add3A_520 = arith.constant 1 : i32
          %add3A_521 = arith.addi %add3A_519, %add3A_520 : i32
          %get3A_522 = arith.index_cast %add3A_521 : i32 to index
          %get3A_523 = arith.constant 0 : index
          %get3A_524 = tpu.vector_load %arg13[%get3A_522, %get3A_523] {strides = array<i32>} : memref<200x32xf32, #tpu.memory_space<vmem>>, vector<1x16xf32>,
          %get3A_525 = vector.shape_cast %get3A_524 : vector<1x16xf32> to vector<16xf32>
          %add3A_526 = arith.addf %add3A_510, %get3A_525 : vector<16xf32>
          %get3A_527 = arith.index_cast %add3A_521 : i32 to index
          %get3A_528 = arith.constant 16 : index
          %get3A_529 = tpu.vector_load %arg13[%get3A_527, %get3A_528] {strides = array<i32>} : memref<200x32xf32, #tpu.memory_space<vmem>>, vector<1x16xf32>,
          %get3A_530 = vector.shape_cast %get3A_529 : vector<1x16xf32> to vector<16xf32>
          %add3A_531 = arith.addf %add3A_515, %get3A_530 : vector<16xf32>
          %mul3A_532 = arith.constant 8 : i32
          %mul3A_533 = arith.muli %scan3A_498, %mul3A_532 : i32
          %add3A_534 = arith.constant 0 : i32
          %add3A_535 = arith.addi %add3A_534, %mul3A_533 : i32
          %add3A_536 = arith.constant 2 : i32
          %add3A_537 = arith.addi %add3A_535, %add3A_536 : i32
          %get3A_538 = arith.index_cast %add3A_537 : i32 to index
          %get3A_539 = arith.constant 0 : index
          %get3A_540 = tpu.vector_load %arg13[%get3A_538, %get3A_539] {strides = array<i32>} : memref<200x32xf32, #tpu.memory_space<vmem>>, vector<1x16xf32>,
          %get3A_541 = vector.shape_cast %get3A_540 : vector<1x16xf32> to vector<16xf32>
          %add3A_542 = arith.addf %add3A_526, %get3A_541 : vector<16xf32>
          %get3A_543 = arith.index_cast %add3A_537 : i32 to index
          %get3A_544 = arith.constant 16 : index
          %get3A_545 = tpu.vector_load %arg13[%get3A_543, %get3A_544] {strides = array<i32>} : memref<200x32xf32, #tpu.memory_space<vmem>>, vector<1x16xf32>,
          %get3A_546 = vector.shape_cast %get3A_545 : vector<1x16xf32> to vector<16xf32>
          %add3A_547 = arith.addf %add3A_531, %get3A_546 : vector<16xf32>
          %mul3A_548 = arith.constant 8 : i32
          %mul3A_549 = arith.muli %scan3A_498, %mul3A_548 : i32
          %add3A_550 = arith.constant 0 : i32
          %add3A_551 = arith.addi %add3A_550, %mul3A_549 : i32
          %add3A_552 = arith.constant 3 : i32
          %add3A_553 = arith.addi %add3A_551, %add3A_552 : i32
          %get3A_554 = arith.index_cast %add3A_553 : i32 to index
          %get3A_555 = arith.constant 0 : index
          %get3A_556 = tpu.vector_load %arg13[%get3A_554, %get3A_555] {strides = array<i32>} : memref<200x32xf32, #tpu.memory_space<vmem>>, vector<1x16xf32>,
          %get3A_557 = vector.shape_cast %get3A_556 : vector<1x16xf32> to vector<16xf32>
          %add3A_558 = arith.addf %add3A_542, %get3A_557 : vector<16xf32>
          %get3A_559 = arith.index_cast %add3A_553 : i32 to index
          %get3A_560 = arith.constant 16 : index
          %get3A_561 = tpu.vector_load %arg13[%get3A_559, %get3A_560] {strides = array<i32>} : memref<200x32xf32, #tpu.memory_space<vmem>>, vector<1x16xf32>,
          %get3A_562 = vector.shape_cast %get3A_561 : vector<1x16xf32> to vector<16xf32>
          %add3A_563 = arith.addf %add3A_547, %get3A_562 : vector<16xf32>
          %mul3A_564 = arith.constant 8 : i32
          %mul3A_565 = arith.muli %scan3A_498, %mul3A_564 : i32
          %add3A_566 = arith.constant 0 : i32
          %add3A_567 = arith.addi %add3A_566, %mul3A_565 : i32
          %add3A_568 = arith.constant 4 : i32
          %add3A_569 = arith.addi %add3A_567, %add3A_568 : i32
          %get3A_570 = arith.index_cast %add3A_569 : i32 to index
          %get3A_571 = arith.constant 0 : index
          %get3A_572 = tpu.vector_load %arg13[%get3A_570, %get3A_571] {strides = array<i32>} : memref<200x32xf32, #tpu.memory_space<vmem>>, vector<1x16xf32>,
          %get3A_573 = vector.shape_cast %get3A_572 : vector<1x16xf32> to vector<16xf32>
          %add3A_574 = arith.addf %add3A_558, %get3A_573 : vector<16xf32>
          %get3A_575 = arith.index_cast %add3A_569 : i32 to index
          %get3A_576 = arith.constant 16 : index
          %get3A_577 = tpu.vector_load %arg13[%get3A_575, %get3A_576] {strides = array<i32>} : memref<200x32xf32, #tpu.memory_space<vmem>>, vector<1x16xf32>,
          %get3A_578 = vector.shape_cast %get3A_577 : vector<1x16xf32> to vector<16xf32>
          %add3A_579 = arith.addf %add3A_563, %get3A_578 : vector<16xf32>
          %mul3A_580 = arith.constant 8 : i32
          %mul3A_581 = arith.muli %scan3A_498, %mul3A_580 : i32
          %add3A_582 = arith.constant 0 : i32
          %add3A_583 = arith.addi %add3A_582, %mul3A_581 : i32
          %add3A_584 = arith.constant 5 : i32
          %add3A_585 = arith.addi %add3A_583, %add3A_584 : i32
          %get3A_586 = arith.index_cast %add3A_585 : i32 to index
          %get3A_587 = arith.constant 0 : index
          %get3A_588 = tpu.vector_load %arg13[%get3A_586, %get3A_587] {strides = array<i32>} : memref<200x32xf32, #tpu.memory_space<vmem>>, vector<1x16xf32>,
          %get3A_589 = vector.shape_cast %get3A_588 : vector<1x16xf32> to vector<16xf32>
          %add3A_590 = arith.addf %add3A_574, %get3A_589 : vector<16xf32>
          %get3A_591 = arith.index_cast %add3A_585 : i32 to index
          %get3A_592 = arith.constant 16 : index
          %get3A_593 = tpu.vector_load %arg13[%get3A_591, %get3A_592] {strides = array<i32>} : memref<200x32xf32, #tpu.memory_space<vmem>>, vector<1x16xf32>,
          %get3A_594 = vector.shape_cast %get3A_593 : vector<1x16xf32> to vector<16xf32>
          %add3A_595 = arith.addf %add3A_579, %get3A_594 : vector<16xf32>
          %mul3A_596 = arith.constant 8 : i32
          %mul3A_597 = arith.muli %scan3A_498, %mul3A_596 : i32
          %add3A_598 = arith.constant 0 : i32
          %add3A_599 = arith.addi %add3A_598, %mul3A_597 : i32
          %add3A_600 = arith.constant 6 : i32
          %add3A_601 = arith.addi %add3A_599, %add3A_600 : i32
          %get3A_602 = arith.index_cast %add3A_601 : i32 to index
          %get3A_603 = arith.constant 0 : index
          %get3A_604 = tpu.vector_load %arg13[%get3A_602, %get3A_603] {strides = array<i32>} : memref<200x32xf32, #tpu.memory_space<vmem>>, vector<1x16xf32>,
          %get3A_605 = vector.shape_cast %get3A_604 : vector<1x16xf32> to vector<16xf32>
          %add3A_606 = arith.addf %add3A_590, %get3A_605 : vector<16xf32>
          %get3A_607 = arith.index_cast %add3A_601 : i32 to index
          %get3A_608 = arith.constant 16 : index
          %get3A_609 = tpu.vector_load %arg13[%get3A_607, %get3A_608] {strides = array<i32>} : memref<200x32xf32, #tpu.memory_space<vmem>>, vector<1x16xf32>,
          %get3A_610 = vector.shape_cast %get3A_609 : vector<1x16xf32> to vector<16xf32>
          %add3A_611 = arith.addf %add3A_595, %get3A_610 : vector<16xf32>
          %mul3A_612 = arith.constant 8 : i32
          %mul3A_613 = arith.muli %scan3A_498, %mul3A_612 : i32
          %add3A_614 = arith.constant 0 : i32
          %add3A_615 = arith.addi %add3A_614, %mul3A_613 : i32
          %add3A_616 = arith.constant 7 : i32
          %add3A_617 = arith.addi %add3A_615, %add3A_616 : i32
          %get3A_618 = arith.index_cast %add3A_617 : i32 to index
          %get3A_619 = arith.constant 0 : index
          %get3A_620 = tpu.vector_load %arg13[%get3A_618, %get3A_619] {strides = array<i32>} : memref<200x32xf32, #tpu.memory_space<vmem>>, vector<1x16xf32>,
          %get3A_621 = vector.shape_cast %get3A_620 : vector<1x16xf32> to vector<16xf32>
          %add3A_622 = arith.addf %add3A_606, %get3A_621 : vector<16xf32>
          %get3A_623 = arith.index_cast %add3A_617 : i32 to index
          %get3A_624 = arith.constant 16 : index
          %get3A_625 = tpu.vector_load %arg13[%get3A_623, %get3A_624] {strides = array<i32>} : memref<200x32xf32, #tpu.memory_space<vmem>>, vector<1x16xf32>,
          %get3A_626 = vector.shape_cast %get3A_625 : vector<1x16xf32> to vector<16xf32>
          %add3A_627 = arith.addf %add3A_611, %get3A_626 : vector<16xf32>
          scf.yield %add3A_622, %add3A_627 : vector<16xf32>, vector<16xf32>
        }
        %scan3A_430 = arith.constant 25 : i32
        %mul3A_431 = arith.constant 5.000000e-03 : f32
        %mul3A_432 = vector.broadcast %mul3A_431 : f32 to vector<16xf32>
        %mul3A_433 = arith.mulf %scan3A_429#0, %mul3A_432 : vector<16xf32>
        %add3A_434 = arith.constant 0 : i32
        %add3A_435 = arith.addi %add3A_424, %add3A_434 : i32
        %swap3A_436 = arith.index_cast %add3A_435 : i32 to index
        %swap3A_437 = arith.constant 0 : index
        %swap3A_438 = tpu.vector_load %arg15[%swap3A_436, %swap3A_437] {strides = array<i32>} : memref<512x32xf32, #tpu.memory_space<vmem>>, vector<1x16xf32>,
        %swap3A_439 = vector.shape_cast %swap3A_438 : vector<1x16xf32> to vector<16xf32>
        %swap3A_440 = vector.shape_cast %mul3A_433 : vector<16xf32> to vector<1x16xf32>
        tpu.vector_store %arg15[%swap3A_436, %swap3A_437], %swap3A_440 {strides = array<i32>} : memref<512x32xf32, #tpu.memory_space<vmem>>, vector<1x16xf32>,
        %mul3A_441 = arith.constant 5.000000e-03 : f32
        %mul3A_442 = vector.broadcast %mul3A_441 : f32 to vector<16xf32>
        %mul3A_443 = arith.mulf %scan3A_429#1, %mul3A_442 : vector<16xf32>
        %add3A_444 = arith.constant 0 : i32
        %add3A_445 = arith.addi %add3A_424, %add3A_444 : i32
        %swap3A_446 = arith.index_cast %add3A_445 : i32 to index
        %swap3A_447 = arith.constant 16 : index
        %swap3A_448 = tpu.vector_load %arg15[%swap3A_446, %swap3A_447] {strides = array<i32>} : memref<512x32xf32, #tpu.memory_space<vmem>>, vector<1x16xf32>,
        %swap3A_449 = vector.shape_cast %swap3A_448 : vector<1x16xf32> to vector<16xf32>
        %swap3A_450 = vector.shape_cast %mul3A_443 : vector<16xf32> to vector<1x16xf32>
        tpu.vector_store %arg15[%swap3A_446, %swap3A_447], %swap3A_450 {strides = array<i32>} : memref<512x32xf32, #tpu.memory_space<vmem>>, vector<1x16xf32>,
        %add3A_451 = arith.constant 8 : i32
        %add3A_452 = arith.addi %add3A_122, %add3A_451 : i32
        %add3A_453 = arith.constant 6 : i32
        %add3A_454 = arith.addi %add3A_452, %add3A_453 : i32
        %lt3A_455 = arith.constant 64 : i32
        %lt3A_456 = arith.cmpi slt, %add3A_454, %lt3A_455 : i32
        %convert_element_type3A_457 = arith.extui %lt3A_456 : i1 to i32
        %cond3A_458 = arith.constant 0 : i32
        %cond3A_459 = arith.cmpi ne, %convert_element_type3A_457, %cond3A_458 : i32
        scf.if %cond3A_459 {
          %add3A_498 = arith.constant 8 : i32
          %add3A_499 = arith.addi %add3A_122, %add3A_498 : i32
          %add3A_500 = arith.constant 6 : i32
          %add3A_501 = arith.addi %add3A_499, %add3A_500 : i32
          %mul3A_502 = arith.constant 200 : i32
          %mul3A_503 = arith.muli %add3A_501, %mul3A_502 : i32
          %dma_start3A_504 = tpu.memref_slice %arg5[%mul3A_503] : memref<12800xi32, #tpu.memory_space<vmem>> -> memref<200xi32, #tpu.memory_space<vmem>>
          %dma_start3A_505 = arith.constant 0 : i32
          %dma_start3A_506 = arith.constant 0 : i32
          %dma_start3A_507 = tpu.memref_slice %arg3[%dma_start3A_505, %dma_start3A_506] : memref<1000000x32xf32, #tpu.memory_space<hbm>> -> memref<1000000x32xf32, #tpu.memory_space<hbm>>
          tpu.enqueue_indirect_dma source(%dma_start3A_507 : memref<1000000x32xf32, #tpu.memory_space<hbm>>) target(%arg13 : memref<200x32xf32, #tpu.memory_space<vmem>>) offsets(%dma_start3A_504 : memref<200xi32, #tpu.memory_space<vmem>>) semaphore(%arg22 : memref<!tpu.dma_semaphore, #tpu.memory_space<semaphore_mem>>)
        } else {
        }
        %dma_wait3A_460 = arith.constant 0 : i32
        %dma_wait3A_461 = tpu.memref_slice %arg5[%dma_wait3A_460] : memref<12800xi32, #tpu.memory_space<vmem>> -> memref<200xi32, #tpu.memory_space<vmem>>
        %dma_wait3A_462 = arith.constant 0 : i32
        %dma_wait3A_463 = arith.constant 0 : i32
        %dma_wait3A_464 = tpu.memref_slice %arg3[%dma_wait3A_462, %dma_wait3A_463] : memref<1000000x32xf32, #tpu.memory_space<hbm>> -> memref<1000000x32xf32, #tpu.memory_space<hbm>>
        tpu.wait_indirect_dma semaphore(%arg23 : memref<!tpu.dma_semaphore, #tpu.memory_space<semaphore_mem>>) src(%dma_wait3A_464 : memref<1000000x32xf32, #tpu.memory_space<hbm>>) dst(%arg14 : memref<200x32xf32, #tpu.memory_space<vmem>>)
        %mul3A_465 = arith.constant 64 : i32
        %mul3A_466 = arith.muli %add3A_17, %mul3A_465 : i32
        %add3A_467 = arith.constant 7 : i32
        %add3A_468 = arith.addi %add3A_122, %add3A_467 : i32
        %mul3A_469 = arith.constant 1 : i32
        %mul3A_470 = arith.muli %add3A_468, %mul3A_469 : i32
        %add3A_471 = arith.addi %mul3A_466, %mul3A_470 : i32
        %scan3A_472 = arith.constant 0 : i32
        %scan3A_473 = arith.constant 25 : i32
        %scan3A_474 = arith.addi %scan3A_472, %scan3A_473 : i32
        %scan3A_475 = arith.constant 1 : i32
        %scan3A_476:2 = scf.for %scan3A_498 = %scan3A_472 to %scan3A_474 step %scan3A_475 iter_args(%scan3A_499 = %broadcast_in_dim3A_5, %scan3A_500 = %broadcast_in_dim3A_5) -> (vector<16xf32>, vector<16xf32>)  : i32 {
          %mul3A_501 = arith.constant 8 : i32
          %mul3A_502 = arith.muli %scan3A_498, %mul3A_501 : i32
          %add3A_503 = arith.constant 0 : i32
          %add3A_504 = arith.addi %add3A_503, %mul3A_502 : i32
          %add3A_505 = arith.constant 0 : i32
          %add3A_506 = arith.addi %add3A_504, %add3A_505 : i32
          %get3A = arith.index_cast %add3A_506 : i32 to index
          %get3A_507 = arith.constant 0 : index
          %get3A_508 = tpu.vector_load %arg14[%get3A, %get3A_507] {strides = array<i32>} : memref<200x32xf32, #tpu.memory_space<vmem>>, vector<1x16xf32>,
          %get3A_509 = vector.shape_cast %get3A_508 : vector<1x16xf32> to vector<16xf32>
          %add3A_510 = arith.addf %scan3A_499, %get3A_509 : vector<16xf32>
          %get3A_511 = arith.index_cast %add3A_506 : i32 to index
          %get3A_512 = arith.constant 16 : index
          %get3A_513 = tpu.vector_load %arg14[%get3A_511, %get3A_512] {strides = array<i32>} : memref<200x32xf32, #tpu.memory_space<vmem>>, vector<1x16xf32>,
          %get3A_514 = vector.shape_cast %get3A_513 : vector<1x16xf32> to vector<16xf32>
          %add3A_515 = arith.addf %scan3A_500, %get3A_514 : vector<16xf32>
          %mul3A_516 = arith.constant 8 : i32
          %mul3A_517 = arith.muli %scan3A_498, %mul3A_516 : i32
          %add3A_518 = arith.constant 0 : i32
          %add3A_519 = arith.addi %add3A_518, %mul3A_517 : i32
          %add3A_520 = arith.constant 1 : i32
          %add3A_521 = arith.addi %add3A_519, %add3A_520 : i32
          %get3A_522 = arith.index_cast %add3A_521 : i32 to index
          %get3A_523 = arith.constant 0 : index
          %get3A_524 = tpu.vector_load %arg14[%get3A_522, %get3A_523] {strides = array<i32>} : memref<200x32xf32, #tpu.memory_space<vmem>>, vector<1x16xf32>,
          %get3A_525 = vector.shape_cast %get3A_524 : vector<1x16xf32> to vector<16xf32>
          %add3A_526 = arith.addf %add3A_510, %get3A_525 : vector<16xf32>
          %get3A_527 = arith.index_cast %add3A_521 : i32 to index
          %get3A_528 = arith.constant 16 : index
          %get3A_529 = tpu.vector_load %arg14[%get3A_527, %get3A_528] {strides = array<i32>} : memref<200x32xf32, #tpu.memory_space<vmem>>, vector<1x16xf32>,
          %get3A_530 = vector.shape_cast %get3A_529 : vector<1x16xf32> to vector<16xf32>
          %add3A_531 = arith.addf %add3A_515, %get3A_530 : vector<16xf32>
          %mul3A_532 = arith.constant 8 : i32
          %mul3A_533 = arith.muli %scan3A_498, %mul3A_532 : i32
          %add3A_534 = arith.constant 0 : i32
          %add3A_535 = arith.addi %add3A_534, %mul3A_533 : i32
          %add3A_536 = arith.constant 2 : i32
          %add3A_537 = arith.addi %add3A_535, %add3A_536 : i32
          %get3A_538 = arith.index_cast %add3A_537 : i32 to index
          %get3A_539 = arith.constant 0 : index
          %get3A_540 = tpu.vector_load %arg14[%get3A_538, %get3A_539] {strides = array<i32>} : memref<200x32xf32, #tpu.memory_space<vmem>>, vector<1x16xf32>,
          %get3A_541 = vector.shape_cast %get3A_540 : vector<1x16xf32> to vector<16xf32>
          %add3A_542 = arith.addf %add3A_526, %get3A_541 : vector<16xf32>
          %get3A_543 = arith.index_cast %add3A_537 : i32 to index
          %get3A_544 = arith.constant 16 : index
          %get3A_545 = tpu.vector_load %arg14[%get3A_543, %get3A_544] {strides = array<i32>} : memref<200x32xf32, #tpu.memory_space<vmem>>, vector<1x16xf32>,
          %get3A_546 = vector.shape_cast %get3A_545 : vector<1x16xf32> to vector<16xf32>
          %add3A_547 = arith.addf %add3A_531, %get3A_546 : vector<16xf32>
          %mul3A_548 = arith.constant 8 : i32
          %mul3A_549 = arith.muli %scan3A_498, %mul3A_548 : i32
          %add3A_550 = arith.constant 0 : i32
          %add3A_551 = arith.addi %add3A_550, %mul3A_549 : i32
          %add3A_552 = arith.constant 3 : i32
          %add3A_553 = arith.addi %add3A_551, %add3A_552 : i32
          %get3A_554 = arith.index_cast %add3A_553 : i32 to index
          %get3A_555 = arith.constant 0 : index
          %get3A_556 = tpu.vector_load %arg14[%get3A_554, %get3A_555] {strides = array<i32>} : memref<200x32xf32, #tpu.memory_space<vmem>>, vector<1x16xf32>,
          %get3A_557 = vector.shape_cast %get3A_556 : vector<1x16xf32> to vector<16xf32>
          %add3A_558 = arith.addf %add3A_542, %get3A_557 : vector<16xf32>
          %get3A_559 = arith.index_cast %add3A_553 : i32 to index
          %get3A_560 = arith.constant 16 : index
          %get3A_561 = tpu.vector_load %arg14[%get3A_559, %get3A_560] {strides = array<i32>} : memref<200x32xf32, #tpu.memory_space<vmem>>, vector<1x16xf32>,
          %get3A_562 = vector.shape_cast %get3A_561 : vector<1x16xf32> to vector<16xf32>
          %add3A_563 = arith.addf %add3A_547, %get3A_562 : vector<16xf32>
          %mul3A_564 = arith.constant 8 : i32
          %mul3A_565 = arith.muli %scan3A_498, %mul3A_564 : i32
          %add3A_566 = arith.constant 0 : i32
          %add3A_567 = arith.addi %add3A_566, %mul3A_565 : i32
          %add3A_568 = arith.constant 4 : i32
          %add3A_569 = arith.addi %add3A_567, %add3A_568 : i32
          %get3A_570 = arith.index_cast %add3A_569 : i32 to index
          %get3A_571 = arith.constant 0 : index
          %get3A_572 = tpu.vector_load %arg14[%get3A_570, %get3A_571] {strides = array<i32>} : memref<200x32xf32, #tpu.memory_space<vmem>>, vector<1x16xf32>,
          %get3A_573 = vector.shape_cast %get3A_572 : vector<1x16xf32> to vector<16xf32>
          %add3A_574 = arith.addf %add3A_558, %get3A_573 : vector<16xf32>
          %get3A_575 = arith.index_cast %add3A_569 : i32 to index
          %get3A_576 = arith.constant 16 : index
          %get3A_577 = tpu.vector_load %arg14[%get3A_575, %get3A_576] {strides = array<i32>} : memref<200x32xf32, #tpu.memory_space<vmem>>, vector<1x16xf32>,
          %get3A_578 = vector.shape_cast %get3A_577 : vector<1x16xf32> to vector<16xf32>
          %add3A_579 = arith.addf %add3A_563, %get3A_578 : vector<16xf32>
          %mul3A_580 = arith.constant 8 : i32
          %mul3A_581 = arith.muli %scan3A_498, %mul3A_580 : i32
          %add3A_582 = arith.constant 0 : i32
          %add3A_583 = arith.addi %add3A_582, %mul3A_581 : i32
          %add3A_584 = arith.constant 5 : i32
          %add3A_585 = arith.addi %add3A_583, %add3A_584 : i32
          %get3A_586 = arith.index_cast %add3A_585 : i32 to index
          %get3A_587 = arith.constant 0 : index
          %get3A_588 = tpu.vector_load %arg14[%get3A_586, %get3A_587] {strides = array<i32>} : memref<200x32xf32, #tpu.memory_space<vmem>>, vector<1x16xf32>,
          %get3A_589 = vector.shape_cast %get3A_588 : vector<1x16xf32> to vector<16xf32>
          %add3A_590 = arith.addf %add3A_574, %get3A_589 : vector<16xf32>
          %get3A_591 = arith.index_cast %add3A_585 : i32 to index
          %get3A_592 = arith.constant 16 : index
          %get3A_593 = tpu.vector_load %arg14[%get3A_591, %get3A_592] {strides = array<i32>} : memref<200x32xf32, #tpu.memory_space<vmem>>, vector<1x16xf32>,
          %get3A_594 = vector.shape_cast %get3A_593 : vector<1x16xf32> to vector<16xf32>
          %add3A_595 = arith.addf %add3A_579, %get3A_594 : vector<16xf32>
          %mul3A_596 = arith.constant 8 : i32
          %mul3A_597 = arith.muli %scan3A_498, %mul3A_596 : i32
          %add3A_598 = arith.constant 0 : i32
          %add3A_599 = arith.addi %add3A_598, %mul3A_597 : i32
          %add3A_600 = arith.constant 6 : i32
          %add3A_601 = arith.addi %add3A_599, %add3A_600 : i32
          %get3A_602 = arith.index_cast %add3A_601 : i32 to index
          %get3A_603 = arith.constant 0 : index
          %get3A_604 = tpu.vector_load %arg14[%get3A_602, %get3A_603] {strides = array<i32>} : memref<200x32xf32, #tpu.memory_space<vmem>>, vector<1x16xf32>,
          %get3A_605 = vector.shape_cast %get3A_604 : vector<1x16xf32> to vector<16xf32>
          %add3A_606 = arith.addf %add3A_590, %get3A_605 : vector<16xf32>
          %get3A_607 = arith.index_cast %add3A_601 : i32 to index
          %get3A_608 = arith.constant 16 : index
          %get3A_609 = tpu.vector_load %arg14[%get3A_607, %get3A_608] {strides = array<i32>} : memref<200x32xf32, #tpu.memory_space<vmem>>, vector<1x16xf32>,
          %get3A_610 = vector.shape_cast %get3A_609 : vector<1x16xf32> to vector<16xf32>
          %add3A_611 = arith.addf %add3A_595, %get3A_610 : vector<16xf32>
          %mul3A_612 = arith.constant 8 : i32
          %mul3A_613 = arith.muli %scan3A_498, %mul3A_612 : i32
          %add3A_614 = arith.constant 0 : i32
          %add3A_615 = arith.addi %add3A_614, %mul3A_613 : i32
          %add3A_616 = arith.constant 7 : i32
          %add3A_617 = arith.addi %add3A_615, %add3A_616 : i32
          %get3A_618 = arith.index_cast %add3A_617 : i32 to index
          %get3A_619 = arith.constant 0 : index
          %get3A_620 = tpu.vector_load %arg14[%get3A_618, %get3A_619] {strides = array<i32>} : memref<200x32xf32, #tpu.memory_space<vmem>>, vector<1x16xf32>,
          %get3A_621 = vector.shape_cast %get3A_620 : vector<1x16xf32> to vector<16xf32>
          %add3A_622 = arith.addf %add3A_606, %get3A_621 : vector<16xf32>
          %get3A_623 = arith.index_cast %add3A_617 : i32 to index
          %get3A_624 = arith.constant 16 : index
          %get3A_625 = tpu.vector_load %arg14[%get3A_623, %get3A_624] {strides = array<i32>} : memref<200x32xf32, #tpu.memory_space<vmem>>, vector<1x16xf32>,
          %get3A_626 = vector.shape_cast %get3A_625 : vector<1x16xf32> to vector<16xf32>
          %add3A_627 = arith.addf %add3A_611, %get3A_626 : vector<16xf32>
          scf.yield %add3A_622, %add3A_627 : vector<16xf32>, vector<16xf32>
        }
        %scan3A_477 = arith.constant 25 : i32
        %mul3A_478 = arith.constant 5.000000e-03 : f32
        %mul3A_479 = vector.broadcast %mul3A_478 : f32 to vector<16xf32>
        %mul3A_480 = arith.mulf %scan3A_476#0, %mul3A_479 : vector<16xf32>
        %add3A_481 = arith.constant 0 : i32
        %add3A_482 = arith.addi %add3A_471, %add3A_481 : i32
        %swap3A_483 = arith.index_cast %add3A_482 : i32 to index
        %swap3A_484 = arith.constant 0 : index
        %swap3A_485 = tpu.vector_load %arg15[%swap3A_483, %swap3A_484] {strides = array<i32>} : memref<512x32xf32, #tpu.memory_space<vmem>>, vector<1x16xf32>,
        %swap3A_486 = vector.shape_cast %swap3A_485 : vector<1x16xf32> to vector<16xf32>
        %swap3A_487 = vector.shape_cast %mul3A_480 : vector<16xf32> to vector<1x16xf32>
        tpu.vector_store %arg15[%swap3A_483, %swap3A_484], %swap3A_487 {strides = array<i32>} : memref<512x32xf32, #tpu.memory_space<vmem>>, vector<1x16xf32>,
        %mul3A_488 = arith.constant 5.000000e-03 : f32
        %mul3A_489 = vector.broadcast %mul3A_488 : f32 to vector<16xf32>
        %mul3A_490 = arith.mulf %scan3A_476#1, %mul3A_489 : vector<16xf32>
        %add3A_491 = arith.constant 0 : i32
        %add3A_492 = arith.addi %add3A_471, %add3A_491 : i32
        %swap3A_493 = arith.index_cast %add3A_492 : i32 to index
        %swap3A_494 = arith.constant 16 : index
        %swap3A_495 = tpu.vector_load %arg15[%swap3A_493, %swap3A_494] {strides = array<i32>} : memref<512x32xf32, #tpu.memory_space<vmem>>, vector<1x16xf32>,
        %swap3A_496 = vector.shape_cast %swap3A_495 : vector<1x16xf32> to vector<16xf32>
        %swap3A_497 = vector.shape_cast %mul3A_490 : vector<16xf32> to vector<1x16xf32>
        tpu.vector_store %arg15[%swap3A_493, %swap3A_494], %swap3A_497 {strides = array<i32>} : memref<512x32xf32, #tpu.memory_space<vmem>>, vector<1x16xf32>,
      }
      %scan3A_67 = arith.constant 8 : i32
      %add3A_68 = arith.constant 2 : i32
      %add3A_69 = arith.addi %add3A_17, %add3A_68 : i32
      %lt3A = arith.constant 8 : i32
      %lt3A_70 = arith.cmpi slt, %add3A_69, %lt3A : i32
      %convert_element_type3A = arith.extui %lt3A_70 : i1 to i32
      %cond3A = arith.constant 0 : i32
      %cond3A_71 = arith.cmpi ne, %convert_element_type3A, %cond3A : i32
      scf.if %cond3A_71 {
        %add3A_118 = arith.constant 2 : i32
        %add3A_119 = arith.addi %add3A_17, %add3A_118 : i32
        %mul3A_120 = arith.constant 12800 : i32
        %mul3A_121 = arith.muli %add3A_119, %mul3A_120 : i32
        %add3A_122 = arith.addi %mul3A_2, %mul3A_121 : i32
        %dma_start3A_123 = tpu.memref_slice %arg2[%add3A_122] : memref<3276800xi32, #tpu.memory_space<hbm>> -> memref<12800xi32, #tpu.memory_space<hbm>>
        %dma_start3A_124 = tpu.memref_slice %arg2[%add3A_122] : memref<3276800xi32, #tpu.memory_space<hbm>> -> memref<12800xi32, #tpu.memory_space<hbm>>
        tpu.enqueue_dma source(%dma_start3A_124 : memref<12800xi32, #tpu.memory_space<hbm>>) target(%arg5 : memref<12800xi32, #tpu.memory_space<vmem>>) target_semaphore(%arg24 : memref<!tpu.dma_semaphore, #tpu.memory_space<semaphore_mem>>)
      } else {
      }
      %dma_wait3A_72 = arith.constant 0 : i32
      %dma_wait3A_73 = tpu.memref_slice %arg2[%dma_wait3A_72] : memref<3276800xi32, #tpu.memory_space<hbm>> -> memref<12800xi32, #tpu.memory_space<hbm>>
      %dma_wait3A_74 = arith.constant 0 : i32
      %dma_wait3A_75 = tpu.memref_slice %arg2[%dma_wait3A_74] : memref<3276800xi32, #tpu.memory_space<hbm>> -> memref<12800xi32, #tpu.memory_space<hbm>>
      tpu.wait_dma2 semaphore(%arg25 : memref<!tpu.dma_semaphore, #tpu.memory_space<semaphore_mem>>) src(%dma_wait3A_75 : memref<12800xi32, #tpu.memory_space<hbm>>) dst(%arg6 : memref<12800xi32, #tpu.memory_space<vmem>>)
      %add3A_76 = arith.constant 1 : i32
      %add3A_77 = arith.addi %add3A_17, %add3A_76 : i32
      %dma_start3A_78 = arith.constant 0 : i32
      %dma_start3A_79 = tpu.memref_slice %arg6[%dma_start3A_78] : memref<12800xi32, #tpu.memory_space<vmem>> -> memref<200xi32, #tpu.memory_space<vmem>>
      %dma_start3A_80 = arith.constant 0 : i32
      %dma_start3A_81 = arith.constant 0 : i32
      %dma_start3A_82 = tpu.memref_slice %arg3[%dma_start3A_80, %dma_start3A_81] : memref<1000000x32xf32, #tpu.memory_space<hbm>> -> memref<1000000x32xf32, #tpu.memory_space<hbm>>
      tpu.enqueue_indirect_dma source(%dma_start3A_82 : memref<1000000x32xf32, #tpu.memory_space<hbm>>) target(%arg7 : memref<200x32xf32, #tpu.memory_space<vmem>>) offsets(%dma_start3A_79 : memref<200xi32, #tpu.memory_space<vmem>>) semaphore(%arg16 : memref<!tpu.dma_semaphore, #tpu.memory_space<semaphore_mem>>)
      %dma_start3A_83 = arith.constant 200 : i32
      %dma_start3A_84 = tpu.memref_slice %arg6[%dma_start3A_83] : memref<12800xi32, #tpu.memory_space<vmem>> -> memref<200xi32, #tpu.memory_space<vmem>>
      %dma_start3A_85 = arith.constant 0 : i32
      %dma_start3A_86 = arith.constant 0 : i32
      %dma_start3A_87 = tpu.memref_slice %arg3[%dma_start3A_85, %dma_start3A_86] : memref<1000000x32xf32, #tpu.memory_space<hbm>> -> memref<1000000x32xf32, #tpu.memory_space<hbm>>
      tpu.enqueue_indirect_dma source(%dma_start3A_87 : memref<1000000x32xf32, #tpu.memory_space<hbm>>) target(%arg8 : memref<200x32xf32, #tpu.memory_space<vmem>>) offsets(%dma_start3A_84 : memref<200xi32, #tpu.memory_space<vmem>>) semaphore(%arg17 : memref<!tpu.dma_semaphore, #tpu.memory_space<semaphore_mem>>)
      %dma_start3A_88 = arith.constant 400 : i32
      %dma_start3A_89 = tpu.memref_slice %arg6[%dma_start3A_88] : memref<12800xi32, #tpu.memory_space<vmem>> -> memref<200xi32, #tpu.memory_space<vmem>>
      %dma_start3A_90 = arith.constant 0 : i32
      %dma_start3A_91 = arith.constant 0 : i32
      %dma_start3A_92 = tpu.memref_slice %arg3[%dma_start3A_90, %dma_start3A_91] : memref<1000000x32xf32, #tpu.memory_space<hbm>> -> memref<1000000x32xf32, #tpu.memory_space<hbm>>
      tpu.enqueue_indirect_dma source(%dma_start3A_92 : memref<1000000x32xf32, #tpu.memory_space<hbm>>) target(%arg9 : memref<200x32xf32, #tpu.memory_space<vmem>>) offsets(%dma_start3A_89 : memref<200xi32, #tpu.memory_space<vmem>>) semaphore(%arg18 : memref<!tpu.dma_semaphore, #tpu.memory_space<semaphore_mem>>)
      %dma_start3A_93 = arith.constant 600 : i32
      %dma_start3A_94 = tpu.memref_slice %arg6[%dma_start3A_93] : memref<12800xi32, #tpu.memory_space<vmem>> -> memref<200xi32, #tpu.memory_space<vmem>>
      %dma_start3A_95 = arith.constant 0 : i32
      %dma_start3A_96 = arith.constant 0 : i32
      %dma_start3A_97 = tpu.memref_slice %arg3[%dma_start3A_95, %dma_start3A_96] : memref<1000000x32xf32, #tpu.memory_space<hbm>> -> memref<1000000x32xf32, #tpu.memory_space<hbm>>
      tpu.enqueue_indirect_dma source(%dma_start3A_97 : memref<1000000x32xf32, #tpu.memory_space<hbm>>) target(%arg10 : memref<200x32xf32, #tpu.memory_space<vmem>>) offsets(%dma_start3A_94 : memref<200xi32, #tpu.memory_space<vmem>>) semaphore(%arg19 : memref<!tpu.dma_semaphore, #tpu.memory_space<semaphore_mem>>)
      %dma_start3A_98 = arith.constant 800 : i32
      %dma_start3A_99 = tpu.memref_slice %arg6[%dma_start3A_98] : memref<12800xi32, #tpu.memory_space<vmem>> -> memref<200xi32, #tpu.memory_space<vmem>>
      %dma_start3A_100 = arith.constant 0 : i32
      %dma_start3A_101 = arith.constant 0 : i32
      %dma_start3A_102 = tpu.memref_slice %arg3[%dma_start3A_100, %dma_start3A_101] : memref<1000000x32xf32, #tpu.memory_space<hbm>> -> memref<1000000x32xf32, #tpu.memory_space<hbm>>
      tpu.enqueue_indirect_dma source(%dma_start3A_102 : memref<1000000x32xf32, #tpu.memory_space<hbm>>) target(%arg11 : memref<200x32xf32, #tpu.memory_space<vmem>>) offsets(%dma_start3A_99 : memref<200xi32, #tpu.memory_space<vmem>>) semaphore(%arg20 : memref<!tpu.dma_semaphore, #tpu.memory_space<semaphore_mem>>)
      %dma_start3A_103 = arith.constant 1000 : i32
      %dma_start3A_104 = tpu.memref_slice %arg6[%dma_start3A_103] : memref<12800xi32, #tpu.memory_space<vmem>> -> memref<200xi32, #tpu.memory_space<vmem>>
      %dma_start3A_105 = arith.constant 0 : i32
      %dma_start3A_106 = arith.constant 0 : i32
      %dma_start3A_107 = tpu.memref_slice %arg3[%dma_start3A_105, %dma_start3A_106] : memref<1000000x32xf32, #tpu.memory_space<hbm>> -> memref<1000000x32xf32, #tpu.memory_space<hbm>>
      tpu.enqueue_indirect_dma source(%dma_start3A_107 : memref<1000000x32xf32, #tpu.memory_space<hbm>>) target(%arg12 : memref<200x32xf32, #tpu.memory_space<vmem>>) offsets(%dma_start3A_104 : memref<200xi32, #tpu.memory_space<vmem>>) semaphore(%arg21 : memref<!tpu.dma_semaphore, #tpu.memory_space<semaphore_mem>>)
      %dma_start3A_108 = arith.constant 1200 : i32
      %dma_start3A_109 = tpu.memref_slice %arg6[%dma_start3A_108] : memref<12800xi32, #tpu.memory_space<vmem>> -> memref<200xi32, #tpu.memory_space<vmem>>
      %dma_start3A_110 = arith.constant 0 : i32
      %dma_start3A_111 = arith.constant 0 : i32
      %dma_start3A_112 = tpu.memref_slice %arg3[%dma_start3A_110, %dma_start3A_111] : memref<1000000x32xf32, #tpu.memory_space<hbm>> -> memref<1000000x32xf32, #tpu.memory_space<hbm>>
      tpu.enqueue_indirect_dma source(%dma_start3A_112 : memref<1000000x32xf32, #tpu.memory_space<hbm>>) target(%arg13 : memref<200x32xf32, #tpu.memory_space<vmem>>) offsets(%dma_start3A_109 : memref<200xi32, #tpu.memory_space<vmem>>) semaphore(%arg22 : memref<!tpu.dma_semaphore, #tpu.memory_space<semaphore_mem>>)
      %scan3A_113 = arith.constant 0 : i32
      %scan3A_114 = arith.constant 8 : i32
      %scan3A_115 = arith.addi %scan3A_113, %scan3A_114 : i32
      %scan3A_116 = arith.constant 1 : i32
      scf.for %scan3A_118 = %scan3A_113 to %scan3A_115 step %scan3A_116  : i32 {
        %mul3A_119 = arith.constant 8 : i32
        %mul3A_120 = arith.muli %scan3A_118, %mul3A_119 : i32
        %add3A_121 = arith.constant 0 : i32
        %add3A_122 = arith.addi %add3A_121, %mul3A_120 : i32
        %add3A_123 = arith.constant 8 : i32
        %add3A_124 = arith.addi %add3A_122, %add3A_123 : i32
        %sub3A = arith.constant 1 : i32
        %sub3A_125 = arith.subi %add3A_124, %sub3A : i32
        %mul3A_126 = arith.constant 200 : i32
        %mul3A_127 = arith.muli %sub3A_125, %mul3A_126 : i32
        %dma_start3A_128 = tpu.memref_slice %arg6[%mul3A_127] : memref<12800xi32, #tpu.memory_space<vmem>> -> memref<200xi32, #tpu.memory_space<vmem>>
        %dma_start3A_129 = arith.constant 0 : i32
        %dma_start3A_130 = arith.constant 0 : i32
        %dma_start3A_131 = tpu.memref_slice %arg3[%dma_start3A_129, %dma_start3A_130] : memref<1000000x32xf32, #tpu.memory_space<hbm>> -> memref<1000000x32xf32, #tpu.memory_space<hbm>>
        tpu.enqueue_indirect_dma source(%dma_start3A_131 : memref<1000000x32xf32, #tpu.memory_space<hbm>>) target(%arg14 : memref<200x32xf32, #tpu.memory_space<vmem>>) offsets(%dma_start3A_128 : memref<200xi32, #tpu.memory_space<vmem>>) semaphore(%arg23 : memref<!tpu.dma_semaphore, #tpu.memory_space<semaphore_mem>>)
        %dma_wait3A_132 = arith.constant 0 : i32
        %dma_wait3A_133 = tpu.memref_slice %arg6[%dma_wait3A_132] : memref<12800xi32, #tpu.memory_space<vmem>> -> memref<200xi32, #tpu.memory_space<vmem>>
        %dma_wait3A_134 = arith.constant 0 : i32
        %dma_wait3A_135 = arith.constant 0 : i32
        %dma_wait3A_136 = tpu.memref_slice %arg3[%dma_wait3A_134, %dma_wait3A_135] : memref<1000000x32xf32, #tpu.memory_space<hbm>> -> memref<1000000x32xf32, #tpu.memory_space<hbm>>
        tpu.wait_indirect_dma semaphore(%arg16 : memref<!tpu.dma_semaphore, #tpu.memory_space<semaphore_mem>>) src(%dma_wait3A_136 : memref<1000000x32xf32, #tpu.memory_space<hbm>>) dst(%arg7 : memref<200x32xf32, #tpu.memory_space<vmem>>)
        %mul3A_137 = arith.constant 64 : i32
        %mul3A_138 = arith.muli %add3A_77, %mul3A_137 : i32
        %add3A_139 = arith.constant 0 : i32
        %add3A_140 = arith.addi %add3A_122, %add3A_139 : i32
        %mul3A_141 = arith.constant 1 : i32
        %mul3A_142 = arith.muli %add3A_140, %mul3A_141 : i32
        %add3A_143 = arith.addi %mul3A_138, %mul3A_142 : i32
        %scan3A_144 = arith.constant 0 : i32
        %scan3A_145 = arith.constant 25 : i32
        %scan3A_146 = arith.addi %scan3A_144, %scan3A_145 : i32
        %scan3A_147 = arith.constant 1 : i32
        %scan3A_148:2 = scf.for %scan3A_498 = %scan3A_144 to %scan3A_146 step %scan3A_147 iter_args(%scan3A_499 = %broadcast_in_dim3A_5, %scan3A_500 = %broadcast_in_dim3A_5) -> (vector<16xf32>, vector<16xf32>)  : i32 {
          %mul3A_501 = arith.constant 8 : i32
          %mul3A_502 = arith.muli %scan3A_498, %mul3A_501 : i32
          %add3A_503 = arith.constant 0 : i32
          %add3A_504 = arith.addi %add3A_503, %mul3A_502 : i32
          %add3A_505 = arith.constant 0 : i32
          %add3A_506 = arith.addi %add3A_504, %add3A_505 : i32
          %get3A = arith.index_cast %add3A_506 : i32 to index
          %get3A_507 = arith.constant 0 : index
          %get3A_508 = tpu.vector_load %arg7[%get3A, %get3A_507] {strides = array<i32>} : memref<200x32xf32, #tpu.memory_space<vmem>>, vector<1x16xf32>,
          %get3A_509 = vector.shape_cast %get3A_508 : vector<1x16xf32> to vector<16xf32>
          %add3A_510 = arith.addf %scan3A_499, %get3A_509 : vector<16xf32>
          %get3A_511 = arith.index_cast %add3A_506 : i32 to index
          %get3A_512 = arith.constant 16 : index
          %get3A_513 = tpu.vector_load %arg7[%get3A_511, %get3A_512] {strides = array<i32>} : memref<200x32xf32, #tpu.memory_space<vmem>>, vector<1x16xf32>,
          %get3A_514 = vector.shape_cast %get3A_513 : vector<1x16xf32> to vector<16xf32>
          %add3A_515 = arith.addf %scan3A_500, %get3A_514 : vector<16xf32>
          %mul3A_516 = arith.constant 8 : i32
          %mul3A_517 = arith.muli %scan3A_498, %mul3A_516 : i32
          %add3A_518 = arith.constant 0 : i32
          %add3A_519 = arith.addi %add3A_518, %mul3A_517 : i32
          %add3A_520 = arith.constant 1 : i32
          %add3A_521 = arith.addi %add3A_519, %add3A_520 : i32
          %get3A_522 = arith.index_cast %add3A_521 : i32 to index
          %get3A_523 = arith.constant 0 : index
          %get3A_524 = tpu.vector_load %arg7[%get3A_522, %get3A_523] {strides = array<i32>} : memref<200x32xf32, #tpu.memory_space<vmem>>, vector<1x16xf32>,
          %get3A_525 = vector.shape_cast %get3A_524 : vector<1x16xf32> to vector<16xf32>
          %add3A_526 = arith.addf %add3A_510, %get3A_525 : vector<16xf32>
          %get3A_527 = arith.index_cast %add3A_521 : i32 to index
          %get3A_528 = arith.constant 16 : index
          %get3A_529 = tpu.vector_load %arg7[%get3A_527, %get3A_528] {strides = array<i32>} : memref<200x32xf32, #tpu.memory_space<vmem>>, vector<1x16xf32>,
          %get3A_530 = vector.shape_cast %get3A_529 : vector<1x16xf32> to vector<16xf32>
          %add3A_531 = arith.addf %add3A_515, %get3A_530 : vector<16xf32>
          %mul3A_532 = arith.constant 8 : i32
          %mul3A_533 = arith.muli %scan3A_498, %mul3A_532 : i32
          %add3A_534 = arith.constant 0 : i32
          %add3A_535 = arith.addi %add3A_534, %mul3A_533 : i32
          %add3A_536 = arith.constant 2 : i32
          %add3A_537 = arith.addi %add3A_535, %add3A_536 : i32
          %get3A_538 = arith.index_cast %add3A_537 : i32 to index
          %get3A_539 = arith.constant 0 : index
          %get3A_540 = tpu.vector_load %arg7[%get3A_538, %get3A_539] {strides = array<i32>} : memref<200x32xf32, #tpu.memory_space<vmem>>, vector<1x16xf32>,
          %get3A_541 = vector.shape_cast %get3A_540 : vector<1x16xf32> to vector<16xf32>
          %add3A_542 = arith.addf %add3A_526, %get3A_541 : vector<16xf32>
          %get3A_543 = arith.index_cast %add3A_537 : i32 to index
          %get3A_544 = arith.constant 16 : index
          %get3A_545 = tpu.vector_load %arg7[%get3A_543, %get3A_544] {strides = array<i32>} : memref<200x32xf32, #tpu.memory_space<vmem>>, vector<1x16xf32>,
          %get3A_546 = vector.shape_cast %get3A_545 : vector<1x16xf32> to vector<16xf32>
          %add3A_547 = arith.addf %add3A_531, %get3A_546 : vector<16xf32>
          %mul3A_548 = arith.constant 8 : i32
          %mul3A_549 = arith.muli %scan3A_498, %mul3A_548 : i32
          %add3A_550 = arith.constant 0 : i32
          %add3A_551 = arith.addi %add3A_550, %mul3A_549 : i32
          %add3A_552 = arith.constant 3 : i32
          %add3A_553 = arith.addi %add3A_551, %add3A_552 : i32
          %get3A_554 = arith.index_cast %add3A_553 : i32 to index
          %get3A_555 = arith.constant 0 : index
          %get3A_556 = tpu.vector_load %arg7[%get3A_554, %get3A_555] {strides = array<i32>} : memref<200x32xf32, #tpu.memory_space<vmem>>, vector<1x16xf32>,
          %get3A_557 = vector.shape_cast %get3A_556 : vector<1x16xf32> to vector<16xf32>
          %add3A_558 = arith.addf %add3A_542, %get3A_557 : vector<16xf32>
          %get3A_559 = arith.index_cast %add3A_553 : i32 to index
          %get3A_560 = arith.constant 16 : index
          %get3A_561 = tpu.vector_load %arg7[%get3A_559, %get3A_560] {strides = array<i32>} : memref<200x32xf32, #tpu.memory_space<vmem>>, vector<1x16xf32>,
          %get3A_562 = vector.shape_cast %get3A_561 : vector<1x16xf32> to vector<16xf32>
          %add3A_563 = arith.addf %add3A_547, %get3A_562 : vector<16xf32>
          %mul3A_564 = arith.constant 8 : i32
          %mul3A_565 = arith.muli %scan3A_498, %mul3A_564 : i32
          %add3A_566 = arith.constant 0 : i32
          %add3A_567 = arith.addi %add3A_566, %mul3A_565 : i32
          %add3A_568 = arith.constant 4 : i32
          %add3A_569 = arith.addi %add3A_567, %add3A_568 : i32
          %get3A_570 = arith.index_cast %add3A_569 : i32 to index
          %get3A_571 = arith.constant 0 : index
          %get3A_572 = tpu.vector_load %arg7[%get3A_570, %get3A_571] {strides = array<i32>} : memref<200x32xf32, #tpu.memory_space<vmem>>, vector<1x16xf32>,
          %get3A_573 = vector.shape_cast %get3A_572 : vector<1x16xf32> to vector<16xf32>
          %add3A_574 = arith.addf %add3A_558, %get3A_573 : vector<16xf32>
          %get3A_575 = arith.index_cast %add3A_569 : i32 to index
          %get3A_576 = arith.constant 16 : index
          %get3A_577 = tpu.vector_load %arg7[%get3A_575, %get3A_576] {strides = array<i32>} : memref<200x32xf32, #tpu.memory_space<vmem>>, vector<1x16xf32>,
          %get3A_578 = vector.shape_cast %get3A_577 : vector<1x16xf32> to vector<16xf32>
          %add3A_579 = arith.addf %add3A_563, %get3A_578 : vector<16xf32>
          %mul3A_580 = arith.constant 8 : i32
          %mul3A_581 = arith.muli %scan3A_498, %mul3A_580 : i32
          %add3A_582 = arith.constant 0 : i32
          %add3A_583 = arith.addi %add3A_582, %mul3A_581 : i32
          %add3A_584 = arith.constant 5 : i32
          %add3A_585 = arith.addi %add3A_583, %add3A_584 : i32
          %get3A_586 = arith.index_cast %add3A_585 : i32 to index
          %get3A_587 = arith.constant 0 : index
          %get3A_588 = tpu.vector_load %arg7[%get3A_586, %get3A_587] {strides = array<i32>} : memref<200x32xf32, #tpu.memory_space<vmem>>, vector<1x16xf32>,
          %get3A_589 = vector.shape_cast %get3A_588 : vector<1x16xf32> to vector<16xf32>
          %add3A_590 = arith.addf %add3A_574, %get3A_589 : vector<16xf32>
          %get3A_591 = arith.index_cast %add3A_585 : i32 to index
          %get3A_592 = arith.constant 16 : index
          %get3A_593 = tpu.vector_load %arg7[%get3A_591, %get3A_592] {strides = array<i32>} : memref<200x32xf32, #tpu.memory_space<vmem>>, vector<1x16xf32>,
          %get3A_594 = vector.shape_cast %get3A_593 : vector<1x16xf32> to vector<16xf32>
          %add3A_595 = arith.addf %add3A_579, %get3A_594 : vector<16xf32>
          %mul3A_596 = arith.constant 8 : i32
          %mul3A_597 = arith.muli %scan3A_498, %mul3A_596 : i32
          %add3A_598 = arith.constant 0 : i32
          %add3A_599 = arith.addi %add3A_598, %mul3A_597 : i32
          %add3A_600 = arith.constant 6 : i32
          %add3A_601 = arith.addi %add3A_599, %add3A_600 : i32
          %get3A_602 = arith.index_cast %add3A_601 : i32 to index
          %get3A_603 = arith.constant 0 : index
          %get3A_604 = tpu.vector_load %arg7[%get3A_602, %get3A_603] {strides = array<i32>} : memref<200x32xf32, #tpu.memory_space<vmem>>, vector<1x16xf32>,
          %get3A_605 = vector.shape_cast %get3A_604 : vector<1x16xf32> to vector<16xf32>
          %add3A_606 = arith.addf %add3A_590, %get3A_605 : vector<16xf32>
          %get3A_607 = arith.index_cast %add3A_601 : i32 to index
          %get3A_608 = arith.constant 16 : index
          %get3A_609 = tpu.vector_load %arg7[%get3A_607, %get3A_608] {strides = array<i32>} : memref<200x32xf32, #tpu.memory_space<vmem>>, vector<1x16xf32>,
          %get3A_610 = vector.shape_cast %get3A_609 : vector<1x16xf32> to vector<16xf32>
          %add3A_611 = arith.addf %add3A_595, %get3A_610 : vector<16xf32>
          %mul3A_612 = arith.constant 8 : i32
          %mul3A_613 = arith.muli %scan3A_498, %mul3A_612 : i32
          %add3A_614 = arith.constant 0 : i32
          %add3A_615 = arith.addi %add3A_614, %mul3A_613 : i32
          %add3A_616 = arith.constant 7 : i32
          %add3A_617 = arith.addi %add3A_615, %add3A_616 : i32
          %get3A_618 = arith.index_cast %add3A_617 : i32 to index
          %get3A_619 = arith.constant 0 : index
          %get3A_620 = tpu.vector_load %arg7[%get3A_618, %get3A_619] {strides = array<i32>} : memref<200x32xf32, #tpu.memory_space<vmem>>, vector<1x16xf32>,
          %get3A_621 = vector.shape_cast %get3A_620 : vector<1x16xf32> to vector<16xf32>
          %add3A_622 = arith.addf %add3A_606, %get3A_621 : vector<16xf32>
          %get3A_623 = arith.index_cast %add3A_617 : i32 to index
          %get3A_624 = arith.constant 16 : index
          %get3A_625 = tpu.vector_load %arg7[%get3A_623, %get3A_624] {strides = array<i32>} : memref<200x32xf32, #tpu.memory_space<vmem>>, vector<1x16xf32>,
          %get3A_626 = vector.shape_cast %get3A_625 : vector<1x16xf32> to vector<16xf32>
          %add3A_627 = arith.addf %add3A_611, %get3A_626 : vector<16xf32>
          scf.yield %add3A_622, %add3A_627 : vector<16xf32>, vector<16xf32>
        }
        %scan3A_149 = arith.constant 25 : i32
        %mul3A_150 = arith.constant 5.000000e-03 : f32
        %mul3A_151 = vector.broadcast %mul3A_150 : f32 to vector<16xf32>
        %mul3A_152 = arith.mulf %scan3A_148#0, %mul3A_151 : vector<16xf32>
        %add3A_153 = arith.constant 0 : i32
        %add3A_154 = arith.addi %add3A_143, %add3A_153 : i32
        %swap3A = arith.index_cast %add3A_154 : i32 to index
        %swap3A_155 = arith.constant 0 : index
        %swap3A_156 = tpu.vector_load %arg15[%swap3A, %swap3A_155] {strides = array<i32>} : memref<512x32xf32, #tpu.memory_space<vmem>>, vector<1x16xf32>,
        %swap3A_157 = vector.shape_cast %swap3A_156 : vector<1x16xf32> to vector<16xf32>
        %swap3A_158 = vector.shape_cast %mul3A_152 : vector<16xf32> to vector<1x16xf32>
        tpu.vector_store %arg15[%swap3A, %swap3A_155], %swap3A_158 {strides = array<i32>} : memref<512x32xf32, #tpu.memory_space<vmem>>, vector<1x16xf32>,
        %mul3A_159 = arith.constant 5.000000e-03 : f32
        %mul3A_160 = vector.broadcast %mul3A_159 : f32 to vector<16xf32>
        %mul3A_161 = arith.mulf %scan3A_148#1, %mul3A_160 : vector<16xf32>
        %add3A_162 = arith.constant 0 : i32
        %add3A_163 = arith.addi %add3A_143, %add3A_162 : i32
        %swap3A_164 = arith.index_cast %add3A_163 : i32 to index
        %swap3A_165 = arith.constant 16 : index
        %swap3A_166 = tpu.vector_load %arg15[%swap3A_164, %swap3A_165] {strides = array<i32>} : memref<512x32xf32, #tpu.memory_space<vmem>>, vector<1x16xf32>,
        %swap3A_167 = vector.shape_cast %swap3A_166 : vector<1x16xf32> to vector<16xf32>
        %swap3A_168 = vector.shape_cast %mul3A_161 : vector<16xf32> to vector<1x16xf32>
        tpu.vector_store %arg15[%swap3A_164, %swap3A_165], %swap3A_168 {strides = array<i32>} : memref<512x32xf32, #tpu.memory_space<vmem>>, vector<1x16xf32>,
        %add3A_169 = arith.constant 8 : i32
        %add3A_170 = arith.addi %add3A_122, %add3A_169 : i32
        %add3A_171 = arith.constant 0 : i32
        %add3A_172 = arith.addi %add3A_170, %add3A_171 : i32
        %lt3A_173 = arith.constant 64 : i32
        %lt3A_174 = arith.cmpi slt, %add3A_172, %lt3A_173 : i32
        %convert_element_type3A_175 = arith.extui %lt3A_174 : i1 to i32
        %cond3A_176 = arith.constant 0 : i32
        %cond3A_177 = arith.cmpi ne, %convert_element_type3A_175, %cond3A_176 : i32
        scf.if %cond3A_177 {
          %add3A_498 = arith.constant 8 : i32
          %add3A_499 = arith.addi %add3A_122, %add3A_498 : i32
          %add3A_500 = arith.constant 0 : i32
          %add3A_501 = arith.addi %add3A_499, %add3A_500 : i32
          %mul3A_502 = arith.constant 200 : i32
          %mul3A_503 = arith.muli %add3A_501, %mul3A_502 : i32
          %dma_start3A_504 = tpu.memref_slice %arg6[%mul3A_503] : memref<12800xi32, #tpu.memory_space<vmem>> -> memref<200xi32, #tpu.memory_space<vmem>>
          %dma_start3A_505 = arith.constant 0 : i32
          %dma_start3A_506 = arith.constant 0 : i32
          %dma_start3A_507 = tpu.memref_slice %arg3[%dma_start3A_505, %dma_start3A_506] : memref<1000000x32xf32, #tpu.memory_space<hbm>> -> memref<1000000x32xf32, #tpu.memory_space<hbm>>
          tpu.enqueue_indirect_dma source(%dma_start3A_507 : memref<1000000x32xf32, #tpu.memory_space<hbm>>) target(%arg7 : memref<200x32xf32, #tpu.memory_space<vmem>>) offsets(%dma_start3A_504 : memref<200xi32, #tpu.memory_space<vmem>>) semaphore(%arg16 : memref<!tpu.dma_semaphore, #tpu.memory_space<semaphore_mem>>)
        } else {
        }
        %dma_wait3A_178 = arith.constant 0 : i32
        %dma_wait3A_179 = tpu.memref_slice %arg6[%dma_wait3A_178] : memref<12800xi32, #tpu.memory_space<vmem>> -> memref<200xi32, #tpu.memory_space<vmem>>
        %dma_wait3A_180 = arith.constant 0 : i32
        %dma_wait3A_181 = arith.constant 0 : i32
        %dma_wait3A_182 = tpu.memref_slice %arg3[%dma_wait3A_180, %dma_wait3A_181] : memref<1000000x32xf32, #tpu.memory_space<hbm>> -> memref<1000000x32xf32, #tpu.memory_space<hbm>>
        tpu.wait_indirect_dma semaphore(%arg17 : memref<!tpu.dma_semaphore, #tpu.memory_space<semaphore_mem>>) src(%dma_wait3A_182 : memref<1000000x32xf32, #tpu.memory_space<hbm>>) dst(%arg8 : memref<200x32xf32, #tpu.memory_space<vmem>>)
        %mul3A_183 = arith.constant 64 : i32
        %mul3A_184 = arith.muli %add3A_77, %mul3A_183 : i32
        %add3A_185 = arith.constant 1 : i32
        %add3A_186 = arith.addi %add3A_122, %add3A_185 : i32
        %mul3A_187 = arith.constant 1 : i32
        %mul3A_188 = arith.muli %add3A_186, %mul3A_187 : i32
        %add3A_189 = arith.addi %mul3A_184, %mul3A_188 : i32
        %scan3A_190 = arith.constant 0 : i32
        %scan3A_191 = arith.constant 25 : i32
        %scan3A_192 = arith.addi %scan3A_190, %scan3A_191 : i32
        %scan3A_193 = arith.constant 1 : i32
        %scan3A_194:2 = scf.for %scan3A_498 = %scan3A_190 to %scan3A_192 step %scan3A_193 iter_args(%scan3A_499 = %broadcast_in_dim3A_5, %scan3A_500 = %broadcast_in_dim3A_5) -> (vector<16xf32>, vector<16xf32>)  : i32 {
          %mul3A_501 = arith.constant 8 : i32
          %mul3A_502 = arith.muli %scan3A_498, %mul3A_501 : i32
          %add3A_503 = arith.constant 0 : i32
          %add3A_504 = arith.addi %add3A_503, %mul3A_502 : i32
          %add3A_505 = arith.constant 0 : i32
          %add3A_506 = arith.addi %add3A_504, %add3A_505 : i32
          %get3A = arith.index_cast %add3A_506 : i32 to index
          %get3A_507 = arith.constant 0 : index
          %get3A_508 = tpu.vector_load %arg8[%get3A, %get3A_507] {strides = array<i32>} : memref<200x32xf32, #tpu.memory_space<vmem>>, vector<1x16xf32>,
          %get3A_509 = vector.shape_cast %get3A_508 : vector<1x16xf32> to vector<16xf32>
          %add3A_510 = arith.addf %scan3A_499, %get3A_509 : vector<16xf32>
          %get3A_511 = arith.index_cast %add3A_506 : i32 to index
          %get3A_512 = arith.constant 16 : index
          %get3A_513 = tpu.vector_load %arg8[%get3A_511, %get3A_512] {strides = array<i32>} : memref<200x32xf32, #tpu.memory_space<vmem>>, vector<1x16xf32>,
          %get3A_514 = vector.shape_cast %get3A_513 : vector<1x16xf32> to vector<16xf32>
          %add3A_515 = arith.addf %scan3A_500, %get3A_514 : vector<16xf32>
          %mul3A_516 = arith.constant 8 : i32
          %mul3A_517 = arith.muli %scan3A_498, %mul3A_516 : i32
          %add3A_518 = arith.constant 0 : i32
          %add3A_519 = arith.addi %add3A_518, %mul3A_517 : i32
          %add3A_520 = arith.constant 1 : i32
          %add3A_521 = arith.addi %add3A_519, %add3A_520 : i32
          %get3A_522 = arith.index_cast %add3A_521 : i32 to index
          %get3A_523 = arith.constant 0 : index
          %get3A_524 = tpu.vector_load %arg8[%get3A_522, %get3A_523] {strides = array<i32>} : memref<200x32xf32, #tpu.memory_space<vmem>>, vector<1x16xf32>,
          %get3A_525 = vector.shape_cast %get3A_524 : vector<1x16xf32> to vector<16xf32>
          %add3A_526 = arith.addf %add3A_510, %get3A_525 : vector<16xf32>
          %get3A_527 = arith.index_cast %add3A_521 : i32 to index
          %get3A_528 = arith.constant 16 : index
          %get3A_529 = tpu.vector_load %arg8[%get3A_527, %get3A_528] {strides = array<i32>} : memref<200x32xf32, #tpu.memory_space<vmem>>, vector<1x16xf32>,
          %get3A_530 = vector.shape_cast %get3A_529 : vector<1x16xf32> to vector<16xf32>
          %add3A_531 = arith.addf %add3A_515, %get3A_530 : vector<16xf32>
          %mul3A_532 = arith.constant 8 : i32
          %mul3A_533 = arith.muli %scan3A_498, %mul3A_532 : i32
          %add3A_534 = arith.constant 0 : i32
          %add3A_535 = arith.addi %add3A_534, %mul3A_533 : i32
          %add3A_536 = arith.constant 2 : i32
          %add3A_537 = arith.addi %add3A_535, %add3A_536 : i32
          %get3A_538 = arith.index_cast %add3A_537 : i32 to index
          %get3A_539 = arith.constant 0 : index
          %get3A_540 = tpu.vector_load %arg8[%get3A_538, %get3A_539] {strides = array<i32>} : memref<200x32xf32, #tpu.memory_space<vmem>>, vector<1x16xf32>,
          %get3A_541 = vector.shape_cast %get3A_540 : vector<1x16xf32> to vector<16xf32>
          %add3A_542 = arith.addf %add3A_526, %get3A_541 : vector<16xf32>
          %get3A_543 = arith.index_cast %add3A_537 : i32 to index
          %get3A_544 = arith.constant 16 : index
          %get3A_545 = tpu.vector_load %arg8[%get3A_543, %get3A_544] {strides = array<i32>} : memref<200x32xf32, #tpu.memory_space<vmem>>, vector<1x16xf32>,
          %get3A_546 = vector.shape_cast %get3A_545 : vector<1x16xf32> to vector<16xf32>
          %add3A_547 = arith.addf %add3A_531, %get3A_546 : vector<16xf32>
          %mul3A_548 = arith.constant 8 : i32
          %mul3A_549 = arith.muli %scan3A_498, %mul3A_548 : i32
          %add3A_550 = arith.constant 0 : i32
          %add3A_551 = arith.addi %add3A_550, %mul3A_549 : i32
          %add3A_552 = arith.constant 3 : i32
          %add3A_553 = arith.addi %add3A_551, %add3A_552 : i32
          %get3A_554 = arith.index_cast %add3A_553 : i32 to index
          %get3A_555 = arith.constant 0 : index
          %get3A_556 = tpu.vector_load %arg8[%get3A_554, %get3A_555] {strides = array<i32>} : memref<200x32xf32, #tpu.memory_space<vmem>>, vector<1x16xf32>,
          %get3A_557 = vector.shape_cast %get3A_556 : vector<1x16xf32> to vector<16xf32>
          %add3A_558 = arith.addf %add3A_542, %get3A_557 : vector<16xf32>
          %get3A_559 = arith.index_cast %add3A_553 : i32 to index
          %get3A_560 = arith.constant 16 : index
          %get3A_561 = tpu.vector_load %arg8[%get3A_559, %get3A_560] {strides = array<i32>} : memref<200x32xf32, #tpu.memory_space<vmem>>, vector<1x16xf32>,
          %get3A_562 = vector.shape_cast %get3A_561 : vector<1x16xf32> to vector<16xf32>
          %add3A_563 = arith.addf %add3A_547, %get3A_562 : vector<16xf32>
          %mul3A_564 = arith.constant 8 : i32
          %mul3A_565 = arith.muli %scan3A_498, %mul3A_564 : i32
          %add3A_566 = arith.constant 0 : i32
          %add3A_567 = arith.addi %add3A_566, %mul3A_565 : i32
          %add3A_568 = arith.constant 4 : i32
          %add3A_569 = arith.addi %add3A_567, %add3A_568 : i32
          %get3A_570 = arith.index_cast %add3A_569 : i32 to index
          %get3A_571 = arith.constant 0 : index
          %get3A_572 = tpu.vector_load %arg8[%get3A_570, %get3A_571] {strides = array<i32>} : memref<200x32xf32, #tpu.memory_space<vmem>>, vector<1x16xf32>,
          %get3A_573 = vector.shape_cast %get3A_572 : vector<1x16xf32> to vector<16xf32>
          %add3A_574 = arith.addf %add3A_558, %get3A_573 : vector<16xf32>
          %get3A_575 = arith.index_cast %add3A_569 : i32 to index
          %get3A_576 = arith.constant 16 : index
          %get3A_577 = tpu.vector_load %arg8[%get3A_575, %get3A_576] {strides = array<i32>} : memref<200x32xf32, #tpu.memory_space<vmem>>, vector<1x16xf32>,
          %get3A_578 = vector.shape_cast %get3A_577 : vector<1x16xf32> to vector<16xf32>
          %add3A_579 = arith.addf %add3A_563, %get3A_578 : vector<16xf32>
          %mul3A_580 = arith.constant 8 : i32
          %mul3A_581 = arith.muli %scan3A_498, %mul3A_580 : i32
          %add3A_582 = arith.constant 0 : i32
          %add3A_583 = arith.addi %add3A_582, %mul3A_581 : i32
          %add3A_584 = arith.constant 5 : i32
          %add3A_585 = arith.addi %add3A_583, %add3A_584 : i32
          %get3A_586 = arith.index_cast %add3A_585 : i32 to index
          %get3A_587 = arith.constant 0 : index
          %get3A_588 = tpu.vector_load %arg8[%get3A_586, %get3A_587] {strides = array<i32>} : memref<200x32xf32, #tpu.memory_space<vmem>>, vector<1x16xf32>,
          %get3A_589 = vector.shape_cast %get3A_588 : vector<1x16xf32> to vector<16xf32>
          %add3A_590 = arith.addf %add3A_574, %get3A_589 : vector<16xf32>
          %get3A_591 = arith.index_cast %add3A_585 : i32 to index
          %get3A_592 = arith.constant 16 : index
          %get3A_593 = tpu.vector_load %arg8[%get3A_591, %get3A_592] {strides = array<i32>} : memref<200x32xf32, #tpu.memory_space<vmem>>, vector<1x16xf32>,
          %get3A_594 = vector.shape_cast %get3A_593 : vector<1x16xf32> to vector<16xf32>
          %add3A_595 = arith.addf %add3A_579, %get3A_594 : vector<16xf32>
          %mul3A_596 = arith.constant 8 : i32
          %mul3A_597 = arith.muli %scan3A_498, %mul3A_596 : i32
          %add3A_598 = arith.constant 0 : i32
          %add3A_599 = arith.addi %add3A_598, %mul3A_597 : i32
          %add3A_600 = arith.constant 6 : i32
          %add3A_601 = arith.addi %add3A_599, %add3A_600 : i32
          %get3A_602 = arith.index_cast %add3A_601 : i32 to index
          %get3A_603 = arith.constant 0 : index
          %get3A_604 = tpu.vector_load %arg8[%get3A_602, %get3A_603] {strides = array<i32>} : memref<200x32xf32, #tpu.memory_space<vmem>>, vector<1x16xf32>,
          %get3A_605 = vector.shape_cast %get3A_604 : vector<1x16xf32> to vector<16xf32>
          %add3A_606 = arith.addf %add3A_590, %get3A_605 : vector<16xf32>
          %get3A_607 = arith.index_cast %add3A_601 : i32 to index
          %get3A_608 = arith.constant 16 : index
          %get3A_609 = tpu.vector_load %arg8[%get3A_607, %get3A_608] {strides = array<i32>} : memref<200x32xf32, #tpu.memory_space<vmem>>, vector<1x16xf32>,
          %get3A_610 = vector.shape_cast %get3A_609 : vector<1x16xf32> to vector<16xf32>
          %add3A_611 = arith.addf %add3A_595, %get3A_610 : vector<16xf32>
          %mul3A_612 = arith.constant 8 : i32
          %mul3A_613 = arith.muli %scan3A_498, %mul3A_612 : i32
          %add3A_614 = arith.constant 0 : i32
          %add3A_615 = arith.addi %add3A_614, %mul3A_613 : i32
          %add3A_616 = arith.constant 7 : i32
          %add3A_617 = arith.addi %add3A_615, %add3A_616 : i32
          %get3A_618 = arith.index_cast %add3A_617 : i32 to index
          %get3A_619 = arith.constant 0 : index
          %get3A_620 = tpu.vector_load %arg8[%get3A_618, %get3A_619] {strides = array<i32>} : memref<200x32xf32, #tpu.memory_space<vmem>>, vector<1x16xf32>,
          %get3A_621 = vector.shape_cast %get3A_620 : vector<1x16xf32> to vector<16xf32>
          %add3A_622 = arith.addf %add3A_606, %get3A_621 : vector<16xf32>
          %get3A_623 = arith.index_cast %add3A_617 : i32 to index
          %get3A_624 = arith.constant 16 : index
          %get3A_625 = tpu.vector_load %arg8[%get3A_623, %get3A_624] {strides = array<i32>} : memref<200x32xf32, #tpu.memory_space<vmem>>, vector<1x16xf32>,
          %get3A_626 = vector.shape_cast %get3A_625 : vector<1x16xf32> to vector<16xf32>
          %add3A_627 = arith.addf %add3A_611, %get3A_626 : vector<16xf32>
          scf.yield %add3A_622, %add3A_627 : vector<16xf32>, vector<16xf32>
        }
        %scan3A_195 = arith.constant 25 : i32
        %mul3A_196 = arith.constant 5.000000e-03 : f32
        %mul3A_197 = vector.broadcast %mul3A_196 : f32 to vector<16xf32>
        %mul3A_198 = arith.mulf %scan3A_194#0, %mul3A_197 : vector<16xf32>
        %add3A_199 = arith.constant 0 : i32
        %add3A_200 = arith.addi %add3A_189, %add3A_199 : i32
        %swap3A_201 = arith.index_cast %add3A_200 : i32 to index
        %swap3A_202 = arith.constant 0 : index
        %swap3A_203 = tpu.vector_load %arg15[%swap3A_201, %swap3A_202] {strides = array<i32>} : memref<512x32xf32, #tpu.memory_space<vmem>>, vector<1x16xf32>,
        %swap3A_204 = vector.shape_cast %swap3A_203 : vector<1x16xf32> to vector<16xf32>
        %swap3A_205 = vector.shape_cast %mul3A_198 : vector<16xf32> to vector<1x16xf32>
        tpu.vector_store %arg15[%swap3A_201, %swap3A_202], %swap3A_205 {strides = array<i32>} : memref<512x32xf32, #tpu.memory_space<vmem>>, vector<1x16xf32>,
        %mul3A_206 = arith.constant 5.000000e-03 : f32
        %mul3A_207 = vector.broadcast %mul3A_206 : f32 to vector<16xf32>
        %mul3A_208 = arith.mulf %scan3A_194#1, %mul3A_207 : vector<16xf32>
        %add3A_209 = arith.constant 0 : i32
        %add3A_210 = arith.addi %add3A_189, %add3A_209 : i32
        %swap3A_211 = arith.index_cast %add3A_210 : i32 to index
        %swap3A_212 = arith.constant 16 : index
        %swap3A_213 = tpu.vector_load %arg15[%swap3A_211, %swap3A_212] {strides = array<i32>} : memref<512x32xf32, #tpu.memory_space<vmem>>, vector<1x16xf32>,
        %swap3A_214 = vector.shape_cast %swap3A_213 : vector<1x16xf32> to vector<16xf32>
        %swap3A_215 = vector.shape_cast %mul3A_208 : vector<16xf32> to vector<1x16xf32>
        tpu.vector_store %arg15[%swap3A_211, %swap3A_212], %swap3A_215 {strides = array<i32>} : memref<512x32xf32, #tpu.memory_space<vmem>>, vector<1x16xf32>,
        %add3A_216 = arith.constant 8 : i32
        %add3A_217 = arith.addi %add3A_122, %add3A_216 : i32
        %add3A_218 = arith.constant 1 : i32
        %add3A_219 = arith.addi %add3A_217, %add3A_218 : i32
        %lt3A_220 = arith.constant 64 : i32
        %lt3A_221 = arith.cmpi slt, %add3A_219, %lt3A_220 : i32
        %convert_element_type3A_222 = arith.extui %lt3A_221 : i1 to i32
        %cond3A_223 = arith.constant 0 : i32
        %cond3A_224 = arith.cmpi ne, %convert_element_type3A_222, %cond3A_223 : i32
        scf.if %cond3A_224 {
          %add3A_498 = arith.constant 8 : i32
          %add3A_499 = arith.addi %add3A_122, %add3A_498 : i32
          %add3A_500 = arith.constant 1 : i32
          %add3A_501 = arith.addi %add3A_499, %add3A_500 : i32
          %mul3A_502 = arith.constant 200 : i32
          %mul3A_503 = arith.muli %add3A_501, %mul3A_502 : i32
          %dma_start3A_504 = tpu.memref_slice %arg6[%mul3A_503] : memref<12800xi32, #tpu.memory_space<vmem>> -> memref<200xi32, #tpu.memory_space<vmem>>
          %dma_start3A_505 = arith.constant 0 : i32
          %dma_start3A_506 = arith.constant 0 : i32
          %dma_start3A_507 = tpu.memref_slice %arg3[%dma_start3A_505, %dma_start3A_506] : memref<1000000x32xf32, #tpu.memory_space<hbm>> -> memref<1000000x32xf32, #tpu.memory_space<hbm>>
          tpu.enqueue_indirect_dma source(%dma_start3A_507 : memref<1000000x32xf32, #tpu.memory_space<hbm>>) target(%arg8 : memref<200x32xf32, #tpu.memory_space<vmem>>) offsets(%dma_start3A_504 : memref<200xi32, #tpu.memory_space<vmem>>) semaphore(%arg17 : memref<!tpu.dma_semaphore, #tpu.memory_space<semaphore_mem>>)
        } else {
        }
        %dma_wait3A_225 = arith.constant 0 : i32
        %dma_wait3A_226 = tpu.memref_slice %arg6[%dma_wait3A_225] : memref<12800xi32, #tpu.memory_space<vmem>> -> memref<200xi32, #tpu.memory_space<vmem>>
        %dma_wait3A_227 = arith.constant 0 : i32
        %dma_wait3A_228 = arith.constant 0 : i32
        %dma_wait3A_229 = tpu.memref_slice %arg3[%dma_wait3A_227, %dma_wait3A_228] : memref<1000000x32xf32, #tpu.memory_space<hbm>> -> memref<1000000x32xf32, #tpu.memory_space<hbm>>
        tpu.wait_indirect_dma semaphore(%arg18 : memref<!tpu.dma_semaphore, #tpu.memory_space<semaphore_mem>>) src(%dma_wait3A_229 : memref<1000000x32xf32, #tpu.memory_space<hbm>>) dst(%arg9 : memref<200x32xf32, #tpu.memory_space<vmem>>)
        %mul3A_230 = arith.constant 64 : i32
        %mul3A_231 = arith.muli %add3A_77, %mul3A_230 : i32
        %add3A_232 = arith.constant 2 : i32
        %add3A_233 = arith.addi %add3A_122, %add3A_232 : i32
        %mul3A_234 = arith.constant 1 : i32
        %mul3A_235 = arith.muli %add3A_233, %mul3A_234 : i32
        %add3A_236 = arith.addi %mul3A_231, %mul3A_235 : i32
        %scan3A_237 = arith.constant 0 : i32
        %scan3A_238 = arith.constant 25 : i32
        %scan3A_239 = arith.addi %scan3A_237, %scan3A_238 : i32
        %scan3A_240 = arith.constant 1 : i32
        %scan3A_241:2 = scf.for %scan3A_498 = %scan3A_237 to %scan3A_239 step %scan3A_240 iter_args(%scan3A_499 = %broadcast_in_dim3A_5, %scan3A_500 = %broadcast_in_dim3A_5) -> (vector<16xf32>, vector<16xf32>)  : i32 {
          %mul3A_501 = arith.constant 8 : i32
          %mul3A_502 = arith.muli %scan3A_498, %mul3A_501 : i32
          %add3A_503 = arith.constant 0 : i32
          %add3A_504 = arith.addi %add3A_503, %mul3A_502 : i32
          %add3A_505 = arith.constant 0 : i32
          %add3A_506 = arith.addi %add3A_504, %add3A_505 : i32
          %get3A = arith.index_cast %add3A_506 : i32 to index
          %get3A_507 = arith.constant 0 : index
          %get3A_508 = tpu.vector_load %arg9[%get3A, %get3A_507] {strides = array<i32>} : memref<200x32xf32, #tpu.memory_space<vmem>>, vector<1x16xf32>,
          %get3A_509 = vector.shape_cast %get3A_508 : vector<1x16xf32> to vector<16xf32>
          %add3A_510 = arith.addf %scan3A_499, %get3A_509 : vector<16xf32>
          %get3A_511 = arith.index_cast %add3A_506 : i32 to index
          %get3A_512 = arith.constant 16 : index
          %get3A_513 = tpu.vector_load %arg9[%get3A_511, %get3A_512] {strides = array<i32>} : memref<200x32xf32, #tpu.memory_space<vmem>>, vector<1x16xf32>,
          %get3A_514 = vector.shape_cast %get3A_513 : vector<1x16xf32> to vector<16xf32>
          %add3A_515 = arith.addf %scan3A_500, %get3A_514 : vector<16xf32>
          %mul3A_516 = arith.constant 8 : i32
          %mul3A_517 = arith.muli %scan3A_498, %mul3A_516 : i32
          %add3A_518 = arith.constant 0 : i32
          %add3A_519 = arith.addi %add3A_518, %mul3A_517 : i32
          %add3A_520 = arith.constant 1 : i32
          %add3A_521 = arith.addi %add3A_519, %add3A_520 : i32
          %get3A_522 = arith.index_cast %add3A_521 : i32 to index
          %get3A_523 = arith.constant 0 : index
          %get3A_524 = tpu.vector_load %arg9[%get3A_522, %get3A_523] {strides = array<i32>} : memref<200x32xf32, #tpu.memory_space<vmem>>, vector<1x16xf32>,
          %get3A_525 = vector.shape_cast %get3A_524 : vector<1x16xf32> to vector<16xf32>
          %add3A_526 = arith.addf %add3A_510, %get3A_525 : vector<16xf32>
          %get3A_527 = arith.index_cast %add3A_521 : i32 to index
          %get3A_528 = arith.constant 16 : index
          %get3A_529 = tpu.vector_load %arg9[%get3A_527, %get3A_528] {strides = array<i32>} : memref<200x32xf32, #tpu.memory_space<vmem>>, vector<1x16xf32>,
          %get3A_530 = vector.shape_cast %get3A_529 : vector<1x16xf32> to vector<16xf32>
          %add3A_531 = arith.addf %add3A_515, %get3A_530 : vector<16xf32>
          %mul3A_532 = arith.constant 8 : i32
          %mul3A_533 = arith.muli %scan3A_498, %mul3A_532 : i32
          %add3A_534 = arith.constant 0 : i32
          %add3A_535 = arith.addi %add3A_534, %mul3A_533 : i32
          %add3A_536 = arith.constant 2 : i32
          %add3A_537 = arith.addi %add3A_535, %add3A_536 : i32
          %get3A_538 = arith.index_cast %add3A_537 : i32 to index
          %get3A_539 = arith.constant 0 : index
          %get3A_540 = tpu.vector_load %arg9[%get3A_538, %get3A_539] {strides = array<i32>} : memref<200x32xf32, #tpu.memory_space<vmem>>, vector<1x16xf32>,
          %get3A_541 = vector.shape_cast %get3A_540 : vector<1x16xf32> to vector<16xf32>
          %add3A_542 = arith.addf %add3A_526, %get3A_541 : vector<16xf32>
          %get3A_543 = arith.index_cast %add3A_537 : i32 to index
          %get3A_544 = arith.constant 16 : index
          %get3A_545 = tpu.vector_load %arg9[%get3A_543, %get3A_544] {strides = array<i32>} : memref<200x32xf32, #tpu.memory_space<vmem>>, vector<1x16xf32>,
          %get3A_546 = vector.shape_cast %get3A_545 : vector<1x16xf32> to vector<16xf32>
          %add3A_547 = arith.addf %add3A_531, %get3A_546 : vector<16xf32>
          %mul3A_548 = arith.constant 8 : i32
          %mul3A_549 = arith.muli %scan3A_498, %mul3A_548 : i32
          %add3A_550 = arith.constant 0 : i32
          %add3A_551 = arith.addi %add3A_550, %mul3A_549 : i32
          %add3A_552 = arith.constant 3 : i32
          %add3A_553 = arith.addi %add3A_551, %add3A_552 : i32
          %get3A_554 = arith.index_cast %add3A_553 : i32 to index
          %get3A_555 = arith.constant 0 : index
          %get3A_556 = tpu.vector_load %arg9[%get3A_554, %get3A_555] {strides = array<i32>} : memref<200x32xf32, #tpu.memory_space<vmem>>, vector<1x16xf32>,
          %get3A_557 = vector.shape_cast %get3A_556 : vector<1x16xf32> to vector<16xf32>
          %add3A_558 = arith.addf %add3A_542, %get3A_557 : vector<16xf32>
          %get3A_559 = arith.index_cast %add3A_553 : i32 to index
          %get3A_560 = arith.constant 16 : index
          %get3A_561 = tpu.vector_load %arg9[%get3A_559, %get3A_560] {strides = array<i32>} : memref<200x32xf32, #tpu.memory_space<vmem>>, vector<1x16xf32>,
          %get3A_562 = vector.shape_cast %get3A_561 : vector<1x16xf32> to vector<16xf32>
          %add3A_563 = arith.addf %add3A_547, %get3A_562 : vector<16xf32>
          %mul3A_564 = arith.constant 8 : i32
          %mul3A_565 = arith.muli %scan3A_498, %mul3A_564 : i32
          %add3A_566 = arith.constant 0 : i32
          %add3A_567 = arith.addi %add3A_566, %mul3A_565 : i32
          %add3A_568 = arith.constant 4 : i32
          %add3A_569 = arith.addi %add3A_567, %add3A_568 : i32
          %get3A_570 = arith.index_cast %add3A_569 : i32 to index
          %get3A_571 = arith.constant 0 : index
          %get3A_572 = tpu.vector_load %arg9[%get3A_570, %get3A_571] {strides = array<i32>} : memref<200x32xf32, #tpu.memory_space<vmem>>, vector<1x16xf32>,
          %get3A_573 = vector.shape_cast %get3A_572 : vector<1x16xf32> to vector<16xf32>
          %add3A_574 = arith.addf %add3A_558, %get3A_573 : vector<16xf32>
          %get3A_575 = arith.index_cast %add3A_569 : i32 to index
          %get3A_576 = arith.constant 16 : index
          %get3A_577 = tpu.vector_load %arg9[%get3A_575, %get3A_576] {strides = array<i32>} : memref<200x32xf32, #tpu.memory_space<vmem>>, vector<1x16xf32>,
          %get3A_578 = vector.shape_cast %get3A_577 : vector<1x16xf32> to vector<16xf32>
          %add3A_579 = arith.addf %add3A_563, %get3A_578 : vector<16xf32>
          %mul3A_580 = arith.constant 8 : i32
          %mul3A_581 = arith.muli %scan3A_498, %mul3A_580 : i32
          %add3A_582 = arith.constant 0 : i32
          %add3A_583 = arith.addi %add3A_582, %mul3A_581 : i32
          %add3A_584 = arith.constant 5 : i32
          %add3A_585 = arith.addi %add3A_583, %add3A_584 : i32
          %get3A_586 = arith.index_cast %add3A_585 : i32 to index
          %get3A_587 = arith.constant 0 : index
          %get3A_588 = tpu.vector_load %arg9[%get3A_586, %get3A_587] {strides = array<i32>} : memref<200x32xf32, #tpu.memory_space<vmem>>, vector<1x16xf32>,
          %get3A_589 = vector.shape_cast %get3A_588 : vector<1x16xf32> to vector<16xf32>
          %add3A_590 = arith.addf %add3A_574, %get3A_589 : vector<16xf32>
          %get3A_591 = arith.index_cast %add3A_585 : i32 to index
          %get3A_592 = arith.constant 16 : index
          %get3A_593 = tpu.vector_load %arg9[%get3A_591, %get3A_592] {strides = array<i32>} : memref<200x32xf32, #tpu.memory_space<vmem>>, vector<1x16xf32>,
          %get3A_594 = vector.shape_cast %get3A_593 : vector<1x16xf32> to vector<16xf32>
          %add3A_595 = arith.addf %add3A_579, %get3A_594 : vector<16xf32>
          %mul3A_596 = arith.constant 8 : i32
          %mul3A_597 = arith.muli %scan3A_498, %mul3A_596 : i32
          %add3A_598 = arith.constant 0 : i32
          %add3A_599 = arith.addi %add3A_598, %mul3A_597 : i32
          %add3A_600 = arith.constant 6 : i32
          %add3A_601 = arith.addi %add3A_599, %add3A_600 : i32
          %get3A_602 = arith.index_cast %add3A_601 : i32 to index
          %get3A_603 = arith.constant 0 : index
          %get3A_604 = tpu.vector_load %arg9[%get3A_602, %get3A_603] {strides = array<i32>} : memref<200x32xf32, #tpu.memory_space<vmem>>, vector<1x16xf32>,
          %get3A_605 = vector.shape_cast %get3A_604 : vector<1x16xf32> to vector<16xf32>
          %add3A_606 = arith.addf %add3A_590, %get3A_605 : vector<16xf32>
          %get3A_607 = arith.index_cast %add3A_601 : i32 to index
          %get3A_608 = arith.constant 16 : index
          %get3A_609 = tpu.vector_load %arg9[%get3A_607, %get3A_608] {strides = array<i32>} : memref<200x32xf32, #tpu.memory_space<vmem>>, vector<1x16xf32>,
          %get3A_610 = vector.shape_cast %get3A_609 : vector<1x16xf32> to vector<16xf32>
          %add3A_611 = arith.addf %add3A_595, %get3A_610 : vector<16xf32>
          %mul3A_612 = arith.constant 8 : i32
          %mul3A_613 = arith.muli %scan3A_498, %mul3A_612 : i32
          %add3A_614 = arith.constant 0 : i32
          %add3A_615 = arith.addi %add3A_614, %mul3A_613 : i32
          %add3A_616 = arith.constant 7 : i32
          %add3A_617 = arith.addi %add3A_615, %add3A_616 : i32
          %get3A_618 = arith.index_cast %add3A_617 : i32 to index
          %get3A_619 = arith.constant 0 : index
          %get3A_620 = tpu.vector_load %arg9[%get3A_618, %get3A_619] {strides = array<i32>} : memref<200x32xf32, #tpu.memory_space<vmem>>, vector<1x16xf32>,
          %get3A_621 = vector.shape_cast %get3A_620 : vector<1x16xf32> to vector<16xf32>
          %add3A_622 = arith.addf %add3A_606, %get3A_621 : vector<16xf32>
          %get3A_623 = arith.index_cast %add3A_617 : i32 to index
          %get3A_624 = arith.constant 16 : index
          %get3A_625 = tpu.vector_load %arg9[%get3A_623, %get3A_624] {strides = array<i32>} : memref<200x32xf32, #tpu.memory_space<vmem>>, vector<1x16xf32>,
          %get3A_626 = vector.shape_cast %get3A_625 : vector<1x16xf32> to vector<16xf32>
          %add3A_627 = arith.addf %add3A_611, %get3A_626 : vector<16xf32>
          scf.yield %add3A_622, %add3A_627 : vector<16xf32>, vector<16xf32>
        }
        %scan3A_242 = arith.constant 25 : i32
        %mul3A_243 = arith.constant 5.000000e-03 : f32
        %mul3A_244 = vector.broadcast %mul3A_243 : f32 to vector<16xf32>
        %mul3A_245 = arith.mulf %scan3A_241#0, %mul3A_244 : vector<16xf32>
        %add3A_246 = arith.constant 0 : i32
        %add3A_247 = arith.addi %add3A_236, %add3A_246 : i32
        %swap3A_248 = arith.index_cast %add3A_247 : i32 to index
        %swap3A_249 = arith.constant 0 : index
        %swap3A_250 = tpu.vector_load %arg15[%swap3A_248, %swap3A_249] {strides = array<i32>} : memref<512x32xf32, #tpu.memory_space<vmem>>, vector<1x16xf32>,
        %swap3A_251 = vector.shape_cast %swap3A_250 : vector<1x16xf32> to vector<16xf32>
        %swap3A_252 = vector.shape_cast %mul3A_245 : vector<16xf32> to vector<1x16xf32>
        tpu.vector_store %arg15[%swap3A_248, %swap3A_249], %swap3A_252 {strides = array<i32>} : memref<512x32xf32, #tpu.memory_space<vmem>>, vector<1x16xf32>,
        %mul3A_253 = arith.constant 5.000000e-03 : f32
        %mul3A_254 = vector.broadcast %mul3A_253 : f32 to vector<16xf32>
        %mul3A_255 = arith.mulf %scan3A_241#1, %mul3A_254 : vector<16xf32>
        %add3A_256 = arith.constant 0 : i32
        %add3A_257 = arith.addi %add3A_236, %add3A_256 : i32
        %swap3A_258 = arith.index_cast %add3A_257 : i32 to index
        %swap3A_259 = arith.constant 16 : index
        %swap3A_260 = tpu.vector_load %arg15[%swap3A_258, %swap3A_259] {strides = array<i32>} : memref<512x32xf32, #tpu.memory_space<vmem>>, vector<1x16xf32>,
        %swap3A_261 = vector.shape_cast %swap3A_260 : vector<1x16xf32> to vector<16xf32>
        %swap3A_262 = vector.shape_cast %mul3A_255 : vector<16xf32> to vector<1x16xf32>
        tpu.vector_store %arg15[%swap3A_258, %swap3A_259], %swap3A_262 {strides = array<i32>} : memref<512x32xf32, #tpu.memory_space<vmem>>, vector<1x16xf32>,
        %add3A_263 = arith.constant 8 : i32
        %add3A_264 = arith.addi %add3A_122, %add3A_263 : i32
        %add3A_265 = arith.constant 2 : i32
        %add3A_266 = arith.addi %add3A_264, %add3A_265 : i32
        %lt3A_267 = arith.constant 64 : i32
        %lt3A_268 = arith.cmpi slt, %add3A_266, %lt3A_267 : i32
        %convert_element_type3A_269 = arith.extui %lt3A_268 : i1 to i32
        %cond3A_270 = arith.constant 0 : i32
        %cond3A_271 = arith.cmpi ne, %convert_element_type3A_269, %cond3A_270 : i32
        scf.if %cond3A_271 {
          %add3A_498 = arith.constant 8 : i32
          %add3A_499 = arith.addi %add3A_122, %add3A_498 : i32
          %add3A_500 = arith.constant 2 : i32
          %add3A_501 = arith.addi %add3A_499, %add3A_500 : i32
          %mul3A_502 = arith.constant 200 : i32
          %mul3A_503 = arith.muli %add3A_501, %mul3A_502 : i32
          %dma_start3A_504 = tpu.memref_slice %arg6[%mul3A_503] : memref<12800xi32, #tpu.memory_space<vmem>> -> memref<200xi32, #tpu.memory_space<vmem>>
          %dma_start3A_505 = arith.constant 0 : i32
          %dma_start3A_506 = arith.constant 0 : i32
          %dma_start3A_507 = tpu.memref_slice %arg3[%dma_start3A_505, %dma_start3A_506] : memref<1000000x32xf32, #tpu.memory_space<hbm>> -> memref<1000000x32xf32, #tpu.memory_space<hbm>>
          tpu.enqueue_indirect_dma source(%dma_start3A_507 : memref<1000000x32xf32, #tpu.memory_space<hbm>>) target(%arg9 : memref<200x32xf32, #tpu.memory_space<vmem>>) offsets(%dma_start3A_504 : memref<200xi32, #tpu.memory_space<vmem>>) semaphore(%arg18 : memref<!tpu.dma_semaphore, #tpu.memory_space<semaphore_mem>>)
        } else {
        }
        %dma_wait3A_272 = arith.constant 0 : i32
        %dma_wait3A_273 = tpu.memref_slice %arg6[%dma_wait3A_272] : memref<12800xi32, #tpu.memory_space<vmem>> -> memref<200xi32, #tpu.memory_space<vmem>>
        %dma_wait3A_274 = arith.constant 0 : i32
        %dma_wait3A_275 = arith.constant 0 : i32
        %dma_wait3A_276 = tpu.memref_slice %arg3[%dma_wait3A_274, %dma_wait3A_275] : memref<1000000x32xf32, #tpu.memory_space<hbm>> -> memref<1000000x32xf32, #tpu.memory_space<hbm>>
        tpu.wait_indirect_dma semaphore(%arg19 : memref<!tpu.dma_semaphore, #tpu.memory_space<semaphore_mem>>) src(%dma_wait3A_276 : memref<1000000x32xf32, #tpu.memory_space<hbm>>) dst(%arg10 : memref<200x32xf32, #tpu.memory_space<vmem>>)
        %mul3A_277 = arith.constant 64 : i32
        %mul3A_278 = arith.muli %add3A_77, %mul3A_277 : i32
        %add3A_279 = arith.constant 3 : i32
        %add3A_280 = arith.addi %add3A_122, %add3A_279 : i32
        %mul3A_281 = arith.constant 1 : i32
        %mul3A_282 = arith.muli %add3A_280, %mul3A_281 : i32
        %add3A_283 = arith.addi %mul3A_278, %mul3A_282 : i32
        %scan3A_284 = arith.constant 0 : i32
        %scan3A_285 = arith.constant 25 : i32
        %scan3A_286 = arith.addi %scan3A_284, %scan3A_285 : i32
        %scan3A_287 = arith.constant 1 : i32
        %scan3A_288:2 = scf.for %scan3A_498 = %scan3A_284 to %scan3A_286 step %scan3A_287 iter_args(%scan3A_499 = %broadcast_in_dim3A_5, %scan3A_500 = %broadcast_in_dim3A_5) -> (vector<16xf32>, vector<16xf32>)  : i32 {
          %mul3A_501 = arith.constant 8 : i32
          %mul3A_502 = arith.muli %scan3A_498, %mul3A_501 : i32
          %add3A_503 = arith.constant 0 : i32
          %add3A_504 = arith.addi %add3A_503, %mul3A_502 : i32
          %add3A_505 = arith.constant 0 : i32
          %add3A_506 = arith.addi %add3A_504, %add3A_505 : i32
          %get3A = arith.index_cast %add3A_506 : i32 to index
          %get3A_507 = arith.constant 0 : index
          %get3A_508 = tpu.vector_load %arg10[%get3A, %get3A_507] {strides = array<i32>} : memref<200x32xf32, #tpu.memory_space<vmem>>, vector<1x16xf32>,
          %get3A_509 = vector.shape_cast %get3A_508 : vector<1x16xf32> to vector<16xf32>
          %add3A_510 = arith.addf %scan3A_499, %get3A_509 : vector<16xf32>
          %get3A_511 = arith.index_cast %add3A_506 : i32 to index
          %get3A_512 = arith.constant 16 : index
          %get3A_513 = tpu.vector_load %arg10[%get3A_511, %get3A_512] {strides = array<i32>} : memref<200x32xf32, #tpu.memory_space<vmem>>, vector<1x16xf32>,
          %get3A_514 = vector.shape_cast %get3A_513 : vector<1x16xf32> to vector<16xf32>
          %add3A_515 = arith.addf %scan3A_500, %get3A_514 : vector<16xf32>
          %mul3A_516 = arith.constant 8 : i32
          %mul3A_517 = arith.muli %scan3A_498, %mul3A_516 : i32
          %add3A_518 = arith.constant 0 : i32
          %add3A_519 = arith.addi %add3A_518, %mul3A_517 : i32
          %add3A_520 = arith.constant 1 : i32
          %add3A_521 = arith.addi %add3A_519, %add3A_520 : i32
          %get3A_522 = arith.index_cast %add3A_521 : i32 to index
          %get3A_523 = arith.constant 0 : index
          %get3A_524 = tpu.vector_load %arg10[%get3A_522, %get3A_523] {strides = array<i32>} : memref<200x32xf32, #tpu.memory_space<vmem>>, vector<1x16xf32>,
          %get3A_525 = vector.shape_cast %get3A_524 : vector<1x16xf32> to vector<16xf32>
          %add3A_526 = arith.addf %add3A_510, %get3A_525 : vector<16xf32>
          %get3A_527 = arith.index_cast %add3A_521 : i32 to index
          %get3A_528 = arith.constant 16 : index
          %get3A_529 = tpu.vector_load %arg10[%get3A_527, %get3A_528] {strides = array<i32>} : memref<200x32xf32, #tpu.memory_space<vmem>>, vector<1x16xf32>,
          %get3A_530 = vector.shape_cast %get3A_529 : vector<1x16xf32> to vector<16xf32>
          %add3A_531 = arith.addf %add3A_515, %get3A_530 : vector<16xf32>
          %mul3A_532 = arith.constant 8 : i32
          %mul3A_533 = arith.muli %scan3A_498, %mul3A_532 : i32
          %add3A_534 = arith.constant 0 : i32
          %add3A_535 = arith.addi %add3A_534, %mul3A_533 : i32
          %add3A_536 = arith.constant 2 : i32
          %add3A_537 = arith.addi %add3A_535, %add3A_536 : i32
          %get3A_538 = arith.index_cast %add3A_537 : i32 to index
          %get3A_539 = arith.constant 0 : index
          %get3A_540 = tpu.vector_load %arg10[%get3A_538, %get3A_539] {strides = array<i32>} : memref<200x32xf32, #tpu.memory_space<vmem>>, vector<1x16xf32>,
          %get3A_541 = vector.shape_cast %get3A_540 : vector<1x16xf32> to vector<16xf32>
          %add3A_542 = arith.addf %add3A_526, %get3A_541 : vector<16xf32>
          %get3A_543 = arith.index_cast %add3A_537 : i32 to index
          %get3A_544 = arith.constant 16 : index
          %get3A_545 = tpu.vector_load %arg10[%get3A_543, %get3A_544] {strides = array<i32>} : memref<200x32xf32, #tpu.memory_space<vmem>>, vector<1x16xf32>,
          %get3A_546 = vector.shape_cast %get3A_545 : vector<1x16xf32> to vector<16xf32>
          %add3A_547 = arith.addf %add3A_531, %get3A_546 : vector<16xf32>
          %mul3A_548 = arith.constant 8 : i32
          %mul3A_549 = arith.muli %scan3A_498, %mul3A_548 : i32
          %add3A_550 = arith.constant 0 : i32
          %add3A_551 = arith.addi %add3A_550, %mul3A_549 : i32
          %add3A_552 = arith.constant 3 : i32
          %add3A_553 = arith.addi %add3A_551, %add3A_552 : i32
          %get3A_554 = arith.index_cast %add3A_553 : i32 to index
          %get3A_555 = arith.constant 0 : index
          %get3A_556 = tpu.vector_load %arg10[%get3A_554, %get3A_555] {strides = array<i32>} : memref<200x32xf32, #tpu.memory_space<vmem>>, vector<1x16xf32>,
          %get3A_557 = vector.shape_cast %get3A_556 : vector<1x16xf32> to vector<16xf32>
          %add3A_558 = arith.addf %add3A_542, %get3A_557 : vector<16xf32>
          %get3A_559 = arith.index_cast %add3A_553 : i32 to index
          %get3A_560 = arith.constant 16 : index
          %get3A_561 = tpu.vector_load %arg10[%get3A_559, %get3A_560] {strides = array<i32>} : memref<200x32xf32, #tpu.memory_space<vmem>>, vector<1x16xf32>,
          %get3A_562 = vector.shape_cast %get3A_561 : vector<1x16xf32> to vector<16xf32>
          %add3A_563 = arith.addf %add3A_547, %get3A_562 : vector<16xf32>
          %mul3A_564 = arith.constant 8 : i32
          %mul3A_565 = arith.muli %scan3A_498, %mul3A_564 : i32
          %add3A_566 = arith.constant 0 : i32
          %add3A_567 = arith.addi %add3A_566, %mul3A_565 : i32
          %add3A_568 = arith.constant 4 : i32
          %add3A_569 = arith.addi %add3A_567, %add3A_568 : i32
          %get3A_570 = arith.index_cast %add3A_569 : i32 to index
          %get3A_571 = arith.constant 0 : index
          %get3A_572 = tpu.vector_load %arg10[%get3A_570, %get3A_571] {strides = array<i32>} : memref<200x32xf32, #tpu.memory_space<vmem>>, vector<1x16xf32>,
          %get3A_573 = vector.shape_cast %get3A_572 : vector<1x16xf32> to vector<16xf32>
          %add3A_574 = arith.addf %add3A_558, %get3A_573 : vector<16xf32>
          %get3A_575 = arith.index_cast %add3A_569 : i32 to index
          %get3A_576 = arith.constant 16 : index
          %get3A_577 = tpu.vector_load %arg10[%get3A_575, %get3A_576] {strides = array<i32>} : memref<200x32xf32, #tpu.memory_space<vmem>>, vector<1x16xf32>,
          %get3A_578 = vector.shape_cast %get3A_577 : vector<1x16xf32> to vector<16xf32>
          %add3A_579 = arith.addf %add3A_563, %get3A_578 : vector<16xf32>
          %mul3A_580 = arith.constant 8 : i32
          %mul3A_581 = arith.muli %scan3A_498, %mul3A_580 : i32
          %add3A_582 = arith.constant 0 : i32
          %add3A_583 = arith.addi %add3A_582, %mul3A_581 : i32
          %add3A_584 = arith.constant 5 : i32
          %add3A_585 = arith.addi %add3A_583, %add3A_584 : i32
          %get3A_586 = arith.index_cast %add3A_585 : i32 to index
          %get3A_587 = arith.constant 0 : index
          %get3A_588 = tpu.vector_load %arg10[%get3A_586, %get3A_587] {strides = array<i32>} : memref<200x32xf32, #tpu.memory_space<vmem>>, vector<1x16xf32>,
          %get3A_589 = vector.shape_cast %get3A_588 : vector<1x16xf32> to vector<16xf32>
          %add3A_590 = arith.addf %add3A_574, %get3A_589 : vector<16xf32>
          %get3A_591 = arith.index_cast %add3A_585 : i32 to index
          %get3A_592 = arith.constant 16 : index
          %get3A_593 = tpu.vector_load %arg10[%get3A_591, %get3A_592] {strides = array<i32>} : memref<200x32xf32, #tpu.memory_space<vmem>>, vector<1x16xf32>,
          %get3A_594 = vector.shape_cast %get3A_593 : vector<1x16xf32> to vector<16xf32>
          %add3A_595 = arith.addf %add3A_579, %get3A_594 : vector<16xf32>
          %mul3A_596 = arith.constant 8 : i32
          %mul3A_597 = arith.muli %scan3A_498, %mul3A_596 : i32
          %add3A_598 = arith.constant 0 : i32
          %add3A_599 = arith.addi %add3A_598, %mul3A_597 : i32
          %add3A_600 = arith.constant 6 : i32
          %add3A_601 = arith.addi %add3A_599, %add3A_600 : i32
          %get3A_602 = arith.index_cast %add3A_601 : i32 to index
          %get3A_603 = arith.constant 0 : index
          %get3A_604 = tpu.vector_load %arg10[%get3A_602, %get3A_603] {strides = array<i32>} : memref<200x32xf32, #tpu.memory_space<vmem>>, vector<1x16xf32>,
          %get3A_605 = vector.shape_cast %get3A_604 : vector<1x16xf32> to vector<16xf32>
          %add3A_606 = arith.addf %add3A_590, %get3A_605 : vector<16xf32>
          %get3A_607 = arith.index_cast %add3A_601 : i32 to index
          %get3A_608 = arith.constant 16 : index
          %get3A_609 = tpu.vector_load %arg10[%get3A_607, %get3A_608] {strides = array<i32>} : memref<200x32xf32, #tpu.memory_space<vmem>>, vector<1x16xf32>,
          %get3A_610 = vector.shape_cast %get3A_609 : vector<1x16xf32> to vector<16xf32>
          %add3A_611 = arith.addf %add3A_595, %get3A_610 : vector<16xf32>
          %mul3A_612 = arith.constant 8 : i32
          %mul3A_613 = arith.muli %scan3A_498, %mul3A_612 : i32
          %add3A_614 = arith.constant 0 : i32
          %add3A_615 = arith.addi %add3A_614, %mul3A_613 : i32
          %add3A_616 = arith.constant 7 : i32
          %add3A_617 = arith.addi %add3A_615, %add3A_616 : i32
          %get3A_618 = arith.index_cast %add3A_617 : i32 to index
          %get3A_619 = arith.constant 0 : index
          %get3A_620 = tpu.vector_load %arg10[%get3A_618, %get3A_619] {strides = array<i32>} : memref<200x32xf32, #tpu.memory_space<vmem>>, vector<1x16xf32>,
          %get3A_621 = vector.shape_cast %get3A_620 : vector<1x16xf32> to vector<16xf32>
          %add3A_622 = arith.addf %add3A_606, %get3A_621 : vector<16xf32>
          %get3A_623 = arith.index_cast %add3A_617 : i32 to index
          %get3A_624 = arith.constant 16 : index
          %get3A_625 = tpu.vector_load %arg10[%get3A_623, %get3A_624] {strides = array<i32>} : memref<200x32xf32, #tpu.memory_space<vmem>>, vector<1x16xf32>,
          %get3A_626 = vector.shape_cast %get3A_625 : vector<1x16xf32> to vector<16xf32>
          %add3A_627 = arith.addf %add3A_611, %get3A_626 : vector<16xf32>
          scf.yield %add3A_622, %add3A_627 : vector<16xf32>, vector<16xf32>
        }
        %scan3A_289 = arith.constant 25 : i32
        %mul3A_290 = arith.constant 5.000000e-03 : f32
        %mul3A_291 = vector.broadcast %mul3A_290 : f32 to vector<16xf32>
        %mul3A_292 = arith.mulf %scan3A_288#0, %mul3A_291 : vector<16xf32>
        %add3A_293 = arith.constant 0 : i32
        %add3A_294 = arith.addi %add3A_283, %add3A_293 : i32
        %swap3A_295 = arith.index_cast %add3A_294 : i32 to index
        %swap3A_296 = arith.constant 0 : index
        %swap3A_297 = tpu.vector_load %arg15[%swap3A_295, %swap3A_296] {strides = array<i32>} : memref<512x32xf32, #tpu.memory_space<vmem>>, vector<1x16xf32>,
        %swap3A_298 = vector.shape_cast %swap3A_297 : vector<1x16xf32> to vector<16xf32>
        %swap3A_299 = vector.shape_cast %mul3A_292 : vector<16xf32> to vector<1x16xf32>
        tpu.vector_store %arg15[%swap3A_295, %swap3A_296], %swap3A_299 {strides = array<i32>} : memref<512x32xf32, #tpu.memory_space<vmem>>, vector<1x16xf32>,
        %mul3A_300 = arith.constant 5.000000e-03 : f32
        %mul3A_301 = vector.broadcast %mul3A_300 : f32 to vector<16xf32>
        %mul3A_302 = arith.mulf %scan3A_288#1, %mul3A_301 : vector<16xf32>
        %add3A_303 = arith.constant 0 : i32
        %add3A_304 = arith.addi %add3A_283, %add3A_303 : i32
        %swap3A_305 = arith.index_cast %add3A_304 : i32 to index
        %swap3A_306 = arith.constant 16 : index
        %swap3A_307 = tpu.vector_load %arg15[%swap3A_305, %swap3A_306] {strides = array<i32>} : memref<512x32xf32, #tpu.memory_space<vmem>>, vector<1x16xf32>,
        %swap3A_308 = vector.shape_cast %swap3A_307 : vector<1x16xf32> to vector<16xf32>
        %swap3A_309 = vector.shape_cast %mul3A_302 : vector<16xf32> to vector<1x16xf32>
        tpu.vector_store %arg15[%swap3A_305, %swap3A_306], %swap3A_309 {strides = array<i32>} : memref<512x32xf32, #tpu.memory_space<vmem>>, vector<1x16xf32>,
        %add3A_310 = arith.constant 8 : i32
        %add3A_311 = arith.addi %add3A_122, %add3A_310 : i32
        %add3A_312 = arith.constant 3 : i32
        %add3A_313 = arith.addi %add3A_311, %add3A_312 : i32
        %lt3A_314 = arith.constant 64 : i32
        %lt3A_315 = arith.cmpi slt, %add3A_313, %lt3A_314 : i32
        %convert_element_type3A_316 = arith.extui %lt3A_315 : i1 to i32
        %cond3A_317 = arith.constant 0 : i32
        %cond3A_318 = arith.cmpi ne, %convert_element_type3A_316, %cond3A_317 : i32
        scf.if %cond3A_318 {
          %add3A_498 = arith.constant 8 : i32
          %add3A_499 = arith.addi %add3A_122, %add3A_498 : i32
          %add3A_500 = arith.constant 3 : i32
          %add3A_501 = arith.addi %add3A_499, %add3A_500 : i32
          %mul3A_502 = arith.constant 200 : i32
          %mul3A_503 = arith.muli %add3A_501, %mul3A_502 : i32
          %dma_start3A_504 = tpu.memref_slice %arg6[%mul3A_503] : memref<12800xi32, #tpu.memory_space<vmem>> -> memref<200xi32, #tpu.memory_space<vmem>>
          %dma_start3A_505 = arith.constant 0 : i32
          %dma_start3A_506 = arith.constant 0 : i32
          %dma_start3A_507 = tpu.memref_slice %arg3[%dma_start3A_505, %dma_start3A_506] : memref<1000000x32xf32, #tpu.memory_space<hbm>> -> memref<1000000x32xf32, #tpu.memory_space<hbm>>
          tpu.enqueue_indirect_dma source(%dma_start3A_507 : memref<1000000x32xf32, #tpu.memory_space<hbm>>) target(%arg10 : memref<200x32xf32, #tpu.memory_space<vmem>>) offsets(%dma_start3A_504 : memref<200xi32, #tpu.memory_space<vmem>>) semaphore(%arg19 : memref<!tpu.dma_semaphore, #tpu.memory_space<semaphore_mem>>)
        } else {
        }
        %dma_wait3A_319 = arith.constant 0 : i32
        %dma_wait3A_320 = tpu.memref_slice %arg6[%dma_wait3A_319] : memref<12800xi32, #tpu.memory_space<vmem>> -> memref<200xi32, #tpu.memory_space<vmem>>
        %dma_wait3A_321 = arith.constant 0 : i32
        %dma_wait3A_322 = arith.constant 0 : i32
        %dma_wait3A_323 = tpu.memref_slice %arg3[%dma_wait3A_321, %dma_wait3A_322] : memref<1000000x32xf32, #tpu.memory_space<hbm>> -> memref<1000000x32xf32, #tpu.memory_space<hbm>>
        tpu.wait_indirect_dma semaphore(%arg20 : memref<!tpu.dma_semaphore, #tpu.memory_space<semaphore_mem>>) src(%dma_wait3A_323 : memref<1000000x32xf32, #tpu.memory_space<hbm>>) dst(%arg11 : memref<200x32xf32, #tpu.memory_space<vmem>>)
        %mul3A_324 = arith.constant 64 : i32
        %mul3A_325 = arith.muli %add3A_77, %mul3A_324 : i32
        %add3A_326 = arith.constant 4 : i32
        %add3A_327 = arith.addi %add3A_122, %add3A_326 : i32
        %mul3A_328 = arith.constant 1 : i32
        %mul3A_329 = arith.muli %add3A_327, %mul3A_328 : i32
        %add3A_330 = arith.addi %mul3A_325, %mul3A_329 : i32
        %scan3A_331 = arith.constant 0 : i32
        %scan3A_332 = arith.constant 25 : i32
        %scan3A_333 = arith.addi %scan3A_331, %scan3A_332 : i32
        %scan3A_334 = arith.constant 1 : i32
        %scan3A_335:2 = scf.for %scan3A_498 = %scan3A_331 to %scan3A_333 step %scan3A_334 iter_args(%scan3A_499 = %broadcast_in_dim3A_5, %scan3A_500 = %broadcast_in_dim3A_5) -> (vector<16xf32>, vector<16xf32>)  : i32 {
          %mul3A_501 = arith.constant 8 : i32
          %mul3A_502 = arith.muli %scan3A_498, %mul3A_501 : i32
          %add3A_503 = arith.constant 0 : i32
          %add3A_504 = arith.addi %add3A_503, %mul3A_502 : i32
          %add3A_505 = arith.constant 0 : i32
          %add3A_506 = arith.addi %add3A_504, %add3A_505 : i32
          %get3A = arith.index_cast %add3A_506 : i32 to index
          %get3A_507 = arith.constant 0 : index
          %get3A_508 = tpu.vector_load %arg11[%get3A, %get3A_507] {strides = array<i32>} : memref<200x32xf32, #tpu.memory_space<vmem>>, vector<1x16xf32>,
          %get3A_509 = vector.shape_cast %get3A_508 : vector<1x16xf32> to vector<16xf32>
          %add3A_510 = arith.addf %scan3A_499, %get3A_509 : vector<16xf32>
          %get3A_511 = arith.index_cast %add3A_506 : i32 to index
          %get3A_512 = arith.constant 16 : index
          %get3A_513 = tpu.vector_load %arg11[%get3A_511, %get3A_512] {strides = array<i32>} : memref<200x32xf32, #tpu.memory_space<vmem>>, vector<1x16xf32>,
          %get3A_514 = vector.shape_cast %get3A_513 : vector<1x16xf32> to vector<16xf32>
          %add3A_515 = arith.addf %scan3A_500, %get3A_514 : vector<16xf32>
          %mul3A_516 = arith.constant 8 : i32
          %mul3A_517 = arith.muli %scan3A_498, %mul3A_516 : i32
          %add3A_518 = arith.constant 0 : i32
          %add3A_519 = arith.addi %add3A_518, %mul3A_517 : i32
          %add3A_520 = arith.constant 1 : i32
          %add3A_521 = arith.addi %add3A_519, %add3A_520 : i32
          %get3A_522 = arith.index_cast %add3A_521 : i32 to index
          %get3A_523 = arith.constant 0 : index
          %get3A_524 = tpu.vector_load %arg11[%get3A_522, %get3A_523] {strides = array<i32>} : memref<200x32xf32, #tpu.memory_space<vmem>>, vector<1x16xf32>,
          %get3A_525 = vector.shape_cast %get3A_524 : vector<1x16xf32> to vector<16xf32>
          %add3A_526 = arith.addf %add3A_510, %get3A_525 : vector<16xf32>
          %get3A_527 = arith.index_cast %add3A_521 : i32 to index
          %get3A_528 = arith.constant 16 : index
          %get3A_529 = tpu.vector_load %arg11[%get3A_527, %get3A_528] {strides = array<i32>} : memref<200x32xf32, #tpu.memory_space<vmem>>, vector<1x16xf32>,
          %get3A_530 = vector.shape_cast %get3A_529 : vector<1x16xf32> to vector<16xf32>
          %add3A_531 = arith.addf %add3A_515, %get3A_530 : vector<16xf32>
          %mul3A_532 = arith.constant 8 : i32
          %mul3A_533 = arith.muli %scan3A_498, %mul3A_532 : i32
          %add3A_534 = arith.constant 0 : i32
          %add3A_535 = arith.addi %add3A_534, %mul3A_533 : i32
          %add3A_536 = arith.constant 2 : i32
          %add3A_537 = arith.addi %add3A_535, %add3A_536 : i32
          %get3A_538 = arith.index_cast %add3A_537 : i32 to index
          %get3A_539 = arith.constant 0 : index
          %get3A_540 = tpu.vector_load %arg11[%get3A_538, %get3A_539] {strides = array<i32>} : memref<200x32xf32, #tpu.memory_space<vmem>>, vector<1x16xf32>,
          %get3A_541 = vector.shape_cast %get3A_540 : vector<1x16xf32> to vector<16xf32>
          %add3A_542 = arith.addf %add3A_526, %get3A_541 : vector<16xf32>
          %get3A_543 = arith.index_cast %add3A_537 : i32 to index
          %get3A_544 = arith.constant 16 : index
          %get3A_545 = tpu.vector_load %arg11[%get3A_543, %get3A_544] {strides = array<i32>} : memref<200x32xf32, #tpu.memory_space<vmem>>, vector<1x16xf32>,
          %get3A_546 = vector.shape_cast %get3A_545 : vector<1x16xf32> to vector<16xf32>
          %add3A_547 = arith.addf %add3A_531, %get3A_546 : vector<16xf32>
          %mul3A_548 = arith.constant 8 : i32
          %mul3A_549 = arith.muli %scan3A_498, %mul3A_548 : i32
          %add3A_550 = arith.constant 0 : i32
          %add3A_551 = arith.addi %add3A_550, %mul3A_549 : i32
          %add3A_552 = arith.constant 3 : i32
          %add3A_553 = arith.addi %add3A_551, %add3A_552 : i32
          %get3A_554 = arith.index_cast %add3A_553 : i32 to index
          %get3A_555 = arith.constant 0 : index
          %get3A_556 = tpu.vector_load %arg11[%get3A_554, %get3A_555] {strides = array<i32>} : memref<200x32xf32, #tpu.memory_space<vmem>>, vector<1x16xf32>,
          %get3A_557 = vector.shape_cast %get3A_556 : vector<1x16xf32> to vector<16xf32>
          %add3A_558 = arith.addf %add3A_542, %get3A_557 : vector<16xf32>
          %get3A_559 = arith.index_cast %add3A_553 : i32 to index
          %get3A_560 = arith.constant 16 : index
          %get3A_561 = tpu.vector_load %arg11[%get3A_559, %get3A_560] {strides = array<i32>} : memref<200x32xf32, #tpu.memory_space<vmem>>, vector<1x16xf32>,
          %get3A_562 = vector.shape_cast %get3A_561 : vector<1x16xf32> to vector<16xf32>
          %add3A_563 = arith.addf %add3A_547, %get3A_562 : vector<16xf32>
          %mul3A_564 = arith.constant 8 : i32
          %mul3A_565 = arith.muli %scan3A_498, %mul3A_564 : i32
          %add3A_566 = arith.constant 0 : i32
          %add3A_567 = arith.addi %add3A_566, %mul3A_565 : i32
          %add3A_568 = arith.constant 4 : i32
          %add3A_569 = arith.addi %add3A_567, %add3A_568 : i32
          %get3A_570 = arith.index_cast %add3A_569 : i32 to index
          %get3A_571 = arith.constant 0 : index
          %get3A_572 = tpu.vector_load %arg11[%get3A_570, %get3A_571] {strides = array<i32>} : memref<200x32xf32, #tpu.memory_space<vmem>>, vector<1x16xf32>,
          %get3A_573 = vector.shape_cast %get3A_572 : vector<1x16xf32> to vector<16xf32>
          %add3A_574 = arith.addf %add3A_558, %get3A_573 : vector<16xf32>
          %get3A_575 = arith.index_cast %add3A_569 : i32 to index
          %get3A_576 = arith.constant 16 : index
          %get3A_577 = tpu.vector_load %arg11[%get3A_575, %get3A_576] {strides = array<i32>} : memref<200x32xf32, #tpu.memory_space<vmem>>, vector<1x16xf32>,
          %get3A_578 = vector.shape_cast %get3A_577 : vector<1x16xf32> to vector<16xf32>
          %add3A_579 = arith.addf %add3A_563, %get3A_578 : vector<16xf32>
          %mul3A_580 = arith.constant 8 : i32
          %mul3A_581 = arith.muli %scan3A_498, %mul3A_580 : i32
          %add3A_582 = arith.constant 0 : i32
          %add3A_583 = arith.addi %add3A_582, %mul3A_581 : i32
          %add3A_584 = arith.constant 5 : i32
          %add3A_585 = arith.addi %add3A_583, %add3A_584 : i32
          %get3A_586 = arith.index_cast %add3A_585 : i32 to index
          %get3A_587 = arith.constant 0 : index
          %get3A_588 = tpu.vector_load %arg11[%get3A_586, %get3A_587] {strides = array<i32>} : memref<200x32xf32, #tpu.memory_space<vmem>>, vector<1x16xf32>,
          %get3A_589 = vector.shape_cast %get3A_588 : vector<1x16xf32> to vector<16xf32>
          %add3A_590 = arith.addf %add3A_574, %get3A_589 : vector<16xf32>
          %get3A_591 = arith.index_cast %add3A_585 : i32 to index
          %get3A_592 = arith.constant 16 : index
          %get3A_593 = tpu.vector_load %arg11[%get3A_591, %get3A_592] {strides = array<i32>} : memref<200x32xf32, #tpu.memory_space<vmem>>, vector<1x16xf32>,
          %get3A_594 = vector.shape_cast %get3A_593 : vector<1x16xf32> to vector<16xf32>
          %add3A_595 = arith.addf %add3A_579, %get3A_594 : vector<16xf32>
          %mul3A_596 = arith.constant 8 : i32
          %mul3A_597 = arith.muli %scan3A_498, %mul3A_596 : i32
          %add3A_598 = arith.constant 0 : i32
          %add3A_599 = arith.addi %add3A_598, %mul3A_597 : i32
          %add3A_600 = arith.constant 6 : i32
          %add3A_601 = arith.addi %add3A_599, %add3A_600 : i32
          %get3A_602 = arith.index_cast %add3A_601 : i32 to index
          %get3A_603 = arith.constant 0 : index
          %get3A_604 = tpu.vector_load %arg11[%get3A_602, %get3A_603] {strides = array<i32>} : memref<200x32xf32, #tpu.memory_space<vmem>>, vector<1x16xf32>,
          %get3A_605 = vector.shape_cast %get3A_604 : vector<1x16xf32> to vector<16xf32>
          %add3A_606 = arith.addf %add3A_590, %get3A_605 : vector<16xf32>
          %get3A_607 = arith.index_cast %add3A_601 : i32 to index
          %get3A_608 = arith.constant 16 : index
          %get3A_609 = tpu.vector_load %arg11[%get3A_607, %get3A_608] {strides = array<i32>} : memref<200x32xf32, #tpu.memory_space<vmem>>, vector<1x16xf32>,
          %get3A_610 = vector.shape_cast %get3A_609 : vector<1x16xf32> to vector<16xf32>
          %add3A_611 = arith.addf %add3A_595, %get3A_610 : vector<16xf32>
          %mul3A_612 = arith.constant 8 : i32
          %mul3A_613 = arith.muli %scan3A_498, %mul3A_612 : i32
          %add3A_614 = arith.constant 0 : i32
          %add3A_615 = arith.addi %add3A_614, %mul3A_613 : i32
          %add3A_616 = arith.constant 7 : i32
          %add3A_617 = arith.addi %add3A_615, %add3A_616 : i32
          %get3A_618 = arith.index_cast %add3A_617 : i32 to index
          %get3A_619 = arith.constant 0 : index
          %get3A_620 = tpu.vector_load %arg11[%get3A_618, %get3A_619] {strides = array<i32>} : memref<200x32xf32, #tpu.memory_space<vmem>>, vector<1x16xf32>,
          %get3A_621 = vector.shape_cast %get3A_620 : vector<1x16xf32> to vector<16xf32>
          %add3A_622 = arith.addf %add3A_606, %get3A_621 : vector<16xf32>
          %get3A_623 = arith.index_cast %add3A_617 : i32 to index
          %get3A_624 = arith.constant 16 : index
          %get3A_625 = tpu.vector_load %arg11[%get3A_623, %get3A_624] {strides = array<i32>} : memref<200x32xf32, #tpu.memory_space<vmem>>, vector<1x16xf32>,
          %get3A_626 = vector.shape_cast %get3A_625 : vector<1x16xf32> to vector<16xf32>
          %add3A_627 = arith.addf %add3A_611, %get3A_626 : vector<16xf32>
          scf.yield %add3A_622, %add3A_627 : vector<16xf32>, vector<16xf32>
        }
        %scan3A_336 = arith.constant 25 : i32
        %mul3A_337 = arith.constant 5.000000e-03 : f32
        %mul3A_338 = vector.broadcast %mul3A_337 : f32 to vector<16xf32>
        %mul3A_339 = arith.mulf %scan3A_335#0, %mul3A_338 : vector<16xf32>
        %add3A_340 = arith.constant 0 : i32
        %add3A_341 = arith.addi %add3A_330, %add3A_340 : i32
        %swap3A_342 = arith.index_cast %add3A_341 : i32 to index
        %swap3A_343 = arith.constant 0 : index
        %swap3A_344 = tpu.vector_load %arg15[%swap3A_342, %swap3A_343] {strides = array<i32>} : memref<512x32xf32, #tpu.memory_space<vmem>>, vector<1x16xf32>,
        %swap3A_345 = vector.shape_cast %swap3A_344 : vector<1x16xf32> to vector<16xf32>
        %swap3A_346 = vector.shape_cast %mul3A_339 : vector<16xf32> to vector<1x16xf32>
        tpu.vector_store %arg15[%swap3A_342, %swap3A_343], %swap3A_346 {strides = array<i32>} : memref<512x32xf32, #tpu.memory_space<vmem>>, vector<1x16xf32>,
        %mul3A_347 = arith.constant 5.000000e-03 : f32
        %mul3A_348 = vector.broadcast %mul3A_347 : f32 to vector<16xf32>
        %mul3A_349 = arith.mulf %scan3A_335#1, %mul3A_348 : vector<16xf32>
        %add3A_350 = arith.constant 0 : i32
        %add3A_351 = arith.addi %add3A_330, %add3A_350 : i32
        %swap3A_352 = arith.index_cast %add3A_351 : i32 to index
        %swap3A_353 = arith.constant 16 : index
        %swap3A_354 = tpu.vector_load %arg15[%swap3A_352, %swap3A_353] {strides = array<i32>} : memref<512x32xf32, #tpu.memory_space<vmem>>, vector<1x16xf32>,
        %swap3A_355 = vector.shape_cast %swap3A_354 : vector<1x16xf32> to vector<16xf32>
        %swap3A_356 = vector.shape_cast %mul3A_349 : vector<16xf32> to vector<1x16xf32>
        tpu.vector_store %arg15[%swap3A_352, %swap3A_353], %swap3A_356 {strides = array<i32>} : memref<512x32xf32, #tpu.memory_space<vmem>>, vector<1x16xf32>,
        %add3A_357 = arith.constant 8 : i32
        %add3A_358 = arith.addi %add3A_122, %add3A_357 : i32
        %add3A_359 = arith.constant 4 : i32
        %add3A_360 = arith.addi %add3A_358, %add3A_359 : i32
        %lt3A_361 = arith.constant 64 : i32
        %lt3A_362 = arith.cmpi slt, %add3A_360, %lt3A_361 : i32
        %convert_element_type3A_363 = arith.extui %lt3A_362 : i1 to i32
        %cond3A_364 = arith.constant 0 : i32
        %cond3A_365 = arith.cmpi ne, %convert_element_type3A_363, %cond3A_364 : i32
        scf.if %cond3A_365 {
          %add3A_498 = arith.constant 8 : i32
          %add3A_499 = arith.addi %add3A_122, %add3A_498 : i32
          %add3A_500 = arith.constant 4 : i32
          %add3A_501 = arith.addi %add3A_499, %add3A_500 : i32
          %mul3A_502 = arith.constant 200 : i32
          %mul3A_503 = arith.muli %add3A_501, %mul3A_502 : i32
          %dma_start3A_504 = tpu.memref_slice %arg6[%mul3A_503] : memref<12800xi32, #tpu.memory_space<vmem>> -> memref<200xi32, #tpu.memory_space<vmem>>
          %dma_start3A_505 = arith.constant 0 : i32
          %dma_start3A_506 = arith.constant 0 : i32
          %dma_start3A_507 = tpu.memref_slice %arg3[%dma_start3A_505, %dma_start3A_506] : memref<1000000x32xf32, #tpu.memory_space<hbm>> -> memref<1000000x32xf32, #tpu.memory_space<hbm>>
          tpu.enqueue_indirect_dma source(%dma_start3A_507 : memref<1000000x32xf32, #tpu.memory_space<hbm>>) target(%arg11 : memref<200x32xf32, #tpu.memory_space<vmem>>) offsets(%dma_start3A_504 : memref<200xi32, #tpu.memory_space<vmem>>) semaphore(%arg20 : memref<!tpu.dma_semaphore, #tpu.memory_space<semaphore_mem>>)
        } else {
        }
        %dma_wait3A_366 = arith.constant 0 : i32
        %dma_wait3A_367 = tpu.memref_slice %arg6[%dma_wait3A_366] : memref<12800xi32, #tpu.memory_space<vmem>> -> memref<200xi32, #tpu.memory_space<vmem>>
        %dma_wait3A_368 = arith.constant 0 : i32
        %dma_wait3A_369 = arith.constant 0 : i32
        %dma_wait3A_370 = tpu.memref_slice %arg3[%dma_wait3A_368, %dma_wait3A_369] : memref<1000000x32xf32, #tpu.memory_space<hbm>> -> memref<1000000x32xf32, #tpu.memory_space<hbm>>
        tpu.wait_indirect_dma semaphore(%arg21 : memref<!tpu.dma_semaphore, #tpu.memory_space<semaphore_mem>>) src(%dma_wait3A_370 : memref<1000000x32xf32, #tpu.memory_space<hbm>>) dst(%arg12 : memref<200x32xf32, #tpu.memory_space<vmem>>)
        %mul3A_371 = arith.constant 64 : i32
        %mul3A_372 = arith.muli %add3A_77, %mul3A_371 : i32
        %add3A_373 = arith.constant 5 : i32
        %add3A_374 = arith.addi %add3A_122, %add3A_373 : i32
        %mul3A_375 = arith.constant 1 : i32
        %mul3A_376 = arith.muli %add3A_374, %mul3A_375 : i32
        %add3A_377 = arith.addi %mul3A_372, %mul3A_376 : i32
        %scan3A_378 = arith.constant 0 : i32
        %scan3A_379 = arith.constant 25 : i32
        %scan3A_380 = arith.addi %scan3A_378, %scan3A_379 : i32
        %scan3A_381 = arith.constant 1 : i32
        %scan3A_382:2 = scf.for %scan3A_498 = %scan3A_378 to %scan3A_380 step %scan3A_381 iter_args(%scan3A_499 = %broadcast_in_dim3A_5, %scan3A_500 = %broadcast_in_dim3A_5) -> (vector<16xf32>, vector<16xf32>)  : i32 {
          %mul3A_501 = arith.constant 8 : i32
          %mul3A_502 = arith.muli %scan3A_498, %mul3A_501 : i32
          %add3A_503 = arith.constant 0 : i32
          %add3A_504 = arith.addi %add3A_503, %mul3A_502 : i32
          %add3A_505 = arith.constant 0 : i32
          %add3A_506 = arith.addi %add3A_504, %add3A_505 : i32
          %get3A = arith.index_cast %add3A_506 : i32 to index
          %get3A_507 = arith.constant 0 : index
          %get3A_508 = tpu.vector_load %arg12[%get3A, %get3A_507] {strides = array<i32>} : memref<200x32xf32, #tpu.memory_space<vmem>>, vector<1x16xf32>,
          %get3A_509 = vector.shape_cast %get3A_508 : vector<1x16xf32> to vector<16xf32>
          %add3A_510 = arith.addf %scan3A_499, %get3A_509 : vector<16xf32>
          %get3A_511 = arith.index_cast %add3A_506 : i32 to index
          %get3A_512 = arith.constant 16 : index
          %get3A_513 = tpu.vector_load %arg12[%get3A_511, %get3A_512] {strides = array<i32>} : memref<200x32xf32, #tpu.memory_space<vmem>>, vector<1x16xf32>,
          %get3A_514 = vector.shape_cast %get3A_513 : vector<1x16xf32> to vector<16xf32>
          %add3A_515 = arith.addf %scan3A_500, %get3A_514 : vector<16xf32>
          %mul3A_516 = arith.constant 8 : i32
          %mul3A_517 = arith.muli %scan3A_498, %mul3A_516 : i32
          %add3A_518 = arith.constant 0 : i32
          %add3A_519 = arith.addi %add3A_518, %mul3A_517 : i32
          %add3A_520 = arith.constant 1 : i32
          %add3A_521 = arith.addi %add3A_519, %add3A_520 : i32
          %get3A_522 = arith.index_cast %add3A_521 : i32 to index
          %get3A_523 = arith.constant 0 : index
          %get3A_524 = tpu.vector_load %arg12[%get3A_522, %get3A_523] {strides = array<i32>} : memref<200x32xf32, #tpu.memory_space<vmem>>, vector<1x16xf32>,
          %get3A_525 = vector.shape_cast %get3A_524 : vector<1x16xf32> to vector<16xf32>
          %add3A_526 = arith.addf %add3A_510, %get3A_525 : vector<16xf32>
          %get3A_527 = arith.index_cast %add3A_521 : i32 to index
          %get3A_528 = arith.constant 16 : index
          %get3A_529 = tpu.vector_load %arg12[%get3A_527, %get3A_528] {strides = array<i32>} : memref<200x32xf32, #tpu.memory_space<vmem>>, vector<1x16xf32>,
          %get3A_530 = vector.shape_cast %get3A_529 : vector<1x16xf32> to vector<16xf32>
          %add3A_531 = arith.addf %add3A_515, %get3A_530 : vector<16xf32>
          %mul3A_532 = arith.constant 8 : i32
          %mul3A_533 = arith.muli %scan3A_498, %mul3A_532 : i32
          %add3A_534 = arith.constant 0 : i32
          %add3A_535 = arith.addi %add3A_534, %mul3A_533 : i32
          %add3A_536 = arith.constant 2 : i32
          %add3A_537 = arith.addi %add3A_535, %add3A_536 : i32
          %get3A_538 = arith.index_cast %add3A_537 : i32 to index
          %get3A_539 = arith.constant 0 : index
          %get3A_540 = tpu.vector_load %arg12[%get3A_538, %get3A_539] {strides = array<i32>} : memref<200x32xf32, #tpu.memory_space<vmem>>, vector<1x16xf32>,
          %get3A_541 = vector.shape_cast %get3A_540 : vector<1x16xf32> to vector<16xf32>
          %add3A_542 = arith.addf %add3A_526, %get3A_541 : vector<16xf32>
          %get3A_543 = arith.index_cast %add3A_537 : i32 to index
          %get3A_544 = arith.constant 16 : index
          %get3A_545 = tpu.vector_load %arg12[%get3A_543, %get3A_544] {strides = array<i32>} : memref<200x32xf32, #tpu.memory_space<vmem>>, vector<1x16xf32>,
          %get3A_546 = vector.shape_cast %get3A_545 : vector<1x16xf32> to vector<16xf32>
          %add3A_547 = arith.addf %add3A_531, %get3A_546 : vector<16xf32>
          %mul3A_548 = arith.constant 8 : i32
          %mul3A_549 = arith.muli %scan3A_498, %mul3A_548 : i32
          %add3A_550 = arith.constant 0 : i32
          %add3A_551 = arith.addi %add3A_550, %mul3A_549 : i32
          %add3A_552 = arith.constant 3 : i32
          %add3A_553 = arith.addi %add3A_551, %add3A_552 : i32
          %get3A_554 = arith.index_cast %add3A_553 : i32 to index
          %get3A_555 = arith.constant 0 : index
          %get3A_556 = tpu.vector_load %arg12[%get3A_554, %get3A_555] {strides = array<i32>} : memref<200x32xf32, #tpu.memory_space<vmem>>, vector<1x16xf32>,
          %get3A_557 = vector.shape_cast %get3A_556 : vector<1x16xf32> to vector<16xf32>
          %add3A_558 = arith.addf %add3A_542, %get3A_557 : vector<16xf32>
          %get3A_559 = arith.index_cast %add3A_553 : i32 to index
          %get3A_560 = arith.constant 16 : index
          %get3A_561 = tpu.vector_load %arg12[%get3A_559, %get3A_560] {strides = array<i32>} : memref<200x32xf32, #tpu.memory_space<vmem>>, vector<1x16xf32>,
          %get3A_562 = vector.shape_cast %get3A_561 : vector<1x16xf32> to vector<16xf32>
          %add3A_563 = arith.addf %add3A_547, %get3A_562 : vector<16xf32>
          %mul3A_564 = arith.constant 8 : i32
          %mul3A_565 = arith.muli %scan3A_498, %mul3A_564 : i32
          %add3A_566 = arith.constant 0 : i32
          %add3A_567 = arith.addi %add3A_566, %mul3A_565 : i32
          %add3A_568 = arith.constant 4 : i32
          %add3A_569 = arith.addi %add3A_567, %add3A_568 : i32
          %get3A_570 = arith.index_cast %add3A_569 : i32 to index
          %get3A_571 = arith.constant 0 : index
          %get3A_572 = tpu.vector_load %arg12[%get3A_570, %get3A_571] {strides = array<i32>} : memref<200x32xf32, #tpu.memory_space<vmem>>, vector<1x16xf32>,
          %get3A_573 = vector.shape_cast %get3A_572 : vector<1x16xf32> to vector<16xf32>
          %add3A_574 = arith.addf %add3A_558, %get3A_573 : vector<16xf32>
          %get3A_575 = arith.index_cast %add3A_569 : i32 to index
          %get3A_576 = arith.constant 16 : index
          %get3A_577 = tpu.vector_load %arg12[%get3A_575, %get3A_576] {strides = array<i32>} : memref<200x32xf32, #tpu.memory_space<vmem>>, vector<1x16xf32>,
          %get3A_578 = vector.shape_cast %get3A_577 : vector<1x16xf32> to vector<16xf32>
          %add3A_579 = arith.addf %add3A_563, %get3A_578 : vector<16xf32>
          %mul3A_580 = arith.constant 8 : i32
          %mul3A_581 = arith.muli %scan3A_498, %mul3A_580 : i32
          %add3A_582 = arith.constant 0 : i32
          %add3A_583 = arith.addi %add3A_582, %mul3A_581 : i32
          %add3A_584 = arith.constant 5 : i32
          %add3A_585 = arith.addi %add3A_583, %add3A_584 : i32
          %get3A_586 = arith.index_cast %add3A_585 : i32 to index
          %get3A_587 = arith.constant 0 : index
          %get3A_588 = tpu.vector_load %arg12[%get3A_586, %get3A_587] {strides = array<i32>} : memref<200x32xf32, #tpu.memory_space<vmem>>, vector<1x16xf32>,
          %get3A_589 = vector.shape_cast %get3A_588 : vector<1x16xf32> to vector<16xf32>
          %add3A_590 = arith.addf %add3A_574, %get3A_589 : vector<16xf32>
          %get3A_591 = arith.index_cast %add3A_585 : i32 to index
          %get3A_592 = arith.constant 16 : index
          %get3A_593 = tpu.vector_load %arg12[%get3A_591, %get3A_592] {strides = array<i32>} : memref<200x32xf32, #tpu.memory_space<vmem>>, vector<1x16xf32>,
          %get3A_594 = vector.shape_cast %get3A_593 : vector<1x16xf32> to vector<16xf32>
          %add3A_595 = arith.addf %add3A_579, %get3A_594 : vector<16xf32>
          %mul3A_596 = arith.constant 8 : i32
          %mul3A_597 = arith.muli %scan3A_498, %mul3A_596 : i32
          %add3A_598 = arith.constant 0 : i32
          %add3A_599 = arith.addi %add3A_598, %mul3A_597 : i32
          %add3A_600 = arith.constant 6 : i32
          %add3A_601 = arith.addi %add3A_599, %add3A_600 : i32
          %get3A_602 = arith.index_cast %add3A_601 : i32 to index
          %get3A_603 = arith.constant 0 : index
          %get3A_604 = tpu.vector_load %arg12[%get3A_602, %get3A_603] {strides = array<i32>} : memref<200x32xf32, #tpu.memory_space<vmem>>, vector<1x16xf32>,
          %get3A_605 = vector.shape_cast %get3A_604 : vector<1x16xf32> to vector<16xf32>
          %add3A_606 = arith.addf %add3A_590, %get3A_605 : vector<16xf32>
          %get3A_607 = arith.index_cast %add3A_601 : i32 to index
          %get3A_608 = arith.constant 16 : index
          %get3A_609 = tpu.vector_load %arg12[%get3A_607, %get3A_608] {strides = array<i32>} : memref<200x32xf32, #tpu.memory_space<vmem>>, vector<1x16xf32>,
          %get3A_610 = vector.shape_cast %get3A_609 : vector<1x16xf32> to vector<16xf32>
          %add3A_611 = arith.addf %add3A_595, %get3A_610 : vector<16xf32>
          %mul3A_612 = arith.constant 8 : i32
          %mul3A_613 = arith.muli %scan3A_498, %mul3A_612 : i32
          %add3A_614 = arith.constant 0 : i32
          %add3A_615 = arith.addi %add3A_614, %mul3A_613 : i32
          %add3A_616 = arith.constant 7 : i32
          %add3A_617 = arith.addi %add3A_615, %add3A_616 : i32
          %get3A_618 = arith.index_cast %add3A_617 : i32 to index
          %get3A_619 = arith.constant 0 : index
          %get3A_620 = tpu.vector_load %arg12[%get3A_618, %get3A_619] {strides = array<i32>} : memref<200x32xf32, #tpu.memory_space<vmem>>, vector<1x16xf32>,
          %get3A_621 = vector.shape_cast %get3A_620 : vector<1x16xf32> to vector<16xf32>
          %add3A_622 = arith.addf %add3A_606, %get3A_621 : vector<16xf32>
          %get3A_623 = arith.index_cast %add3A_617 : i32 to index
          %get3A_624 = arith.constant 16 : index
          %get3A_625 = tpu.vector_load %arg12[%get3A_623, %get3A_624] {strides = array<i32>} : memref<200x32xf32, #tpu.memory_space<vmem>>, vector<1x16xf32>,
          %get3A_626 = vector.shape_cast %get3A_625 : vector<1x16xf32> to vector<16xf32>
          %add3A_627 = arith.addf %add3A_611, %get3A_626 : vector<16xf32>
          scf.yield %add3A_622, %add3A_627 : vector<16xf32>, vector<16xf32>
        }
        %scan3A_383 = arith.constant 25 : i32
        %mul3A_384 = arith.constant 5.000000e-03 : f32
        %mul3A_385 = vector.broadcast %mul3A_384 : f32 to vector<16xf32>
        %mul3A_386 = arith.mulf %scan3A_382#0, %mul3A_385 : vector<16xf32>
        %add3A_387 = arith.constant 0 : i32
        %add3A_388 = arith.addi %add3A_377, %add3A_387 : i32
        %swap3A_389 = arith.index_cast %add3A_388 : i32 to index
        %swap3A_390 = arith.constant 0 : index
        %swap3A_391 = tpu.vector_load %arg15[%swap3A_389, %swap3A_390] {strides = array<i32>} : memref<512x32xf32, #tpu.memory_space<vmem>>, vector<1x16xf32>,
        %swap3A_392 = vector.shape_cast %swap3A_391 : vector<1x16xf32> to vector<16xf32>
        %swap3A_393 = vector.shape_cast %mul3A_386 : vector<16xf32> to vector<1x16xf32>
        tpu.vector_store %arg15[%swap3A_389, %swap3A_390], %swap3A_393 {strides = array<i32>} : memref<512x32xf32, #tpu.memory_space<vmem>>, vector<1x16xf32>,
        %mul3A_394 = arith.constant 5.000000e-03 : f32
        %mul3A_395 = vector.broadcast %mul3A_394 : f32 to vector<16xf32>
        %mul3A_396 = arith.mulf %scan3A_382#1, %mul3A_395 : vector<16xf32>
        %add3A_397 = arith.constant 0 : i32
        %add3A_398 = arith.addi %add3A_377, %add3A_397 : i32
        %swap3A_399 = arith.index_cast %add3A_398 : i32 to index
        %swap3A_400 = arith.constant 16 : index
        %swap3A_401 = tpu.vector_load %arg15[%swap3A_399, %swap3A_400] {strides = array<i32>} : memref<512x32xf32, #tpu.memory_space<vmem>>, vector<1x16xf32>,
        %swap3A_402 = vector.shape_cast %swap3A_401 : vector<1x16xf32> to vector<16xf32>
        %swap3A_403 = vector.shape_cast %mul3A_396 : vector<16xf32> to vector<1x16xf32>
        tpu.vector_store %arg15[%swap3A_399, %swap3A_400], %swap3A_403 {strides = array<i32>} : memref<512x32xf32, #tpu.memory_space<vmem>>, vector<1x16xf32>,
        %add3A_404 = arith.constant 8 : i32
        %add3A_405 = arith.addi %add3A_122, %add3A_404 : i32
        %add3A_406 = arith.constant 5 : i32
        %add3A_407 = arith.addi %add3A_405, %add3A_406 : i32
        %lt3A_408 = arith.constant 64 : i32
        %lt3A_409 = arith.cmpi slt, %add3A_407, %lt3A_408 : i32
        %convert_element_type3A_410 = arith.extui %lt3A_409 : i1 to i32
        %cond3A_411 = arith.constant 0 : i32
        %cond3A_412 = arith.cmpi ne, %convert_element_type3A_410, %cond3A_411 : i32
        scf.if %cond3A_412 {
          %add3A_498 = arith.constant 8 : i32
          %add3A_499 = arith.addi %add3A_122, %add3A_498 : i32
          %add3A_500 = arith.constant 5 : i32
          %add3A_501 = arith.addi %add3A_499, %add3A_500 : i32
          %mul3A_502 = arith.constant 200 : i32
          %mul3A_503 = arith.muli %add3A_501, %mul3A_502 : i32
          %dma_start3A_504 = tpu.memref_slice %arg6[%mul3A_503] : memref<12800xi32, #tpu.memory_space<vmem>> -> memref<200xi32, #tpu.memory_space<vmem>>
          %dma_start3A_505 = arith.constant 0 : i32
          %dma_start3A_506 = arith.constant 0 : i32
          %dma_start3A_507 = tpu.memref_slice %arg3[%dma_start3A_505, %dma_start3A_506] : memref<1000000x32xf32, #tpu.memory_space<hbm>> -> memref<1000000x32xf32, #tpu.memory_space<hbm>>
          tpu.enqueue_indirect_dma source(%dma_start3A_507 : memref<1000000x32xf32, #tpu.memory_space<hbm>>) target(%arg12 : memref<200x32xf32, #tpu.memory_space<vmem>>) offsets(%dma_start3A_504 : memref<200xi32, #tpu.memory_space<vmem>>) semaphore(%arg21 : memref<!tpu.dma_semaphore, #tpu.memory_space<semaphore_mem>>)
        } else {
        }
        %dma_wait3A_413 = arith.constant 0 : i32
        %dma_wait3A_414 = tpu.memref_slice %arg6[%dma_wait3A_413] : memref<12800xi32, #tpu.memory_space<vmem>> -> memref<200xi32, #tpu.memory_space<vmem>>
        %dma_wait3A_415 = arith.constant 0 : i32
        %dma_wait3A_416 = arith.constant 0 : i32
        %dma_wait3A_417 = tpu.memref_slice %arg3[%dma_wait3A_415, %dma_wait3A_416] : memref<1000000x32xf32, #tpu.memory_space<hbm>> -> memref<1000000x32xf32, #tpu.memory_space<hbm>>
        tpu.wait_indirect_dma semaphore(%arg22 : memref<!tpu.dma_semaphore, #tpu.memory_space<semaphore_mem>>) src(%dma_wait3A_417 : memref<1000000x32xf32, #tpu.memory_space<hbm>>) dst(%arg13 : memref<200x32xf32, #tpu.memory_space<vmem>>)
        %mul3A_418 = arith.constant 64 : i32
        %mul3A_419 = arith.muli %add3A_77, %mul3A_418 : i32
        %add3A_420 = arith.constant 6 : i32
        %add3A_421 = arith.addi %add3A_122, %add3A_420 : i32
        %mul3A_422 = arith.constant 1 : i32
        %mul3A_423 = arith.muli %add3A_421, %mul3A_422 : i32
        %add3A_424 = arith.addi %mul3A_419, %mul3A_423 : i32
        %scan3A_425 = arith.constant 0 : i32
        %scan3A_426 = arith.constant 25 : i32
        %scan3A_427 = arith.addi %scan3A_425, %scan3A_426 : i32
        %scan3A_428 = arith.constant 1 : i32
        %scan3A_429:2 = scf.for %scan3A_498 = %scan3A_425 to %scan3A_427 step %scan3A_428 iter_args(%scan3A_499 = %broadcast_in_dim3A_5, %scan3A_500 = %broadcast_in_dim3A_5) -> (vector<16xf32>, vector<16xf32>)  : i32 {
          %mul3A_501 = arith.constant 8 : i32
          %mul3A_502 = arith.muli %scan3A_498, %mul3A_501 : i32
          %add3A_503 = arith.constant 0 : i32
          %add3A_504 = arith.addi %add3A_503, %mul3A_502 : i32
          %add3A_505 = arith.constant 0 : i32
          %add3A_506 = arith.addi %add3A_504, %add3A_505 : i32
          %get3A = arith.index_cast %add3A_506 : i32 to index
          %get3A_507 = arith.constant 0 : index
          %get3A_508 = tpu.vector_load %arg13[%get3A, %get3A_507] {strides = array<i32>} : memref<200x32xf32, #tpu.memory_space<vmem>>, vector<1x16xf32>,
          %get3A_509 = vector.shape_cast %get3A_508 : vector<1x16xf32> to vector<16xf32>
          %add3A_510 = arith.addf %scan3A_499, %get3A_509 : vector<16xf32>
          %get3A_511 = arith.index_cast %add3A_506 : i32 to index
          %get3A_512 = arith.constant 16 : index
          %get3A_513 = tpu.vector_load %arg13[%get3A_511, %get3A_512] {strides = array<i32>} : memref<200x32xf32, #tpu.memory_space<vmem>>, vector<1x16xf32>,
          %get3A_514 = vector.shape_cast %get3A_513 : vector<1x16xf32> to vector<16xf32>
          %add3A_515 = arith.addf %scan3A_500, %get3A_514 : vector<16xf32>
          %mul3A_516 = arith.constant 8 : i32
          %mul3A_517 = arith.muli %scan3A_498, %mul3A_516 : i32
          %add3A_518 = arith.constant 0 : i32
          %add3A_519 = arith.addi %add3A_518, %mul3A_517 : i32
          %add3A_520 = arith.constant 1 : i32
          %add3A_521 = arith.addi %add3A_519, %add3A_520 : i32
          %get3A_522 = arith.index_cast %add3A_521 : i32 to index
          %get3A_523 = arith.constant 0 : index
          %get3A_524 = tpu.vector_load %arg13[%get3A_522, %get3A_523] {strides = array<i32>} : memref<200x32xf32, #tpu.memory_space<vmem>>, vector<1x16xf32>,
          %get3A_525 = vector.shape_cast %get3A_524 : vector<1x16xf32> to vector<16xf32>
          %add3A_526 = arith.addf %add3A_510, %get3A_525 : vector<16xf32>
          %get3A_527 = arith.index_cast %add3A_521 : i32 to index
          %get3A_528 = arith.constant 16 : index
          %get3A_529 = tpu.vector_load %arg13[%get3A_527, %get3A_528] {strides = array<i32>} : memref<200x32xf32, #tpu.memory_space<vmem>>, vector<1x16xf32>,
          %get3A_530 = vector.shape_cast %get3A_529 : vector<1x16xf32> to vector<16xf32>
          %add3A_531 = arith.addf %add3A_515, %get3A_530 : vector<16xf32>
          %mul3A_532 = arith.constant 8 : i32
          %mul3A_533 = arith.muli %scan3A_498, %mul3A_532 : i32
          %add3A_534 = arith.constant 0 : i32
          %add3A_535 = arith.addi %add3A_534, %mul3A_533 : i32
          %add3A_536 = arith.constant 2 : i32
          %add3A_537 = arith.addi %add3A_535, %add3A_536 : i32
          %get3A_538 = arith.index_cast %add3A_537 : i32 to index
          %get3A_539 = arith.constant 0 : index
          %get3A_540 = tpu.vector_load %arg13[%get3A_538, %get3A_539] {strides = array<i32>} : memref<200x32xf32, #tpu.memory_space<vmem>>, vector<1x16xf32>,
          %get3A_541 = vector.shape_cast %get3A_540 : vector<1x16xf32> to vector<16xf32>
          %add3A_542 = arith.addf %add3A_526, %get3A_541 : vector<16xf32>
          %get3A_543 = arith.index_cast %add3A_537 : i32 to index
          %get3A_544 = arith.constant 16 : index
          %get3A_545 = tpu.vector_load %arg13[%get3A_543, %get3A_544] {strides = array<i32>} : memref<200x32xf32, #tpu.memory_space<vmem>>, vector<1x16xf32>,
          %get3A_546 = vector.shape_cast %get3A_545 : vector<1x16xf32> to vector<16xf32>
          %add3A_547 = arith.addf %add3A_531, %get3A_546 : vector<16xf32>
          %mul3A_548 = arith.constant 8 : i32
          %mul3A_549 = arith.muli %scan3A_498, %mul3A_548 : i32
          %add3A_550 = arith.constant 0 : i32
          %add3A_551 = arith.addi %add3A_550, %mul3A_549 : i32
          %add3A_552 = arith.constant 3 : i32
          %add3A_553 = arith.addi %add3A_551, %add3A_552 : i32
          %get3A_554 = arith.index_cast %add3A_553 : i32 to index
          %get3A_555 = arith.constant 0 : index
          %get3A_556 = tpu.vector_load %arg13[%get3A_554, %get3A_555] {strides = array<i32>} : memref<200x32xf32, #tpu.memory_space<vmem>>, vector<1x16xf32>,
          %get3A_557 = vector.shape_cast %get3A_556 : vector<1x16xf32> to vector<16xf32>
          %add3A_558 = arith.addf %add3A_542, %get3A_557 : vector<16xf32>
          %get3A_559 = arith.index_cast %add3A_553 : i32 to index
          %get3A_560 = arith.constant 16 : index
          %get3A_561 = tpu.vector_load %arg13[%get3A_559, %get3A_560] {strides = array<i32>} : memref<200x32xf32, #tpu.memory_space<vmem>>, vector<1x16xf32>,
          %get3A_562 = vector.shape_cast %get3A_561 : vector<1x16xf32> to vector<16xf32>
          %add3A_563 = arith.addf %add3A_547, %get3A_562 : vector<16xf32>
          %mul3A_564 = arith.constant 8 : i32
          %mul3A_565 = arith.muli %scan3A_498, %mul3A_564 : i32
          %add3A_566 = arith.constant 0 : i32
          %add3A_567 = arith.addi %add3A_566, %mul3A_565 : i32
          %add3A_568 = arith.constant 4 : i32
          %add3A_569 = arith.addi %add3A_567, %add3A_568 : i32
          %get3A_570 = arith.index_cast %add3A_569 : i32 to index
          %get3A_571 = arith.constant 0 : index
          %get3A_572 = tpu.vector_load %arg13[%get3A_570, %get3A_571] {strides = array<i32>} : memref<200x32xf32, #tpu.memory_space<vmem>>, vector<1x16xf32>,
          %get3A_573 = vector.shape_cast %get3A_572 : vector<1x16xf32> to vector<16xf32>
          %add3A_574 = arith.addf %add3A_558, %get3A_573 : vector<16xf32>
          %get3A_575 = arith.index_cast %add3A_569 : i32 to index
          %get3A_576 = arith.constant 16 : index
          %get3A_577 = tpu.vector_load %arg13[%get3A_575, %get3A_576] {strides = array<i32>} : memref<200x32xf32, #tpu.memory_space<vmem>>, vector<1x16xf32>,
          %get3A_578 = vector.shape_cast %get3A_577 : vector<1x16xf32> to vector<16xf32>
          %add3A_579 = arith.addf %add3A_563, %get3A_578 : vector<16xf32>
          %mul3A_580 = arith.constant 8 : i32
          %mul3A_581 = arith.muli %scan3A_498, %mul3A_580 : i32
          %add3A_582 = arith.constant 0 : i32
          %add3A_583 = arith.addi %add3A_582, %mul3A_581 : i32
          %add3A_584 = arith.constant 5 : i32
          %add3A_585 = arith.addi %add3A_583, %add3A_584 : i32
          %get3A_586 = arith.index_cast %add3A_585 : i32 to index
          %get3A_587 = arith.constant 0 : index
          %get3A_588 = tpu.vector_load %arg13[%get3A_586, %get3A_587] {strides = array<i32>} : memref<200x32xf32, #tpu.memory_space<vmem>>, vector<1x16xf32>,
          %get3A_589 = vector.shape_cast %get3A_588 : vector<1x16xf32> to vector<16xf32>
          %add3A_590 = arith.addf %add3A_574, %get3A_589 : vector<16xf32>
          %get3A_591 = arith.index_cast %add3A_585 : i32 to index
          %get3A_592 = arith.constant 16 : index
          %get3A_593 = tpu.vector_load %arg13[%get3A_591, %get3A_592] {strides = array<i32>} : memref<200x32xf32, #tpu.memory_space<vmem>>, vector<1x16xf32>,
          %get3A_594 = vector.shape_cast %get3A_593 : vector<1x16xf32> to vector<16xf32>
          %add3A_595 = arith.addf %add3A_579, %get3A_594 : vector<16xf32>
          %mul3A_596 = arith.constant 8 : i32
          %mul3A_597 = arith.muli %scan3A_498, %mul3A_596 : i32
          %add3A_598 = arith.constant 0 : i32
          %add3A_599 = arith.addi %add3A_598, %mul3A_597 : i32
          %add3A_600 = arith.constant 6 : i32
          %add3A_601 = arith.addi %add3A_599, %add3A_600 : i32
          %get3A_602 = arith.index_cast %add3A_601 : i32 to index
          %get3A_603 = arith.constant 0 : index
          %get3A_604 = tpu.vector_load %arg13[%get3A_602, %get3A_603] {strides = array<i32>} : memref<200x32xf32, #tpu.memory_space<vmem>>, vector<1x16xf32>,
          %get3A_605 = vector.shape_cast %get3A_604 : vector<1x16xf32> to vector<16xf32>
          %add3A_606 = arith.addf %add3A_590, %get3A_605 : vector<16xf32>
          %get3A_607 = arith.index_cast %add3A_601 : i32 to index
          %get3A_608 = arith.constant 16 : index
          %get3A_609 = tpu.vector_load %arg13[%get3A_607, %get3A_608] {strides = array<i32>} : memref<200x32xf32, #tpu.memory_space<vmem>>, vector<1x16xf32>,
          %get3A_610 = vector.shape_cast %get3A_609 : vector<1x16xf32> to vector<16xf32>
          %add3A_611 = arith.addf %add3A_595, %get3A_610 : vector<16xf32>
          %mul3A_612 = arith.constant 8 : i32
          %mul3A_613 = arith.muli %scan3A_498, %mul3A_612 : i32
          %add3A_614 = arith.constant 0 : i32
          %add3A_615 = arith.addi %add3A_614, %mul3A_613 : i32
          %add3A_616 = arith.constant 7 : i32
          %add3A_617 = arith.addi %add3A_615, %add3A_616 : i32
          %get3A_618 = arith.index_cast %add3A_617 : i32 to index
          %get3A_619 = arith.constant 0 : index
          %get3A_620 = tpu.vector_load %arg13[%get3A_618, %get3A_619] {strides = array<i32>} : memref<200x32xf32, #tpu.memory_space<vmem>>, vector<1x16xf32>,
          %get3A_621 = vector.shape_cast %get3A_620 : vector<1x16xf32> to vector<16xf32>
          %add3A_622 = arith.addf %add3A_606, %get3A_621 : vector<16xf32>
          %get3A_623 = arith.index_cast %add3A_617 : i32 to index
          %get3A_624 = arith.constant 16 : index
          %get3A_625 = tpu.vector_load %arg13[%get3A_623, %get3A_624] {strides = array<i32>} : memref<200x32xf32, #tpu.memory_space<vmem>>, vector<1x16xf32>,
          %get3A_626 = vector.shape_cast %get3A_625 : vector<1x16xf32> to vector<16xf32>
          %add3A_627 = arith.addf %add3A_611, %get3A_626 : vector<16xf32>
          scf.yield %add3A_622, %add3A_627 : vector<16xf32>, vector<16xf32>
        }
        %scan3A_430 = arith.constant 25 : i32
        %mul3A_431 = arith.constant 5.000000e-03 : f32
        %mul3A_432 = vector.broadcast %mul3A_431 : f32 to vector<16xf32>
        %mul3A_433 = arith.mulf %scan3A_429#0, %mul3A_432 : vector<16xf32>
        %add3A_434 = arith.constant 0 : i32
        %add3A_435 = arith.addi %add3A_424, %add3A_434 : i32
        %swap3A_436 = arith.index_cast %add3A_435 : i32 to index
        %swap3A_437 = arith.constant 0 : index
        %swap3A_438 = tpu.vector_load %arg15[%swap3A_436, %swap3A_437] {strides = array<i32>} : memref<512x32xf32, #tpu.memory_space<vmem>>, vector<1x16xf32>,
        %swap3A_439 = vector.shape_cast %swap3A_438 : vector<1x16xf32> to vector<16xf32>
        %swap3A_440 = vector.shape_cast %mul3A_433 : vector<16xf32> to vector<1x16xf32>
        tpu.vector_store %arg15[%swap3A_436, %swap3A_437], %swap3A_440 {strides = array<i32>} : memref<512x32xf32, #tpu.memory_space<vmem>>, vector<1x16xf32>,
        %mul3A_441 = arith.constant 5.000000e-03 : f32
        %mul3A_442 = vector.broadcast %mul3A_441 : f32 to vector<16xf32>
        %mul3A_443 = arith.mulf %scan3A_429#1, %mul3A_442 : vector<16xf32>
        %add3A_444 = arith.constant 0 : i32
        %add3A_445 = arith.addi %add3A_424, %add3A_444 : i32
        %swap3A_446 = arith.index_cast %add3A_445 : i32 to index
        %swap3A_447 = arith.constant 16 : index
        %swap3A_448 = tpu.vector_load %arg15[%swap3A_446, %swap3A_447] {strides = array<i32>} : memref<512x32xf32, #tpu.memory_space<vmem>>, vector<1x16xf32>,
        %swap3A_449 = vector.shape_cast %swap3A_448 : vector<1x16xf32> to vector<16xf32>
        %swap3A_450 = vector.shape_cast %mul3A_443 : vector<16xf32> to vector<1x16xf32>
        tpu.vector_store %arg15[%swap3A_446, %swap3A_447], %swap3A_450 {strides = array<i32>} : memref<512x32xf32, #tpu.memory_space<vmem>>, vector<1x16xf32>,
        %add3A_451 = arith.constant 8 : i32
        %add3A_452 = arith.addi %add3A_122, %add3A_451 : i32
        %add3A_453 = arith.constant 6 : i32
        %add3A_454 = arith.addi %add3A_452, %add3A_453 : i32
        %lt3A_455 = arith.constant 64 : i32
        %lt3A_456 = arith.cmpi slt, %add3A_454, %lt3A_455 : i32
        %convert_element_type3A_457 = arith.extui %lt3A_456 : i1 to i32
        %cond3A_458 = arith.constant 0 : i32
        %cond3A_459 = arith.cmpi ne, %convert_element_type3A_457, %cond3A_458 : i32
        scf.if %cond3A_459 {
          %add3A_498 = arith.constant 8 : i32
          %add3A_499 = arith.addi %add3A_122, %add3A_498 : i32
          %add3A_500 = arith.constant 6 : i32
          %add3A_501 = arith.addi %add3A_499, %add3A_500 : i32
          %mul3A_502 = arith.constant 200 : i32
          %mul3A_503 = arith.muli %add3A_501, %mul3A_502 : i32
          %dma_start3A_504 = tpu.memref_slice %arg6[%mul3A_503] : memref<12800xi32, #tpu.memory_space<vmem>> -> memref<200xi32, #tpu.memory_space<vmem>>
          %dma_start3A_505 = arith.constant 0 : i32
          %dma_start3A_506 = arith.constant 0 : i32
          %dma_start3A_507 = tpu.memref_slice %arg3[%dma_start3A_505, %dma_start3A_506] : memref<1000000x32xf32, #tpu.memory_space<hbm>> -> memref<1000000x32xf32, #tpu.memory_space<hbm>>
          tpu.enqueue_indirect_dma source(%dma_start3A_507 : memref<1000000x32xf32, #tpu.memory_space<hbm>>) target(%arg13 : memref<200x32xf32, #tpu.memory_space<vmem>>) offsets(%dma_start3A_504 : memref<200xi32, #tpu.memory_space<vmem>>) semaphore(%arg22 : memref<!tpu.dma_semaphore, #tpu.memory_space<semaphore_mem>>)
        } else {
        }
        %dma_wait3A_460 = arith.constant 0 : i32
        %dma_wait3A_461 = tpu.memref_slice %arg6[%dma_wait3A_460] : memref<12800xi32, #tpu.memory_space<vmem>> -> memref<200xi32, #tpu.memory_space<vmem>>
        %dma_wait3A_462 = arith.constant 0 : i32
        %dma_wait3A_463 = arith.constant 0 : i32
        %dma_wait3A_464 = tpu.memref_slice %arg3[%dma_wait3A_462, %dma_wait3A_463] : memref<1000000x32xf32, #tpu.memory_space<hbm>> -> memref<1000000x32xf32, #tpu.memory_space<hbm>>
        tpu.wait_indirect_dma semaphore(%arg23 : memref<!tpu.dma_semaphore, #tpu.memory_space<semaphore_mem>>) src(%dma_wait3A_464 : memref<1000000x32xf32, #tpu.memory_space<hbm>>) dst(%arg14 : memref<200x32xf32, #tpu.memory_space<vmem>>)
        %mul3A_465 = arith.constant 64 : i32
        %mul3A_466 = arith.muli %add3A_77, %mul3A_465 : i32
        %add3A_467 = arith.constant 7 : i32
        %add3A_468 = arith.addi %add3A_122, %add3A_467 : i32
        %mul3A_469 = arith.constant 1 : i32
        %mul3A_470 = arith.muli %add3A_468, %mul3A_469 : i32
        %add3A_471 = arith.addi %mul3A_466, %mul3A_470 : i32
        %scan3A_472 = arith.constant 0 : i32
        %scan3A_473 = arith.constant 25 : i32
        %scan3A_474 = arith.addi %scan3A_472, %scan3A_473 : i32
        %scan3A_475 = arith.constant 1 : i32
        %scan3A_476:2 = scf.for %scan3A_498 = %scan3A_472 to %scan3A_474 step %scan3A_475 iter_args(%scan3A_499 = %broadcast_in_dim3A_5, %scan3A_500 = %broadcast_in_dim3A_5) -> (vector<16xf32>, vector<16xf32>)  : i32 {
          %mul3A_501 = arith.constant 8 : i32
          %mul3A_502 = arith.muli %scan3A_498, %mul3A_501 : i32
          %add3A_503 = arith.constant 0 : i32
          %add3A_504 = arith.addi %add3A_503, %mul3A_502 : i32
          %add3A_505 = arith.constant 0 : i32
          %add3A_506 = arith.addi %add3A_504, %add3A_505 : i32
          %get3A = arith.index_cast %add3A_506 : i32 to index
          %get3A_507 = arith.constant 0 : index
          %get3A_508 = tpu.vector_load %arg14[%get3A, %get3A_507] {strides = array<i32>} : memref<200x32xf32, #tpu.memory_space<vmem>>, vector<1x16xf32>,
          %get3A_509 = vector.shape_cast %get3A_508 : vector<1x16xf32> to vector<16xf32>
          %add3A_510 = arith.addf %scan3A_499, %get3A_509 : vector<16xf32>
          %get3A_511 = arith.index_cast %add3A_506 : i32 to index
          %get3A_512 = arith.constant 16 : index
          %get3A_513 = tpu.vector_load %arg14[%get3A_511, %get3A_512] {strides = array<i32>} : memref<200x32xf32, #tpu.memory_space<vmem>>, vector<1x16xf32>,
          %get3A_514 = vector.shape_cast %get3A_513 : vector<1x16xf32> to vector<16xf32>
          %add3A_515 = arith.addf %scan3A_500, %get3A_514 : vector<16xf32>
          %mul3A_516 = arith.constant 8 : i32
          %mul3A_517 = arith.muli %scan3A_498, %mul3A_516 : i32
          %add3A_518 = arith.constant 0 : i32
          %add3A_519 = arith.addi %add3A_518, %mul3A_517 : i32
          %add3A_520 = arith.constant 1 : i32
          %add3A_521 = arith.addi %add3A_519, %add3A_520 : i32
          %get3A_522 = arith.index_cast %add3A_521 : i32 to index
          %get3A_523 = arith.constant 0 : index
          %get3A_524 = tpu.vector_load %arg14[%get3A_522, %get3A_523] {strides = array<i32>} : memref<200x32xf32, #tpu.memory_space<vmem>>, vector<1x16xf32>,
          %get3A_525 = vector.shape_cast %get3A_524 : vector<1x16xf32> to vector<16xf32>
          %add3A_526 = arith.addf %add3A_510, %get3A_525 : vector<16xf32>
          %get3A_527 = arith.index_cast %add3A_521 : i32 to index
          %get3A_528 = arith.constant 16 : index
          %get3A_529 = tpu.vector_load %arg14[%get3A_527, %get3A_528] {strides = array<i32>} : memref<200x32xf32, #tpu.memory_space<vmem>>, vector<1x16xf32>,
          %get3A_530 = vector.shape_cast %get3A_529 : vector<1x16xf32> to vector<16xf32>
          %add3A_531 = arith.addf %add3A_515, %get3A_530 : vector<16xf32>
          %mul3A_532 = arith.constant 8 : i32
          %mul3A_533 = arith.muli %scan3A_498, %mul3A_532 : i32
          %add3A_534 = arith.constant 0 : i32
          %add3A_535 = arith.addi %add3A_534, %mul3A_533 : i32
          %add3A_536 = arith.constant 2 : i32
          %add3A_537 = arith.addi %add3A_535, %add3A_536 : i32
          %get3A_538 = arith.index_cast %add3A_537 : i32 to index
          %get3A_539 = arith.constant 0 : index
          %get3A_540 = tpu.vector_load %arg14[%get3A_538, %get3A_539] {strides = array<i32>} : memref<200x32xf32, #tpu.memory_space<vmem>>, vector<1x16xf32>,
          %get3A_541 = vector.shape_cast %get3A_540 : vector<1x16xf32> to vector<16xf32>
          %add3A_542 = arith.addf %add3A_526, %get3A_541 : vector<16xf32>
          %get3A_543 = arith.index_cast %add3A_537 : i32 to index
          %get3A_544 = arith.constant 16 : index
          %get3A_545 = tpu.vector_load %arg14[%get3A_543, %get3A_544] {strides = array<i32>} : memref<200x32xf32, #tpu.memory_space<vmem>>, vector<1x16xf32>,
          %get3A_546 = vector.shape_cast %get3A_545 : vector<1x16xf32> to vector<16xf32>
          %add3A_547 = arith.addf %add3A_531, %get3A_546 : vector<16xf32>
          %mul3A_548 = arith.constant 8 : i32
          %mul3A_549 = arith.muli %scan3A_498, %mul3A_548 : i32
          %add3A_550 = arith.constant 0 : i32
          %add3A_551 = arith.addi %add3A_550, %mul3A_549 : i32
          %add3A_552 = arith.constant 3 : i32
          %add3A_553 = arith.addi %add3A_551, %add3A_552 : i32
          %get3A_554 = arith.index_cast %add3A_553 : i32 to index
          %get3A_555 = arith.constant 0 : index
          %get3A_556 = tpu.vector_load %arg14[%get3A_554, %get3A_555] {strides = array<i32>} : memref<200x32xf32, #tpu.memory_space<vmem>>, vector<1x16xf32>,
          %get3A_557 = vector.shape_cast %get3A_556 : vector<1x16xf32> to vector<16xf32>
          %add3A_558 = arith.addf %add3A_542, %get3A_557 : vector<16xf32>
          %get3A_559 = arith.index_cast %add3A_553 : i32 to index
          %get3A_560 = arith.constant 16 : index
          %get3A_561 = tpu.vector_load %arg14[%get3A_559, %get3A_560] {strides = array<i32>} : memref<200x32xf32, #tpu.memory_space<vmem>>, vector<1x16xf32>,
          %get3A_562 = vector.shape_cast %get3A_561 : vector<1x16xf32> to vector<16xf32>
          %add3A_563 = arith.addf %add3A_547, %get3A_562 : vector<16xf32>
          %mul3A_564 = arith.constant 8 : i32
          %mul3A_565 = arith.muli %scan3A_498, %mul3A_564 : i32
          %add3A_566 = arith.constant 0 : i32
          %add3A_567 = arith.addi %add3A_566, %mul3A_565 : i32
          %add3A_568 = arith.constant 4 : i32
          %add3A_569 = arith.addi %add3A_567, %add3A_568 : i32
          %get3A_570 = arith.index_cast %add3A_569 : i32 to index
          %get3A_571 = arith.constant 0 : index
          %get3A_572 = tpu.vector_load %arg14[%get3A_570, %get3A_571] {strides = array<i32>} : memref<200x32xf32, #tpu.memory_space<vmem>>, vector<1x16xf32>,
          %get3A_573 = vector.shape_cast %get3A_572 : vector<1x16xf32> to vector<16xf32>
          %add3A_574 = arith.addf %add3A_558, %get3A_573 : vector<16xf32>
          %get3A_575 = arith.index_cast %add3A_569 : i32 to index
          %get3A_576 = arith.constant 16 : index
          %get3A_577 = tpu.vector_load %arg14[%get3A_575, %get3A_576] {strides = array<i32>} : memref<200x32xf32, #tpu.memory_space<vmem>>, vector<1x16xf32>,
          %get3A_578 = vector.shape_cast %get3A_577 : vector<1x16xf32> to vector<16xf32>
          %add3A_579 = arith.addf %add3A_563, %get3A_578 : vector<16xf32>
          %mul3A_580 = arith.constant 8 : i32
          %mul3A_581 = arith.muli %scan3A_498, %mul3A_580 : i32
          %add3A_582 = arith.constant 0 : i32
          %add3A_583 = arith.addi %add3A_582, %mul3A_581 : i32
          %add3A_584 = arith.constant 5 : i32
          %add3A_585 = arith.addi %add3A_583, %add3A_584 : i32
          %get3A_586 = arith.index_cast %add3A_585 : i32 to index
          %get3A_587 = arith.constant 0 : index
          %get3A_588 = tpu.vector_load %arg14[%get3A_586, %get3A_587] {strides = array<i32>} : memref<200x32xf32, #tpu.memory_space<vmem>>, vector<1x16xf32>,
          %get3A_589 = vector.shape_cast %get3A_588 : vector<1x16xf32> to vector<16xf32>
          %add3A_590 = arith.addf %add3A_574, %get3A_589 : vector<16xf32>
          %get3A_591 = arith.index_cast %add3A_585 : i32 to index
          %get3A_592 = arith.constant 16 : index
          %get3A_593 = tpu.vector_load %arg14[%get3A_591, %get3A_592] {strides = array<i32>} : memref<200x32xf32, #tpu.memory_space<vmem>>, vector<1x16xf32>,
          %get3A_594 = vector.shape_cast %get3A_593 : vector<1x16xf32> to vector<16xf32>
          %add3A_595 = arith.addf %add3A_579, %get3A_594 : vector<16xf32>
          %mul3A_596 = arith.constant 8 : i32
          %mul3A_597 = arith.muli %scan3A_498, %mul3A_596 : i32
          %add3A_598 = arith.constant 0 : i32
          %add3A_599 = arith.addi %add3A_598, %mul3A_597 : i32
          %add3A_600 = arith.constant 6 : i32
          %add3A_601 = arith.addi %add3A_599, %add3A_600 : i32
          %get3A_602 = arith.index_cast %add3A_601 : i32 to index
          %get3A_603 = arith.constant 0 : index
          %get3A_604 = tpu.vector_load %arg14[%get3A_602, %get3A_603] {strides = array<i32>} : memref<200x32xf32, #tpu.memory_space<vmem>>, vector<1x16xf32>,
          %get3A_605 = vector.shape_cast %get3A_604 : vector<1x16xf32> to vector<16xf32>
          %add3A_606 = arith.addf %add3A_590, %get3A_605 : vector<16xf32>
          %get3A_607 = arith.index_cast %add3A_601 : i32 to index
          %get3A_608 = arith.constant 16 : index
          %get3A_609 = tpu.vector_load %arg14[%get3A_607, %get3A_608] {strides = array<i32>} : memref<200x32xf32, #tpu.memory_space<vmem>>, vector<1x16xf32>,
          %get3A_610 = vector.shape_cast %get3A_609 : vector<1x16xf32> to vector<16xf32>
          %add3A_611 = arith.addf %add3A_595, %get3A_610 : vector<16xf32>
          %mul3A_612 = arith.constant 8 : i32
          %mul3A_613 = arith.muli %scan3A_498, %mul3A_612 : i32
          %add3A_614 = arith.constant 0 : i32
          %add3A_615 = arith.addi %add3A_614, %mul3A_613 : i32
          %add3A_616 = arith.constant 7 : i32
          %add3A_617 = arith.addi %add3A_615, %add3A_616 : i32
          %get3A_618 = arith.index_cast %add3A_617 : i32 to index
          %get3A_619 = arith.constant 0 : index
          %get3A_620 = tpu.vector_load %arg14[%get3A_618, %get3A_619] {strides = array<i32>} : memref<200x32xf32, #tpu.memory_space<vmem>>, vector<1x16xf32>,
          %get3A_621 = vector.shape_cast %get3A_620 : vector<1x16xf32> to vector<16xf32>
          %add3A_622 = arith.addf %add3A_606, %get3A_621 : vector<16xf32>
          %get3A_623 = arith.index_cast %add3A_617 : i32 to index
          %get3A_624 = arith.constant 16 : index
          %get3A_625 = tpu.vector_load %arg14[%get3A_623, %get3A_624] {strides = array<i32>} : memref<200x32xf32, #tpu.memory_space<vmem>>, vector<1x16xf32>,
          %get3A_626 = vector.shape_cast %get3A_625 : vector<1x16xf32> to vector<16xf32>
          %add3A_627 = arith.addf %add3A_611, %get3A_626 : vector<16xf32>
          scf.yield %add3A_622, %add3A_627 : vector<16xf32>, vector<16xf32>
        }
        %scan3A_477 = arith.constant 25 : i32
        %mul3A_478 = arith.constant 5.000000e-03 : f32
        %mul3A_479 = vector.broadcast %mul3A_478 : f32 to vector<16xf32>
        %mul3A_480 = arith.mulf %scan3A_476#0, %mul3A_479 : vector<16xf32>
        %add3A_481 = arith.constant 0 : i32
        %add3A_482 = arith.addi %add3A_471, %add3A_481 : i32
        %swap3A_483 = arith.index_cast %add3A_482 : i32 to index
        %swap3A_484 = arith.constant 0 : index
        %swap3A_485 = tpu.vector_load %arg15[%swap3A_483, %swap3A_484] {strides = array<i32>} : memref<512x32xf32, #tpu.memory_space<vmem>>, vector<1x16xf32>,
        %swap3A_486 = vector.shape_cast %swap3A_485 : vector<1x16xf32> to vector<16xf32>
        %swap3A_487 = vector.shape_cast %mul3A_480 : vector<16xf32> to vector<1x16xf32>
        tpu.vector_store %arg15[%swap3A_483, %swap3A_484], %swap3A_487 {strides = array<i32>} : memref<512x32xf32, #tpu.memory_space<vmem>>, vector<1x16xf32>,
        %mul3A_488 = arith.constant 5.000000e-03 : f32
        %mul3A_489 = vector.broadcast %mul3A_488 : f32 to vector<16xf32>
        %mul3A_490 = arith.mulf %scan3A_476#1, %mul3A_489 : vector<16xf32>
        %add3A_491 = arith.constant 0 : i32
        %add3A_492 = arith.addi %add3A_471, %add3A_491 : i32
        %swap3A_493 = arith.index_cast %add3A_492 : i32 to index
        %swap3A_494 = arith.constant 16 : index
        %swap3A_495 = tpu.vector_load %arg15[%swap3A_493, %swap3A_494] {strides = array<i32>} : memref<512x32xf32, #tpu.memory_space<vmem>>, vector<1x16xf32>,
        %swap3A_496 = vector.shape_cast %swap3A_495 : vector<1x16xf32> to vector<16xf32>
        %swap3A_497 = vector.shape_cast %mul3A_490 : vector<16xf32> to vector<1x16xf32>
        tpu.vector_store %arg15[%swap3A_493, %swap3A_494], %swap3A_497 {strides = array<i32>} : memref<512x32xf32, #tpu.memory_space<vmem>>, vector<1x16xf32>,
      }
      %scan3A_117 = arith.constant 8 : i32
    }
    %scan3A_12 = arith.constant 4 : i32
    "tpu.region"() ({
      %run_scoped3A = tpu.sem_alloc : memref<!tpu.dma_semaphore, #tpu.memory_space<semaphore_mem>>
      %dma_start3A_13 = arith.constant 0 : i32
      %dma_start3A_14 = tpu.memref_slice %arg4[%mul3A_4, %dma_start3A_13] : memref<16384x32xf32, #tpu.memory_space<hbm>> -> memref<512x32xf32, #tpu.memory_space<hbm>>
      %dma_start3A_15 = arith.constant 0 : i32
      %dma_start3A_16 = tpu.memref_slice %arg4[%mul3A_4, %dma_start3A_15] : memref<16384x32xf32, #tpu.memory_space<hbm>> -> memref<512x32xf32, #tpu.memory_space<hbm>>
      tpu.enqueue_dma source(%arg15 : memref<512x32xf32, #tpu.memory_space<vmem>>) target(%dma_start3A_16 : memref<512x32xf32, #tpu.memory_space<hbm>>) target_semaphore(%run_scoped3A : memref<!tpu.dma_semaphore, #tpu.memory_space<semaphore_mem>>)
      %dma_wait3A = arith.constant 0 : i32
      %dma_wait3A_17 = tpu.memref_slice %arg4[%mul3A_4, %dma_wait3A] : memref<16384x32xf32, #tpu.memory_space<hbm>> -> memref<512x32xf32, #tpu.memory_space<hbm>>
      %dma_wait3A_18 = arith.constant 0 : i32
      %dma_wait3A_19 = tpu.memref_slice %arg4[%mul3A_4, %dma_wait3A_18] : memref<16384x32xf32, #tpu.memory_space<hbm>> -> memref<512x32xf32, #tpu.memory_space<hbm>>
      tpu.wait_dma2 semaphore(%run_scoped3A : memref<!tpu.dma_semaphore, #tpu.memory_space<semaphore_mem>>) src(%arg15 : memref<512x32xf32, #tpu.memory_space<vmem>>) dst(%dma_wait3A_19 : memref<512x32xf32, #tpu.memory_space<hbm>>)
      tpu.yield
    }) : () -> ()
    return
  }
}

</mosaic_0001>

<sc_bundles>
// kernel: kernel.3.cloned.1.call-start
scs
__scs_entry_jumppad:
0x0: {  	(pc) =	sbr.rel $0x88, $3  }
0x1: {  	(tag) =	ssettag $0x0;
	lr =	simm.s32 $0x1  }
0x2: {  	[smem:$0x3F9F] =	sst lr;
	_ =	strace $0xD0000000  }
0x3: {  	_ = 	snop  }
0x4: {  	_ = 	snop  }
0x5: {  	_ = 	snop  }
0x6: {  	_ = 	snop  }
0x7: {  	_ = 	snop  }
__scs_overlays_trampoline_lowered:
0x8: {  	[smem:$0x3FAE] =	sst s0  }
0x9: {  	[smem:$0x3FAF] =	sst s1  }
0xa: {  	[smem:$0x3FB0] =	sst s2  }
0xb: {  	[smem:$0x3FB1] =	sst s3  }
0xc: {  	[smem:$0x3FB2] =	sst s4  }
0xd: {  	[smem:$0x3FB3] =	sst s5  }
0xe: {  	[smem:$0x3FB4] =	sst s6  }
0xf: {  	[smem:$0x3FB5] =	sst s7  }
0x10: {  	[smem:$0x3FB6] =	sst s8  }
0x11: {  	[smem:$0x3FB7] =	sst s9;
	s0 =	simm.s32 @!p0 $0x0  }
0x12: {  	s1 =	sld [smem:$0x3F9D];
	s0 =	simm.s32 @p0 $0x1  }
0x13: {  	[smem:$0x3FB8] =	sst s0;
	s0 =	simm.s32 @!p1 $0x0  }
0x14: {  	s2 =	sld [smem:$0x3F9C];
	s0 =	simm.s32 @p1 $0x1  }
0x15: {  	[smem:$0x3FB9] =	sst s0;
	s0 =	simm.s32 @!p2 $0x0  }
0x16: {  	s3 =	sld [smem:$0x3FDB];
	s0 =	simm.s32 @p2 $0x1  }
0x17: {  	s4 =	simm.s32 $0x1BF5;
	[smem:$0x3FBB] =	sst s0  }
0x18: {  	s0 =	sld [smem:$0x3F9E];
	_ =	swait.ge [sflag:s4], $0x0  }
0x19: {  	s7 =	sld [smem:$0x3F9F]  }
0x1a: {  	s8 =	sadd.s32 $0xFFFFE003, lr  }
0x1b: {  	s9 =	sadd.s32 $0xFFFFFEF7, lr;
	s5 =	simm.s32 $0xFFFFFFFF;
	p2 =	slt.u32 s8, $0xFFFFF086  }
0x1c: {  	p1 =	slt.u32 s9, $0xF7A;
	s5 =	simm.s32 @!p2 $0x0  }
0x1d: {  	s5 =	simm.s32 @p1 $0x1;
	p0 =	seq.s32 s7, s2  }
0x1e: {  	s7 =	smul.u32 @!p0 $0xF7A, s2;
	p2 =	seq.s32 @!p0 s5, $0x0  }
0x1f: {  	s9 =	smul.u32 $0xF7A, s1;
	s8 =	simm.s32 @!p0 $0x1BF5;
	p2 =	por !p2, p0  }
0x20: {  	[sflag:s8] =	ssyncset.s32 @!p0 $0xFFFFF086;
	s6 =	sadd.s32 @!p0 s3, s7;
	s7 =	simm.s32 @!p0 $0x108  }
0x21: {  	s3 =	sadd.s32 s3, s9;
	s6 =	sadd.s32 @!p0 $0x88, s6;
	s7 =	simm.s32 @p2 $0x1082  }
0x22: {  	[simem:s7], [sflag:s8] =	dma.local @!p0 [hbm:s6], $0xF7A  }
0x23: {  	s9 =	sor.u32 $0xD0000000, s2;
	s6 =	simm.s32 $0x108;
	_ =	swait.ge @!p0 [sflag:s8], $0x0  }
0x24: {  	s3 =	sadd.s32 $0x88, s3;
	s6 =	simm.s32 @!p1 $0x1082;
	[sflag:s4] =	ssyncset.s32 $0xFFFFF086  }
0x25: {  	[simem:s6], [sflag:s4] =	dma.local [hbm:s3], $0xF7A  }
0x26: {  	[smem:$0x3F9F] =	sst s1;
	(tag) =	ssettag s2;
	_ =	strace s9  }
0x27: {  	s1 =	sld [smem:$0x3FAF]  }
0x28: {  	s2 =	sld [smem:$0x3FB0]  }
0x29: {  	s4 =	sld [smem:$0x3FB2]  }
0x2a: {  	p0 =	seq.s32 s5, $0x0;
	s5 =	sld [smem:$0x3FB3]  }
0x2b: {  	s6 =	sld [smem:$0x3FB4]  }
0x2c: {  	s7 =	sld [smem:$0x3FB5]  }
0x2d: {  	s3 =	simm.s32 $0x108;
	s8 =	sld [smem:$0x3FB6]  }
0x2e: {  	s3 =	simm.s32 @!p0 $0x1082;
	s9 =	sld [smem:$0x3FB7]  }
0x2f: {  	lr =	sadd.s32 s0, s3;
	s0 =	sld [smem:$0x3FAE]  }
0x30: {  	s3 =	sld [smem:$0x3FB1]  }
0x31: {  	[smem:$0x3FBA] =	sst s10  }
0x32: {  	s10 =	sld [smem:$0x3FB8];
	_ =	sdelay $0x3  }
0x33: {  	p0 =	seq.s32 s10, $0x1;
	s10 =	sld [smem:$0x3FBA];
	_ =	sdelay $0x3  }
0x34: {  	[smem:$0x3FBA] =	sst s10  }
0x35: {  	s10 =	sld [smem:$0x3FB9];
	_ =	sdelay $0x3  }
0x36: {  	p1 =	seq.s32 s10, $0x1;
	s10 =	sld [smem:$0x3FBA];
	_ =	sdelay $0x3  }
0x37: {  	[smem:$0x3FBA] =	sst s10  }
0x38: {  	s10 =	sld [smem:$0x3FBB]  }
0x39: {  	_ = 	snop;
	(pc) =	sbr.ind lr, $3  }
0x3a: {  	_ = 	snop  }
0x3b: {  	_ = 	snop  }
0x3c: {  	p2 =	seq.s32 s10, $0x1;
	s10 =	sld [smem:$0x3FBA]  }
0x3d: {  	_ =	shalt  }
0x3e: {  	_ =	shalt  }
0x3f: {  	_ =	shalt  }
0x40: {  	_ =	shalt  }
0x41: {  	_ =	shalt  }
0x42: {  	_ =	shalt  }
0x43: {  	_ =	shalt  }
0x44: {  	_ =	shalt  }
0x45: {  	_ =	shalt  }
0x46: {  	_ =	shalt  }
0x47: {  	_ =	shalt  }
0x48: {  	_ =	shalt  }
0x49: {  	_ =	shalt  }
0x4a: {  	_ =	shalt  }
0x4b: {  	_ =	shalt  }
0x4c: {  	_ =	shalt  }
0x4d: {  	_ =	shalt  }
0x4e: {  	_ =	shalt  }
0x4f: {  	_ =	shalt  }
0x50: {  	_ =	shalt  }
0x51: {  	_ =	shalt  }
0x52: {  	_ =	shalt  }
0x53: {  	_ =	shalt  }
0x54: {  	_ =	shalt  }
0x55: {  	_ =	shalt  }
0x56: {  	_ =	shalt  }
0x57: {  	_ =	shalt  }
0x58: {  	_ =	shalt  }
0x59: {  	_ =	shalt  }
0x5a: {  	_ =	shalt  }
0x5b: {  	_ =	shalt  }
0x5c: {  	_ =	shalt  }
0x5d: {  	_ =	shalt  }
0x5e: {  	_ =	shalt  }
0x5f: {  	_ =	shalt  }
0x60: {  	_ =	shalt  }
0x61: {  	_ =	shalt  }
0x62: {  	_ =	shalt  }
0x63: {  	_ =	shalt  }
0x64: {  	_ =	shalt  }
0x65: {  	_ =	shalt  }
0x66: {  	_ =	shalt  }
0x67: {  	_ =	shalt  }
0x68: {  	_ =	shalt  }
0x69: {  	_ =	shalt  }
0x6a: {  	_ =	shalt  }
0x6b: {  	_ =	shalt  }
0x6c: {  	_ =	shalt  }
0x6d: {  	_ =	shalt  }
0x6e: {  	_ =	shalt  }
0x6f: {  	_ =	shalt  }
0x70: {  	_ =	shalt  }
0x71: {  	_ =	shalt  }
0x72: {  	_ =	shalt  }
0x73: {  	_ =	shalt  }
0x74: {  	_ =	shalt  }
0x75: {  	_ =	shalt  }
0x76: {  	_ =	shalt  }
0x77: {  	_ =	shalt  }
0x78: {  	_ =	shalt  }
0x79: {  	_ =	shalt  }
0x7a: {  	_ =	shalt  }
0x7b: {  	_ =	shalt  }
0x7c: {  	_ =	shalt  }
0x7d: {  	_ =	shalt  }
0x7e: {  	_ =	shalt  }
0x7f: {  	_ =	shalt  }
0x80: {  	_ =	shalt  }
0x81: {  	_ =	shalt  }
0x82: {  	_ =	shalt  }
0x83: {  	_ =	shalt  }
0x84: {  	_ =	shalt  }
0x85: {  	_ =	shalt  }
0x86: {  	_ =	shalt  }
0x87: {  	_ =	shalt  }
.Lfunc_end0:
.L_simem_size_0:
called_computation_lowered:
.L_overlay_start_0:
0x88: {  	s2 =	sld [smem:$0x3FD9]  }
0x89: {  	s3 =	sld [smem:$0x3FFE];
	_ =	sdelay $0x1  }
0x8a: {  	s1 =	srdreg.scid  }
0x8b: {  	s0 =	sand.u32 $0x1, s1  }
0x8c: {  	s17 =	sshll.u32 s0, $0xA;
	s2 =	sadd.s32 s3, s2  }
0x8d: {  	s2 =	sadd.s32 s2, s17  }
0x8e: {  	[smem:$0x3FC6] =	sst s2  }
0x8f: {  	_ = 	snop  }
0x90: {  	s2 =	sld [smem:$0x3FD0];
	(tm) =	ssettm $0x1  }
0x91: {  	s18 =	sld [smem:$0x3FFB];
	_ =	sdelay $0x3  }
0x92: {  	_ =	strace s18  }
0x93: {  	s3 =	sld [smem:$0x3FFC];
	_ =	sdelay $0x3  }
0x94: {  	_ =	strace s3  }
0x95: {  	s3 =	sld [smem:$0x3FFD];
	_ =	sdelay $0x3  }
0x96: {  	_ =	strace s3  }
0x97: {  	_ =	strace $0x8FFFFFFF  }
0x98: {  	s19 =	sld [smem:$0x3FDB];
	_ =	sdelay $0x1  }
0x99: {  	s4 =	simm.s32 $_scs_section_size  }
0x9a: {  	s5 =	simm.s32 $_size__tile_overlayer_lowered;
	s6 =	simm.s32 $_tile_overlayer_lowered  }
0x9b: {  	s22 =	simm.s32 $0x1BFF;
	s21 =	sshll.u32 s6, $0x1;
	s3 =	sadd.s32 s4, s19  }
0x9c: {  	s7 =	simm.s32 $0x0;
	s20 =	sshll.u32 s5, $0x1;
	s5 =	sadd.s32 s21, s3  }
0x9d: {  	[timem:s7], [sflag:s22] =	dma.local [hbm:s5], s20  }
0x9e: {  	_ =	swait.ge [sflag:s22], s20  }
0x9f: {  	s4 =	ssub.s32 $0x0, s20;
	[sflag:s22] =	ssyncset.done $0x0  }
0xa0: {  	[sflag:s22] =	ssyncadd.s32 s4;
	_ =	sdelay $0x1  }
0xa1: {  	s23 =	simm.s32 $0x1B8B  }
0xa2: {  	_ =	swait.ge [sflag:s23], $0x1  }
0xa3: {  	[sflag:s23] =	ssyncset.done $0x0  }
0xa4: {  	s25 =	simm.s32 $0x1B8E;
	s24 =	sld [smem:$0x3FFE];
	[sflag:s23] =	ssyncadd.s32 $0xFFFFFFFF  }
0xa5: {  	s26 =	simm.s32 $execute0_lowered;
	[smem:$0x3FD2] =	sst s25  }
0xa6: {  	s5 =	sshll.u32 s26, $0x1;
	_ =	strace $0x80000046;
	[dreg:$0x1] =	wrdreg $0xFFFFFFFF  }
0xa7: {  	s28 =	simm.s32 $_size_execute0_lowered;
	s3 =	sadd.s32 s3, s5;
	[dreg:$0x0] =	wrdreg $0x0  }
0xa8: {  	s5 =	sshll.u32 s28, $0x1;
	[dreg:$0x2] =	wrdreg s3  }
0xa9: {  	[dreg:$0x3] =	wrdreg s5  }
0xaa: {  	[dreg:$0x4] =	wrdreg $0xC0  }
0xab: {  	_ =	task [dreg:s7], $0x5FFFF  }
0xac: {  	[dreg:$0x1] =	wrdreg $0xFFFFFFFF  }
0xad: {  	[dreg:$0x0] =	wrdreg $0x60  }
0xae: {  	[dreg:$0x2] =	wrdreg s24  }
0xaf: {  	[dreg:$0x3] =	wrdreg s2  }
0xb0: {  	[dreg:$0x4] =	wrdreg $0x9  }
0xb1: {  	_ =	task.clear_ibuf [dreg:s7], $0x5FFFF;
	_ =	strace $0x90000046  }
0xb2: {  	s29 =	simm.s32 $0x9;
	_ =	strace $0x80000048  }
0xb3: {  	_ =	swait.ge [sflag:s29], $0x1  }
0xb4: {  	[sflag:s29] =	ssyncadd.s32 $0xFFFFFFFF  }
0xb5: {  	_ =	strace $0x90000048  }
0xb6: {  	_ =	sfence  }
0xb7: {  	s30 =	sld [smem:$0x0];
	_ =	sdelay $0x2  }
0xb8: {  	s31 =	sshll.u32 s1, $0xD;
	s1 =	sshrl.u32 s1, $0x2  }
0xb9: {  	s3 =	sand.u32 $0x4000, s31;
	s1 =	sadd.s32 s1, s30  }
0xba: {  	s0 =	sor.u32 s3, s0;
	s1 =	sshll.u32 s1, $0x11  }
0xbb: {  	s0 =	sor.u32 s1, s0  }
0xbc: {  	s0 =	sadd.s32 $0x8F2B, s0  }
0xbd: {  	[sflag:s0] =	ssyncadd.remote.s32 $0x1  }
0xbe: {  	_ =	sfence.sel $0xFFFF  }
0xbf: {  	[dreg:$0x0] =	wrdreg $0xFFFFFFFF;
	(pc) =	sbr.abs _section_cstart, $3  }
0xc0: {  	[dreg:$0x1] =	wrdreg $0xFFFFFFFF  }
0xc1: {  	_ =	task.clear_ibuf [dreg:s7], $0x2FFFF;
	_ =	strace $0x9FFFFFFF  }
0xc2: {  	(tm) =	ssettm $0x7FFFFFFF  }
0xc3: {  	_ =	shalt  }
tec
execute0_lowered:
.L_overlay_start_1:
0x0: {  	(tag) =	ssettag $0x1  }
0x1: {  	s0 =	srdreg.scid;
	s1 =	rddreg [dreg:$0x0]  }
0x2: {  	s2 =	rddreg [dreg:$0x1];
	s4 =	stileid.u32;
	s7 =	simm.s32 $0x0  }
0x3: {  	s21 =	simm.s32 $0x3200;
	s11 =	simm.s32 $0x9;
	s12 =	simm.s32 $0xC8  }
0x4: {  	s14 =	simm.s32 $0x7D00;
	s16 =	simm.s32 $0x9600;
	s18 =	simm.s32 $0xAF00  }
0x5: {  	s20 =	simm.s32 $0xC800;
	s22 =	simm.s32 $0xE100;
	s28 =	simm.s32 $0x2  }
0x6: {  	s29 =	simm.s32 $0x3;
	s30 =	simm.s32 $0x4;
	s31 =	simm.s32 $0x5  }
0x7: {  	s9 =	simm.s32 $0x0;
	s0 =	sand.u32 $0x1, s0;
	[smem:$0x7FF] =	sst s7  }
0x8: {  	s5 =	sadd.s32 $0xF42A00, s1;
	s3 =	sshll.u32 s0, $0x4;
	s0 =	ssub.s32 $0x2, s0  }
0x9: {  	_ =	strace $0x80000047;
	s3 =	sor.u32 s4, s3;
	s6 =	sshrl.u32 s0, $0x1  }
0xa: {  	s4 =	sadd.s32 $0x600, s1;
	s8 =	smul.u32 $0x19000, s3;
	s0 =	ssub.s32 s0, s6  }
0xb: {  	s26 =	sshll.u32 s3, $0xB;
	s6 =	simm.s32 $0xA;
	s0 =	smax.u32 s0, $0x1  }
0xc: {  	s24 =	sshrl.u32 s8, $0x3;
	s13 =	smov.u32 s8;
	s25 =	sadd.s32 $0x6400, s8  }
0xd: {  	[dreg:$0x6] =	wrdreg s0;
	s0 =	simm.s32 $0x6;
	s1 =	sadd.s32 s4, s24  }
0xe: {  	[dreg:$0x4] =	wrdreg s25;
	s24 =	simm.s32 $0xFA00;
	s25 =	simm.s32 $0x11300  }
0xf: {  	[dreg:$0x3] =	wrdreg s1;
	s1 =	sadd.s32 s2, s26;
	s26 =	simm.s32 $0x1  }
0x10: {  	s2 =	simm.s32 $0x8;
	[dreg:$0x5] =	wrdreg s1;
	s1 =	simm.s32 $0x7  }
.LBB2_1:
0x11: {  	[dreg:$0x7] =	wrdreg s9  }
0x12: {  	s3 =	rddreg [dreg:$0x3];
	s23 =	simm.s32 $0x0  }
0x13: {  	[tilespmem:s7], [sflag:$0x9] =	stream.linear.gather [hbm4b:s3+s7], $0x3200, $0x38;
	[tilespmem:$0x16C00] =	vst v63  }
.LBB2_2:
0x14: {  	s8 =	sshllo.u32 s23, $0x1  }
0x15: {  	s3 =	smul.u32 $0x3200, s8;
	_ =	sdelay $0x1  }
0x16: {  	s3 =	sadd.s32 s13, s3  }
0x17: {  	s3 =	sshrl.u32 s3, $0x3  }
0x18: {  	s9 =	simm.s32 $0x0;
	s3 =	sadd.s32 s4, s3  }
0x19: {  	[tilespmem:s21], [sflag:$0xA] =	stream.linear.gather [hbm4b:s3+s9], $0x3200, $0x38;
	[tilespmem:$0x16C00] =	vst v63  }
0x1a: {  	_ =	swait.ge [sflag:s11], $0x3200  }
0x1b: {  	[sflag:s11] =	ssyncset.done $0x0  }
0x1c: {  	s7 =	simm.s32 $0x6400;
	[sflag:s11] =	ssyncadd.s32 $0xFFFFCE00  }
0x1d: {  	[tilespmem:s7], [sflag:$0x1] =	stream.indirect.gather [hbm4b:s5+s12], $0x20, s9, s12, $0xb8;
	[tilespmem:$0x16C00] =	vst v63  }
0x1e: {  	_ = 	snop  }
0x1f: {  	[tilespmem:s14], [sflag:$0x2] =	stream.indirect.gather [hbm4b:s5+s12], $0x20, s12, s12, $0xb8;
	[tilespmem:$0x16C00] =	vst v63  }
0x20: {  	s10 =	simm.s32 $0x190  }
0x21: {  	[tilespmem:s16], [sflag:$0x3] =	stream.indirect.gather [hbm4b:s5+s12], $0x20, s10, s12, $0xb8;
	[tilespmem:$0x16C00] =	vst v63  }
0x22: {  	s15 =	simm.s32 $0x258  }
0x23: {  	[tilespmem:s18], [sflag:$0x4] =	stream.indirect.gather [hbm4b:s5+s12], $0x20, s15, s12, $0xb8;
	[tilespmem:$0x16C00] =	vst v63  }
0x24: {  	s17 =	simm.s32 $0x320  }
0x25: {  	[tilespmem:s20], [sflag:$0x5] =	stream.indirect.gather [hbm4b:s5+s12], $0x20, s17, s12, $0xb8;
	[tilespmem:$0x16C00] =	vst v63  }
0x26: {  	s19 =	simm.s32 $0x3E8  }
0x27: {  	[tilespmem:s22], [sflag:$0x6] =	stream.indirect.gather [hbm4b:s5+s12], $0x20, s19, s12, $0xb8;
	[tilespmem:$0x16C00] =	vst v63  }
0x28: {  	s21 =	simm.s32 $0x4B0;
	s15 =	sshll.u32 s23, $0x7  }
0x29: {  	[tilespmem:s24], [sflag:$0x7] =	stream.indirect.gather [hbm4b:s5+s12], $0x20, s21, s12, $0xb8;
	[tilespmem:$0x16C00] =	vst v63  }
.LBB2_3:
0x2a: {  	s17 =	sshllo.u32 s9, $0x3  }
0x2b: {  	s3 =	smul.u32 $0x320, s17;
	_ =	sdelay $0x1  }
0x2c: {  	s3 =	sshra.s32 s3, $0x2  }
0x2d: {  	[tilespmem:s25], [sflag:$0x8] =	stream.indirect.gather [hbm4b:s5+s12], $0x20, s3, s12, $0xb8;
	[tilespmem:$0x16C00] =	vst v63  }
0x2e: {  	_ =	swait.ge [sflag:s26], $0x1900  }
0x2f: {  	[sflag:s26] =	ssyncset.done $0x0  }
0x30: {  	s21 =	simm.s32 $0x0;
	[sflag:s26] =	ssyncadd.s32 $0xFFFFE700  }
0x31: {  	v0 =	vld [tilespmem:s21+$0x6400]  }
0x32: {  	v1 =	vld [tilespmem:s21+$0x6410]  }
0x33: {  	v2 =	vld [tilespmem:s21+$0x6420]  }
0x34: {  	v3 =	vld [tilespmem:s21+$0x6430]  }
0x35: {  	v4 =	vld [tilespmem:s21+$0x6440]  }
0x36: {  	v5 =	vimm.f32 $0.0e+00;
	v6 =	vld [tilespmem:s21+$0x6450]  }
0x37: {  	v7 =	vld [tilespmem:s21+$0x6470];
	v0 =	vadd.f32 v0, v5;
	v1 =	vadd.f32 v1, v5  }
0x38: {  	v5 =	vld [tilespmem:s21+$0x6460]  }
0x39: {  	v0 =	vadd.f32 v2, v0;
	v1 =	vadd.f32 v3, v1;
	v2 =	vld [tilespmem:s21+$0x6480]  }
0x3a: {  	v3 =	vld [tilespmem:s21+$0x6490]  }
0x3b: {  	v8 =	vld [tilespmem:s21+$0x64B0];
	v0 =	vadd.f32 v4, v0;
	v1 =	vadd.f32 v6, v1  }
0x3c: {  	v6 =	vld [tilespmem:s21+$0x64A0]  }
0x3d: {  	v4 =	vadd.f32 v5, v0;
	v5 =	vadd.f32 v7, v1;
	v0 =	vld [tilespmem:s21+$0x64C0]  }
0x3e: {  	v1 =	vld [tilespmem:s21+$0x64D0]  }
0x3f: {  	v7 =	vadd.f32 v2, v4;
	v5 =	vadd.f32 v3, v5;
	v2 =	vld [tilespmem:s21+$0x64E0]  }
0x40: {  	s19 =	simm.s32 $0x100;
	v4 =	vld [tilespmem:s21+$0x64F0]  }
0x41: {  	s3 =	simm.s32 $0x800;
	s21 =	sshll.u32 s9, $0x3;
	v3 =	vld [tilespmem:s19+$0x6400];
	v6 =	vadd.f32 v6, v7;
	v5 =	vadd.f32 v8, v5  }
.LBB2_4:
0x42: {  	p0 =	sne.s32 s3, $0x6000;
	v7 =	vld [tilespmem:s19+$0x6410]  }
0x43: {  	v8 =	vld [tilespmem:s19+$0x6420];
	v0 =	vadd.f32 v0, v6;
	v1 =	vadd.f32 v1, v5  }
0x44: {  	v5 =	vld [tilespmem:s19+$0x6430]  }
0x45: {  	v6 =	vld [tilespmem:s19+$0x6440];
	v0 =	vadd.f32 v2, v0;
	v1 =	vadd.f32 v4, v1  }
0x46: {  	v2 =	vld [tilespmem:s19+$0x6450]  }
0x47: {  	v0 =	vadd.f32 v3, v0;
	v1 =	vadd.f32 v7, v1;
	v3 =	vld [tilespmem:s19+$0x6460]  }
0x48: {  	v4 =	vld [tilespmem:s19+$0x6470]  }
0x49: {  	v0 =	vadd.f32 v8, v0;
	v1 =	vadd.f32 v5, v1;
	v5 =	vld [tilespmem:s19+$0x6480]  }
0x4a: {  	v7 =	vld [tilespmem:s19+$0x6490]  }
0x4b: {  	v0 =	vadd.f32 v6, v0;
	v1 =	vadd.f32 v2, v1;
	v6 =	vld [tilespmem:s19+$0x64A0]  }
0x4c: {  	v8 =	vld [tilespmem:s19+$0x64B0]  }
.Ltmp0:
0x4d: {  	v2 =	vadd.f32 v3, v0;
	v3 =	vadd.f32 v4, v1;
	v0 =	vld [tilespmem:s19+$0x64C0];
	(pc) =	sbr.rel @p0 .LBB2_4-.Ltmp0, $4  }
0x4e: {  	v1 =	vld [tilespmem:s19+$0x64D0]  }
0x4f: {  	v5 =	vadd.f32 v5, v2;
	v7 =	vadd.f32 v7, v3;
	v2 =	vld [tilespmem:s19+$0x64E0]  }
0x50: {  	v4 =	vld [tilespmem:s19+$0x64F0];
	s19 =	sshra.s32 s3, $0x2  }
0x51: {  	s3 =	sadd.s32 $0x400, s3;
	v3 =	vld [tilespmem:s19+$0x6400];
	v6 =	vadd.f32 v6, v5;
	v5 =	vadd.f32 v8, v7  }
0x52: {  	_ = 	snop  }
0x53: {  	v7 =	vld [tilespmem:s19+$0x6410];
	v0 =	vadd.f32 v0, v6  }
0x54: {  	v6 =	vld [tilespmem:s19+$0x6420];
	v1 =	vadd.f32 v1, v5  }
0x55: {  	v5 =	vld [tilespmem:s19+$0x6430];
	v0 =	vadd.f32 v2, v0  }
0x56: {  	v2 =	vld [tilespmem:s19+$0x6440];
	v1 =	vadd.f32 v4, v1  }
0x57: {  	v4 =	vld [tilespmem:s19+$0x6450];
	v0 =	vadd.f32 v3, v0  }
0x58: {  	v1 =	vadd.f32 v7, v1;
	v3 =	vld [tilespmem:s19+$0x6460]  }
0x59: {  	v7 =	vld [tilespmem:s19+$0x6470];
	v0 =	vadd.f32 v6, v0  }
0x5a: {  	v1 =	vadd.f32 v5, v1;
	v5 =	vld [tilespmem:s19+$0x6480]  }
0x5b: {  	v6 =	vld [tilespmem:s19+$0x6490];
	v0 =	vadd.f32 v2, v0  }
0x5c: {  	v1 =	vadd.f32 v4, v1;
	v2 =	vld [tilespmem:s19+$0x64A0]  }
0x5d: {  	v4 =	vld [tilespmem:s19+$0x64B0];
	v0 =	vadd.f32 v3, v0  }
0x5e: {  	v1 =	vadd.f32 v7, v1;
	v3 =	vld [tilespmem:s19+$0x64C0]  }
0x5f: {  	v7 =	vld [tilespmem:s19+$0x64D0];
	v0 =	vadd.f32 v5, v0  }
0x60: {  	v1 =	vadd.f32 v6, v1;
	v5 =	vld [tilespmem:s19+$0x64E0]  }
0x61: {  	v6 =	vld [tilespmem:s19+$0x64F0];
	v0 =	vadd.f32 v2, v0  }
0x62: {  	v1 =	vadd.f32 v4, v1  }
0x63: {  	v0 =	vadd.f32 v3, v0  }
0x64: {  	v1 =	vadd.f32 v7, v1  }
0x65: {  	v0 =	vadd.f32 v5, v0  }
0x66: {  	s3 =	sadd.s32 s15, s21;
	p0 =	seq.s32 s9, $0x7;
	v1 =	vadd.f32 v6, v1  }
0x67: {  	s3 =	sshll.u32 s3, $0x5;
	s7 =	smul.u32 @!p0 $0x1900, s9;
	v0 =	vmul.f32 $4.999999890e-03, v0  }
0x68: {  	s3 =	sand.u32 $0x3FFFFFE0, s3;
	v1 =	vmul.f32 $4.999999890e-03, v1  }
0x69: {  	s19 =	sshra.s32 @!p0 s7, $0x2;
	[tilespmem:s3+$0x12C00] =	vst v0  }
0x6a: {  	s10 =	simm.s32 @!p0 $0x6400;
	s7 =	simm.s32 @!p0 $0xC8;
	[tilespmem:s3+$0x12C10] =	vst v1;
	s3 =	sadd.s32 @!p0 $0x640, s19  }
0x6b: {  	[tilespmem:s10], [sflag:$0x1] =	stream.indirect.gather @!p0 [hbm4b:s5+s7], $0x20, s3, s7, $0xb8;
	[tilespmem:$0x16C00] =	vst v63  }
0x6c: {  	_ =	swait.ge [sflag:s28], $0x1900  }
0x6d: {  	[sflag:s28] =	ssyncset.done $0x0  }
0x6e: {  	s10 =	simm.s32 $0x0;
	[sflag:s28] =	ssyncadd.s32 $0xFFFFE700  }
0x6f: {  	v0 =	vld [tilespmem:s10+$0x7D00]  }
0x70: {  	v1 =	vld [tilespmem:s10+$0x7D10]  }
0x71: {  	v2 =	vld [tilespmem:s10+$0x7D20]  }
0x72: {  	v3 =	vld [tilespmem:s10+$0x7D30]  }
0x73: {  	v4 =	vld [tilespmem:s10+$0x7D40]  }
0x74: {  	v5 =	vimm.f32 $0.0e+00;
	v6 =	vld [tilespmem:s10+$0x7D50]  }
0x75: {  	v7 =	vld [tilespmem:s10+$0x7D70];
	v0 =	vadd.f32 v0, v5;
	v1 =	vadd.f32 v1, v5  }
0x76: {  	v5 =	vld [tilespmem:s10+$0x7D60]  }
0x77: {  	v8 =	vld [tilespmem:s10+$0x7D90];
	v0 =	vadd.f32 v2, v0;
	v1 =	vadd.f32 v3, v1  }
0x78: {  	v3 =	vld [tilespmem:s10+$0x7D80]  }
0x79: {  	v9 =	vld [tilespmem:s10+$0x7DB0];
	v0 =	vadd.f32 v4, v0;
	v1 =	vadd.f32 v6, v1  }
0x7a: {  	v6 =	vld [tilespmem:s10+$0x7DA0]  }
0x7b: {  	v2 =	vld [tilespmem:s10+$0x7DD0];
	v0 =	vadd.f32 v5, v0;
	v4 =	vadd.f32 v7, v1  }
0x7c: {  	v1 =	vld [tilespmem:s10+$0x7DC0]  }
0x7d: {  	v5 =	vadd.f32 v3, v0;
	v7 =	vadd.f32 v8, v4;
	v3 =	vld [tilespmem:s10+$0x7DE0]  }
0x7e: {  	s3 =	simm.s32 $0x100;
	v4 =	vld [tilespmem:s10+$0x7DF0]  }
0x7f: {  	s7 =	simm.s32 $0x800;
	v0 =	vld [tilespmem:s3+$0x7D00];
	v6 =	vadd.f32 v6, v5;
	v5 =	vadd.f32 v9, v7  }
.LBB2_6:
0x80: {  	p1 =	sne.s32 s7, $0x6000;
	v7 =	vld [tilespmem:s3+$0x7D10]  }
0x81: {  	v8 =	vld [tilespmem:s3+$0x7D20];
	v1 =	vadd.f32 v1, v6;
	v2 =	vadd.f32 v2, v5  }
0x82: {  	v5 =	vld [tilespmem:s3+$0x7D30]  }
0x83: {  	v6 =	vld [tilespmem:s3+$0x7D40];
	v1 =	vadd.f32 v3, v1;
	v2 =	vadd.f32 v4, v2  }
0x84: {  	v3 =	vld [tilespmem:s3+$0x7D50]  }
0x85: {  	v0 =	vadd.f32 v0, v1;
	v1 =	vadd.f32 v7, v2;
	v2 =	vld [tilespmem:s3+$0x7D60]  }
0x86: {  	v4 =	vld [tilespmem:s3+$0x7D70]  }
0x87: {  	v0 =	vadd.f32 v8, v0;
	v1 =	vadd.f32 v5, v1;
	v5 =	vld [tilespmem:s3+$0x7D80]  }
0x88: {  	v7 =	vld [tilespmem:s3+$0x7D90]  }
0x89: {  	v0 =	vadd.f32 v6, v0;
	v1 =	vadd.f32 v3, v1;
	v6 =	vld [tilespmem:s3+$0x7DA0]  }
0x8a: {  	v8 =	vld [tilespmem:s3+$0x7DB0]  }
.Ltmp1:
0x8b: {  	v0 =	vadd.f32 v2, v0;
	v3 =	vadd.f32 v4, v1;
	v1 =	vld [tilespmem:s3+$0x7DC0];
	(pc) =	sbr.rel @p1 .LBB2_6-.Ltmp1, $4  }
0x8c: {  	v2 =	vld [tilespmem:s3+$0x7DD0]  }
0x8d: {  	v5 =	vadd.f32 v5, v0;
	v7 =	vadd.f32 v7, v3;
	v3 =	vld [tilespmem:s3+$0x7DE0]  }
0x8e: {  	v4 =	vld [tilespmem:s3+$0x7DF0];
	s3 =	sshra.s32 s7, $0x2  }
0x8f: {  	s7 =	sadd.s32 $0x400, s7;
	v0 =	vld [tilespmem:s3+$0x7D00];
	v6 =	vadd.f32 v6, v5;
	v5 =	vadd.f32 v8, v7  }
0x90: {  	_ = 	snop  }
0x91: {  	v7 =	vld [tilespmem:s3+$0x7D10];
	v1 =	vadd.f32 v1, v6  }
0x92: {  	v6 =	vld [tilespmem:s3+$0x7D20];
	v2 =	vadd.f32 v2, v5  }
0x93: {  	v5 =	vld [tilespmem:s3+$0x7D30];
	v1 =	vadd.f32 v3, v1  }
0x94: {  	v3 =	vld [tilespmem:s3+$0x7D40];
	v2 =	vadd.f32 v4, v2  }
0x95: {  	v4 =	vld [tilespmem:s3+$0x7D50];
	v0 =	vadd.f32 v0, v1  }
0x96: {  	v1 =	vadd.f32 v7, v2;
	v2 =	vld [tilespmem:s3+$0x7D60]  }
0x97: {  	v7 =	vld [tilespmem:s3+$0x7D70];
	v0 =	vadd.f32 v6, v0  }
0x98: {  	v1 =	vadd.f32 v5, v1;
	v5 =	vld [tilespmem:s3+$0x7D80]  }
0x99: {  	v6 =	vld [tilespmem:s3+$0x7D90];
	v0 =	vadd.f32 v3, v0  }
0x9a: {  	v1 =	vadd.f32 v4, v1;
	v3 =	vld [tilespmem:s3+$0x7DA0]  }
0x9b: {  	v4 =	vld [tilespmem:s3+$0x7DB0];
	v0 =	vadd.f32 v2, v0  }
0x9c: {  	v1 =	vadd.f32 v7, v1;
	v2 =	vld [tilespmem:s3+$0x7DC0]  }
0x9d: {  	v7 =	vld [tilespmem:s3+$0x7DD0];
	v0 =	vadd.f32 v5, v0  }
0x9e: {  	v1 =	vadd.f32 v6, v1;
	v5 =	vld [tilespmem:s3+$0x7DE0]  }
0x9f: {  	v6 =	vld [tilespmem:s3+$0x7DF0];
	v0 =	vadd.f32 v3, v0  }
0xa0: {  	v1 =	vadd.f32 v4, v1  }
0xa1: {  	v0 =	vadd.f32 v2, v0  }
0xa2: {  	v1 =	vadd.f32 v7, v1  }
0xa3: {  	s7 =	sadd.s32 s21, s15;
	v0 =	vadd.f32 v5, v0  }
0xa4: {  	s21 =	sshll.u32 s7, $0x5;
	v1 =	vadd.f32 v6, v1  }
0xa5: {  	s3 =	sadd.s32 $0x20, s21;
	v0 =	vmul.f32 $4.999999890e-03, v0  }
0xa6: {  	s3 =	sand.u32 $0x3FFFFFE0, s3;
	v1 =	vmul.f32 $4.999999890e-03, v1  }
0xa7: {  	[tilespmem:s3+$0x12C00] =	vst v0  }
0xa8: {  	s10 =	simm.s32 @!p0 $0x7D00;
	s7 =	simm.s32 @!p0 $0xC8;
	[tilespmem:s3+$0x12C10] =	vst v1;
	s3 =	sadd.s32 @!p0 $0x708, s19  }
0xa9: {  	[tilespmem:s10], [sflag:$0x2] =	stream.indirect.gather @!p0 [hbm4b:s5+s7], $0x20, s3, s7, $0xb8;
	[tilespmem:$0x16C00] =	vst v63  }
0xaa: {  	_ =	swait.ge [sflag:s29], $0x1900  }
0xab: {  	[sflag:s29] =	ssyncset.done $0x0  }
0xac: {  	s10 =	simm.s32 $0x0;
	[sflag:s29] =	ssyncadd.s32 $0xFFFFE700  }
0xad: {  	v0 =	vld [tilespmem:s10+$0x9600]  }
0xae: {  	v1 =	vld [tilespmem:s10+$0x9610]  }
0xaf: {  	v2 =	vld [tilespmem:s10+$0x9620]  }
0xb0: {  	v3 =	vld [tilespmem:s10+$0x9630]  }
0xb1: {  	v4 =	vld [tilespmem:s10+$0x9640]  }
0xb2: {  	v5 =	vimm.f32 $0.0e+00;
	v6 =	vld [tilespmem:s10+$0x9650]  }
0xb3: {  	v7 =	vld [tilespmem:s10+$0x9670];
	v0 =	vadd.f32 v0, v5;
	v1 =	vadd.f32 v1, v5  }
0xb4: {  	v5 =	vld [tilespmem:s10+$0x9660]  }
0xb5: {  	v8 =	vld [tilespmem:s10+$0x9690];
	v0 =	vadd.f32 v2, v0;
	v1 =	vadd.f32 v3, v1  }
0xb6: {  	v3 =	vld [tilespmem:s10+$0x9680]  }
0xb7: {  	v9 =	vld [tilespmem:s10+$0x96B0];
	v0 =	vadd.f32 v4, v0;
	v1 =	vadd.f32 v6, v1  }
0xb8: {  	v6 =	vld [tilespmem:s10+$0x96A0]  }
0xb9: {  	v2 =	vld [tilespmem:s10+$0x96D0];
	v0 =	vadd.f32 v5, v0;
	v4 =	vadd.f32 v7, v1  }
0xba: {  	v1 =	vld [tilespmem:s10+$0x96C0]  }
0xbb: {  	v5 =	vadd.f32 v3, v0;
	v7 =	vadd.f32 v8, v4;
	v3 =	vld [tilespmem:s10+$0x96E0]  }
0xbc: {  	s3 =	simm.s32 $0x100;
	v4 =	vld [tilespmem:s10+$0x96F0]  }
0xbd: {  	s7 =	simm.s32 $0x800;
	v0 =	vld [tilespmem:s3+$0x9600];
	v6 =	vadd.f32 v6, v5;
	v5 =	vadd.f32 v9, v7  }
.LBB2_8:
0xbe: {  	p1 =	sne.s32 s7, $0x6000;
	v7 =	vld [tilespmem:s3+$0x9610]  }
0xbf: {  	v8 =	vld [tilespmem:s3+$0x9620];
	v1 =	vadd.f32 v1, v6;
	v2 =	vadd.f32 v2, v5  }
0xc0: {  	v5 =	vld [tilespmem:s3+$0x9630]  }
0xc1: {  	v6 =	vld [tilespmem:s3+$0x9640];
	v1 =	vadd.f32 v3, v1;
	v2 =	vadd.f32 v4, v2  }
0xc2: {  	v3 =	vld [tilespmem:s3+$0x9650]  }
0xc3: {  	v0 =	vadd.f32 v0, v1;
	v1 =	vadd.f32 v7, v2;
	v2 =	vld [tilespmem:s3+$0x9660]  }
0xc4: {  	v4 =	vld [tilespmem:s3+$0x9670]  }
0xc5: {  	v0 =	vadd.f32 v8, v0;
	v1 =	vadd.f32 v5, v1;
	v5 =	vld [tilespmem:s3+$0x9680]  }
0xc6: {  	v7 =	vld [tilespmem:s3+$0x9690]  }
0xc7: {  	v0 =	vadd.f32 v6, v0;
	v1 =	vadd.f32 v3, v1;
	v6 =	vld [tilespmem:s3+$0x96A0]  }
0xc8: {  	v8 =	vld [tilespmem:s3+$0x96B0]  }
.Ltmp2:
0xc9: {  	v0 =	vadd.f32 v2, v0;
	v3 =	vadd.f32 v4, v1;
	v1 =	vld [tilespmem:s3+$0x96C0];
	(pc) =	sbr.rel @p1 .LBB2_8-.Ltmp2, $4  }
0xca: {  	v2 =	vld [tilespmem:s3+$0x96D0]  }
0xcb: {  	v5 =	vadd.f32 v5, v0;
	v7 =	vadd.f32 v7, v3;
	v3 =	vld [tilespmem:s3+$0x96E0]  }
0xcc: {  	v4 =	vld [tilespmem:s3+$0x96F0];
	s3 =	sshra.s32 s7, $0x2  }
0xcd: {  	s7 =	sadd.s32 $0x400, s7;
	v0 =	vld [tilespmem:s3+$0x9600];
	v6 =	vadd.f32 v6, v5;
	v5 =	vadd.f32 v8, v7  }
0xce: {  	_ = 	snop  }
0xcf: {  	v7 =	vld [tilespmem:s3+$0x9610];
	v1 =	vadd.f32 v1, v6  }
0xd0: {  	v6 =	vld [tilespmem:s3+$0x9620];
	v2 =	vadd.f32 v2, v5  }
0xd1: {  	v5 =	vld [tilespmem:s3+$0x9630];
	v1 =	vadd.f32 v3, v1  }
0xd2: {  	v3 =	vld [tilespmem:s3+$0x9640];
	v2 =	vadd.f32 v4, v2  }
0xd3: {  	v4 =	vld [tilespmem:s3+$0x9650];
	v0 =	vadd.f32 v0, v1  }
0xd4: {  	v1 =	vadd.f32 v7, v2;
	v2 =	vld [tilespmem:s3+$0x9660]  }
0xd5: {  	v7 =	vld [tilespmem:s3+$0x9670];
	v0 =	vadd.f32 v6, v0  }
0xd6: {  	v1 =	vadd.f32 v5, v1;
	v5 =	vld [tilespmem:s3+$0x9680]  }
0xd7: {  	v6 =	vld [tilespmem:s3+$0x9690];
	v0 =	vadd.f32 v3, v0  }
0xd8: {  	v1 =	vadd.f32 v4, v1;
	v3 =	vld [tilespmem:s3+$0x96A0]  }
0xd9: {  	v4 =	vld [tilespmem:s3+$0x96B0];
	v0 =	vadd.f32 v2, v0  }
0xda: {  	v1 =	vadd.f32 v7, v1;
	v2 =	vld [tilespmem:s3+$0x96C0]  }
0xdb: {  	v7 =	vld [tilespmem:s3+$0x96D0];
	v0 =	vadd.f32 v5, v0  }
0xdc: {  	v1 =	vadd.f32 v6, v1;
	v5 =	vld [tilespmem:s3+$0x96E0]  }
0xdd: {  	v6 =	vld [tilespmem:s3+$0x96F0];
	v0 =	vadd.f32 v3, v0  }
0xde: {  	v1 =	vadd.f32 v4, v1  }
0xdf: {  	v0 =	vadd.f32 v2, v0  }
0xe0: {  	v1 =	vadd.f32 v7, v1  }
0xe1: {  	v0 =	vadd.f32 v5, v0  }
0xe2: {  	v1 =	vadd.f32 v6, v1  }
0xe3: {  	s7 =	sadd.s32 $0x40, s21;
	v0 =	vmul.f32 $4.999999890e-03, v0  }
0xe4: {  	s3 =	sand.u32 $0x3FFFFFE0, s7;
	v1 =	vmul.f32 $4.999999890e-03, v1  }
0xe5: {  	[tilespmem:s3+$0x12C00] =	vst v0  }
0xe6: {  	s10 =	simm.s32 @!p0 $0x9600;
	s7 =	simm.s32 @!p0 $0xC8;
	[tilespmem:s3+$0x12C10] =	vst v1;
	s3 =	sadd.s32 @!p0 $0x7D0, s19  }
0xe7: {  	[tilespmem:s10], [sflag:$0x3] =	stream.indirect.gather @!p0 [hbm4b:s5+s7], $0x20, s3, s7, $0xb8;
	[tilespmem:$0x16C00] =	vst v63  }
0xe8: {  	_ =	swait.ge [sflag:s30], $0x1900  }
0xe9: {  	[sflag:s30] =	ssyncset.done $0x0  }
0xea: {  	s10 =	simm.s32 $0x0;
	[sflag:s30] =	ssyncadd.s32 $0xFFFFE700  }
0xeb: {  	v0 =	vld [tilespmem:s10+$0xAF00]  }
0xec: {  	v1 =	vld [tilespmem:s10+$0xAF10]  }
0xed: {  	v2 =	vld [tilespmem:s10+$0xAF20]  }
0xee: {  	v3 =	vld [tilespmem:s10+$0xAF30]  }
0xef: {  	v4 =	vld [tilespmem:s10+$0xAF40]  }
0xf0: {  	v5 =	vimm.f32 $0.0e+00;
	v6 =	vld [tilespmem:s10+$0xAF50]  }
0xf1: {  	v7 =	vld [tilespmem:s10+$0xAF70];
	v0 =	vadd.f32 v0, v5;
	v1 =	vadd.f32 v1, v5  }
0xf2: {  	v5 =	vld [tilespmem:s10+$0xAF60]  }
0xf3: {  	v8 =	vld [tilespmem:s10+$0xAF90];
	v0 =	vadd.f32 v2, v0;
	v1 =	vadd.f32 v3, v1  }
0xf4: {  	v3 =	vld [tilespmem:s10+$0xAF80]  }
0xf5: {  	v9 =	vld [tilespmem:s10+$0xAFB0];
	v0 =	vadd.f32 v4, v0;
	v1 =	vadd.f32 v6, v1  }
0xf6: {  	v6 =	vld [tilespmem:s10+$0xAFA0]  }
0xf7: {  	v2 =	vld [tilespmem:s10+$0xAFD0];
	v0 =	vadd.f32 v5, v0;
	v4 =	vadd.f32 v7, v1  }
0xf8: {  	v1 =	vld [tilespmem:s10+$0xAFC0]  }
0xf9: {  	v5 =	vadd.f32 v3, v0;
	v7 =	vadd.f32 v8, v4;
	v3 =	vld [tilespmem:s10+$0xAFE0]  }
0xfa: {  	s3 =	simm.s32 $0x100;
	v4 =	vld [tilespmem:s10+$0xAFF0]  }
0xfb: {  	s7 =	simm.s32 $0x800;
	v0 =	vld [tilespmem:s3+$0xAF00];
	v6 =	vadd.f32 v6, v5;
	v5 =	vadd.f32 v9, v7  }
.LBB2_10:
0xfc: {  	p1 =	sne.s32 s7, $0x6000;
	v7 =	vld [tilespmem:s3+$0xAF10]  }
0xfd: {  	v8 =	vld [tilespmem:s3+$0xAF20];
	v1 =	vadd.f32 v1, v6;
	v2 =	vadd.f32 v2, v5  }
0xfe: {  	v5 =	vld [tilespmem:s3+$0xAF30]  }
0xff: {  	v6 =	vld [tilespmem:s3+$0xAF40];
	v1 =	vadd.f32 v3, v1;
	v2 =	vadd.f32 v4, v2  }
0x100: {  	v3 =	vld [tilespmem:s3+$0xAF50]  }
0x101: {  	v0 =	vadd.f32 v0, v1;
	v1 =	vadd.f32 v7, v2;
	v2 =	vld [tilespmem:s3+$0xAF60]  }
0x102: {  	v4 =	vld [tilespmem:s3+$0xAF70]  }
0x103: {  	v0 =	vadd.f32 v8, v0;
	v1 =	vadd.f32 v5, v1;
	v5 =	vld [tilespmem:s3+$0xAF80]  }
0x104: {  	v7 =	vld [tilespmem:s3+$0xAF90]  }
0x105: {  	v0 =	vadd.f32 v6, v0;
	v1 =	vadd.f32 v3, v1;
	v6 =	vld [tilespmem:s3+$0xAFA0]  }
0x106: {  	v8 =	vld [tilespmem:s3+$0xAFB0]  }
.Ltmp3:
0x107: {  	v0 =	vadd.f32 v2, v0;
	v3 =	vadd.f32 v4, v1;
	v1 =	vld [tilespmem:s3+$0xAFC0];
	(pc) =	sbr.rel @p1 .LBB2_10-.Ltmp3, $4  }
0x108: {  	v2 =	vld [tilespmem:s3+$0xAFD0]  }
0x109: {  	v5 =	vadd.f32 v5, v0;
	v7 =	vadd.f32 v7, v3;
	v3 =	vld [tilespmem:s3+$0xAFE0]  }
0x10a: {  	v4 =	vld [tilespmem:s3+$0xAFF0];
	s3 =	sshra.s32 s7, $0x2  }
0x10b: {  	s7 =	sadd.s32 $0x400, s7;
	v0 =	vld [tilespmem:s3+$0xAF00];
	v6 =	vadd.f32 v6, v5;
	v5 =	vadd.f32 v8, v7  }
0x10c: {  	_ = 	snop  }
0x10d: {  	v7 =	vld [tilespmem:s3+$0xAF10];
	v1 =	vadd.f32 v1, v6  }
0x10e: {  	v6 =	vld [tilespmem:s3+$0xAF20];
	v2 =	vadd.f32 v2, v5  }
0x10f: {  	v5 =	vld [tilespmem:s3+$0xAF30];
	v1 =	vadd.f32 v3, v1  }
0x110: {  	v3 =	vld [tilespmem:s3+$0xAF40];
	v2 =	vadd.f32 v4, v2  }
0x111: {  	v4 =	vld [tilespmem:s3+$0xAF50];
	v0 =	vadd.f32 v0, v1  }
0x112: {  	v1 =	vadd.f32 v7, v2;
	v2 =	vld [tilespmem:s3+$0xAF60]  }
0x113: {  	v7 =	vld [tilespmem:s3+$0xAF70];
	v0 =	vadd.f32 v6, v0  }
0x114: {  	v1 =	vadd.f32 v5, v1;
	v5 =	vld [tilespmem:s3+$0xAF80]  }
0x115: {  	v6 =	vld [tilespmem:s3+$0xAF90];
	v0 =	vadd.f32 v3, v0  }
0x116: {  	v1 =	vadd.f32 v4, v1;
	v3 =	vld [tilespmem:s3+$0xAFA0]  }
0x117: {  	v4 =	vld [tilespmem:s3+$0xAFB0];
	v0 =	vadd.f32 v2, v0  }
0x118: {  	v1 =	vadd.f32 v7, v1;
	v2 =	vld [tilespmem:s3+$0xAFC0]  }
0x119: {  	v7 =	vld [tilespmem:s3+$0xAFD0];
	v0 =	vadd.f32 v5, v0  }
0x11a: {  	v1 =	vadd.f32 v6, v1;
	v5 =	vld [tilespmem:s3+$0xAFE0]  }
0x11b: {  	v6 =	vld [tilespmem:s3+$0xAFF0];
	v0 =	vadd.f32 v3, v0  }
0x11c: {  	v1 =	vadd.f32 v4, v1  }
0x11d: {  	v0 =	vadd.f32 v2, v0  }
0x11e: {  	v1 =	vadd.f32 v7, v1  }
0x11f: {  	v0 =	vadd.f32 v5, v0  }
0x120: {  	v1 =	vadd.f32 v6, v1  }
0x121: {  	s7 =	sadd.s32 $0x60, s21;
	v0 =	vmul.f32 $4.999999890e-03, v0  }
0x122: {  	s3 =	sand.u32 $0x3FFFFFE0, s7;
	v1 =	vmul.f32 $4.999999890e-03, v1  }
0x123: {  	[tilespmem:s3+$0x12C00] =	vst v0  }
0x124: {  	s10 =	simm.s32 @!p0 $0xAF00;
	s7 =	simm.s32 @!p0 $0xC8;
	[tilespmem:s3+$0x12C10] =	vst v1;
	s3 =	sadd.s32 @!p0 $0x898, s19  }
0x125: {  	[tilespmem:s10], [sflag:$0x4] =	stream.indirect.gather @!p0 [hbm4b:s5+s7], $0x20, s3, s7, $0xb8;
	[tilespmem:$0x16C00] =	vst v63  }
0x126: {  	_ =	swait.ge [sflag:s31], $0x1900  }
0x127: {  	[sflag:s31] =	ssyncset.done $0x0  }
0x128: {  	s10 =	simm.s32 $0x0;
	[sflag:s31] =	ssyncadd.s32 $0xFFFFE700  }
0x129: {  	v0 =	vld [tilespmem:s10+$0xC800]  }
0x12a: {  	v1 =	vld [tilespmem:s10+$0xC810]  }
0x12b: {  	v2 =	vld [tilespmem:s10+$0xC820]  }
0x12c: {  	v3 =	vld [tilespmem:s10+$0xC830]  }
0x12d: {  	v4 =	vld [tilespmem:s10+$0xC840]  }
0x12e: {  	v5 =	vimm.f32 $0.0e+00;
	v6 =	vld [tilespmem:s10+$0xC850]  }
0x12f: {  	v7 =	vld [tilespmem:s10+$0xC870];
	v0 =	vadd.f32 v0, v5;
	v1 =	vadd.f32 v1, v5  }
0x130: {  	v5 =	vld [tilespmem:s10+$0xC860]  }
0x131: {  	v8 =	vld [tilespmem:s10+$0xC890];
	v0 =	vadd.f32 v2, v0;
	v1 =	vadd.f32 v3, v1  }
0x132: {  	v3 =	vld [tilespmem:s10+$0xC880]  }
0x133: {  	v9 =	vld [tilespmem:s10+$0xC8B0];
	v0 =	vadd.f32 v4, v0;
	v1 =	vadd.f32 v6, v1  }
0x134: {  	v6 =	vld [tilespmem:s10+$0xC8A0]  }
0x135: {  	v2 =	vld [tilespmem:s10+$0xC8D0];
	v0 =	vadd.f32 v5, v0;
	v4 =	vadd.f32 v7, v1  }
0x136: {  	v1 =	vld [tilespmem:s10+$0xC8C0]  }
0x137: {  	v5 =	vadd.f32 v3, v0;
	v7 =	vadd.f32 v8, v4;
	v3 =	vld [tilespmem:s10+$0xC8E0]  }
0x138: {  	s3 =	simm.s32 $0x100;
	v4 =	vld [tilespmem:s10+$0xC8F0]  }
0x139: {  	s7 =	simm.s32 $0x800;
	v0 =	vld [tilespmem:s3+$0xC800];
	v6 =	vadd.f32 v6, v5;
	v5 =	vadd.f32 v9, v7  }
.LBB2_12:
0x13a: {  	p1 =	sne.s32 s7, $0x6000;
	v7 =	vld [tilespmem:s3+$0xC810]  }
0x13b: {  	v8 =	vld [tilespmem:s3+$0xC820];
	v1 =	vadd.f32 v1, v6;
	v2 =	vadd.f32 v2, v5  }
0x13c: {  	v5 =	vld [tilespmem:s3+$0xC830]  }
0x13d: {  	v6 =	vld [tilespmem:s3+$0xC840];
	v1 =	vadd.f32 v3, v1;
	v2 =	vadd.f32 v4, v2  }
0x13e: {  	v3 =	vld [tilespmem:s3+$0xC850]  }
0x13f: {  	v0 =	vadd.f32 v0, v1;
	v1 =	vadd.f32 v7, v2;
	v2 =	vld [tilespmem:s3+$0xC860]  }
0x140: {  	v4 =	vld [tilespmem:s3+$0xC870]  }
0x141: {  	v0 =	vadd.f32 v8, v0;
	v1 =	vadd.f32 v5, v1;
	v5 =	vld [tilespmem:s3+$0xC880]  }
0x142: {  	v7 =	vld [tilespmem:s3+$0xC890]  }
0x143: {  	v0 =	vadd.f32 v6, v0;
	v1 =	vadd.f32 v3, v1;
	v6 =	vld [tilespmem:s3+$0xC8A0]  }
0x144: {  	v8 =	vld [tilespmem:s3+$0xC8B0]  }
.Ltmp4:
0x145: {  	v0 =	vadd.f32 v2, v0;
	v3 =	vadd.f32 v4, v1;
	v1 =	vld [tilespmem:s3+$0xC8C0];
	(pc) =	sbr.rel @p1 .LBB2_12-.Ltmp4, $4  }
0x146: {  	v2 =	vld [tilespmem:s3+$0xC8D0]  }
0x147: {  	v5 =	vadd.f32 v5, v0;
	v7 =	vadd.f32 v7, v3;
	v3 =	vld [tilespmem:s3+$0xC8E0]  }
0x148: {  	v4 =	vld [tilespmem:s3+$0xC8F0];
	s3 =	sshra.s32 s7, $0x2  }
0x149: {  	s7 =	sadd.s32 $0x400, s7;
	v0 =	vld [tilespmem:s3+$0xC800];
	v6 =	vadd.f32 v6, v5;
	v5 =	vadd.f32 v8, v7  }
0x14a: {  	_ = 	snop  }
0x14b: {  	v7 =	vld [tilespmem:s3+$0xC810];
	v1 =	vadd.f32 v1, v6  }
0x14c: {  	v6 =	vld [tilespmem:s3+$0xC820];
	v2 =	vadd.f32 v2, v5  }
0x14d: {  	v5 =	vld [tilespmem:s3+$0xC830];
	v1 =	vadd.f32 v3, v1  }
0x14e: {  	v3 =	vld [tilespmem:s3+$0xC840];
	v2 =	vadd.f32 v4, v2  }
0x14f: {  	v4 =	vld [tilespmem:s3+$0xC850];
	v0 =	vadd.f32 v0, v1  }
0x150: {  	v1 =	vadd.f32 v7, v2;
	v2 =	vld [tilespmem:s3+$0xC860]  }
0x151: {  	v7 =	vld [tilespmem:s3+$0xC870];
	v0 =	vadd.f32 v6, v0  }
0x152: {  	v1 =	vadd.f32 v5, v1;
	v5 =	vld [tilespmem:s3+$0xC880]  }
0x153: {  	v6 =	vld [tilespmem:s3+$0xC890];
	v0 =	vadd.f32 v3, v0  }
0x154: {  	v1 =	vadd.f32 v4, v1;
	v3 =	vld [tilespmem:s3+$0xC8A0]  }
0x155: {  	v4 =	vld [tilespmem:s3+$0xC8B0];
	v0 =	vadd.f32 v2, v0  }
0x156: {  	v1 =	vadd.f32 v7, v1;
	v2 =	vld [tilespmem:s3+$0xC8C0]  }
0x157: {  	v7 =	vld [tilespmem:s3+$0xC8D0];
	v0 =	vadd.f32 v5, v0  }
0x158: {  	v1 =	vadd.f32 v6, v1;
	v5 =	vld [tilespmem:s3+$0xC8E0]  }
0x159: {  	v6 =	vld [tilespmem:s3+$0xC8F0];
	v0 =	vadd.f32 v3, v0  }
0x15a: {  	v1 =	vadd.f32 v4, v1  }
0x15b: {  	v0 =	vadd.f32 v2, v0  }
0x15c: {  	v1 =	vadd.f32 v7, v1  }
0x15d: {  	v0 =	vadd.f32 v5, v0  }
0x15e: {  	v1 =	vadd.f32 v6, v1  }
0x15f: {  	s7 =	sadd.s32 $0x80, s21;
	v0 =	vmul.f32 $4.999999890e-03, v0  }
0x160: {  	s3 =	sand.u32 $0x3FFFFFE0, s7;
	v1 =	vmul.f32 $4.999999890e-03, v1  }
0x161: {  	[tilespmem:s3+$0x12C00] =	vst v0  }
0x162: {  	s10 =	simm.s32 @!p0 $0xC800;
	s7 =	simm.s32 @!p0 $0xC8;
	[tilespmem:s3+$0x12C10] =	vst v1;
	s3 =	sadd.s32 @!p0 $0x960, s19  }
0x163: {  	[tilespmem:s10], [sflag:$0x5] =	stream.indirect.gather @!p0 [hbm4b:s5+s7], $0x20, s3, s7, $0xb8;
	[tilespmem:$0x16C00] =	vst v63  }
0x164: {  	_ =	swait.ge [sflag:s0], $0x1900  }
0x165: {  	[sflag:s0] =	ssyncset.done $0x0  }
0x166: {  	s10 =	simm.s32 $0x0;
	[sflag:s0] =	ssyncadd.s32 $0xFFFFE700  }
0x167: {  	v0 =	vld [tilespmem:s10+$0xE100]  }
0x168: {  	v1 =	vld [tilespmem:s10+$0xE110]  }
0x169: {  	v2 =	vld [tilespmem:s10+$0xE120]  }
0x16a: {  	v3 =	vld [tilespmem:s10+$0xE130]  }
0x16b: {  	v4 =	vld [tilespmem:s10+$0xE140]  }
0x16c: {  	v5 =	vimm.f32 $0.0e+00;
	v6 =	vld [tilespmem:s10+$0xE150]  }
0x16d: {  	v7 =	vld [tilespmem:s10+$0xE170];
	v0 =	vadd.f32 v0, v5;
	v1 =	vadd.f32 v1, v5  }
0x16e: {  	v5 =	vld [tilespmem:s10+$0xE160]  }
0x16f: {  	v8 =	vld [tilespmem:s10+$0xE190];
	v0 =	vadd.f32 v2, v0;
	v1 =	vadd.f32 v3, v1  }
0x170: {  	v3 =	vld [tilespmem:s10+$0xE180]  }
0x171: {  	v9 =	vld [tilespmem:s10+$0xE1B0];
	v0 =	vadd.f32 v4, v0;
	v1 =	vadd.f32 v6, v1  }
0x172: {  	v6 =	vld [tilespmem:s10+$0xE1A0]  }
0x173: {  	v2 =	vld [tilespmem:s10+$0xE1D0];
	v0 =	vadd.f32 v5, v0;
	v4 =	vadd.f32 v7, v1  }
0x174: {  	v1 =	vld [tilespmem:s10+$0xE1C0]  }
0x175: {  	v5 =	vadd.f32 v3, v0;
	v7 =	vadd.f32 v8, v4;
	v3 =	vld [tilespmem:s10+$0xE1E0]  }
0x176: {  	s3 =	simm.s32 $0x100;
	v4 =	vld [tilespmem:s10+$0xE1F0]  }
0x177: {  	s7 =	simm.s32 $0x800;
	v0 =	vld [tilespmem:s3+$0xE100];
	v6 =	vadd.f32 v6, v5;
	v5 =	vadd.f32 v9, v7  }
.LBB2_14:
0x178: {  	p1 =	sne.s32 s7, $0x6000;
	v7 =	vld [tilespmem:s3+$0xE110]  }
0x179: {  	v8 =	vld [tilespmem:s3+$0xE120];
	v1 =	vadd.f32 v1, v6;
	v2 =	vadd.f32 v2, v5  }
0x17a: {  	v5 =	vld [tilespmem:s3+$0xE130]  }
0x17b: {  	v6 =	vld [tilespmem:s3+$0xE140];
	v1 =	vadd.f32 v3, v1;
	v2 =	vadd.f32 v4, v2  }
0x17c: {  	v3 =	vld [tilespmem:s3+$0xE150]  }
0x17d: {  	v0 =	vadd.f32 v0, v1;
	v1 =	vadd.f32 v7, v2;
	v2 =	vld [tilespmem:s3+$0xE160]  }
0x17e: {  	v4 =	vld [tilespmem:s3+$0xE170]  }
0x17f: {  	v0 =	vadd.f32 v8, v0;
	v1 =	vadd.f32 v5, v1;
	v5 =	vld [tilespmem:s3+$0xE180]  }
0x180: {  	v7 =	vld [tilespmem:s3+$0xE190]  }
0x181: {  	v0 =	vadd.f32 v6, v0;
	v1 =	vadd.f32 v3, v1;
	v6 =	vld [tilespmem:s3+$0xE1A0]  }
0x182: {  	v8 =	vld [tilespmem:s3+$0xE1B0]  }
.Ltmp5:
0x183: {  	v0 =	vadd.f32 v2, v0;
	v3 =	vadd.f32 v4, v1;
	v1 =	vld [tilespmem:s3+$0xE1C0];
	(pc) =	sbr.rel @p1 .LBB2_14-.Ltmp5, $4  }
0x184: {  	v2 =	vld [tilespmem:s3+$0xE1D0]  }
0x185: {  	v5 =	vadd.f32 v5, v0;
	v7 =	vadd.f32 v7, v3;
	v3 =	vld [tilespmem:s3+$0xE1E0]  }
0x186: {  	v4 =	vld [tilespmem:s3+$0xE1F0];
	s3 =	sshra.s32 s7, $0x2  }
0x187: {  	s7 =	sadd.s32 $0x400, s7;
	v0 =	vld [tilespmem:s3+$0xE100];
	v6 =	vadd.f32 v6, v5;
	v5 =	vadd.f32 v8, v7  }
0x188: {  	_ = 	snop  }
0x189: {  	v7 =	vld [tilespmem:s3+$0xE110];
	v1 =	vadd.f32 v1, v6  }
0x18a: {  	v6 =	vld [tilespmem:s3+$0xE120];
	v2 =	vadd.f32 v2, v5  }
0x18b: {  	v5 =	vld [tilespmem:s3+$0xE130];
	v1 =	vadd.f32 v3, v1  }
0x18c: {  	v3 =	vld [tilespmem:s3+$0xE140];
	v2 =	vadd.f32 v4, v2  }
0x18d: {  	v4 =	vld [tilespmem:s3+$0xE150];
	v0 =	vadd.f32 v0, v1  }
0x18e: {  	v1 =	vadd.f32 v7, v2;
	v2 =	vld [tilespmem:s3+$0xE160]  }
0x18f: {  	v7 =	vld [tilespmem:s3+$0xE170];
	v0 =	vadd.f32 v6, v0  }
0x190: {  	v1 =	vadd.f32 v5, v1;
	v5 =	vld [tilespmem:s3+$0xE180]  }
0x191: {  	v6 =	vld [tilespmem:s3+$0xE190];
	v0 =	vadd.f32 v3, v0  }
0x192: {  	v1 =	vadd.f32 v4, v1;
	v3 =	vld [tilespmem:s3+$0xE1A0]  }
0x193: {  	v4 =	vld [tilespmem:s3+$0xE1B0];
	v0 =	vadd.f32 v2, v0  }
0x194: {  	v1 =	vadd.f32 v7, v1;
	v2 =	vld [tilespmem:s3+$0xE1C0]  }
0x195: {  	v7 =	vld [tilespmem:s3+$0xE1D0];
	v0 =	vadd.f32 v5, v0  }
0x196: {  	v1 =	vadd.f32 v6, v1;
	v5 =	vld [tilespmem:s3+$0xE1E0]  }
0x197: {  	v6 =	vld [tilespmem:s3+$0xE1F0];
	v0 =	vadd.f32 v3, v0  }
0x198: {  	v1 =	vadd.f32 v4, v1  }
0x199: {  	v0 =	vadd.f32 v2, v0  }
0x19a: {  	v1 =	vadd.f32 v7, v1  }
0x19b: {  	v0 =	vadd.f32 v5, v0  }
0x19c: {  	v1 =	vadd.f32 v6, v1  }
0x19d: {  	s7 =	sadd.s32 $0xA0, s21;
	v0 =	vmul.f32 $4.999999890e-03, v0  }
0x19e: {  	s3 =	sand.u32 $0x3FFFFFE0, s7;
	v1 =	vmul.f32 $4.999999890e-03, v1  }
0x19f: {  	[tilespmem:s3+$0x12C00] =	vst v0  }
0x1a0: {  	s10 =	simm.s32 @!p0 $0xE100;
	s7 =	simm.s32 @!p0 $0xC8;
	[tilespmem:s3+$0x12C10] =	vst v1;
	s3 =	sadd.s32 @!p0 $0xA28, s19  }
0x1a1: {  	[tilespmem:s10], [sflag:$0x6] =	stream.indirect.gather @!p0 [hbm4b:s5+s7], $0x20, s3, s7, $0xb8;
	[tilespmem:$0x16C00] =	vst v63  }
0x1a2: {  	_ =	swait.ge [sflag:s1], $0x1900  }
0x1a3: {  	[sflag:s1] =	ssyncset.done $0x0  }
0x1a4: {  	s10 =	simm.s32 $0x0;
	[sflag:s1] =	ssyncadd.s32 $0xFFFFE700  }
0x1a5: {  	v0 =	vld [tilespmem:s10+$0xFA00]  }
0x1a6: {  	v1 =	vld [tilespmem:s10+$0xFA10]  }
0x1a7: {  	v2 =	vld [tilespmem:s10+$0xFA20]  }
0x1a8: {  	v3 =	vld [tilespmem:s10+$0xFA30]  }
0x1a9: {  	v4 =	vld [tilespmem:s10+$0xFA40]  }
0x1aa: {  	v5 =	vimm.f32 $0.0e+00;
	v6 =	vld [tilespmem:s10+$0xFA50]  }
0x1ab: {  	v7 =	vld [tilespmem:s10+$0xFA70];
	v0 =	vadd.f32 v0, v5;
	v1 =	vadd.f32 v1, v5  }
0x1ac: {  	v5 =	vld [tilespmem:s10+$0xFA60]  }
0x1ad: {  	v8 =	vld [tilespmem:s10+$0xFA90];
	v0 =	vadd.f32 v2, v0;
	v1 =	vadd.f32 v3, v1  }
0x1ae: {  	v3 =	vld [tilespmem:s10+$0xFA80]  }
0x1af: {  	v9 =	vld [tilespmem:s10+$0xFAB0];
	v0 =	vadd.f32 v4, v0;
	v1 =	vadd.f32 v6, v1  }
0x1b0: {  	v6 =	vld [tilespmem:s10+$0xFAA0]  }
0x1b1: {  	v2 =	vld [tilespmem:s10+$0xFAD0];
	v0 =	vadd.f32 v5, v0;
	v4 =	vadd.f32 v7, v1  }
0x1b2: {  	v1 =	vld [tilespmem:s10+$0xFAC0]  }
0x1b3: {  	v5 =	vadd.f32 v3, v0;
	v7 =	vadd.f32 v8, v4;
	v3 =	vld [tilespmem:s10+$0xFAE0]  }
0x1b4: {  	s3 =	simm.s32 $0x100;
	v4 =	vld [tilespmem:s10+$0xFAF0]  }
0x1b5: {  	s7 =	simm.s32 $0x800;
	v0 =	vld [tilespmem:s3+$0xFA00];
	v6 =	vadd.f32 v6, v5;
	v5 =	vadd.f32 v9, v7  }
.LBB2_16:
0x1b6: {  	p1 =	sne.s32 s7, $0x6000;
	v7 =	vld [tilespmem:s3+$0xFA10]  }
0x1b7: {  	v8 =	vld [tilespmem:s3+$0xFA20];
	v1 =	vadd.f32 v1, v6;
	v2 =	vadd.f32 v2, v5  }
0x1b8: {  	v5 =	vld [tilespmem:s3+$0xFA30]  }
0x1b9: {  	v6 =	vld [tilespmem:s3+$0xFA40];
	v1 =	vadd.f32 v3, v1;
	v2 =	vadd.f32 v4, v2  }
0x1ba: {  	v3 =	vld [tilespmem:s3+$0xFA50]  }
0x1bb: {  	v0 =	vadd.f32 v0, v1;
	v1 =	vadd.f32 v7, v2;
	v2 =	vld [tilespmem:s3+$0xFA60]  }
0x1bc: {  	v4 =	vld [tilespmem:s3+$0xFA70]  }
0x1bd: {  	v0 =	vadd.f32 v8, v0;
	v1 =	vadd.f32 v5, v1;
	v5 =	vld [tilespmem:s3+$0xFA80]  }
0x1be: {  	v7 =	vld [tilespmem:s3+$0xFA90]  }
0x1bf: {  	v0 =	vadd.f32 v6, v0;
	v1 =	vadd.f32 v3, v1;
	v6 =	vld [tilespmem:s3+$0xFAA0]  }
0x1c0: {  	v8 =	vld [tilespmem:s3+$0xFAB0]  }
.Ltmp6:
0x1c1: {  	v0 =	vadd.f32 v2, v0;
	v3 =	vadd.f32 v4, v1;
	v1 =	vld [tilespmem:s3+$0xFAC0];
	(pc) =	sbr.rel @p1 .LBB2_16-.Ltmp6, $4  }
0x1c2: {  	v2 =	vld [tilespmem:s3+$0xFAD0]  }
0x1c3: {  	v5 =	vadd.f32 v5, v0;
	v7 =	vadd.f32 v7, v3;
	v3 =	vld [tilespmem:s3+$0xFAE0]  }
0x1c4: {  	v4 =	vld [tilespmem:s3+$0xFAF0];
	s3 =	sshra.s32 s7, $0x2  }
0x1c5: {  	s7 =	sadd.s32 $0x400, s7;
	v0 =	vld [tilespmem:s3+$0xFA00];
	v6 =	vadd.f32 v6, v5;
	v5 =	vadd.f32 v8, v7  }
0x1c6: {  	_ = 	snop  }
0x1c7: {  	v7 =	vld [tilespmem:s3+$0xFA10];
	v1 =	vadd.f32 v1, v6  }
0x1c8: {  	v6 =	vld [tilespmem:s3+$0xFA20];
	v2 =	vadd.f32 v2, v5  }
0x1c9: {  	v5 =	vld [tilespmem:s3+$0xFA30];
	v1 =	vadd.f32 v3, v1  }
0x1ca: {  	v3 =	vld [tilespmem:s3+$0xFA40];
	v2 =	vadd.f32 v4, v2  }
0x1cb: {  	v4 =	vld [tilespmem:s3+$0xFA50];
	v0 =	vadd.f32 v0, v1  }
0x1cc: {  	v1 =	vadd.f32 v7, v2;
	v2 =	vld [tilespmem:s3+$0xFA60]  }
0x1cd: {  	v7 =	vld [tilespmem:s3+$0xFA70];
	v0 =	vadd.f32 v6, v0  }
0x1ce: {  	v1 =	vadd.f32 v5, v1;
	v5 =	vld [tilespmem:s3+$0xFA80]  }
0x1cf: {  	v6 =	vld [tilespmem:s3+$0xFA90];
	v0 =	vadd.f32 v3, v0  }
0x1d0: {  	v1 =	vadd.f32 v4, v1;
	v3 =	vld [tilespmem:s3+$0xFAA0]  }
0x1d1: {  	v4 =	vld [tilespmem:s3+$0xFAB0];
	v0 =	vadd.f32 v2, v0  }
0x1d2: {  	v1 =	vadd.f32 v7, v1;
	v2 =	vld [tilespmem:s3+$0xFAC0]  }
0x1d3: {  	v7 =	vld [tilespmem:s3+$0xFAD0];
	v0 =	vadd.f32 v5, v0  }
0x1d4: {  	v1 =	vadd.f32 v6, v1;
	v5 =	vld [tilespmem:s3+$0xFAE0]  }
0x1d5: {  	v6 =	vld [tilespmem:s3+$0xFAF0];
	v0 =	vadd.f32 v3, v0  }
0x1d6: {  	v1 =	vadd.f32 v4, v1  }
0x1d7: {  	v0 =	vadd.f32 v2, v0  }
0x1d8: {  	v1 =	vadd.f32 v7, v1  }
0x1d9: {  	v0 =	vadd.f32 v5, v0  }
0x1da: {  	v1 =	vadd.f32 v6, v1  }
0x1db: {  	s10 =	sadd.s32 $0xC0, s21;
	v0 =	vmul.f32 $4.999999890e-03, v0  }
0x1dc: {  	s3 =	sand.u32 $0x3FFFFFE0, s10;
	v1 =	vmul.f32 $4.999999890e-03, v1  }
0x1dd: {  	[tilespmem:s3+$0x12C00] =	vst v0  }
0x1de: {  	s7 =	simm.s32 @!p0 $0xC8;
	s10 =	simm.s32 @!p0 $0xFA00;
	[tilespmem:s3+$0x12C10] =	vst v1;
	s3 =	sadd.s32 @!p0 $0xAF0, s19  }
0x1df: {  	[tilespmem:s10], [sflag:$0x7] =	stream.indirect.gather @!p0 [hbm4b:s5+s7], $0x20, s3, s7, $0xb8;
	[tilespmem:$0x16C00] =	vst v63  }
0x1e0: {  	_ =	swait.ge [sflag:s2], $0x1900  }
0x1e1: {  	[sflag:s2] =	ssyncset.done $0x0  }
0x1e2: {  	s21 =	simm.s32 $0x0;
	[sflag:s2] =	ssyncadd.s32 $0xFFFFE700  }
0x1e3: {  	v0 =	vld [tilespmem:s21+$0x11300]  }
0x1e4: {  	v1 =	vld [tilespmem:s21+$0x11310]  }
0x1e5: {  	v2 =	vld [tilespmem:s21+$0x11320]  }
0x1e6: {  	v3 =	vld [tilespmem:s21+$0x11330]  }
0x1e7: {  	v4 =	vld [tilespmem:s21+$0x11340]  }
0x1e8: {  	v5 =	vimm.f32 $0.0e+00;
	v6 =	vld [tilespmem:s21+$0x11350]  }
0x1e9: {  	v7 =	vld [tilespmem:s21+$0x11370];
	v0 =	vadd.f32 v0, v5;
	v1 =	vadd.f32 v1, v5  }
0x1ea: {  	v5 =	vld [tilespmem:s21+$0x11360]  }
0x1eb: {  	v8 =	vld [tilespmem:s21+$0x11390];
	v0 =	vadd.f32 v2, v0;
	v1 =	vadd.f32 v3, v1  }
0x1ec: {  	v3 =	vld [tilespmem:s21+$0x11380]  }
0x1ed: {  	v9 =	vld [tilespmem:s21+$0x113B0];
	v0 =	vadd.f32 v4, v0;
	v1 =	vadd.f32 v6, v1  }
0x1ee: {  	v6 =	vld [tilespmem:s21+$0x113A0]  }
0x1ef: {  	v2 =	vld [tilespmem:s21+$0x113D0];
	v0 =	vadd.f32 v5, v0;
	v4 =	vadd.f32 v7, v1  }
0x1f0: {  	v1 =	vld [tilespmem:s21+$0x113C0]  }
0x1f1: {  	v5 =	vadd.f32 v3, v0;
	v7 =	vadd.f32 v8, v4;
	v3 =	vld [tilespmem:s21+$0x113E0]  }
0x1f2: {  	s3 =	simm.s32 $0x100;
	v4 =	vld [tilespmem:s21+$0x113F0]  }
0x1f3: {  	s7 =	simm.s32 $0x800;
	v0 =	vld [tilespmem:s3+$0x11300];
	v6 =	vadd.f32 v6, v5;
	v5 =	vadd.f32 v9, v7  }
.LBB2_18:
0x1f4: {  	p0 =	sne.s32 s7, $0x6000;
	v7 =	vld [tilespmem:s3+$0x11310]  }
0x1f5: {  	v8 =	vld [tilespmem:s3+$0x11320];
	v1 =	vadd.f32 v1, v6;
	v2 =	vadd.f32 v2, v5  }
0x1f6: {  	v5 =	vld [tilespmem:s3+$0x11330]  }
0x1f7: {  	v6 =	vld [tilespmem:s3+$0x11340];
	v1 =	vadd.f32 v3, v1;
	v2 =	vadd.f32 v4, v2  }
0x1f8: {  	v3 =	vld [tilespmem:s3+$0x11350]  }
0x1f9: {  	v0 =	vadd.f32 v0, v1;
	v1 =	vadd.f32 v7, v2;
	v2 =	vld [tilespmem:s3+$0x11360]  }
0x1fa: {  	v4 =	vld [tilespmem:s3+$0x11370]  }
0x1fb: {  	v0 =	vadd.f32 v8, v0;
	v1 =	vadd.f32 v5, v1;
	v5 =	vld [tilespmem:s3+$0x11380]  }
0x1fc: {  	v7 =	vld [tilespmem:s3+$0x11390]  }
0x1fd: {  	v0 =	vadd.f32 v6, v0;
	v1 =	vadd.f32 v3, v1;
	v6 =	vld [tilespmem:s3+$0x113A0]  }
0x1fe: {  	v8 =	vld [tilespmem:s3+$0x113B0]  }
.Ltmp7:
0x1ff: {  	v0 =	vadd.f32 v2, v0;
	v3 =	vadd.f32 v4, v1;
	v1 =	vld [tilespmem:s3+$0x113C0];
	(pc) =	sbr.rel @p0 .LBB2_18-.Ltmp7, $4  }
0x200: {  	v2 =	vld [tilespmem:s3+$0x113D0]  }
0x201: {  	v5 =	vadd.f32 v5, v0;
	v7 =	vadd.f32 v7, v3;
	v3 =	vld [tilespmem:s3+$0x113E0]  }
0x202: {  	v4 =	vld [tilespmem:s3+$0x113F0];
	s3 =	sshra.s32 s7, $0x2  }
0x203: {  	s7 =	sadd.s32 $0x400, s7;
	v0 =	vld [tilespmem:s3+$0x11300];
	v6 =	vadd.f32 v6, v5;
	v5 =	vadd.f32 v8, v7  }
0x204: {  	_ = 	snop  }
0x205: {  	v7 =	vld [tilespmem:s3+$0x11310];
	v1 =	vadd.f32 v1, v6  }
0x206: {  	v49 =	vld [tilespmem:s3+$0x11320];
	v2 =	vadd.f32 v2, v5  }
0x207: {  	v50 =	vld [tilespmem:s3+$0x11330];
	v1 =	vadd.f32 v3, v1  }
0x208: {  	v51 =	vld [tilespmem:s3+$0x11340];
	v2 =	vadd.f32 v4, v2  }
0x209: {  	v52 =	vld [tilespmem:s3+$0x11350];
	v0 =	vadd.f32 v0, v1  }
0x20a: {  	v54 =	vld [tilespmem:s3+$0x11360];
	v53 =	vadd.f32 v7, v2  }
0x20b: {  	v55 =	vld [tilespmem:s3+$0x11370];
	v0 =	vadd.f32 v49, v0  }
0x20c: {  	v56 =	vld [tilespmem:s3+$0x11380];
	v1 =	vadd.f32 v50, v53  }
0x20d: {  	v57 =	vld [tilespmem:s3+$0x11390];
	v0 =	vadd.f32 v51, v0  }
0x20e: {  	v58 =	vld [tilespmem:s3+$0x113A0];
	v1 =	vadd.f32 v52, v1  }
0x20f: {  	v59 =	vld [tilespmem:s3+$0x113B0];
	v0 =	vadd.f32 v54, v0  }
0x210: {  	v60 =	vld [tilespmem:s3+$0x113C0];
	v1 =	vadd.f32 v55, v1  }
0x211: {  	v61 =	vld [tilespmem:s3+$0x113D0];
	v0 =	vadd.f32 v56, v0  }
0x212: {  	v62 =	vld [tilespmem:s3+$0x113E0];
	v1 =	vadd.f32 v57, v1  }
0x213: {  	v63 =	vld [tilespmem:s3+$0x113F0];
	v0 =	vadd.f32 v58, v0  }
0x214: {  	v1 =	vadd.f32 v59, v1  }
0x215: {  	v0 =	vadd.f32 v60, v0  }
0x216: {  	s9 =	sadd.s32 $0x1, s9;
	v1 =	vadd.f32 v61, v1  }
0x217: {  	p0 =	sne.s32 s9, $0x8;
	v0 =	vadd.f32 v62, v0  }
.Ltmp8:
0x218: {  	s21 =	sadd.s32 s15, s17;
	v1 =	vadd.f32 v63, v1;
	(pc) =	sbr.rel @p0 .LBB2_3-.Ltmp8, $4  }
0x219: {  	s3 =	sshll.u32 s21, $0x5;
	v0 =	vmul.f32 $4.999999890e-03, v0  }
0x21a: {  	s3 =	sand.u32 $0x3FFFFFE0, s3;
	v1 =	vmul.f32 $4.999999890e-03, v1  }
0x21b: {  	[tilespmem:s3+$0x12C00] =	vst v0  }
0x21c: {  	[tilespmem:s3+$0x12C10] =	vst v1  }
0x21d: {  	p0 =	seq.s32 s23, $0x3  }
0x21e: {  	s3 =	smul.u32 @!p0 $0x6400, s23  }
0x21f: {  	s7 =	rddreg [dreg:$0x4]  }
0x220: {  	s3 =	sadd.s32 @!p0 s3, s7  }
0x221: {  	s3 =	sshrl.u32 @!p0 s3, $0x3  }
0x222: {  	s7 =	simm.s32 @!p0 $0x0;
	s3 =	sadd.s32 @!p0 s4, s3  }
0x223: {  	[tilespmem:s7], [sflag:$0x9] =	stream.linear.gather @!p0 [hbm4b:s3+s7], $0x3200, $0x38;
	[tilespmem:$0x16C00] =	vst v63  }
0x224: {  	_ =	swait.ge [sflag:s6], $0x3200  }
0x225: {  	[sflag:s6] =	ssyncset.done $0x0  }
0x226: {  	s21 =	simm.s32 $0x3200;
	s19 =	simm.s32 $0x6400;
	[sflag:s6] =	ssyncadd.s32 $0xFFFFCE00  }
0x227: {  	[tilespmem:s19], [sflag:$0x1] =	stream.indirect.gather [hbm4b:s5+s12], $0x20, s21, s12, $0xb8;
	[tilespmem:$0x16C00] =	vst v63  }
0x228: {  	s7 =	simm.s32 $0x32C8  }
0x229: {  	[tilespmem:s14], [sflag:$0x2] =	stream.indirect.gather [hbm4b:s5+s12], $0x20, s7, s12, $0xb8;
	[tilespmem:$0x16C00] =	vst v63  }
0x22a: {  	s9 =	simm.s32 $0x3390  }
0x22b: {  	[tilespmem:s16], [sflag:$0x3] =	stream.indirect.gather [hbm4b:s5+s12], $0x20, s9, s12, $0xb8;
	[tilespmem:$0x16C00] =	vst v63  }
0x22c: {  	s10 =	simm.s32 $0x3458  }
0x22d: {  	[tilespmem:s18], [sflag:$0x4] =	stream.indirect.gather [hbm4b:s5+s12], $0x20, s10, s12, $0xb8;
	[tilespmem:$0x16C00] =	vst v63  }
0x22e: {  	s15 =	simm.s32 $0x3520  }
0x22f: {  	[tilespmem:s20], [sflag:$0x5] =	stream.indirect.gather [hbm4b:s5+s12], $0x20, s15, s12, $0xb8;
	[tilespmem:$0x16C00] =	vst v63  }
0x230: {  	s17 =	simm.s32 $0x35E8  }
0x231: {  	[tilespmem:s22], [sflag:$0x6] =	stream.indirect.gather [hbm4b:s5+s12], $0x20, s17, s12, $0xb8;
	[tilespmem:$0x16C00] =	vst v63  }
0x232: {  	s8 =	sshll.u32 s8, $0x6;
	s19 =	simm.s32 $0x36B0;
	s9 =	simm.s32 $0x0  }
0x233: {  	[tilespmem:s24], [sflag:$0x7] =	stream.indirect.gather [hbm4b:s5+s12], $0x20, s19, s12, $0xb8;
	[tilespmem:$0x16C00] =	vst v63  }
.LBB2_21:
0x234: {  	s15 =	sshllo.u32 s9, $0x3  }
0x235: {  	s3 =	smul.u32 $0x320, s15;
	_ =	sdelay $0x1  }
0x236: {  	s3 =	sshra.s32 s3, $0x2  }
0x237: {  	s3 =	sadd.s32 $0x3200, s3  }
0x238: {  	[tilespmem:s25], [sflag:$0x8] =	stream.indirect.gather [hbm4b:s5+s12], $0x20, s3, s12, $0xb8;
	[tilespmem:$0x16C00] =	vst v63  }
0x239: {  	_ =	swait.ge [sflag:s26], $0x1900  }
0x23a: {  	[sflag:s26] =	ssyncset.done $0x0  }
0x23b: {  	s19 =	simm.s32 $0x0;
	[sflag:s26] =	ssyncadd.s32 $0xFFFFE700  }
0x23c: {  	v0 =	vld [tilespmem:s19+$0x6400]  }
0x23d: {  	v1 =	vld [tilespmem:s19+$0x6410]  }
0x23e: {  	v2 =	vld [tilespmem:s19+$0x6420]  }
0x23f: {  	v3 =	vld [tilespmem:s19+$0x6430]  }
0x240: {  	v4 =	vld [tilespmem:s19+$0x6440]  }
0x241: {  	v5 =	vimm.f32 $0.0e+00;
	v6 =	vld [tilespmem:s19+$0x6450]  }
0x242: {  	v7 =	vld [tilespmem:s19+$0x6470];
	v0 =	vadd.f32 v0, v5;
	v1 =	vadd.f32 v1, v5  }
0x243: {  	v5 =	vld [tilespmem:s19+$0x6460]  }
0x244: {  	v0 =	vadd.f32 v2, v0;
	v1 =	vadd.f32 v3, v1;
	v2 =	vld [tilespmem:s19+$0x6480]  }
0x245: {  	v3 =	vld [tilespmem:s19+$0x6490]  }
0x246: {  	v8 =	vld [tilespmem:s19+$0x64B0];
	v0 =	vadd.f32 v4, v0;
	v1 =	vadd.f32 v6, v1  }
0x247: {  	v6 =	vld [tilespmem:s19+$0x64A0]  }
0x248: {  	v4 =	vadd.f32 v5, v0;
	v5 =	vadd.f32 v7, v1;
	v0 =	vld [tilespmem:s19+$0x64C0]  }
0x249: {  	v1 =	vld [tilespmem:s19+$0x64D0]  }
0x24a: {  	v7 =	vadd.f32 v2, v4;
	v5 =	vadd.f32 v3, v5;
	v2 =	vld [tilespmem:s19+$0x64E0]  }
0x24b: {  	s17 =	simm.s32 $0x100;
	v4 =	vld [tilespmem:s19+$0x64F0]  }
0x24c: {  	s3 =	simm.s32 $0x800;
	s19 =	sshll.u32 s9, $0x3;
	v3 =	vld [tilespmem:s17+$0x6400];
	v6 =	vadd.f32 v6, v7;
	v5 =	vadd.f32 v8, v5  }
.LBB2_22:
0x24d: {  	p0 =	sne.s32 s3, $0x6000;
	v7 =	vld [tilespmem:s17+$0x6410]  }
0x24e: {  	v8 =	vld [tilespmem:s17+$0x6420];
	v0 =	vadd.f32 v0, v6;
	v1 =	vadd.f32 v1, v5  }
0x24f: {  	v5 =	vld [tilespmem:s17+$0x6430]  }
0x250: {  	v6 =	vld [tilespmem:s17+$0x6440];
	v0 =	vadd.f32 v2, v0;
	v1 =	vadd.f32 v4, v1  }
0x251: {  	v2 =	vld [tilespmem:s17+$0x6450]  }
0x252: {  	v0 =	vadd.f32 v3, v0;
	v1 =	vadd.f32 v7, v1;
	v3 =	vld [tilespmem:s17+$0x6460]  }
0x253: {  	v4 =	vld [tilespmem:s17+$0x6470]  }
0x254: {  	v0 =	vadd.f32 v8, v0;
	v1 =	vadd.f32 v5, v1;
	v5 =	vld [tilespmem:s17+$0x6480]  }
0x255: {  	v7 =	vld [tilespmem:s17+$0x6490]  }
0x256: {  	v0 =	vadd.f32 v6, v0;
	v1 =	vadd.f32 v2, v1;
	v6 =	vld [tilespmem:s17+$0x64A0]  }
0x257: {  	v8 =	vld [tilespmem:s17+$0x64B0]  }
.Ltmp9:
0x258: {  	v2 =	vadd.f32 v3, v0;
	v3 =	vadd.f32 v4, v1;
	v0 =	vld [tilespmem:s17+$0x64C0];
	(pc) =	sbr.rel @p0 .LBB2_22-.Ltmp9, $4  }
0x259: {  	v1 =	vld [tilespmem:s17+$0x64D0]  }
0x25a: {  	v5 =	vadd.f32 v5, v2;
	v7 =	vadd.f32 v7, v3;
	v2 =	vld [tilespmem:s17+$0x64E0]  }
0x25b: {  	v4 =	vld [tilespmem:s17+$0x64F0];
	s17 =	sshra.s32 s3, $0x2  }
0x25c: {  	s3 =	sadd.s32 $0x400, s3;
	v3 =	vld [tilespmem:s17+$0x6400];
	v6 =	vadd.f32 v6, v5;
	v5 =	vadd.f32 v8, v7  }
0x25d: {  	_ = 	snop  }
0x25e: {  	v7 =	vld [tilespmem:s17+$0x6410];
	v0 =	vadd.f32 v0, v6  }
0x25f: {  	v6 =	vld [tilespmem:s17+$0x6420];
	v1 =	vadd.f32 v1, v5  }
0x260: {  	v5 =	vld [tilespmem:s17+$0x6430];
	v0 =	vadd.f32 v2, v0  }
0x261: {  	v2 =	vld [tilespmem:s17+$0x6440];
	v1 =	vadd.f32 v4, v1  }
0x262: {  	v4 =	vld [tilespmem:s17+$0x6450];
	v0 =	vadd.f32 v3, v0  }
0x263: {  	v1 =	vadd.f32 v7, v1;
	v3 =	vld [tilespmem:s17+$0x6460]  }
0x264: {  	v7 =	vld [tilespmem:s17+$0x6470];
	v0 =	vadd.f32 v6, v0  }
0x265: {  	v1 =	vadd.f32 v5, v1;
	v5 =	vld [tilespmem:s17+$0x6480]  }
0x266: {  	v6 =	vld [tilespmem:s17+$0x6490];
	v0 =	vadd.f32 v2, v0  }
0x267: {  	v1 =	vadd.f32 v4, v1;
	v2 =	vld [tilespmem:s17+$0x64A0]  }
0x268: {  	v4 =	vld [tilespmem:s17+$0x64B0];
	v0 =	vadd.f32 v3, v0  }
0x269: {  	v1 =	vadd.f32 v7, v1;
	v3 =	vld [tilespmem:s17+$0x64C0]  }
0x26a: {  	v7 =	vld [tilespmem:s17+$0x64D0];
	v0 =	vadd.f32 v5, v0  }
0x26b: {  	v1 =	vadd.f32 v6, v1;
	v5 =	vld [tilespmem:s17+$0x64E0]  }
0x26c: {  	v6 =	vld [tilespmem:s17+$0x64F0];
	v0 =	vadd.f32 v2, v0  }
0x26d: {  	v1 =	vadd.f32 v4, v1  }
0x26e: {  	v0 =	vadd.f32 v3, v0  }
0x26f: {  	v1 =	vadd.f32 v7, v1  }
0x270: {  	v0 =	vadd.f32 v5, v0  }
0x271: {  	s3 =	sadd.s32 s8, s19;
	p0 =	seq.s32 s9, $0x7;
	v1 =	vadd.f32 v6, v1  }
0x272: {  	s3 =	sshll.u32 s3, $0x5;
	s7 =	smul.u32 @!p0 $0x1900, s9;
	v0 =	vmul.f32 $4.999999890e-03, v0  }
0x273: {  	s3 =	sand.u32 $0x3FFFFFE0, s3;
	v1 =	vmul.f32 $4.999999890e-03, v1  }
0x274: {  	s17 =	sshra.s32 @!p0 s7, $0x2;
	[tilespmem:s3+$0x12C00] =	vst v0  }
0x275: {  	s10 =	simm.s32 @!p0 $0x6400;
	s7 =	simm.s32 @!p0 $0xC8;
	[tilespmem:s3+$0x12C10] =	vst v1;
	s3 =	sadd.s32 @!p0 $0x3840, s17  }
0x276: {  	[tilespmem:s10], [sflag:$0x1] =	stream.indirect.gather @!p0 [hbm4b:s5+s7], $0x20, s3, s7, $0xb8;
	[tilespmem:$0x16C00] =	vst v63  }
0x277: {  	_ =	swait.ge [sflag:s28], $0x1900  }
0x278: {  	[sflag:s28] =	ssyncset.done $0x0  }
0x279: {  	s10 =	simm.s32 $0x0;
	[sflag:s28] =	ssyncadd.s32 $0xFFFFE700  }
0x27a: {  	v0 =	vld [tilespmem:s10+$0x7D00]  }
0x27b: {  	v1 =	vld [tilespmem:s10+$0x7D10]  }
0x27c: {  	v2 =	vld [tilespmem:s10+$0x7D20]  }
0x27d: {  	v3 =	vld [tilespmem:s10+$0x7D30]  }
0x27e: {  	v4 =	vld [tilespmem:s10+$0x7D40]  }
0x27f: {  	v5 =	vimm.f32 $0.0e+00;
	v6 =	vld [tilespmem:s10+$0x7D50]  }
0x280: {  	v7 =	vld [tilespmem:s10+$0x7D70];
	v0 =	vadd.f32 v0, v5;
	v1 =	vadd.f32 v1, v5  }
0x281: {  	v5 =	vld [tilespmem:s10+$0x7D60]  }
0x282: {  	v8 =	vld [tilespmem:s10+$0x7D90];
	v0 =	vadd.f32 v2, v0;
	v1 =	vadd.f32 v3, v1  }
0x283: {  	v3 =	vld [tilespmem:s10+$0x7D80]  }
0x284: {  	v9 =	vld [tilespmem:s10+$0x7DB0];
	v0 =	vadd.f32 v4, v0;
	v1 =	vadd.f32 v6, v1  }
0x285: {  	v6 =	vld [tilespmem:s10+$0x7DA0]  }
0x286: {  	v2 =	vld [tilespmem:s10+$0x7DD0];
	v0 =	vadd.f32 v5, v0;
	v4 =	vadd.f32 v7, v1  }
0x287: {  	v1 =	vld [tilespmem:s10+$0x7DC0]  }
0x288: {  	v5 =	vadd.f32 v3, v0;
	v7 =	vadd.f32 v8, v4;
	v3 =	vld [tilespmem:s10+$0x7DE0]  }
0x289: {  	s3 =	simm.s32 $0x100;
	v4 =	vld [tilespmem:s10+$0x7DF0]  }
0x28a: {  	s7 =	simm.s32 $0x800;
	v0 =	vld [tilespmem:s3+$0x7D00];
	v6 =	vadd.f32 v6, v5;
	v5 =	vadd.f32 v9, v7  }
.LBB2_24:
0x28b: {  	p1 =	sne.s32 s7, $0x6000;
	v7 =	vld [tilespmem:s3+$0x7D10]  }
0x28c: {  	v8 =	vld [tilespmem:s3+$0x7D20];
	v1 =	vadd.f32 v1, v6;
	v2 =	vadd.f32 v2, v5  }
0x28d: {  	v5 =	vld [tilespmem:s3+$0x7D30]  }
0x28e: {  	v6 =	vld [tilespmem:s3+$0x7D40];
	v1 =	vadd.f32 v3, v1;
	v2 =	vadd.f32 v4, v2  }
0x28f: {  	v3 =	vld [tilespmem:s3+$0x7D50]  }
0x290: {  	v0 =	vadd.f32 v0, v1;
	v1 =	vadd.f32 v7, v2;
	v2 =	vld [tilespmem:s3+$0x7D60]  }
0x291: {  	v4 =	vld [tilespmem:s3+$0x7D70]  }
0x292: {  	v0 =	vadd.f32 v8, v0;
	v1 =	vadd.f32 v5, v1;
	v5 =	vld [tilespmem:s3+$0x7D80]  }
0x293: {  	v7 =	vld [tilespmem:s3+$0x7D90]  }
0x294: {  	v0 =	vadd.f32 v6, v0;
	v1 =	vadd.f32 v3, v1;
	v6 =	vld [tilespmem:s3+$0x7DA0]  }
0x295: {  	v8 =	vld [tilespmem:s3+$0x7DB0]  }
.Ltmp10:
0x296: {  	v0 =	vadd.f32 v2, v0;
	v3 =	vadd.f32 v4, v1;
	v1 =	vld [tilespmem:s3+$0x7DC0];
	(pc) =	sbr.rel @p1 .LBB2_24-.Ltmp10, $4  }
0x297: {  	v2 =	vld [tilespmem:s3+$0x7DD0]  }
0x298: {  	v5 =	vadd.f32 v5, v0;
	v7 =	vadd.f32 v7, v3;
	v3 =	vld [tilespmem:s3+$0x7DE0]  }
0x299: {  	v4 =	vld [tilespmem:s3+$0x7DF0];
	s3 =	sshra.s32 s7, $0x2  }
0x29a: {  	s7 =	sadd.s32 $0x400, s7;
	v0 =	vld [tilespmem:s3+$0x7D00];
	v6 =	vadd.f32 v6, v5;
	v5 =	vadd.f32 v8, v7  }
0x29b: {  	_ = 	snop  }
0x29c: {  	v7 =	vld [tilespmem:s3+$0x7D10];
	v1 =	vadd.f32 v1, v6  }
0x29d: {  	v6 =	vld [tilespmem:s3+$0x7D20];
	v2 =	vadd.f32 v2, v5  }
0x29e: {  	v5 =	vld [tilespmem:s3+$0x7D30];
	v1 =	vadd.f32 v3, v1  }
0x29f: {  	v3 =	vld [tilespmem:s3+$0x7D40];
	v2 =	vadd.f32 v4, v2  }
0x2a0: {  	v4 =	vld [tilespmem:s3+$0x7D50];
	v0 =	vadd.f32 v0, v1  }
0x2a1: {  	v1 =	vadd.f32 v7, v2;
	v2 =	vld [tilespmem:s3+$0x7D60]  }
0x2a2: {  	v7 =	vld [tilespmem:s3+$0x7D70];
	v0 =	vadd.f32 v6, v0  }
0x2a3: {  	v1 =	vadd.f32 v5, v1;
	v5 =	vld [tilespmem:s3+$0x7D80]  }
0x2a4: {  	v6 =	vld [tilespmem:s3+$0x7D90];
	v0 =	vadd.f32 v3, v0  }
0x2a5: {  	v1 =	vadd.f32 v4, v1;
	v3 =	vld [tilespmem:s3+$0x7DA0]  }
0x2a6: {  	v4 =	vld [tilespmem:s3+$0x7DB0];
	v0 =	vadd.f32 v2, v0  }
0x2a7: {  	v1 =	vadd.f32 v7, v1;
	v2 =	vld [tilespmem:s3+$0x7DC0]  }
0x2a8: {  	v7 =	vld [tilespmem:s3+$0x7DD0];
	v0 =	vadd.f32 v5, v0  }
0x2a9: {  	v1 =	vadd.f32 v6, v1;
	v5 =	vld [tilespmem:s3+$0x7DE0]  }
0x2aa: {  	v6 =	vld [tilespmem:s3+$0x7DF0];
	v0 =	vadd.f32 v3, v0  }
0x2ab: {  	v1 =	vadd.f32 v4, v1  }
0x2ac: {  	v0 =	vadd.f32 v2, v0  }
0x2ad: {  	v1 =	vadd.f32 v7, v1  }
0x2ae: {  	s7 =	sadd.s32 s19, s8;
	v0 =	vadd.f32 v5, v0  }
0x2af: {  	s19 =	sshll.u32 s7, $0x5;
	v1 =	vadd.f32 v6, v1  }
0x2b0: {  	s3 =	sadd.s32 $0x20, s19;
	v0 =	vmul.f32 $4.999999890e-03, v0  }
0x2b1: {  	s3 =	sand.u32 $0x3FFFFFE0, s3;
	v1 =	vmul.f32 $4.999999890e-03, v1  }
0x2b2: {  	[tilespmem:s3+$0x12C00] =	vst v0  }
0x2b3: {  	s10 =	simm.s32 @!p0 $0x7D00;
	s7 =	simm.s32 @!p0 $0xC8;
	[tilespmem:s3+$0x12C10] =	vst v1;
	s3 =	sadd.s32 @!p0 $0x3908, s17  }
0x2b4: {  	[tilespmem:s10], [sflag:$0x2] =	stream.indirect.gather @!p0 [hbm4b:s5+s7], $0x20, s3, s7, $0xb8;
	[tilespmem:$0x16C00] =	vst v63  }
0x2b5: {  	_ =	swait.ge [sflag:s29], $0x1900  }
0x2b6: {  	[sflag:s29] =	ssyncset.done $0x0  }
0x2b7: {  	s10 =	simm.s32 $0x0;
	[sflag:s29] =	ssyncadd.s32 $0xFFFFE700  }
0x2b8: {  	v0 =	vld [tilespmem:s10+$0x9600]  }
0x2b9: {  	v1 =	vld [tilespmem:s10+$0x9610]  }
0x2ba: {  	v2 =	vld [tilespmem:s10+$0x9620]  }
0x2bb: {  	v3 =	vld [tilespmem:s10+$0x9630]  }
0x2bc: {  	v4 =	vld [tilespmem:s10+$0x9640]  }
0x2bd: {  	v5 =	vimm.f32 $0.0e+00;
	v6 =	vld [tilespmem:s10+$0x9650]  }
0x2be: {  	v7 =	vld [tilespmem:s10+$0x9670];
	v0 =	vadd.f32 v0, v5;
	v1 =	vadd.f32 v1, v5  }
0x2bf: {  	v5 =	vld [tilespmem:s10+$0x9660]  }
0x2c0: {  	v8 =	vld [tilespmem:s10+$0x9690];
	v0 =	vadd.f32 v2, v0;
	v1 =	vadd.f32 v3, v1  }
0x2c1: {  	v3 =	vld [tilespmem:s10+$0x9680]  }
0x2c2: {  	v9 =	vld [tilespmem:s10+$0x96B0];
	v0 =	vadd.f32 v4, v0;
	v1 =	vadd.f32 v6, v1  }
0x2c3: {  	v6 =	vld [tilespmem:s10+$0x96A0]  }
0x2c4: {  	v2 =	vld [tilespmem:s10+$0x96D0];
	v0 =	vadd.f32 v5, v0;
	v4 =	vadd.f32 v7, v1  }
0x2c5: {  	v1 =	vld [tilespmem:s10+$0x96C0]  }
0x2c6: {  	v5 =	vadd.f32 v3, v0;
	v7 =	vadd.f32 v8, v4;
	v3 =	vld [tilespmem:s10+$0x96E0]  }
0x2c7: {  	s3 =	simm.s32 $0x100;
	v4 =	vld [tilespmem:s10+$0x96F0]  }
0x2c8: {  	s7 =	simm.s32 $0x800;
	v0 =	vld [tilespmem:s3+$0x9600];
	v6 =	vadd.f32 v6, v5;
	v5 =	vadd.f32 v9, v7  }
.LBB2_26:
0x2c9: {  	p1 =	sne.s32 s7, $0x6000;
	v7 =	vld [tilespmem:s3+$0x9610]  }
0x2ca: {  	v8 =	vld [tilespmem:s3+$0x9620];
	v1 =	vadd.f32 v1, v6;
	v2 =	vadd.f32 v2, v5  }
0x2cb: {  	v5 =	vld [tilespmem:s3+$0x9630]  }
0x2cc: {  	v6 =	vld [tilespmem:s3+$0x9640];
	v1 =	vadd.f32 v3, v1;
	v2 =	vadd.f32 v4, v2  }
0x2cd: {  	v3 =	vld [tilespmem:s3+$0x9650]  }
0x2ce: {  	v0 =	vadd.f32 v0, v1;
	v1 =	vadd.f32 v7, v2;
	v2 =	vld [tilespmem:s3+$0x9660]  }
0x2cf: {  	v4 =	vld [tilespmem:s3+$0x9670]  }
0x2d0: {  	v0 =	vadd.f32 v8, v0;
	v1 =	vadd.f32 v5, v1;
	v5 =	vld [tilespmem:s3+$0x9680]  }
0x2d1: {  	v7 =	vld [tilespmem:s3+$0x9690]  }
0x2d2: {  	v0 =	vadd.f32 v6, v0;
	v1 =	vadd.f32 v3, v1;
	v6 =	vld [tilespmem:s3+$0x96A0]  }
0x2d3: {  	v8 =	vld [tilespmem:s3+$0x96B0]  }
.Ltmp11:
0x2d4: {  	v0 =	vadd.f32 v2, v0;
	v3 =	vadd.f32 v4, v1;
	v1 =	vld [tilespmem:s3+$0x96C0];
	(pc) =	sbr.rel @p1 .LBB2_26-.Ltmp11, $4  }
0x2d5: {  	v2 =	vld [tilespmem:s3+$0x96D0]  }
0x2d6: {  	v5 =	vadd.f32 v5, v0;
	v7 =	vadd.f32 v7, v3;
	v3 =	vld [tilespmem:s3+$0x96E0]  }
0x2d7: {  	v4 =	vld [tilespmem:s3+$0x96F0];
	s3 =	sshra.s32 s7, $0x2  }
0x2d8: {  	s7 =	sadd.s32 $0x400, s7;
	v0 =	vld [tilespmem:s3+$0x9600];
	v6 =	vadd.f32 v6, v5;
	v5 =	vadd.f32 v8, v7  }
0x2d9: {  	_ = 	snop  }
0x2da: {  	v7 =	vld [tilespmem:s3+$0x9610];
	v1 =	vadd.f32 v1, v6  }
0x2db: {  	v6 =	vld [tilespmem:s3+$0x9620];
	v2 =	vadd.f32 v2, v5  }
0x2dc: {  	v5 =	vld [tilespmem:s3+$0x9630];
	v1 =	vadd.f32 v3, v1  }
0x2dd: {  	v3 =	vld [tilespmem:s3+$0x9640];
	v2 =	vadd.f32 v4, v2  }
0x2de: {  	v4 =	vld [tilespmem:s3+$0x9650];
	v0 =	vadd.f32 v0, v1  }
0x2df: {  	v1 =	vadd.f32 v7, v2;
	v2 =	vld [tilespmem:s3+$0x9660]  }
0x2e0: {  	v7 =	vld [tilespmem:s3+$0x9670];
	v0 =	vadd.f32 v6, v0  }
0x2e1: {  	v1 =	vadd.f32 v5, v1;
	v5 =	vld [tilespmem:s3+$0x9680]  }
0x2e2: {  	v6 =	vld [tilespmem:s3+$0x9690];
	v0 =	vadd.f32 v3, v0  }
0x2e3: {  	v1 =	vadd.f32 v4, v1;
	v3 =	vld [tilespmem:s3+$0x96A0]  }
0x2e4: {  	v4 =	vld [tilespmem:s3+$0x96B0];
	v0 =	vadd.f32 v2, v0  }
0x2e5: {  	v1 =	vadd.f32 v7, v1;
	v2 =	vld [tilespmem:s3+$0x96C0]  }
0x2e6: {  	v7 =	vld [tilespmem:s3+$0x96D0];
	v0 =	vadd.f32 v5, v0  }
0x2e7: {  	v1 =	vadd.f32 v6, v1;
	v5 =	vld [tilespmem:s3+$0x96E0]  }
0x2e8: {  	v6 =	vld [tilespmem:s3+$0x96F0];
	v0 =	vadd.f32 v3, v0  }
0x2e9: {  	v1 =	vadd.f32 v4, v1  }
0x2ea: {  	v0 =	vadd.f32 v2, v0  }
0x2eb: {  	v1 =	vadd.f32 v7, v1  }
0x2ec: {  	v0 =	vadd.f32 v5, v0  }
0x2ed: {  	v1 =	vadd.f32 v6, v1  }
0x2ee: {  	s7 =	sadd.s32 $0x40, s19;
	v0 =	vmul.f32 $4.999999890e-03, v0  }
0x2ef: {  	s3 =	sand.u32 $0x3FFFFFE0, s7;
	v1 =	vmul.f32 $4.999999890e-03, v1  }
0x2f0: {  	[tilespmem:s3+$0x12C00] =	vst v0  }
0x2f1: {  	s10 =	simm.s32 @!p0 $0x9600;
	s7 =	simm.s32 @!p0 $0xC8;
	[tilespmem:s3+$0x12C10] =	vst v1;
	s3 =	sadd.s32 @!p0 $0x39D0, s17  }
0x2f2: {  	[tilespmem:s10], [sflag:$0x3] =	stream.indirect.gather @!p0 [hbm4b:s5+s7], $0x20, s3, s7, $0xb8;
	[tilespmem:$0x16C00] =	vst v63  }
0x2f3: {  	_ =	swait.ge [sflag:s30], $0x1900  }
0x2f4: {  	[sflag:s30] =	ssyncset.done $0x0  }
0x2f5: {  	s10 =	simm.s32 $0x0;
	[sflag:s30] =	ssyncadd.s32 $0xFFFFE700  }
0x2f6: {  	v0 =	vld [tilespmem:s10+$0xAF00]  }
0x2f7: {  	v1 =	vld [tilespmem:s10+$0xAF10]  }
0x2f8: {  	v2 =	vld [tilespmem:s10+$0xAF20]  }
0x2f9: {  	v3 =	vld [tilespmem:s10+$0xAF30]  }
0x2fa: {  	v4 =	vld [tilespmem:s10+$0xAF40]  }
0x2fb: {  	v5 =	vimm.f32 $0.0e+00;
	v6 =	vld [tilespmem:s10+$0xAF50]  }
0x2fc: {  	v7 =	vld [tilespmem:s10+$0xAF70];
	v0 =	vadd.f32 v0, v5;
	v1 =	vadd.f32 v1, v5  }
0x2fd: {  	v5 =	vld [tilespmem:s10+$0xAF60]  }
0x2fe: {  	v8 =	vld [tilespmem:s10+$0xAF90];
	v0 =	vadd.f32 v2, v0;
	v1 =	vadd.f32 v3, v1  }
0x2ff: {  	v3 =	vld [tilespmem:s10+$0xAF80]  }
0x300: {  	v9 =	vld [tilespmem:s10+$0xAFB0];
	v0 =	vadd.f32 v4, v0;
	v1 =	vadd.f32 v6, v1  }
0x301: {  	v6 =	vld [tilespmem:s10+$0xAFA0]  }
0x302: {  	v2 =	vld [tilespmem:s10+$0xAFD0];
	v0 =	vadd.f32 v5, v0;
	v4 =	vadd.f32 v7, v1  }
0x303: {  	v1 =	vld [tilespmem:s10+$0xAFC0]  }
0x304: {  	v5 =	vadd.f32 v3, v0;
	v7 =	vadd.f32 v8, v4;
	v3 =	vld [tilespmem:s10+$0xAFE0]  }
0x305: {  	s3 =	simm.s32 $0x100;
	v4 =	vld [tilespmem:s10+$0xAFF0]  }
0x306: {  	s7 =	simm.s32 $0x800;
	v0 =	vld [tilespmem:s3+$0xAF00];
	v6 =	vadd.f32 v6, v5;
	v5 =	vadd.f32 v9, v7  }
.LBB2_28:
0x307: {  	p1 =	sne.s32 s7, $0x6000;
	v7 =	vld [tilespmem:s3+$0xAF10]  }
0x308: {  	v8 =	vld [tilespmem:s3+$0xAF20];
	v1 =	vadd.f32 v1, v6;
	v2 =	vadd.f32 v2, v5  }
0x309: {  	v5 =	vld [tilespmem:s3+$0xAF30]  }
0x30a: {  	v6 =	vld [tilespmem:s3+$0xAF40];
	v1 =	vadd.f32 v3, v1;
	v2 =	vadd.f32 v4, v2  }
0x30b: {  	v3 =	vld [tilespmem:s3+$0xAF50]  }
0x30c: {  	v0 =	vadd.f32 v0, v1;
	v1 =	vadd.f32 v7, v2;
	v2 =	vld [tilespmem:s3+$0xAF60]  }
0x30d: {  	v4 =	vld [tilespmem:s3+$0xAF70]  }
0x30e: {  	v0 =	vadd.f32 v8, v0;
	v1 =	vadd.f32 v5, v1;
	v5 =	vld [tilespmem:s3+$0xAF80]  }
0x30f: {  	v7 =	vld [tilespmem:s3+$0xAF90]  }
0x310: {  	v0 =	vadd.f32 v6, v0;
	v1 =	vadd.f32 v3, v1;
	v6 =	vld [tilespmem:s3+$0xAFA0]  }
0x311: {  	v8 =	vld [tilespmem:s3+$0xAFB0]  }
.Ltmp12:
0x312: {  	v0 =	vadd.f32 v2, v0;
	v3 =	vadd.f32 v4, v1;
	v1 =	vld [tilespmem:s3+$0xAFC0];
	(pc) =	sbr.rel @p1 .LBB2_28-.Ltmp12, $4  }
0x313: {  	v2 =	vld [tilespmem:s3+$0xAFD0]  }
0x314: {  	v5 =	vadd.f32 v5, v0;
	v7 =	vadd.f32 v7, v3;
	v3 =	vld [tilespmem:s3+$0xAFE0]  }
0x315: {  	v4 =	vld [tilespmem:s3+$0xAFF0];
	s3 =	sshra.s32 s7, $0x2  }
0x316: {  	s7 =	sadd.s32 $0x400, s7;
	v0 =	vld [tilespmem:s3+$0xAF00];
	v6 =	vadd.f32 v6, v5;
	v5 =	vadd.f32 v8, v7  }
0x317: {  	_ = 	snop  }
0x318: {  	v7 =	vld [tilespmem:s3+$0xAF10];
	v1 =	vadd.f32 v1, v6  }
0x319: {  	v6 =	vld [tilespmem:s3+$0xAF20];
	v2 =	vadd.f32 v2, v5  }
0x31a: {  	v5 =	vld [tilespmem:s3+$0xAF30];
	v1 =	vadd.f32 v3, v1  }
0x31b: {  	v3 =	vld [tilespmem:s3+$0xAF40];
	v2 =	vadd.f32 v4, v2  }
0x31c: {  	v4 =	vld [tilespmem:s3+$0xAF50];
	v0 =	vadd.f32 v0, v1  }
0x31d: {  	v1 =	vadd.f32 v7, v2;
	v2 =	vld [tilespmem:s3+$0xAF60]  }
0x31e: {  	v7 =	vld [tilespmem:s3+$0xAF70];
	v0 =	vadd.f32 v6, v0  }
0x31f: {  	v1 =	vadd.f32 v5, v1;
	v5 =	vld [tilespmem:s3+$0xAF80]  }
0x320: {  	v6 =	vld [tilespmem:s3+$0xAF90];
	v0 =	vadd.f32 v3, v0  }
0x321: {  	v1 =	vadd.f32 v4, v1;
	v3 =	vld [tilespmem:s3+$0xAFA0]  }
0x322: {  	v4 =	vld [tilespmem:s3+$0xAFB0];
	v0 =	vadd.f32 v2, v0  }
0x323: {  	v1 =	vadd.f32 v7, v1;
	v2 =	vld [tilespmem:s3+$0xAFC0]  }
0x324: {  	v7 =	vld [tilespmem:s3+$0xAFD0];
	v0 =	vadd.f32 v5, v0  }
0x325: {  	v1 =	vadd.f32 v6, v1;
	v5 =	vld [tilespmem:s3+$0xAFE0]  }
0x326: {  	v6 =	vld [tilespmem:s3+$0xAFF0];
	v0 =	vadd.f32 v3, v0  }
0x327: {  	v1 =	vadd.f32 v4, v1  }
0x328: {  	v0 =	vadd.f32 v2, v0  }
0x329: {  	v1 =	vadd.f32 v7, v1  }
0x32a: {  	v0 =	vadd.f32 v5, v0  }
0x32b: {  	v1 =	vadd.f32 v6, v1  }
0x32c: {  	s7 =	sadd.s32 $0x60, s19;
	v0 =	vmul.f32 $4.999999890e-03, v0  }
0x32d: {  	s3 =	sand.u32 $0x3FFFFFE0, s7;
	v1 =	vmul.f32 $4.999999890e-03, v1  }
0x32e: {  	[tilespmem:s3+$0x12C00] =	vst v0  }
0x32f: {  	s10 =	simm.s32 @!p0 $0xAF00;
	s7 =	simm.s32 @!p0 $0xC8;
	[tilespmem:s3+$0x12C10] =	vst v1;
	s3 =	sadd.s32 @!p0 $0x3A98, s17  }
0x330: {  	[tilespmem:s10], [sflag:$0x4] =	stream.indirect.gather @!p0 [hbm4b:s5+s7], $0x20, s3, s7, $0xb8;
	[tilespmem:$0x16C00] =	vst v63  }
0x331: {  	_ =	swait.ge [sflag:s31], $0x1900  }
0x332: {  	[sflag:s31] =	ssyncset.done $0x0  }
0x333: {  	s10 =	simm.s32 $0x0;
	[sflag:s31] =	ssyncadd.s32 $0xFFFFE700  }
0x334: {  	v0 =	vld [tilespmem:s10+$0xC800]  }
0x335: {  	v1 =	vld [tilespmem:s10+$0xC810]  }
0x336: {  	v2 =	vld [tilespmem:s10+$0xC820]  }
0x337: {  	v3 =	vld [tilespmem:s10+$0xC830]  }
0x338: {  	v4 =	vld [tilespmem:s10+$0xC840]  }
0x339: {  	v5 =	vimm.f32 $0.0e+00;
	v6 =	vld [tilespmem:s10+$0xC850]  }
0x33a: {  	v7 =	vld [tilespmem:s10+$0xC870];
	v0 =	vadd.f32 v0, v5;
	v1 =	vadd.f32 v1, v5  }
0x33b: {  	v5 =	vld [tilespmem:s10+$0xC860]  }
0x33c: {  	v8 =	vld [tilespmem:s10+$0xC890];
	v0 =	vadd.f32 v2, v0;
	v1 =	vadd.f32 v3, v1  }
0x33d: {  	v3 =	vld [tilespmem:s10+$0xC880]  }
0x33e: {  	v9 =	vld [tilespmem:s10+$0xC8B0];
	v0 =	vadd.f32 v4, v0;
	v1 =	vadd.f32 v6, v1  }
0x33f: {  	v6 =	vld [tilespmem:s10+$0xC8A0]  }
0x340: {  	v2 =	vld [tilespmem:s10+$0xC8D0];
	v0 =	vadd.f32 v5, v0;
	v4 =	vadd.f32 v7, v1  }
0x341: {  	v1 =	vld [tilespmem:s10+$0xC8C0]  }
0x342: {  	v5 =	vadd.f32 v3, v0;
	v7 =	vadd.f32 v8, v4;
	v3 =	vld [tilespmem:s10+$0xC8E0]  }
0x343: {  	s3 =	simm.s32 $0x100;
	v4 =	vld [tilespmem:s10+$0xC8F0]  }
0x344: {  	s7 =	simm.s32 $0x800;
	v0 =	vld [tilespmem:s3+$0xC800];
	v6 =	vadd.f32 v6, v5;
	v5 =	vadd.f32 v9, v7  }
.LBB2_30:
0x345: {  	p1 =	sne.s32 s7, $0x6000;
	v7 =	vld [tilespmem:s3+$0xC810]  }
0x346: {  	v8 =	vld [tilespmem:s3+$0xC820];
	v1 =	vadd.f32 v1, v6;
	v2 =	vadd.f32 v2, v5  }
0x347: {  	v5 =	vld [tilespmem:s3+$0xC830]  }
0x348: {  	v6 =	vld [tilespmem:s3+$0xC840];
	v1 =	vadd.f32 v3, v1;
	v2 =	vadd.f32 v4, v2  }
0x349: {  	v3 =	vld [tilespmem:s3+$0xC850]  }
0x34a: {  	v0 =	vadd.f32 v0, v1;
	v1 =	vadd.f32 v7, v2;
	v2 =	vld [tilespmem:s3+$0xC860]  }
0x34b: {  	v4 =	vld [tilespmem:s3+$0xC870]  }
0x34c: {  	v0 =	vadd.f32 v8, v0;
	v1 =	vadd.f32 v5, v1;
	v5 =	vld [tilespmem:s3+$0xC880]  }
0x34d: {  	v7 =	vld [tilespmem:s3+$0xC890]  }
0x34e: {  	v0 =	vadd.f32 v6, v0;
	v1 =	vadd.f32 v3, v1;
	v6 =	vld [tilespmem:s3+$0xC8A0]  }
0x34f: {  	v8 =	vld [tilespmem:s3+$0xC8B0]  }
.Ltmp13:
0x350: {  	v0 =	vadd.f32 v2, v0;
	v3 =	vadd.f32 v4, v1;
	v1 =	vld [tilespmem:s3+$0xC8C0];
	(pc) =	sbr.rel @p1 .LBB2_30-.Ltmp13, $4  }
0x351: {  	v2 =	vld [tilespmem:s3+$0xC8D0]  }
0x352: {  	v5 =	vadd.f32 v5, v0;
	v7 =	vadd.f32 v7, v3;
	v3 =	vld [tilespmem:s3+$0xC8E0]  }
0x353: {  	v4 =	vld [tilespmem:s3+$0xC8F0];
	s3 =	sshra.s32 s7, $0x2  }
0x354: {  	s7 =	sadd.s32 $0x400, s7;
	v0 =	vld [tilespmem:s3+$0xC800];
	v6 =	vadd.f32 v6, v5;
	v5 =	vadd.f32 v8, v7  }
0x355: {  	_ = 	snop  }
0x356: {  	v7 =	vld [tilespmem:s3+$0xC810];
	v1 =	vadd.f32 v1, v6  }
0x357: {  	v6 =	vld [tilespmem:s3+$0xC820];
	v2 =	vadd.f32 v2, v5  }
0x358: {  	v5 =	vld [tilespmem:s3+$0xC830];
	v1 =	vadd.f32 v3, v1  }
0x359: {  	v3 =	vld [tilespmem:s3+$0xC840];
	v2 =	vadd.f32 v4, v2  }
0x35a: {  	v4 =	vld [tilespmem:s3+$0xC850];
	v0 =	vadd.f32 v0, v1  }
0x35b: {  	v1 =	vadd.f32 v7, v2;
	v2 =	vld [tilespmem:s3+$0xC860]  }
0x35c: {  	v7 =	vld [tilespmem:s3+$0xC870];
	v0 =	vadd.f32 v6, v0  }
0x35d: {  	v1 =	vadd.f32 v5, v1;
	v5 =	vld [tilespmem:s3+$0xC880]  }
0x35e: {  	v6 =	vld [tilespmem:s3+$0xC890];
	v0 =	vadd.f32 v3, v0  }
0x35f: {  	v1 =	vadd.f32 v4, v1;
	v3 =	vld [tilespmem:s3+$0xC8A0]  }
0x360: {  	v4 =	vld [tilespmem:s3+$0xC8B0];
	v0 =	vadd.f32 v2, v0  }
0x361: {  	v1 =	vadd.f32 v7, v1;
	v2 =	vld [tilespmem:s3+$0xC8C0]  }
0x362: {  	v7 =	vld [tilespmem:s3+$0xC8D0];
	v0 =	vadd.f32 v5, v0  }
0x363: {  	v1 =	vadd.f32 v6, v1;
	v5 =	vld [tilespmem:s3+$0xC8E0]  }
0x364: {  	v6 =	vld [tilespmem:s3+$0xC8F0];
	v0 =	vadd.f32 v3, v0  }
0x365: {  	v1 =	vadd.f32 v4, v1  }
0x366: {  	v0 =	vadd.f32 v2, v0  }
0x367: {  	v1 =	vadd.f32 v7, v1  }
0x368: {  	v0 =	vadd.f32 v5, v0  }
0x369: {  	v1 =	vadd.f32 v6, v1  }
0x36a: {  	s7 =	sadd.s32 $0x80, s19;
	v0 =	vmul.f32 $4.999999890e-03, v0  }
0x36b: {  	s3 =	sand.u32 $0x3FFFFFE0, s7;
	v1 =	vmul.f32 $4.999999890e-03, v1  }
0x36c: {  	[tilespmem:s3+$0x12C00] =	vst v0  }
0x36d: {  	s10 =	simm.s32 @!p0 $0xC800;
	s7 =	simm.s32 @!p0 $0xC8;
	[tilespmem:s3+$0x12C10] =	vst v1;
	s3 =	sadd.s32 @!p0 $0x3B60, s17  }
0x36e: {  	[tilespmem:s10], [sflag:$0x5] =	stream.indirect.gather @!p0 [hbm4b:s5+s7], $0x20, s3, s7, $0xb8;
	[tilespmem:$0x16C00] =	vst v63  }
0x36f: {  	_ =	swait.ge [sflag:s0], $0x1900  }
0x370: {  	[sflag:s0] =	ssyncset.done $0x0  }
0x371: {  	s10 =	simm.s32 $0x0;
	[sflag:s0] =	ssyncadd.s32 $0xFFFFE700  }
0x372: {  	v0 =	vld [tilespmem:s10+$0xE100]  }
0x373: {  	v1 =	vld [tilespmem:s10+$0xE110]  }
0x374: {  	v2 =	vld [tilespmem:s10+$0xE120]  }
0x375: {  	v3 =	vld [tilespmem:s10+$0xE130]  }
0x376: {  	v4 =	vld [tilespmem:s10+$0xE140]  }
0x377: {  	v5 =	vimm.f32 $0.0e+00;
	v6 =	vld [tilespmem:s10+$0xE150]  }
0x378: {  	v7 =	vld [tilespmem:s10+$0xE170];
	v0 =	vadd.f32 v0, v5;
	v1 =	vadd.f32 v1, v5  }
0x379: {  	v5 =	vld [tilespmem:s10+$0xE160]  }
0x37a: {  	v8 =	vld [tilespmem:s10+$0xE190];
	v0 =	vadd.f32 v2, v0;
	v1 =	vadd.f32 v3, v1  }
0x37b: {  	v3 =	vld [tilespmem:s10+$0xE180]  }
0x37c: {  	v9 =	vld [tilespmem:s10+$0xE1B0];
	v0 =	vadd.f32 v4, v0;
	v1 =	vadd.f32 v6, v1  }
0x37d: {  	v6 =	vld [tilespmem:s10+$0xE1A0]  }
0x37e: {  	v2 =	vld [tilespmem:s10+$0xE1D0];
	v0 =	vadd.f32 v5, v0;
	v4 =	vadd.f32 v7, v1  }
0x37f: {  	v1 =	vld [tilespmem:s10+$0xE1C0]  }
0x380: {  	v5 =	vadd.f32 v3, v0;
	v7 =	vadd.f32 v8, v4;
	v3 =	vld [tilespmem:s10+$0xE1E0]  }
0x381: {  	s3 =	simm.s32 $0x100;
	v4 =	vld [tilespmem:s10+$0xE1F0]  }
0x382: {  	s7 =	simm.s32 $0x800;
	v0 =	vld [tilespmem:s3+$0xE100];
	v6 =	vadd.f32 v6, v5;
	v5 =	vadd.f32 v9, v7  }
.LBB2_32:
0x383: {  	p1 =	sne.s32 s7, $0x6000;
	v7 =	vld [tilespmem:s3+$0xE110]  }
0x384: {  	v8 =	vld [tilespmem:s3+$0xE120];
	v1 =	vadd.f32 v1, v6;
	v2 =	vadd.f32 v2, v5  }
0x385: {  	v5 =	vld [tilespmem:s3+$0xE130]  }
0x386: {  	v6 =	vld [tilespmem:s3+$0xE140];
	v1 =	vadd.f32 v3, v1;
	v2 =	vadd.f32 v4, v2  }
0x387: {  	v3 =	vld [tilespmem:s3+$0xE150]  }
0x388: {  	v0 =	vadd.f32 v0, v1;
	v1 =	vadd.f32 v7, v2;
	v2 =	vld [tilespmem:s3+$0xE160]  }
0x389: {  	v4 =	vld [tilespmem:s3+$0xE170]  }
0x38a: {  	v0 =	vadd.f32 v8, v0;
	v1 =	vadd.f32 v5, v1;
	v5 =	vld [tilespmem:s3+$0xE180]  }
0x38b: {  	v7 =	vld [tilespmem:s3+$0xE190]  }
0x38c: {  	v0 =	vadd.f32 v6, v0;
	v1 =	vadd.f32 v3, v1;
	v6 =	vld [tilespmem:s3+$0xE1A0]  }
0x38d: {  	v8 =	vld [tilespmem:s3+$0xE1B0]  }
.Ltmp14:
0x38e: {  	v0 =	vadd.f32 v2, v0;
	v3 =	vadd.f32 v4, v1;
	v1 =	vld [tilespmem:s3+$0xE1C0];
	(pc) =	sbr.rel @p1 .LBB2_32-.Ltmp14, $4  }
0x38f: {  	v2 =	vld [tilespmem:s3+$0xE1D0]  }
0x390: {  	v5 =	vadd.f32 v5, v0;
	v7 =	vadd.f32 v7, v3;
	v3 =	vld [tilespmem:s3+$0xE1E0]  }
0x391: {  	v4 =	vld [tilespmem:s3+$0xE1F0];
	s3 =	sshra.s32 s7, $0x2  }
0x392: {  	s7 =	sadd.s32 $0x400, s7;
	v0 =	vld [tilespmem:s3+$0xE100];
	v6 =	vadd.f32 v6, v5;
	v5 =	vadd.f32 v8, v7  }
0x393: {  	_ = 	snop  }
0x394: {  	v7 =	vld [tilespmem:s3+$0xE110];
	v1 =	vadd.f32 v1, v6  }
0x395: {  	v6 =	vld [tilespmem:s3+$0xE120];
	v2 =	vadd.f32 v2, v5  }
0x396: {  	v5 =	vld [tilespmem:s3+$0xE130];
	v1 =	vadd.f32 v3, v1  }
0x397: {  	v3 =	vld [tilespmem:s3+$0xE140];
	v2 =	vadd.f32 v4, v2  }
0x398: {  	v4 =	vld [tilespmem:s3+$0xE150];
	v0 =	vadd.f32 v0, v1  }
0x399: {  	v1 =	vadd.f32 v7, v2;
	v2 =	vld [tilespmem:s3+$0xE160]  }
0x39a: {  	v7 =	vld [tilespmem:s3+$0xE170];
	v0 =	vadd.f32 v6, v0  }
0x39b: {  	v1 =	vadd.f32 v5, v1;
	v5 =	vld [tilespmem:s3+$0xE180]  }
0x39c: {  	v6 =	vld [tilespmem:s3+$0xE190];
	v0 =	vadd.f32 v3, v0  }
0x39d: {  	v1 =	vadd.f32 v4, v1;
	v3 =	vld [tilespmem:s3+$0xE1A0]  }
0x39e: {  	v4 =	vld [tilespmem:s3+$0xE1B0];
	v0 =	vadd.f32 v2, v0  }
0x39f: {  	v1 =	vadd.f32 v7, v1;
	v2 =	vld [tilespmem:s3+$0xE1C0]  }
0x3a0: {  	v7 =	vld [tilespmem:s3+$0xE1D0];
	v0 =	vadd.f32 v5, v0  }
0x3a1: {  	v1 =	vadd.f32 v6, v1;
	v5 =	vld [tilespmem:s3+$0xE1E0]  }
0x3a2: {  	v6 =	vld [tilespmem:s3+$0xE1F0];
	v0 =	vadd.f32 v3, v0  }
0x3a3: {  	v1 =	vadd.f32 v4, v1  }
0x3a4: {  	v0 =	vadd.f32 v2, v0  }
0x3a5: {  	v1 =	vadd.f32 v7, v1  }
0x3a6: {  	v0 =	vadd.f32 v5, v0  }
0x3a7: {  	v1 =	vadd.f32 v6, v1  }
0x3a8: {  	s7 =	sadd.s32 $0xA0, s19;
	v0 =	vmul.f32 $4.999999890e-03, v0  }
0x3a9: {  	s3 =	sand.u32 $0x3FFFFFE0, s7;
	v1 =	vmul.f32 $4.999999890e-03, v1  }
0x3aa: {  	[tilespmem:s3+$0x12C00] =	vst v0  }
0x3ab: {  	s10 =	simm.s32 @!p0 $0xE100;
	s7 =	simm.s32 @!p0 $0xC8;
	[tilespmem:s3+$0x12C10] =	vst v1;
	s3 =	sadd.s32 @!p0 $0x3C28, s17  }
0x3ac: {  	[tilespmem:s10], [sflag:$0x6] =	stream.indirect.gather @!p0 [hbm4b:s5+s7], $0x20, s3, s7, $0xb8;
	[tilespmem:$0x16C00] =	vst v63  }
0x3ad: {  	_ =	swait.ge [sflag:s1], $0x1900  }
0x3ae: {  	[sflag:s1] =	ssyncset.done $0x0  }
0x3af: {  	s10 =	simm.s32 $0x0;
	[sflag:s1] =	ssyncadd.s32 $0xFFFFE700  }
0x3b0: {  	v0 =	vld [tilespmem:s10+$0xFA00]  }
0x3b1: {  	v1 =	vld [tilespmem:s10+$0xFA10]  }
0x3b2: {  	v2 =	vld [tilespmem:s10+$0xFA20]  }
0x3b3: {  	v3 =	vld [tilespmem:s10+$0xFA30]  }
0x3b4: {  	v4 =	vld [tilespmem:s10+$0xFA40]  }
0x3b5: {  	v5 =	vimm.f32 $0.0e+00;
	v6 =	vld [tilespmem:s10+$0xFA50]  }
0x3b6: {  	v7 =	vld [tilespmem:s10+$0xFA70];
	v0 =	vadd.f32 v0, v5;
	v1 =	vadd.f32 v1, v5  }
0x3b7: {  	v5 =	vld [tilespmem:s10+$0xFA60]  }
0x3b8: {  	v8 =	vld [tilespmem:s10+$0xFA90];
	v0 =	vadd.f32 v2, v0;
	v1 =	vadd.f32 v3, v1  }
0x3b9: {  	v3 =	vld [tilespmem:s10+$0xFA80]  }
0x3ba: {  	v9 =	vld [tilespmem:s10+$0xFAB0];
	v0 =	vadd.f32 v4, v0;
	v1 =	vadd.f32 v6, v1  }
0x3bb: {  	v6 =	vld [tilespmem:s10+$0xFAA0]  }
0x3bc: {  	v2 =	vld [tilespmem:s10+$0xFAD0];
	v0 =	vadd.f32 v5, v0;
	v4 =	vadd.f32 v7, v1  }
0x3bd: {  	v1 =	vld [tilespmem:s10+$0xFAC0]  }
0x3be: {  	v5 =	vadd.f32 v3, v0;
	v7 =	vadd.f32 v8, v4;
	v3 =	vld [tilespmem:s10+$0xFAE0]  }
0x3bf: {  	s3 =	simm.s32 $0x100;
	v4 =	vld [tilespmem:s10+$0xFAF0]  }
0x3c0: {  	s7 =	simm.s32 $0x800;
	v0 =	vld [tilespmem:s3+$0xFA00];
	v6 =	vadd.f32 v6, v5;
	v5 =	vadd.f32 v9, v7  }
.LBB2_34:
0x3c1: {  	p1 =	sne.s32 s7, $0x6000;
	v7 =	vld [tilespmem:s3+$0xFA10]  }
0x3c2: {  	v8 =	vld [tilespmem:s3+$0xFA20];
	v1 =	vadd.f32 v1, v6;
	v2 =	vadd.f32 v2, v5  }
0x3c3: {  	v5 =	vld [tilespmem:s3+$0xFA30]  }
0x3c4: {  	v6 =	vld [tilespmem:s3+$0xFA40];
	v1 =	vadd.f32 v3, v1;
	v2 =	vadd.f32 v4, v2  }
0x3c5: {  	v3 =	vld [tilespmem:s3+$0xFA50]  }
0x3c6: {  	v0 =	vadd.f32 v0, v1;
	v1 =	vadd.f32 v7, v2;
	v2 =	vld [tilespmem:s3+$0xFA60]  }
0x3c7: {  	v4 =	vld [tilespmem:s3+$0xFA70]  }
0x3c8: {  	v0 =	vadd.f32 v8, v0;
	v1 =	vadd.f32 v5, v1;
	v5 =	vld [tilespmem:s3+$0xFA80]  }
0x3c9: {  	v7 =	vld [tilespmem:s3+$0xFA90]  }
0x3ca: {  	v0 =	vadd.f32 v6, v0;
	v1 =	vadd.f32 v3, v1;
	v6 =	vld [tilespmem:s3+$0xFAA0]  }
0x3cb: {  	v8 =	vld [tilespmem:s3+$0xFAB0]  }
.Ltmp15:
0x3cc: {  	v0 =	vadd.f32 v2, v0;
	v3 =	vadd.f32 v4, v1;
	v1 =	vld [tilespmem:s3+$0xFAC0];
	(pc) =	sbr.rel @p1 .LBB2_34-.Ltmp15, $4  }
0x3cd: {  	v2 =	vld [tilespmem:s3+$0xFAD0]  }
0x3ce: {  	v5 =	vadd.f32 v5, v0;
	v7 =	vadd.f32 v7, v3;
	v3 =	vld [tilespmem:s3+$0xFAE0]  }
0x3cf: {  	v4 =	vld [tilespmem:s3+$0xFAF0];
	s3 =	sshra.s32 s7, $0x2  }
0x3d0: {  	s7 =	sadd.s32 $0x400, s7;
	v0 =	vld [tilespmem:s3+$0xFA00];
	v6 =	vadd.f32 v6, v5;
	v5 =	vadd.f32 v8, v7  }
0x3d1: {  	_ = 	snop  }
0x3d2: {  	v7 =	vld [tilespmem:s3+$0xFA10];
	v1 =	vadd.f32 v1, v6  }
0x3d3: {  	v6 =	vld [tilespmem:s3+$0xFA20];
	v2 =	vadd.f32 v2, v5  }
0x3d4: {  	v5 =	vld [tilespmem:s3+$0xFA30];
	v1 =	vadd.f32 v3, v1  }
0x3d5: {  	v3 =	vld [tilespmem:s3+$0xFA40];
	v2 =	vadd.f32 v4, v2  }
0x3d6: {  	v4 =	vld [tilespmem:s3+$0xFA50];
	v0 =	vadd.f32 v0, v1  }
0x3d7: {  	v1 =	vadd.f32 v7, v2;
	v2 =	vld [tilespmem:s3+$0xFA60]  }
0x3d8: {  	v7 =	vld [tilespmem:s3+$0xFA70];
	v0 =	vadd.f32 v6, v0  }
0x3d9: {  	v1 =	vadd.f32 v5, v1;
	v5 =	vld [tilespmem:s3+$0xFA80]  }
0x3da: {  	v6 =	vld [tilespmem:s3+$0xFA90];
	v0 =	vadd.f32 v3, v0  }
0x3db: {  	v1 =	vadd.f32 v4, v1;
	v3 =	vld [tilespmem:s3+$0xFAA0]  }
0x3dc: {  	v4 =	vld [tilespmem:s3+$0xFAB0];
	v0 =	vadd.f32 v2, v0  }
0x3dd: {  	v1 =	vadd.f32 v7, v1;
	v2 =	vld [tilespmem:s3+$0xFAC0]  }
0x3de: {  	v7 =	vld [tilespmem:s3+$0xFAD0];
	v0 =	vadd.f32 v5, v0  }
0x3df: {  	v1 =	vadd.f32 v6, v1;
	v5 =	vld [tilespmem:s3+$0xFAE0]  }
0x3e0: {  	v6 =	vld [tilespmem:s3+$0xFAF0];
	v0 =	vadd.f32 v3, v0  }
0x3e1: {  	v1 =	vadd.f32 v4, v1  }
0x3e2: {  	v0 =	vadd.f32 v2, v0  }
0x3e3: {  	v1 =	vadd.f32 v7, v1  }
0x3e4: {  	v0 =	vadd.f32 v5, v0  }
0x3e5: {  	v1 =	vadd.f32 v6, v1  }
0x3e6: {  	s10 =	sadd.s32 $0xC0, s19;
	v0 =	vmul.f32 $4.999999890e-03, v0  }
0x3e7: {  	s3 =	sand.u32 $0x3FFFFFE0, s10;
	v1 =	vmul.f32 $4.999999890e-03, v1  }
0x3e8: {  	[tilespmem:s3+$0x12C00] =	vst v0  }
0x3e9: {  	s7 =	simm.s32 @!p0 $0xC8;
	s10 =	simm.s32 @!p0 $0xFA00;
	[tilespmem:s3+$0x12C10] =	vst v1;
	s3 =	sadd.s32 @!p0 $0x3CF0, s17  }
0x3ea: {  	[tilespmem:s10], [sflag:$0x7] =	stream.indirect.gather @!p0 [hbm4b:s5+s7], $0x20, s3, s7, $0xb8;
	[tilespmem:$0x16C00] =	vst v63  }
0x3eb: {  	_ =	swait.ge [sflag:s2], $0x1900  }
0x3ec: {  	[sflag:s2] =	ssyncset.done $0x0  }
0x3ed: {  	s19 =	simm.s32 $0x0;
	[sflag:s2] =	ssyncadd.s32 $0xFFFFE700  }
0x3ee: {  	v0 =	vld [tilespmem:s19+$0x11300]  }
0x3ef: {  	v1 =	vld [tilespmem:s19+$0x11310]  }
0x3f0: {  	v2 =	vld [tilespmem:s19+$0x11320]  }
0x3f1: {  	v3 =	vld [tilespmem:s19+$0x11330]  }
0x3f2: {  	v4 =	vld [tilespmem:s19+$0x11340]  }
0x3f3: {  	v5 =	vimm.f32 $0.0e+00;
	v6 =	vld [tilespmem:s19+$0x11350]  }
0x3f4: {  	v7 =	vld [tilespmem:s19+$0x11370];
	v0 =	vadd.f32 v0, v5;
	v1 =	vadd.f32 v1, v5  }
0x3f5: {  	v5 =	vld [tilespmem:s19+$0x11360]  }
0x3f6: {  	v8 =	vld [tilespmem:s19+$0x11390];
	v0 =	vadd.f32 v2, v0;
	v1 =	vadd.f32 v3, v1  }
0x3f7: {  	v3 =	vld [tilespmem:s19+$0x11380]  }
0x3f8: {  	v9 =	vld [tilespmem:s19+$0x113B0];
	v0 =	vadd.f32 v4, v0;
	v1 =	vadd.f32 v6, v1  }
0x3f9: {  	v6 =	vld [tilespmem:s19+$0x113A0]  }
0x3fa: {  	v2 =	vld [tilespmem:s19+$0x113D0];
	v0 =	vadd.f32 v5, v0;
	v4 =	vadd.f32 v7, v1  }
0x3fb: {  	v1 =	vld [tilespmem:s19+$0x113C0]  }
0x3fc: {  	v5 =	vadd.f32 v3, v0;
	v7 =	vadd.f32 v8, v4;
	v3 =	vld [tilespmem:s19+$0x113E0]  }
0x3fd: {  	s3 =	simm.s32 $0x100;
	v4 =	vld [tilespmem:s19+$0x113F0]  }
0x3fe: {  	s7 =	simm.s32 $0x800;
	v0 =	vld [tilespmem:s3+$0x11300];
	v6 =	vadd.f32 v6, v5;
	v5 =	vadd.f32 v9, v7  }
.LBB2_36:
0x3ff: {  	p0 =	sne.s32 s7, $0x6000;
	v7 =	vld [tilespmem:s3+$0x11310]  }
0x400: {  	v8 =	vld [tilespmem:s3+$0x11320];
	v1 =	vadd.f32 v1, v6;
	v2 =	vadd.f32 v2, v5  }
0x401: {  	v5 =	vld [tilespmem:s3+$0x11330]  }
0x402: {  	v6 =	vld [tilespmem:s3+$0x11340];
	v1 =	vadd.f32 v3, v1;
	v2 =	vadd.f32 v4, v2  }
0x403: {  	v3 =	vld [tilespmem:s3+$0x11350]  }
0x404: {  	v0 =	vadd.f32 v0, v1;
	v1 =	vadd.f32 v7, v2;
	v2 =	vld [tilespmem:s3+$0x11360]  }
0x405: {  	v4 =	vld [tilespmem:s3+$0x11370]  }
0x406: {  	v0 =	vadd.f32 v8, v0;
	v1 =	vadd.f32 v5, v1;
	v5 =	vld [tilespmem:s3+$0x11380]  }
0x407: {  	v7 =	vld [tilespmem:s3+$0x11390]  }
0x408: {  	v0 =	vadd.f32 v6, v0;
	v1 =	vadd.f32 v3, v1;
	v6 =	vld [tilespmem:s3+$0x113A0]  }
0x409: {  	v8 =	vld [tilespmem:s3+$0x113B0]  }
.Ltmp16:
0x40a: {  	v0 =	vadd.f32 v2, v0;
	v3 =	vadd.f32 v4, v1;
	v1 =	vld [tilespmem:s3+$0x113C0];
	(pc) =	sbr.rel @p0 .LBB2_36-.Ltmp16, $4  }
0x40b: {  	v2 =	vld [tilespmem:s3+$0x113D0]  }
0x40c: {  	v5 =	vadd.f32 v5, v0;
	v7 =	vadd.f32 v7, v3;
	v3 =	vld [tilespmem:s3+$0x113E0]  }
0x40d: {  	v4 =	vld [tilespmem:s3+$0x113F0];
	s3 =	sshra.s32 s7, $0x2  }
0x40e: {  	s7 =	sadd.s32 $0x400, s7;
	v0 =	vld [tilespmem:s3+$0x11300];
	v6 =	vadd.f32 v6, v5;
	v5 =	vadd.f32 v8, v7  }
0x40f: {  	_ = 	snop  }
0x410: {  	v7 =	vld [tilespmem:s3+$0x11310];
	v1 =	vadd.f32 v1, v6  }
0x411: {  	v49 =	vld [tilespmem:s3+$0x11320];
	v2 =	vadd.f32 v2, v5  }
0x412: {  	v50 =	vld [tilespmem:s3+$0x11330];
	v1 =	vadd.f32 v3, v1  }
0x413: {  	v51 =	vld [tilespmem:s3+$0x11340];
	v2 =	vadd.f32 v4, v2  }
0x414: {  	v52 =	vld [tilespmem:s3+$0x11350];
	v0 =	vadd.f32 v0, v1  }
0x415: {  	v54 =	vld [tilespmem:s3+$0x11360];
	v53 =	vadd.f32 v7, v2  }
0x416: {  	v55 =	vld [tilespmem:s3+$0x11370];
	v0 =	vadd.f32 v49, v0  }
0x417: {  	v56 =	vld [tilespmem:s3+$0x11380];
	v1 =	vadd.f32 v50, v53  }
0x418: {  	v57 =	vld [tilespmem:s3+$0x11390];
	v0 =	vadd.f32 v51, v0  }
0x419: {  	v58 =	vld [tilespmem:s3+$0x113A0];
	v1 =	vadd.f32 v52, v1  }
0x41a: {  	v59 =	vld [tilespmem:s3+$0x113B0];
	v0 =	vadd.f32 v54, v0  }
0x41b: {  	v60 =	vld [tilespmem:s3+$0x113C0];
	v1 =	vadd.f32 v55, v1  }
0x41c: {  	v61 =	vld [tilespmem:s3+$0x113D0];
	v0 =	vadd.f32 v56, v0  }
0x41d: {  	v62 =	vld [tilespmem:s3+$0x113E0];
	v1 =	vadd.f32 v57, v1  }
0x41e: {  	v63 =	vld [tilespmem:s3+$0x113F0];
	v0 =	vadd.f32 v58, v0  }
0x41f: {  	v1 =	vadd.f32 v59, v1  }
0x420: {  	v0 =	vadd.f32 v60, v0  }
0x421: {  	s9 =	sadd.s32 $0x1, s9;
	v1 =	vadd.f32 v61, v1  }
0x422: {  	p0 =	sne.s32 s9, $0x8;
	v0 =	vadd.f32 v62, v0  }
.Ltmp17:
0x423: {  	s19 =	sadd.s32 s8, s15;
	v1 =	vadd.f32 v63, v1;
	(pc) =	sbr.rel @p0 .LBB2_21-.Ltmp17, $4  }
0x424: {  	s3 =	sshll.u32 s19, $0x5;
	v0 =	vmul.f32 $4.999999890e-03, v0  }
0x425: {  	s3 =	sand.u32 $0x3FFFFFE0, s3;
	v1 =	vmul.f32 $4.999999890e-03, v1  }
0x426: {  	[tilespmem:s3+$0x12C00] =	vst v0  }
0x427: {  	[tilespmem:s3+$0x12C10] =	vst v1  }
0x428: {  	s23 =	sadd.s32 $0x1, s23  }
0x429: {  	p0 =	sne.s32 s23, $0x4  }
.Ltmp18:
0x42a: {  	_ = 	snop;
	(pc) =	sbr.rel @p0 .LBB2_2-.Ltmp18, $1  }
0x42b: {  	_ =	sdelay $0x3  }
0x42c: {  	s7 =	simm.s32 $0x0  }
0x42d: {  	s3 =	rddreg [dreg:$0x5];
	s8 =	simm.s32 $0x12C00;
	s19 =	simm.s32 $0xB  }
0x42e: {  	[hbm4b:s3+s7] =	stream.linear.scatter [tilespmem:s8], [sflag:$0xB], $0x4000, $0x38;
	[tilespmem:$0x16C00] =	vst v63  }
0x42f: {  	_ =	swait.ge [sflag:s19], $0x4000  }
0x430: {  	s9 =	rddreg [dreg:$0x7]  }
0x431: {  	s23 =	rddreg [dreg:$0x6];
	s9 =	sadd.s32 $0x1, s9  }
0x432: {  	p0 =	sne.s32 s9, s23  }
.Ltmp19:
0x433: {  	_ = 	snop;
	(pc) =	sbr.rel @p0 .LBB2_1-.Ltmp19, $3  }
0x434: {  	_ =	sdelay $0x1  }
0x435: {  	[sflag:s19] =	ssyncset.done $0x0  }
0x436: {  	[sflag:s19] =	ssyncadd.s32 $0xFFFFC000  }
0x437: {  	_ =	sfence.sel $0x180000  }
0x438: {  	[bflag:$0x0] =	sbarrier.arrive $0xFFFF  }
0x439: {  	_ =	strace $0x90000047  }
0x43a: {  	s0 =	stileid.u32;
	[bflag:$0x2] =	sbarrier.arrive $0xFFFF  }
0x43b: {  	p0 =	sne.s32 s0, $0x0;
	s0 =	rddreg [dreg:$0x2]  }
0x43c: {  	s0 =	sadd.s32 @!p0 $0x100000, s0  }
0x43d: {  	[sflag:s0] =	ssyncadd.tile.s32 @!p0 $0x1;
	_ =	shalt  }
.Lfunc_end2:
_tile_overlayer_lowered:
.L_overlay_start_2:
0x43e: {  	(tag) =	ssettag $0x2  }
0x43f: {  	s0 =	rddreg [dreg:$0x0];
	s2 =	stileid.u32  }
0x440: {  	s1 =	rddreg [dreg:$0x1];
	p0 =	sne.s32 s2, $0x0  }
0x441: {  	s3 =	rddreg [dreg:$0x2];
	[bflag:$0x3] =	sbarrier.arrive $0xFFFF;
	s2 =	simm.s32 @!p0 $0x1C0B  }
0x442: {  	[timem:s3], [sflag:s2] =	dma.local @!p0 [hbm:s0], s1  }
0x443: {  	s0 =	simm.s32 @!p0 $0xB  }
0x444: {  	_ =	swait.ge @!p0 [sflag:s0], s1  }
0x445: {  	s1 =	ssub.s32 @!p0 $0x0, s1;
	[sflag:s0] =	ssyncset.done @!p0 $0x0  }
0x446: {  	[sflag:s0] =	ssyncadd.s32 @!p0 s1  }
0x447: {  	[bflag:$0x3] =	sbarrier.arrive $0xFFFF  }
0x448: {  	_ =	shalt  }

</sc_bundles>
